<compile_context>
chip_gen: v7x
topology: tpu7x:2x2x1
jax: 0.10.2.dev20260603
libtpu: 0.0.44.dev20260713+nightly
codegen_flags: <defaults>
</compile_context>

<pallas_src>
import functools

import jax
import jax.numpy as jnp
import numpy as np
from jax import lax
from jax.experimental import pallas as pl
from jax.experimental.pallas import tpu as pltpu
from jax.experimental.pallas import tpu_sc as plsc

_N = 10000
_E = 320000
_D_IN = 128
_D_H = 256
_EPS = 1e-5

_NC = 2
_NS = 16
_NPAD = 10240
_RPT = _NPAD // _NS
_CH = 128

_EPT = _E // _NS
_SS = 8
_NCH_A = 160
_NSUP = _NCH_A // _SS
_EPT_PAD = _NCH_A * _CH

_EPW = _E // (_NC * _NS)
_NCH_D = 80
_NSUP_D = _NCH_D // _SS
_EPW_PAD = _NCH_D * _CH

_R = 1000
_GRID = _N // _R

_sc_mesh = plsc.VectorSubcoreMesh(core_axis_name="c", subcore_axis_name="s")



@functools.partial(
    pl.kernel,
    out_type=jax.ShapeDtypeStruct((_NC, _NPAD, 128), jnp.float32),
    mesh=_sc_mesh,
    scratch_types=[
        pltpu.VMEM((_SS, _CH), jnp.int32),
        pltpu.VMEM((_CH, 128), jnp.float32),
        pltpu.VMEM_SHARED((_NPAD, 128), jnp.float32),
        pltpu.SemaphoreType.DMA,
    ],
)
def _deg_kernel(dst_hbm, ones_hbm, zer_hbm, out_hbm, idx_v, ones_v, acc, ssem):
    cid = lax.axis_index("c")
    sid = lax.axis_index("s")

    rows = pl.ds(sid * _RPT, _RPT)
    pltpu.sync_copy(zer_hbm, acc.at[rows])
    pltpu.sync_copy(ones_hbm, ones_v)
    plsc.subcore_barrier()

    def sup(si, _):
        pltpu.sync_copy(dst_hbm.at[cid, sid, pl.ds(si * _SS, _SS)], idx_v)
        descs = [pltpu.async_copy(ones_v, acc.at[idx_v.at[g]], ssem, add=True)
                 for g in range(_SS)]
        for d in descs:
            d.wait()
        return 0

    lax.fori_loop(0, _NSUP_D, sup, 0)
    plsc.subcore_barrier()
    pltpu.sync_copy(acc.at[rows], out_hbm.at[cid, rows])


@functools.partial(
    pl.kernel,
    out_type=[
        jax.ShapeDtypeStruct((_NPAD, 128), jnp.float32),
        jax.ShapeDtypeStruct((_NPAD, 128), jnp.float32),
    ],
    mesh=_sc_mesh,
    scratch_types=[
        pltpu.VMEM((_SS, _CH), jnp.int32),
        pltpu.VMEM((_SS, _CH), jnp.int32),
        pltpu.VMEM((_CH, 128), jnp.float32),
        pltpu.VMEM((_CH, 128), jnp.float32),
        pltpu.VMEM_SHARED((_NPAD, 128), jnp.float32),
        pltpu.SemaphoreType.DMA,
        pltpu.SemaphoreType.DMA,
        pltpu.SemaphoreType.DMA,
        pltpu.SemaphoreType.DMA,
    ],
)
def _agg_kernel(srcp, dstp, zs_lo, zs_hi, zer_hbm, out_lo, out_hi,
                src_v, dst_v, buf0, buf1, acc, gsem0, gsem1, ssem0, ssem1):
    cid = lax.axis_index("c")
    sid = lax.axis_index("s")

    pltpu.sync_copy(zer_hbm, acc.at[pl.ds(sid * _RPT, _RPT)])
    plsc.subcore_barrier()

    bufs = [buf0, buf1]
    gsems = [gsem0, gsem1]
    ssems = [ssem0, ssem1]

    def run_half(zs_hbm):
        def sup(si, _):
            pltpu.sync_copy(srcp.at[sid, pl.ds(si * _SS, _SS)], src_v)
            pltpu.sync_copy(dstp.at[sid, pl.ds(si * _SS, _SS)], dst_v)
            gd = [None] * _SS
            sd = [None] * _SS
            for g in range(2):
                gd[g] = pltpu.async_copy(
                    zs_hbm.at[src_v.at[g]], bufs[g % 2], gsems[g % 2])
            for g in range(_SS):
                gd[g].wait()
                sd[g] = pltpu.async_copy(
                    bufs[g % 2], acc.at[dst_v.at[g]], ssems[g % 2], add=True)
                if g + 2 < _SS:
                    sd[g].wait()
                    gd[g + 2] = pltpu.async_copy(
                        zs_hbm.at[src_v.at[g + 2]], bufs[g % 2], gsems[g % 2])
            for g in range(_SS - 2, _SS):
                sd[g].wait()
            return 0

        lax.fori_loop(0, _NSUP, sup, 0)

    @pl.when(cid == 0)
    def _():
        run_half(zs_lo)

    @pl.when(cid == 1)
    def _():
        run_half(zs_hi)

    plsc.subcore_barrier()
    rows = pl.ds(sid * _RPT, _RPT)

    @pl.when(cid == 0)
    def _():
        pltpu.sync_copy(acc.at[rows], out_lo.at[rows])

    @pl.when(cid == 1)
    def _():
        pltpu.sync_copy(acc.at[rows], out_hi.at[rows])



def _dis_of(d0, d1):
    return lax.rsqrt(d0[:, 0:1] + d1[:, 0:1] + 1.0)


def _zs_body(x_ref, d0_ref, d1_ref, a_ref, b_ref, w1_ref, zlo_ref, zhi_ref):
    dis = _dis_of(d0_ref, d1_ref)
    h0 = x_ref[...] * a_ref[...] + b_ref[...]
    z = jnp.dot(h0, w1_ref[...], preferred_element_type=jnp.float32) * dis
    zlo_ref[...] = z[:, :128]
    zhi_ref[...] = z[:, 128:]


def _post_conv(alo, ahi, zlo, zhi, dis, b, g, c, lg, lb):
    agg = jnp.concatenate([alo[...], ahi[...]], axis=1)
    zs = jnp.concatenate([zlo[...], zhi[...]], axis=1)
    conv = dis * (agg + zs) + b[...]
    t = jnp.maximum(conv, 0.0) * g[...] + c[...]
    m = jnp.mean(t, axis=1, keepdims=True)
    ct = t - m
    v = jnp.mean(ct * ct, axis=1, keepdims=True)
    return ct * lax.rsqrt(v + _EPS) * lg[...] + lb[...]


def _mid_body(alo, ahi, zlo, zhi, d0, d1, b1, g1, c1, lg1, lb1, w2_ref,
              h1_ref, z2lo_ref, z2hi_ref):
    dis = _dis_of(d0, d1)
    h1 = _post_conv(alo, ahi, zlo, zhi, dis, b1, g1, c1, lg1, lb1)
    h1_ref[...] = h1
    z2 = jnp.dot(h1, w2_ref[...], preferred_element_type=jnp.float32) * dis
    z2lo_ref[...] = z2[:, :128]
    z2hi_ref[...] = z2[:, 128:]


def _fin_body(alo, ahi, zlo, zhi, d0, d1, h1_ref, b2, g2, c2, lg2, lb2,
              wot_ref, bo_ref, out_ref):
    dis = _dis_of(d0, d1)
    h2 = _post_conv(alo, ahi, zlo, zhi, dis, b2, g2, c2, lg2, lb2) + h1_ref[...]
    wot = wot_ref[...]
    o0 = jnp.sum(h2 * wot[0:1, :], axis=1, keepdims=True)
    o1 = jnp.sum(h2 * wot[1:2, :], axis=1, keepdims=True)
    out_ref[...] = jnp.concatenate([o0, o1], axis=1) + bo_ref[...]


def _row_spec(cols):
    return pl.BlockSpec((_R, cols), lambda i: (i, 0))


def _full_spec(r, c):
    return pl.BlockSpec((r, c), lambda i: (0, 0))


_zs_call = pl.pallas_call(
    _zs_body,
    grid=(_GRID,),
    in_specs=[_row_spec(_D_IN), _row_spec(128), _row_spec(128),
              _full_spec(1, _D_IN), _full_spec(1, _D_IN),
              _full_spec(_D_IN, _D_H)],
    out_specs=[_row_spec(128), _row_spec(128)],
    out_shape=[jax.ShapeDtypeStruct((_N, 128), jnp.float32)] * 2,
)

_mid_call = pl.pallas_call(
    _mid_body,
    grid=(_GRID,),
    in_specs=[_row_spec(128), _row_spec(128), _row_spec(128), _row_spec(128),
              _row_spec(128), _row_spec(128)]
             + [_full_spec(1, _D_H)] * 5 + [_full_spec(_D_H, _D_H)],
    out_specs=[_row_spec(_D_H), _row_spec(128), _row_spec(128)],
    out_shape=[jax.ShapeDtypeStruct((_N, _D_H), jnp.float32),
               jax.ShapeDtypeStruct((_N, 128), jnp.float32),
               jax.ShapeDtypeStruct((_N, 128), jnp.float32)],
)

_fin_call = pl.pallas_call(
    _fin_body,
    grid=(_GRID,),
    in_specs=[_row_spec(128), _row_spec(128), _row_spec(128), _row_spec(128),
              _row_spec(128), _row_spec(128), _row_spec(_D_H)]
             + [_full_spec(1, _D_H)] * 5
             + [_full_spec(2, _D_H), _full_spec(1, 2)],
    out_specs=[_row_spec(2)],
    out_shape=[jax.ShapeDtypeStruct((_N, 2), jnp.float32)],
)



def kernel(x, edge_index, feature_scale, feature_bias, bn0_g, bn0_b,
           W1, b1, bn1_g, bn1_b, ln1_g, ln1_b,
           W2, b2, bn2_g, bn2_b, ln2_g, ln2_b, Wo, bo):
    s = np.float32(np.sqrt(1.0 + _EPS))
    src = edge_index[0]
    dst = edge_index[1]

    pad_a = _EPT_PAD - _EPT
    pada = jnp.broadcast_to(
        (_N + jnp.arange(_NS, dtype=jnp.int32))[:, None], (_NS, pad_a))
    srcp = jnp.concatenate(
        [src.reshape(_NS, _EPT), jnp.zeros((_NS, pad_a), jnp.int32)],
        axis=1).reshape(_NS, _NCH_A, _CH)
    dstp = jnp.concatenate(
        [dst.reshape(_NS, _EPT), pada], axis=1).reshape(_NS, _NCH_A, _CH)

    pad_d = _EPW_PAD - _EPW
    padd = jnp.broadcast_to(
        (_N + jnp.arange(_NC * _NS, dtype=jnp.int32)).reshape(_NC, _NS, 1),
        (_NC, _NS, pad_d))
    dstd = jnp.concatenate(
        [dst.reshape(_NC, _NS, _EPW), padd],
        axis=2).reshape(_NC, _NS, _NCH_D, _CH)

    ones128 = jnp.ones((_CH, 128), jnp.float32)
    zer128 = jnp.zeros((_RPT, 128), jnp.float32)

    degp = _deg_kernel(dstd, ones128, zer128)
    d0 = degp[0, :_N]
    d1 = degp[1, :_N]

    a0 = (feature_scale * bn0_g / s).reshape(1, _D_IN)
    b0 = (feature_bias * bn0_g / s + bn0_b).reshape(1, _D_IN)
    zlo, zhi = _zs_call(x, d0, d1, a0, b0, W1)

    a1lo, a1hi = _agg_kernel(srcp, dstp, zlo, zhi, zer128)

    g1 = (bn1_g / s).reshape(1, _D_H)
    h1, z2lo, z2hi = _mid_call(
        a1lo[:_N], a1hi[:_N], zlo, zhi, d0, d1,
        b1.reshape(1, _D_H), g1, bn1_b.reshape(1, _D_H),
        ln1_g.reshape(1, _D_H), ln1_b.reshape(1, _D_H), W2)

    a2lo, a2hi = _agg_kernel(srcp, dstp, z2lo, z2hi, zer128)

    g2 = (bn2_g / s).reshape(1, _D_H)
    (out,) = _fin_call(
        a2lo[:_N], a2hi[:_N], z2lo, z2hi, d0, d1, h1,
        b2.reshape(1, _D_H), g2, bn2_b.reshape(1, _D_H),
        ln2_g.reshape(1, _D_H), ln2_b.reshape(1, _D_H),
        Wo.T, bo.reshape(1, 2))
    return out

# --- scband reference (transcript-rebuilt; emitter-appended) ---
"""Pipeline reference for scband-improved-graph-trans-geo-gcn-78546361909471 (READ-ONLY COPY).

The authoritative reference and input builder live on the scoring server;
editing this copy changes nothing except your own understanding.
"""

import jax, jax.numpy as jnp
import numpy as np

N = 10000
E = 320000
D_IN = 128
D_H = 256
D_OUT = 2
EPS = 1e-5


def xavier(key, fi, fo):
    lim = float(np.sqrt(6.0 / (fi + fo)))
    return jax.random.uniform(key, (fi, fo), jnp.float32, -lim, lim)


def setup_inputs(seed: int = 0):
    key = jax.random.key(seed)
    ks = jax.random.split(key, 8)
    x = jax.random.normal(ks[0], (N, D_IN), jnp.float32)
    edge_index = jax.random.randint(ks[1], (2, E), 0, N, jnp.int32)
    return dict(
        x=x,
        edge_index=edge_index,
        feature_scale=jnp.ones((D_IN,), jnp.float32),
        feature_bias=jnp.zeros((D_IN,), jnp.float32),
        bn0_g=jnp.ones((D_IN,), jnp.float32),
        bn0_b=jnp.zeros((D_IN,), jnp.float32),
        W1=xavier(ks[2], D_IN, D_H),
        b1=jnp.zeros((D_H,), jnp.float32),
        bn1_g=jnp.ones((D_H,), jnp.float32),
        bn1_b=jnp.zeros((D_H,), jnp.float32),
        ln1_g=jnp.ones((D_H,), jnp.float32),
        ln1_b=jnp.zeros((D_H,), jnp.float32),
        W2=xavier(ks[3], D_H, D_H),
        b2=jnp.zeros((D_H,), jnp.float32),
        bn2_g=jnp.ones((D_H,), jnp.float32),
        bn2_b=jnp.zeros((D_H,), jnp.float32),
        ln2_g=jnp.ones((D_H,), jnp.float32),
        ln2_b=jnp.zeros((D_H,), jnp.float32),
        Wo=xavier(ks[4], D_H, D_OUT),
        bo=jnp.zeros((D_OUT,), jnp.float32),
    )


def batchnorm_eval(x, g, b):
    # eval-mode BatchNorm1d with running_mean=0, running_var=1
    return x / jnp.sqrt(1.0 + EPS) * g + b


def layernorm(x, g, b):
    m = jnp.mean(x, axis=-1, keepdims=True)
    v = jnp.var(x, axis=-1, keepdims=True)
    return (x - m) / jnp.sqrt(v + EPS) * g + b


def gcn_conv(x, src, dst, norm, W, b):
    h = x @ W
    msg = h[src] * norm[:, None]
    out = jnp.zeros((x.shape[0], W.shape[1]), x.dtype).at[dst].add(msg)
    return out + b


def reference(x, edge_index, feature_scale, feature_bias, bn0_g, bn0_b, W1, b1, bn1_g, bn1_b, ln1_g, ln1_b, W2, b2, bn2_g, bn2_b, ln2_g, ln2_b, Wo, bo):
    loops = jnp.arange(N, dtype=edge_index.dtype)
    src = jnp.concatenate([edge_index[0], loops])
    dst = jnp.concatenate([edge_index[1], loops])
    deg = jnp.zeros((N,), jnp.float32).at[dst].add(1.0)
    dis = jnp.where(deg > 0, 1.0 / jnp.sqrt(deg), 0.0)
    norm = dis[src] * dis[dst]
    h = x * feature_scale + feature_bias
    h = batchnorm_eval(h, bn0_g, bn0_b)
    # dropout is identity in eval mode
    h1 = gcn_conv(h, src, dst, norm, W1, b1)
    h1 = jax.nn.relu(h1)
    h1 = batchnorm_eval(h1, bn1_g, bn1_b)
    h1 = layernorm(h1, ln1_g, ln1_b)
    prev = h1
    h2 = gcn_conv(h1, src, dst, norm, W2, b2)
    h2 = jax.nn.relu(h2)
    h2 = batchnorm_eval(h2, bn2_g, bn2_b)
    h2 = layernorm(h2, ln2_g, ln2_b)
    h2 = h2 + prev
    return h2 @ Wo + bo

if __name__ == "__main__":
    import jax
    _d = setup_inputs()
    print(jax.jit(kernel)(*tuple(_d.values())))

</pallas_src>

<mosaic_0001>
#map = affine_map<(d0, d1) -> (0, 0, 0, 0)>
#map1 = affine_map<(d0, d1) -> (0, 0)>
#map2 = affine_map<(d0, d1) -> (0, 0, 0)>
module attributes {stable_mosaic.version = 14 : i64} {
  func.func @_deg_kernel(%arg0: i32, %arg1: i32, %arg2: memref<2x16x80x128xi32, #tpu.memory_space<hbm>>, %arg3: memref<128x128xf32, #tpu.memory_space<hbm>>, %arg4: memref<640x128xf32, #tpu.memory_space<hbm>>, %arg5: memref<2x10240x128xf32, #tpu.memory_space<hbm>>, %arg6: memref<8x128xi32, #tpu.memory_space<vmem>>, %arg7: memref<128x128xf32, #tpu.memory_space<vmem>>, %arg8: memref<10240x128xf32, #tpu.memory_space<vmem_shared>>, %arg9: memref<!tpu.dma_semaphore, #tpu.memory_space<semaphore_mem>>) attributes {dimension_semantics = [#tpu.dimension_semantics<core_parallel>, #tpu.dimension_semantics<subcore_parallel>], iteration_bounds = array<i64: 2, 16>, scalar_prefetch = 0 : i64, scratch_operands = 4 : i64, tpu.core_type = #tpu.core_type<sc_vector_subcore>, window_params = [{transform_indices = #map}, {transform_indices = #map1}, {transform_indices = #map1}, {transform_indices = #map2}]} {
    %mul3A = arith.constant 640 : i32
    %mul3A_0 = arith.muli %arg1, %mul3A : i32
    "tpu.region"() ({
      %run_scoped3A = tpu.sem_alloc : memref<!tpu.dma_semaphore, #tpu.memory_space<semaphore_mem>>
      %dma_start3A = arith.constant 0 : i32
      %dma_start3A_8 = tpu.memref_slice %arg8[%mul3A_0, %dma_start3A] : memref<10240x128xf32, #tpu.memory_space<vmem_shared>> -> memref<640x128xf32, #tpu.memory_space<vmem_shared>>
      tpu.enqueue_dma source(%arg4 : memref<640x128xf32, #tpu.memory_space<hbm>>) target(%dma_start3A_8 : memref<640x128xf32, #tpu.memory_space<vmem_shared>>) target_semaphore(%run_scoped3A : memref<!tpu.dma_semaphore, #tpu.memory_space<semaphore_mem>>)
      %dma_wait3A = arith.constant 0 : i32
      %dma_wait3A_9 = tpu.memref_slice %arg8[%mul3A_0, %dma_wait3A] : memref<10240x128xf32, #tpu.memory_space<vmem_shared>> -> memref<640x128xf32, #tpu.memory_space<vmem_shared>>
      tpu.wait_dma2 semaphore(%run_scoped3A : memref<!tpu.dma_semaphore, #tpu.memory_space<semaphore_mem>>) src(%arg4 : memref<640x128xf32, #tpu.memory_space<hbm>>) dst(%dma_wait3A_9 : memref<640x128xf32, #tpu.memory_space<vmem_shared>>)
      tpu.yield
    }) : () -> ()
    "tpu.region"() ({
      %run_scoped3A = tpu.sem_alloc : memref<!tpu.dma_semaphore, #tpu.memory_space<semaphore_mem>>
      tpu.enqueue_dma source(%arg3 : memref<128x128xf32, #tpu.memory_space<hbm>>) target(%arg7 : memref<128x128xf32, #tpu.memory_space<vmem>>) target_semaphore(%run_scoped3A : memref<!tpu.dma_semaphore, #tpu.memory_space<semaphore_mem>>)
      tpu.wait_dma2 semaphore(%run_scoped3A : memref<!tpu.dma_semaphore, #tpu.memory_space<semaphore_mem>>) src(%arg3 : memref<128x128xf32, #tpu.memory_space<hbm>>) dst(%arg7 : memref<128x128xf32, #tpu.memory_space<vmem>>)
      tpu.yield
    }) : () -> ()
    %barrier3A = arith.constant 0 : index
    tpu.barrier barrier_id(%barrier3A)
    %scan3A = arith.constant 0 : i32
    %scan3A_1 = arith.constant 0 : i32
    %scan3A_2 = arith.constant 10 : i32
    %scan3A_3 = arith.addi %scan3A_1, %scan3A_2 : i32
    %scan3A_4 = arith.constant 1 : i32
    %scan3A_5 = scf.for %scan3A_8 = %scan3A_1 to %scan3A_3 step %scan3A_4 iter_args(%scan3A_9 = %scan3A) -> (i32)  : i32 {
      %mul3A_10 = arith.constant 8 : i32
      %mul3A_11 = arith.muli %scan3A_8, %mul3A_10 : i32
      "tpu.region"() ({
        %run_scoped3A = tpu.sem_alloc : memref<!tpu.dma_semaphore, #tpu.memory_space<semaphore_mem>>
        %dma_start3A_123 = arith.constant 0 : i32
        %dma_start3A_124 = tpu.memref_slice %arg2[%arg0, %arg1, %mul3A_11, %dma_start3A_123] : memref<2x16x80x128xi32, #tpu.memory_space<hbm>> -> memref<1x1x8x128xi32, #tpu.memory_space<hbm>>
        %dma_start3A_125 = tpu.memref_squeeze %dma_start3A_124 : memref<1x1x8x128xi32, #tpu.memory_space<hbm>> -> memref<8x128xi32, #tpu.memory_space<hbm>>
        %dma_start3A_126 = arith.constant 0 : i32
        %dma_start3A_127 = tpu.memref_slice %arg2[%arg0, %arg1, %mul3A_11, %dma_start3A_126] : memref<2x16x80x128xi32, #tpu.memory_space<hbm>> -> memref<1x1x8x128xi32, #tpu.memory_space<hbm>>
        %dma_start3A_128 = tpu.memref_squeeze %dma_start3A_127 : memref<1x1x8x128xi32, #tpu.memory_space<hbm>> -> memref<8x128xi32, #tpu.memory_space<hbm>>
        tpu.enqueue_dma source(%dma_start3A_128 : memref<8x128xi32, #tpu.memory_space<hbm>>) target(%arg6 : memref<8x128xi32, #tpu.memory_space<vmem>>) target_semaphore(%run_scoped3A : memref<!tpu.dma_semaphore, #tpu.memory_space<semaphore_mem>>)
        %dma_wait3A_129 = arith.constant 0 : i32
        %dma_wait3A_130 = tpu.memref_slice %arg2[%arg0, %arg1, %mul3A_11, %dma_wait3A_129] : memref<2x16x80x128xi32, #tpu.memory_space<hbm>> -> memref<1x1x8x128xi32, #tpu.memory_space<hbm>>
        %dma_wait3A_131 = tpu.memref_squeeze %dma_wait3A_130 : memref<1x1x8x128xi32, #tpu.memory_space<hbm>> -> memref<8x128xi32, #tpu.memory_space<hbm>>
        %dma_wait3A_132 = arith.constant 0 : i32
        %dma_wait3A_133 = tpu.memref_slice %arg2[%arg0, %arg1, %mul3A_11, %dma_wait3A_132] : memref<2x16x80x128xi32, #tpu.memory_space<hbm>> -> memref<1x1x8x128xi32, #tpu.memory_space<hbm>>
        %dma_wait3A_134 = tpu.memref_squeeze %dma_wait3A_133 : memref<1x1x8x128xi32, #tpu.memory_space<hbm>> -> memref<8x128xi32, #tpu.memory_space<hbm>>
        tpu.wait_dma2 semaphore(%run_scoped3A : memref<!tpu.dma_semaphore, #tpu.memory_space<semaphore_mem>>) src(%dma_wait3A_134 : memref<8x128xi32, #tpu.memory_space<hbm>>) dst(%arg6 : memref<8x128xi32, #tpu.memory_space<vmem>>)
        tpu.yield
      }) : () -> ()
      %dma_start3A = arith.constant 0 : i32
      %dma_start3A_12 = arith.constant 0 : i32
      %dma_start3A_13 = tpu.memref_slice %arg6[%dma_start3A, %dma_start3A_12] : memref<8x128xi32, #tpu.memory_space<vmem>> -> memref<1x128xi32, #tpu.memory_space<vmem>>
      %dma_start3A_14 = tpu.memref_squeeze %dma_start3A_13 : memref<1x128xi32, #tpu.memory_space<vmem>> -> memref<128xi32, #tpu.memory_space<vmem>>
      %dma_start3A_15 = arith.constant 0 : i32
      %dma_start3A_16 = arith.constant 0 : i32
      %dma_start3A_17 = tpu.memref_slice %arg8[%dma_start3A_15, %dma_start3A_16] : memref<10240x128xf32, #tpu.memory_space<vmem_shared>> -> memref<10240x128xf32, #tpu.memory_space<vmem_shared>>
      tpu.enqueue_indirect_dma source(%arg7 : memref<128x128xf32, #tpu.memory_space<vmem>>) target(%dma_start3A_17 : memref<10240x128xf32, #tpu.memory_space<vmem_shared>>) offsets(%dma_start3A_14 : memref<128xi32, #tpu.memory_space<vmem>>) semaphore(%arg9 : memref<!tpu.dma_semaphore, #tpu.memory_space<semaphore_mem>>) {add = true}
      %dma_start3A_18 = arith.constant 1 : i32
      %dma_start3A_19 = arith.constant 0 : i32
      %dma_start3A_20 = tpu.memref_slice %arg6[%dma_start3A_18, %dma_start3A_19] : memref<8x128xi32, #tpu.memory_space<vmem>> -> memref<1x128xi32, #tpu.memory_space<vmem>>
      %dma_start3A_21 = tpu.memref_squeeze %dma_start3A_20 : memref<1x128xi32, #tpu.memory_space<vmem>> -> memref<128xi32, #tpu.memory_space<vmem>>
      %dma_start3A_22 = arith.constant 0 : i32
      %dma_start3A_23 = arith.constant 0 : i32
      %dma_start3A_24 = tpu.memref_slice %arg8[%dma_start3A_22, %dma_start3A_23] : memref<10240x128xf32, #tpu.memory_space<vmem_shared>> -> memref<10240x128xf32, #tpu.memory_space<vmem_shared>>
      tpu.enqueue_indirect_dma source(%arg7 : memref<128x128xf32, #tpu.memory_space<vmem>>) target(%dma_start3A_24 : memref<10240x128xf32, #tpu.memory_space<vmem_shared>>) offsets(%dma_start3A_21 : memref<128xi32, #tpu.memory_space<vmem>>) semaphore(%arg9 : memref<!tpu.dma_semaphore, #tpu.memory_space<semaphore_mem>>) {add = true}
      %dma_start3A_25 = arith.constant 2 : i32
      %dma_start3A_26 = arith.constant 0 : i32
      %dma_start3A_27 = tpu.memref_slice %arg6[%dma_start3A_25, %dma_start3A_26] : memref<8x128xi32, #tpu.memory_space<vmem>> -> memref<1x128xi32, #tpu.memory_space<vmem>>
      %dma_start3A_28 = tpu.memref_squeeze %dma_start3A_27 : memref<1x128xi32, #tpu.memory_space<vmem>> -> memref<128xi32, #tpu.memory_space<vmem>>
      %dma_start3A_29 = arith.constant 0 : i32
      %dma_start3A_30 = arith.constant 0 : i32
      %dma_start3A_31 = tpu.memref_slice %arg8[%dma_start3A_29, %dma_start3A_30] : memref<10240x128xf32, #tpu.memory_space<vmem_shared>> -> memref<10240x128xf32, #tpu.memory_space<vmem_shared>>
      tpu.enqueue_indirect_dma source(%arg7 : memref<128x128xf32, #tpu.memory_space<vmem>>) target(%dma_start3A_31 : memref<10240x128xf32, #tpu.memory_space<vmem_shared>>) offsets(%dma_start3A_28 : memref<128xi32, #tpu.memory_space<vmem>>) semaphore(%arg9 : memref<!tpu.dma_semaphore, #tpu.memory_space<semaphore_mem>>) {add = true}
      %dma_start3A_32 = arith.constant 3 : i32
      %dma_start3A_33 = arith.constant 0 : i32
      %dma_start3A_34 = tpu.memref_slice %arg6[%dma_start3A_32, %dma_start3A_33] : memref<8x128xi32, #tpu.memory_space<vmem>> -> memref<1x128xi32, #tpu.memory_space<vmem>>
      %dma_start3A_35 = tpu.memref_squeeze %dma_start3A_34 : memref<1x128xi32, #tpu.memory_space<vmem>> -> memref<128xi32, #tpu.memory_space<vmem>>
      %dma_start3A_36 = arith.constant 0 : i32
      %dma_start3A_37 = arith.constant 0 : i32
      %dma_start3A_38 = tpu.memref_slice %arg8[%dma_start3A_36, %dma_start3A_37] : memref<10240x128xf32, #tpu.memory_space<vmem_shared>> -> memref<10240x128xf32, #tpu.memory_space<vmem_shared>>
      tpu.enqueue_indirect_dma source(%arg7 : memref<128x128xf32, #tpu.memory_space<vmem>>) target(%dma_start3A_38 : memref<10240x128xf32, #tpu.memory_space<vmem_shared>>) offsets(%dma_start3A_35 : memref<128xi32, #tpu.memory_space<vmem>>) semaphore(%arg9 : memref<!tpu.dma_semaphore, #tpu.memory_space<semaphore_mem>>) {add = true}
      %dma_start3A_39 = arith.constant 4 : i32
      %dma_start3A_40 = arith.constant 0 : i32
      %dma_start3A_41 = tpu.memref_slice %arg6[%dma_start3A_39, %dma_start3A_40] : memref<8x128xi32, #tpu.memory_space<vmem>> -> memref<1x128xi32, #tpu.memory_space<vmem>>
      %dma_start3A_42 = tpu.memref_squeeze %dma_start3A_41 : memref<1x128xi32, #tpu.memory_space<vmem>> -> memref<128xi32, #tpu.memory_space<vmem>>
      %dma_start3A_43 = arith.constant 0 : i32
      %dma_start3A_44 = arith.constant 0 : i32
      %dma_start3A_45 = tpu.memref_slice %arg8[%dma_start3A_43, %dma_start3A_44] : memref<10240x128xf32, #tpu.memory_space<vmem_shared>> -> memref<10240x128xf32, #tpu.memory_space<vmem_shared>>
      tpu.enqueue_indirect_dma source(%arg7 : memref<128x128xf32, #tpu.memory_space<vmem>>) target(%dma_start3A_45 : memref<10240x128xf32, #tpu.memory_space<vmem_shared>>) offsets(%dma_start3A_42 : memref<128xi32, #tpu.memory_space<vmem>>) semaphore(%arg9 : memref<!tpu.dma_semaphore, #tpu.memory_space<semaphore_mem>>) {add = true}
      %dma_start3A_46 = arith.constant 5 : i32
      %dma_start3A_47 = arith.constant 0 : i32
      %dma_start3A_48 = tpu.memref_slice %arg6[%dma_start3A_46, %dma_start3A_47] : memref<8x128xi32, #tpu.memory_space<vmem>> -> memref<1x128xi32, #tpu.memory_space<vmem>>
      %dma_start3A_49 = tpu.memref_squeeze %dma_start3A_48 : memref<1x128xi32, #tpu.memory_space<vmem>> -> memref<128xi32, #tpu.memory_space<vmem>>
      %dma_start3A_50 = arith.constant 0 : i32
      %dma_start3A_51 = arith.constant 0 : i32
      %dma_start3A_52 = tpu.memref_slice %arg8[%dma_start3A_50, %dma_start3A_51] : memref<10240x128xf32, #tpu.memory_space<vmem_shared>> -> memref<10240x128xf32, #tpu.memory_space<vmem_shared>>
      tpu.enqueue_indirect_dma source(%arg7 : memref<128x128xf32, #tpu.memory_space<vmem>>) target(%dma_start3A_52 : memref<10240x128xf32, #tpu.memory_space<vmem_shared>>) offsets(%dma_start3A_49 : memref<128xi32, #tpu.memory_space<vmem>>) semaphore(%arg9 : memref<!tpu.dma_semaphore, #tpu.memory_space<semaphore_mem>>) {add = true}
      %dma_start3A_53 = arith.constant 6 : i32
      %dma_start3A_54 = arith.constant 0 : i32
      %dma_start3A_55 = tpu.memref_slice %arg6[%dma_start3A_53, %dma_start3A_54] : memref<8x128xi32, #tpu.memory_space<vmem>> -> memref<1x128xi32, #tpu.memory_space<vmem>>
      %dma_start3A_56 = tpu.memref_squeeze %dma_start3A_55 : memref<1x128xi32, #tpu.memory_space<vmem>> -> memref<128xi32, #tpu.memory_space<vmem>>
      %dma_start3A_57 = arith.constant 0 : i32
      %dma_start3A_58 = arith.constant 0 : i32
      %dma_start3A_59 = tpu.memref_slice %arg8[%dma_start3A_57, %dma_start3A_58] : memref<10240x128xf32, #tpu.memory_space<vmem_shared>> -> memref<10240x128xf32, #tpu.memory_space<vmem_shared>>
      tpu.enqueue_indirect_dma source(%arg7 : memref<128x128xf32, #tpu.memory_space<vmem>>) target(%dma_start3A_59 : memref<10240x128xf32, #tpu.memory_space<vmem_shared>>) offsets(%dma_start3A_56 : memref<128xi32, #tpu.memory_space<vmem>>) semaphore(%arg9 : memref<!tpu.dma_semaphore, #tpu.memory_space<semaphore_mem>>) {add = true}
      %dma_start3A_60 = arith.constant 7 : i32
      %dma_start3A_61 = arith.constant 0 : i32
      %dma_start3A_62 = tpu.memref_slice %arg6[%dma_start3A_60, %dma_start3A_61] : memref<8x128xi32, #tpu.memory_space<vmem>> -> memref<1x128xi32, #tpu.memory_space<vmem>>
      %dma_start3A_63 = tpu.memref_squeeze %dma_start3A_62 : memref<1x128xi32, #tpu.memory_space<vmem>> -> memref<128xi32, #tpu.memory_space<vmem>>
      %dma_start3A_64 = arith.constant 0 : i32
      %dma_start3A_65 = arith.constant 0 : i32
      %dma_start3A_66 = tpu.memref_slice %arg8[%dma_start3A_64, %dma_start3A_65] : memref<10240x128xf32, #tpu.memory_space<vmem_shared>> -> memref<10240x128xf32, #tpu.memory_space<vmem_shared>>
      tpu.enqueue_indirect_dma source(%arg7 : memref<128x128xf32, #tpu.memory_space<vmem>>) target(%dma_start3A_66 : memref<10240x128xf32, #tpu.memory_space<vmem_shared>>) offsets(%dma_start3A_63 : memref<128xi32, #tpu.memory_space<vmem>>) semaphore(%arg9 : memref<!tpu.dma_semaphore, #tpu.memory_space<semaphore_mem>>) {add = true}
      %dma_wait3A = arith.constant 0 : i32
      %dma_wait3A_67 = arith.constant 0 : i32
      %dma_wait3A_68 = tpu.memref_slice %arg6[%dma_wait3A, %dma_wait3A_67] : memref<8x128xi32, #tpu.memory_space<vmem>> -> memref<1x128xi32, #tpu.memory_space<vmem>>
      %dma_wait3A_69 = tpu.memref_squeeze %dma_wait3A_68 : memref<1x128xi32, #tpu.memory_space<vmem>> -> memref<128xi32, #tpu.memory_space<vmem>>
      %dma_wait3A_70 = arith.constant 0 : i32
      %dma_wait3A_71 = arith.constant 0 : i32
      %dma_wait3A_72 = tpu.memref_slice %arg8[%dma_wait3A_70, %dma_wait3A_71] : memref<10240x128xf32, #tpu.memory_space<vmem_shared>> -> memref<10240x128xf32, #tpu.memory_space<vmem_shared>>
      tpu.wait_indirect_dma semaphore(%arg9 : memref<!tpu.dma_semaphore, #tpu.memory_space<semaphore_mem>>) src(%arg7 : memref<128x128xf32, #tpu.memory_space<vmem>>) dst(%dma_wait3A_72 : memref<10240x128xf32, #tpu.memory_space<vmem_shared>>)
      %dma_wait3A_73 = arith.constant 1 : i32
      %dma_wait3A_74 = arith.constant 0 : i32
      %dma_wait3A_75 = tpu.memref_slice %arg6[%dma_wait3A_73, %dma_wait3A_74] : memref<8x128xi32, #tpu.memory_space<vmem>> -> memref<1x128xi32, #tpu.memory_space<vmem>>
      %dma_wait3A_76 = tpu.memref_squeeze %dma_wait3A_75 : memref<1x128xi32, #tpu.memory_space<vmem>> -> memref<128xi32, #tpu.memory_space<vmem>>
      %dma_wait3A_77 = arith.constant 0 : i32
      %dma_wait3A_78 = arith.constant 0 : i32
      %dma_wait3A_79 = tpu.memref_slice %arg8[%dma_wait3A_77, %dma_wait3A_78] : memref<10240x128xf32, #tpu.memory_space<vmem_shared>> -> memref<10240x128xf32, #tpu.memory_space<vmem_shared>>
      tpu.wait_indirect_dma semaphore(%arg9 : memref<!tpu.dma_semaphore, #tpu.memory_space<semaphore_mem>>) src(%arg7 : memref<128x128xf32, #tpu.memory_space<vmem>>) dst(%dma_wait3A_79 : memref<10240x128xf32, #tpu.memory_space<vmem_shared>>)
      %dma_wait3A_80 = arith.constant 2 : i32
      %dma_wait3A_81 = arith.constant 0 : i32
      %dma_wait3A_82 = tpu.memref_slice %arg6[%dma_wait3A_80, %dma_wait3A_81] : memref<8x128xi32, #tpu.memory_space<vmem>> -> memref<1x128xi32, #tpu.memory_space<vmem>>
      %dma_wait3A_83 = tpu.memref_squeeze %dma_wait3A_82 : memref<1x128xi32, #tpu.memory_space<vmem>> -> memref<128xi32, #tpu.memory_space<vmem>>
      %dma_wait3A_84 = arith.constant 0 : i32
      %dma_wait3A_85 = arith.constant 0 : i32
      %dma_wait3A_86 = tpu.memref_slice %arg8[%dma_wait3A_84, %dma_wait3A_85] : memref<10240x128xf32, #tpu.memory_space<vmem_shared>> -> memref<10240x128xf32, #tpu.memory_space<vmem_shared>>
      tpu.wait_indirect_dma semaphore(%arg9 : memref<!tpu.dma_semaphore, #tpu.memory_space<semaphore_mem>>) src(%arg7 : memref<128x128xf32, #tpu.memory_space<vmem>>) dst(%dma_wait3A_86 : memref<10240x128xf32, #tpu.memory_space<vmem_shared>>)
      %dma_wait3A_87 = arith.constant 3 : i32
      %dma_wait3A_88 = arith.constant 0 : i32
      %dma_wait3A_89 = tpu.memref_slice %arg6[%dma_wait3A_87, %dma_wait3A_88] : memref<8x128xi32, #tpu.memory_space<vmem>> -> memref<1x128xi32, #tpu.memory_space<vmem>>
      %dma_wait3A_90 = tpu.memref_squeeze %dma_wait3A_89 : memref<1x128xi32, #tpu.memory_space<vmem>> -> memref<128xi32, #tpu.memory_space<vmem>>
      %dma_wait3A_91 = arith.constant 0 : i32
      %dma_wait3A_92 = arith.constant 0 : i32
      %dma_wait3A_93 = tpu.memref_slice %arg8[%dma_wait3A_91, %dma_wait3A_92] : memref<10240x128xf32, #tpu.memory_space<vmem_shared>> -> memref<10240x128xf32, #tpu.memory_space<vmem_shared>>
      tpu.wait_indirect_dma semaphore(%arg9 : memref<!tpu.dma_semaphore, #tpu.memory_space<semaphore_mem>>) src(%arg7 : memref<128x128xf32, #tpu.memory_space<vmem>>) dst(%dma_wait3A_93 : memref<10240x128xf32, #tpu.memory_space<vmem_shared>>)
      %dma_wait3A_94 = arith.constant 4 : i32
      %dma_wait3A_95 = arith.constant 0 : i32
      %dma_wait3A_96 = tpu.memref_slice %arg6[%dma_wait3A_94, %dma_wait3A_95] : memref<8x128xi32, #tpu.memory_space<vmem>> -> memref<1x128xi32, #tpu.memory_space<vmem>>
      %dma_wait3A_97 = tpu.memref_squeeze %dma_wait3A_96 : memref<1x128xi32, #tpu.memory_space<vmem>> -> memref<128xi32, #tpu.memory_space<vmem>>
      %dma_wait3A_98 = arith.constant 0 : i32
      %dma_wait3A_99 = arith.constant 0 : i32
      %dma_wait3A_100 = tpu.memref_slice %arg8[%dma_wait3A_98, %dma_wait3A_99] : memref<10240x128xf32, #tpu.memory_space<vmem_shared>> -> memref<10240x128xf32, #tpu.memory_space<vmem_shared>>
      tpu.wait_indirect_dma semaphore(%arg9 : memref<!tpu.dma_semaphore, #tpu.memory_space<semaphore_mem>>) src(%arg7 : memref<128x128xf32, #tpu.memory_space<vmem>>) dst(%dma_wait3A_100 : memref<10240x128xf32, #tpu.memory_space<vmem_shared>>)
      %dma_wait3A_101 = arith.constant 5 : i32
      %dma_wait3A_102 = arith.constant 0 : i32
      %dma_wait3A_103 = tpu.memref_slice %arg6[%dma_wait3A_101, %dma_wait3A_102] : memref<8x128xi32, #tpu.memory_space<vmem>> -> memref<1x128xi32, #tpu.memory_space<vmem>>
      %dma_wait3A_104 = tpu.memref_squeeze %dma_wait3A_103 : memref<1x128xi32, #tpu.memory_space<vmem>> -> memref<128xi32, #tpu.memory_space<vmem>>
      %dma_wait3A_105 = arith.constant 0 : i32
      %dma_wait3A_106 = arith.constant 0 : i32
      %dma_wait3A_107 = tpu.memref_slice %arg8[%dma_wait3A_105, %dma_wait3A_106] : memref<10240x128xf32, #tpu.memory_space<vmem_shared>> -> memref<10240x128xf32, #tpu.memory_space<vmem_shared>>
      tpu.wait_indirect_dma semaphore(%arg9 : memref<!tpu.dma_semaphore, #tpu.memory_space<semaphore_mem>>) src(%arg7 : memref<128x128xf32, #tpu.memory_space<vmem>>) dst(%dma_wait3A_107 : memref<10240x128xf32, #tpu.memory_space<vmem_shared>>)
      %dma_wait3A_108 = arith.constant 6 : i32
      %dma_wait3A_109 = arith.constant 0 : i32
      %dma_wait3A_110 = tpu.memref_slice %arg6[%dma_wait3A_108, %dma_wait3A_109] : memref<8x128xi32, #tpu.memory_space<vmem>> -> memref<1x128xi32, #tpu.memory_space<vmem>>
      %dma_wait3A_111 = tpu.memref_squeeze %dma_wait3A_110 : memref<1x128xi32, #tpu.memory_space<vmem>> -> memref<128xi32, #tpu.memory_space<vmem>>
      %dma_wait3A_112 = arith.constant 0 : i32
      %dma_wait3A_113 = arith.constant 0 : i32
      %dma_wait3A_114 = tpu.memref_slice %arg8[%dma_wait3A_112, %dma_wait3A_113] : memref<10240x128xf32, #tpu.memory_space<vmem_shared>> -> memref<10240x128xf32, #tpu.memory_space<vmem_shared>>
      tpu.wait_indirect_dma semaphore(%arg9 : memref<!tpu.dma_semaphore, #tpu.memory_space<semaphore_mem>>) src(%arg7 : memref<128x128xf32, #tpu.memory_space<vmem>>) dst(%dma_wait3A_114 : memref<10240x128xf32, #tpu.memory_space<vmem_shared>>)
      %dma_wait3A_115 = arith.constant 7 : i32
      %dma_wait3A_116 = arith.constant 0 : i32
      %dma_wait3A_117 = tpu.memref_slice %arg6[%dma_wait3A_115, %dma_wait3A_116] : memref<8x128xi32, #tpu.memory_space<vmem>> -> memref<1x128xi32, #tpu.memory_space<vmem>>
      %dma_wait3A_118 = tpu.memref_squeeze %dma_wait3A_117 : memref<1x128xi32, #tpu.memory_space<vmem>> -> memref<128xi32, #tpu.memory_space<vmem>>
      %dma_wait3A_119 = arith.constant 0 : i32
      %dma_wait3A_120 = arith.constant 0 : i32
      %dma_wait3A_121 = tpu.memref_slice %arg8[%dma_wait3A_119, %dma_wait3A_120] : memref<10240x128xf32, #tpu.memory_space<vmem_shared>> -> memref<10240x128xf32, #tpu.memory_space<vmem_shared>>
      tpu.wait_indirect_dma semaphore(%arg9 : memref<!tpu.dma_semaphore, #tpu.memory_space<semaphore_mem>>) src(%arg7 : memref<128x128xf32, #tpu.memory_space<vmem>>) dst(%dma_wait3A_121 : memref<10240x128xf32, #tpu.memory_space<vmem_shared>>)
      %scan3A_122 = arith.constant 0 : i32
      scf.yield %scan3A_122 : i32
    }
    %scan3A_6 = arith.constant 10 : i32
    %barrier3A_7 = arith.constant 0 : index
    tpu.barrier barrier_id(%barrier3A_7)
    "tpu.region"() ({
      %run_scoped3A = tpu.sem_alloc : memref<!tpu.dma_semaphore, #tpu.memory_space<semaphore_mem>>
      %dma_start3A = arith.constant 0 : i32
      %dma_start3A_8 = tpu.memref_slice %arg5[%arg0, %mul3A_0, %dma_start3A] : memref<2x10240x128xf32, #tpu.memory_space<hbm>> -> memref<1x640x128xf32, #tpu.memory_space<hbm>>
      %dma_start3A_9 = tpu.memref_squeeze %dma_start3A_8 : memref<1x640x128xf32, #tpu.memory_space<hbm>> -> memref<640x128xf32, #tpu.memory_space<hbm>>
      %dma_start3A_10 = arith.constant 0 : i32
      %dma_start3A_11 = tpu.memref_slice %arg8[%mul3A_0, %dma_start3A_10] : memref<10240x128xf32, #tpu.memory_space<vmem_shared>> -> memref<640x128xf32, #tpu.memory_space<vmem_shared>>
      tpu.enqueue_dma source(%dma_start3A_11 : memref<640x128xf32, #tpu.memory_space<vmem_shared>>) target(%dma_start3A_9 : memref<640x128xf32, #tpu.memory_space<hbm>>) target_semaphore(%run_scoped3A : memref<!tpu.dma_semaphore, #tpu.memory_space<semaphore_mem>>)
      %dma_wait3A = arith.constant 0 : i32
      %dma_wait3A_12 = tpu.memref_slice %arg5[%arg0, %mul3A_0, %dma_wait3A] : memref<2x10240x128xf32, #tpu.memory_space<hbm>> -> memref<1x640x128xf32, #tpu.memory_space<hbm>>
      %dma_wait3A_13 = tpu.memref_squeeze %dma_wait3A_12 : memref<1x640x128xf32, #tpu.memory_space<hbm>> -> memref<640x128xf32, #tpu.memory_space<hbm>>
      %dma_wait3A_14 = arith.constant 0 : i32
      %dma_wait3A_15 = tpu.memref_slice %arg8[%mul3A_0, %dma_wait3A_14] : memref<10240x128xf32, #tpu.memory_space<vmem_shared>> -> memref<640x128xf32, #tpu.memory_space<vmem_shared>>
      tpu.wait_dma2 semaphore(%run_scoped3A : memref<!tpu.dma_semaphore, #tpu.memory_space<semaphore_mem>>) src(%dma_wait3A_15 : memref<640x128xf32, #tpu.memory_space<vmem_shared>>) dst(%dma_wait3A_13 : memref<640x128xf32, #tpu.memory_space<hbm>>)
      tpu.yield
    }) : () -> ()
    return
  }
}

#map = affine_map<(d0, d1) -> (0, 0, 0)>
#map1 = affine_map<(d0, d1) -> (0, 0)>
module attributes {stable_mosaic.version = 14 : i64} {
  func.func @_agg_kernel(%arg0: i32, %arg1: i32, %arg2: memref<16x160x128xi32, #tpu.memory_space<hbm>>, %arg3: memref<16x160x128xi32, #tpu.memory_space<hbm>>, %arg4: memref<10000x128xf32, #tpu.memory_space<hbm>>, %arg5: memref<10000x128xf32, #tpu.memory_space<hbm>>, %arg6: memref<640x128xf32, #tpu.memory_space<hbm>>, %arg7: memref<10240x128xf32, #tpu.memory_space<hbm>>, %arg8: memref<10240x128xf32, #tpu.memory_space<hbm>>, %arg9: memref<8x128xi32, #tpu.memory_space<vmem>>, %arg10: memref<8x128xi32, #tpu.memory_space<vmem>>, %arg11: memref<128x128xf32, #tpu.memory_space<vmem>>, %arg12: memref<128x128xf32, #tpu.memory_space<vmem>>, %arg13: memref<10240x128xf32, #tpu.memory_space<vmem_shared>>, %arg14: memref<!tpu.dma_semaphore, #tpu.memory_space<semaphore_mem>>, %arg15: memref<!tpu.dma_semaphore, #tpu.memory_space<semaphore_mem>>, %arg16: memref<!tpu.dma_semaphore, #tpu.memory_space<semaphore_mem>>, %arg17: memref<!tpu.dma_semaphore, #tpu.memory_space<semaphore_mem>>) attributes {dimension_semantics = [#tpu.dimension_semantics<core_parallel>, #tpu.dimension_semantics<subcore_parallel>], iteration_bounds = array<i64: 2, 16>, scalar_prefetch = 0 : i64, scratch_operands = 9 : i64, tpu.core_type = #tpu.core_type<sc_vector_subcore>, window_params = [{transform_indices = #map}, {transform_indices = #map}, {transform_indices = #map1}, {transform_indices = #map1}, {transform_indices = #map1}, {transform_indices = #map1}, {transform_indices = #map1}]} {
    %mul3A = arith.constant 640 : i32
    %mul3A_0 = arith.muli %arg1, %mul3A : i32
    "tpu.region"() ({
      %run_scoped3A = tpu.sem_alloc : memref<!tpu.dma_semaphore, #tpu.memory_space<semaphore_mem>>
      %dma_start3A = arith.constant 0 : i32
      %dma_start3A_21 = tpu.memref_slice %arg13[%mul3A_0, %dma_start3A] : memref<10240x128xf32, #tpu.memory_space<vmem_shared>> -> memref<640x128xf32, #tpu.memory_space<vmem_shared>>
      tpu.enqueue_dma source(%arg6 : memref<640x128xf32, #tpu.memory_space<hbm>>) target(%dma_start3A_21 : memref<640x128xf32, #tpu.memory_space<vmem_shared>>) target_semaphore(%run_scoped3A : memref<!tpu.dma_semaphore, #tpu.memory_space<semaphore_mem>>)
      %dma_wait3A = arith.constant 0 : i32
      %dma_wait3A_22 = tpu.memref_slice %arg13[%mul3A_0, %dma_wait3A] : memref<10240x128xf32, #tpu.memory_space<vmem_shared>> -> memref<640x128xf32, #tpu.memory_space<vmem_shared>>
      tpu.wait_dma2 semaphore(%run_scoped3A : memref<!tpu.dma_semaphore, #tpu.memory_space<semaphore_mem>>) src(%arg6 : memref<640x128xf32, #tpu.memory_space<hbm>>) dst(%dma_wait3A_22 : memref<640x128xf32, #tpu.memory_space<vmem_shared>>)
      tpu.yield
    }) : () -> ()
    %barrier3A = arith.constant 0 : index
    tpu.barrier barrier_id(%barrier3A)
    %eq3A = arith.constant 0 : i32
    %eq3A_1 = arith.cmpi eq, %arg0, %eq3A : i32
    %convert_element_type3A = arith.extui %eq3A_1 : i1 to i32
    %cond3A = arith.constant 0 : i32
    %cond3A_2 = arith.cmpi ne, %convert_element_type3A, %cond3A : i32
    scf.if %cond3A_2 {
      %scan3A = arith.constant 0 : i32
      %scan3A_21 = arith.constant 0 : i32
      %scan3A_22 = arith.constant 20 : i32
      %scan3A_23 = arith.addi %scan3A_21, %scan3A_22 : i32
      %scan3A_24 = arith.constant 1 : i32
      %scan3A_25 = scf.for %scan3A_27 = %scan3A_21 to %scan3A_23 step %scan3A_24 iter_args(%scan3A_28 = %scan3A) -> (i32)  : i32 {
        %mul3A_29 = arith.constant 8 : i32
        %mul3A_30 = arith.muli %scan3A_27, %mul3A_29 : i32
        "tpu.region"() ({
          %run_scoped3A = tpu.sem_alloc : memref<!tpu.dma_semaphore, #tpu.memory_space<semaphore_mem>>
          %dma_start3A_256 = arith.constant 0 : i32
          %dma_start3A_257 = tpu.memref_slice %arg2[%arg1, %mul3A_30, %dma_start3A_256] : memref<16x160x128xi32, #tpu.memory_space<hbm>> -> memref<1x8x128xi32, #tpu.memory_space<hbm>>
          %dma_start3A_258 = tpu.memref_squeeze %dma_start3A_257 : memref<1x8x128xi32, #tpu.memory_space<hbm>> -> memref<8x128xi32, #tpu.memory_space<hbm>>
          %dma_start3A_259 = arith.constant 0 : i32
          %dma_start3A_260 = tpu.memref_slice %arg2[%arg1, %mul3A_30, %dma_start3A_259] : memref<16x160x128xi32, #tpu.memory_space<hbm>> -> memref<1x8x128xi32, #tpu.memory_space<hbm>>
          %dma_start3A_261 = tpu.memref_squeeze %dma_start3A_260 : memref<1x8x128xi32, #tpu.memory_space<hbm>> -> memref<8x128xi32, #tpu.memory_space<hbm>>
          tpu.enqueue_dma source(%dma_start3A_261 : memref<8x128xi32, #tpu.memory_space<hbm>>) target(%arg9 : memref<8x128xi32, #tpu.memory_space<vmem>>) target_semaphore(%run_scoped3A : memref<!tpu.dma_semaphore, #tpu.memory_space<semaphore_mem>>)
          %dma_wait3A_262 = arith.constant 0 : i32
          %dma_wait3A_263 = tpu.memref_slice %arg2[%arg1, %mul3A_30, %dma_wait3A_262] : memref<16x160x128xi32, #tpu.memory_space<hbm>> -> memref<1x8x128xi32, #tpu.memory_space<hbm>>
          %dma_wait3A_264 = tpu.memref_squeeze %dma_wait3A_263 : memref<1x8x128xi32, #tpu.memory_space<hbm>> -> memref<8x128xi32, #tpu.memory_space<hbm>>
          %dma_wait3A_265 = arith.constant 0 : i32
          %dma_wait3A_266 = tpu.memref_slice %arg2[%arg1, %mul3A_30, %dma_wait3A_265] : memref<16x160x128xi32, #tpu.memory_space<hbm>> -> memref<1x8x128xi32, #tpu.memory_space<hbm>>
          %dma_wait3A_267 = tpu.memref_squeeze %dma_wait3A_266 : memref<1x8x128xi32, #tpu.memory_space<hbm>> -> memref<8x128xi32, #tpu.memory_space<hbm>>
          tpu.wait_dma2 semaphore(%run_scoped3A : memref<!tpu.dma_semaphore, #tpu.memory_space<semaphore_mem>>) src(%dma_wait3A_267 : memref<8x128xi32, #tpu.memory_space<hbm>>) dst(%arg9 : memref<8x128xi32, #tpu.memory_space<vmem>>)
          tpu.yield
        }) : () -> ()
        %mul3A_31 = arith.constant 8 : i32
        %mul3A_32 = arith.muli %scan3A_27, %mul3A_31 : i32
        "tpu.region"() ({
          %run_scoped3A = tpu.sem_alloc : memref<!tpu.dma_semaphore, #tpu.memory_space<semaphore_mem>>
          %dma_start3A_256 = arith.constant 0 : i32
          %dma_start3A_257 = tpu.memref_slice %arg3[%arg1, %mul3A_32, %dma_start3A_256] : memref<16x160x128xi32, #tpu.memory_space<hbm>> -> memref<1x8x128xi32, #tpu.memory_space<hbm>>
          %dma_start3A_258 = tpu.memref_squeeze %dma_start3A_257 : memref<1x8x128xi32, #tpu.memory_space<hbm>> -> memref<8x128xi32, #tpu.memory_space<hbm>>
          %dma_start3A_259 = arith.constant 0 : i32
          %dma_start3A_260 = tpu.memref_slice %arg3[%arg1, %mul3A_32, %dma_start3A_259] : memref<16x160x128xi32, #tpu.memory_space<hbm>> -> memref<1x8x128xi32, #tpu.memory_space<hbm>>
          %dma_start3A_261 = tpu.memref_squeeze %dma_start3A_260 : memref<1x8x128xi32, #tpu.memory_space<hbm>> -> memref<8x128xi32, #tpu.memory_space<hbm>>
          tpu.enqueue_dma source(%dma_start3A_261 : memref<8x128xi32, #tpu.memory_space<hbm>>) target(%arg10 : memref<8x128xi32, #tpu.memory_space<vmem>>) target_semaphore(%run_scoped3A : memref<!tpu.dma_semaphore, #tpu.memory_space<semaphore_mem>>)
          %dma_wait3A_262 = arith.constant 0 : i32
          %dma_wait3A_263 = tpu.memref_slice %arg3[%arg1, %mul3A_32, %dma_wait3A_262] : memref<16x160x128xi32, #tpu.memory_space<hbm>> -> memref<1x8x128xi32, #tpu.memory_space<hbm>>
          %dma_wait3A_264 = tpu.memref_squeeze %dma_wait3A_263 : memref<1x8x128xi32, #tpu.memory_space<hbm>> -> memref<8x128xi32, #tpu.memory_space<hbm>>
          %dma_wait3A_265 = arith.constant 0 : i32
          %dma_wait3A_266 = tpu.memref_slice %arg3[%arg1, %mul3A_32, %dma_wait3A_265] : memref<16x160x128xi32, #tpu.memory_space<hbm>> -> memref<1x8x128xi32, #tpu.memory_space<hbm>>
          %dma_wait3A_267 = tpu.memref_squeeze %dma_wait3A_266 : memref<1x8x128xi32, #tpu.memory_space<hbm>> -> memref<8x128xi32, #tpu.memory_space<hbm>>
          tpu.wait_dma2 semaphore(%run_scoped3A : memref<!tpu.dma_semaphore, #tpu.memory_space<semaphore_mem>>) src(%dma_wait3A_267 : memref<8x128xi32, #tpu.memory_space<hbm>>) dst(%arg10 : memref<8x128xi32, #tpu.memory_space<vmem>>)
          tpu.yield
        }) : () -> ()
        %dma_start3A = arith.constant 0 : i32
        %dma_start3A_33 = arith.constant 0 : i32
        %dma_start3A_34 = tpu.memref_slice %arg9[%dma_start3A, %dma_start3A_33] : memref<8x128xi32, #tpu.memory_space<vmem>> -> memref<1x128xi32, #tpu.memory_space<vmem>>
        %dma_start3A_35 = tpu.memref_squeeze %dma_start3A_34 : memref<1x128xi32, #tpu.memory_space<vmem>> -> memref<128xi32, #tpu.memory_space<vmem>>
        %dma_start3A_36 = arith.constant 0 : i32
        %dma_start3A_37 = arith.constant 0 : i32
        %dma_start3A_38 = tpu.memref_slice %arg4[%dma_start3A_36, %dma_start3A_37] : memref<10000x128xf32, #tpu.memory_space<hbm>> -> memref<10000x128xf32, #tpu.memory_space<hbm>>
        tpu.enqueue_indirect_dma source(%dma_start3A_38 : memref<10000x128xf32, #tpu.memory_space<hbm>>) target(%arg11 : memref<128x128xf32, #tpu.memory_space<vmem>>) offsets(%dma_start3A_35 : memref<128xi32, #tpu.memory_space<vmem>>) semaphore(%arg14 : memref<!tpu.dma_semaphore, #tpu.memory_space<semaphore_mem>>)
        %dma_start3A_39 = arith.constant 1 : i32
        %dma_start3A_40 = arith.constant 0 : i32
        %dma_start3A_41 = tpu.memref_slice %arg9[%dma_start3A_39, %dma_start3A_40] : memref<8x128xi32, #tpu.memory_space<vmem>> -> memref<1x128xi32, #tpu.memory_space<vmem>>
        %dma_start3A_42 = tpu.memref_squeeze %dma_start3A_41 : memref<1x128xi32, #tpu.memory_space<vmem>> -> memref<128xi32, #tpu.memory_space<vmem>>
        %dma_start3A_43 = arith.constant 0 : i32
        %dma_start3A_44 = arith.constant 0 : i32
        %dma_start3A_45 = tpu.memref_slice %arg4[%dma_start3A_43, %dma_start3A_44] : memref<10000x128xf32, #tpu.memory_space<hbm>> -> memref<10000x128xf32, #tpu.memory_space<hbm>>
        tpu.enqueue_indirect_dma source(%dma_start3A_45 : memref<10000x128xf32, #tpu.memory_space<hbm>>) target(%arg12 : memref<128x128xf32, #tpu.memory_space<vmem>>) offsets(%dma_start3A_42 : memref<128xi32, #tpu.memory_space<vmem>>) semaphore(%arg15 : memref<!tpu.dma_semaphore, #tpu.memory_space<semaphore_mem>>)
        %dma_wait3A = arith.constant 0 : i32
        %dma_wait3A_46 = arith.constant 0 : i32
        %dma_wait3A_47 = tpu.memref_slice %arg9[%dma_wait3A, %dma_wait3A_46] : memref<8x128xi32, #tpu.memory_space<vmem>> -> memref<1x128xi32, #tpu.memory_space<vmem>>
        %dma_wait3A_48 = tpu.memref_squeeze %dma_wait3A_47 : memref<1x128xi32, #tpu.memory_space<vmem>> -> memref<128xi32, #tpu.memory_space<vmem>>
        %dma_wait3A_49 = arith.constant 0 : i32
        %dma_wait3A_50 = arith.constant 0 : i32
        %dma_wait3A_51 = tpu.memref_slice %arg4[%dma_wait3A_49, %dma_wait3A_50] : memref<10000x128xf32, #tpu.memory_space<hbm>> -> memref<10000x128xf32, #tpu.memory_space<hbm>>
        tpu.wait_indirect_dma semaphore(%arg14 : memref<!tpu.dma_semaphore, #tpu.memory_space<semaphore_mem>>) src(%dma_wait3A_51 : memref<10000x128xf32, #tpu.memory_space<hbm>>) dst(%arg11 : memref<128x128xf32, #tpu.memory_space<vmem>>)
        %dma_start3A_52 = arith.constant 0 : i32
        %dma_start3A_53 = arith.constant 0 : i32
        %dma_start3A_54 = tpu.memref_slice %arg10[%dma_start3A_52, %dma_start3A_53] : memref<8x128xi32, #tpu.memory_space<vmem>> -> memref<1x128xi32, #tpu.memory_space<vmem>>
        %dma_start3A_55 = tpu.memref_squeeze %dma_start3A_54 : memref<1x128xi32, #tpu.memory_space<vmem>> -> memref<128xi32, #tpu.memory_space<vmem>>
        %dma_start3A_56 = arith.constant 0 : i32
        %dma_start3A_57 = arith.constant 0 : i32
        %dma_start3A_58 = tpu.memref_slice %arg13[%dma_start3A_56, %dma_start3A_57] : memref<10240x128xf32, #tpu.memory_space<vmem_shared>> -> memref<10240x128xf32, #tpu.memory_space<vmem_shared>>
        tpu.enqueue_indirect_dma source(%arg11 : memref<128x128xf32, #tpu.memory_space<vmem>>) target(%dma_start3A_58 : memref<10240x128xf32, #tpu.memory_space<vmem_shared>>) offsets(%dma_start3A_55 : memref<128xi32, #tpu.memory_space<vmem>>) semaphore(%arg16 : memref<!tpu.dma_semaphore, #tpu.memory_space<semaphore_mem>>) {add = true}
        %dma_wait3A_59 = arith.constant 0 : i32
        %dma_wait3A_60 = arith.constant 0 : i32
        %dma_wait3A_61 = tpu.memref_slice %arg10[%dma_wait3A_59, %dma_wait3A_60] : memref<8x128xi32, #tpu.memory_space<vmem>> -> memref<1x128xi32, #tpu.memory_space<vmem>>
        %dma_wait3A_62 = tpu.memref_squeeze %dma_wait3A_61 : memref<1x128xi32, #tpu.memory_space<vmem>> -> memref<128xi32, #tpu.memory_space<vmem>>
        %dma_wait3A_63 = arith.constant 0 : i32
        %dma_wait3A_64 = arith.constant 0 : i32
        %dma_wait3A_65 = tpu.memref_slice %arg13[%dma_wait3A_63, %dma_wait3A_64] : memref<10240x128xf32, #tpu.memory_space<vmem_shared>> -> memref<10240x128xf32, #tpu.memory_space<vmem_shared>>
        tpu.wait_indirect_dma semaphore(%arg16 : memref<!tpu.dma_semaphore, #tpu.memory_space<semaphore_mem>>) src(%arg11 : memref<128x128xf32, #tpu.memory_space<vmem>>) dst(%dma_wait3A_65 : memref<10240x128xf32, #tpu.memory_space<vmem_shared>>)
        %dma_start3A_66 = arith.constant 2 : i32
        %dma_start3A_67 = arith.constant 0 : i32
        %dma_start3A_68 = tpu.memref_slice %arg9[%dma_start3A_66, %dma_start3A_67] : memref<8x128xi32, #tpu.memory_space<vmem>> -> memref<1x128xi32, #tpu.memory_space<vmem>>
        %dma_start3A_69 = tpu.memref_squeeze %dma_start3A_68 : memref<1x128xi32, #tpu.memory_space<vmem>> -> memref<128xi32, #tpu.memory_space<vmem>>
        %dma_start3A_70 = arith.constant 0 : i32
        %dma_start3A_71 = arith.constant 0 : i32
        %dma_start3A_72 = tpu.memref_slice %arg4[%dma_start3A_70, %dma_start3A_71] : memref<10000x128xf32, #tpu.memory_space<hbm>> -> memref<10000x128xf32, #tpu.memory_space<hbm>>
        tpu.enqueue_indirect_dma source(%dma_start3A_72 : memref<10000x128xf32, #tpu.memory_space<hbm>>) target(%arg11 : memref<128x128xf32, #tpu.memory_space<vmem>>) offsets(%dma_start3A_69 : memref<128xi32, #tpu.memory_space<vmem>>) semaphore(%arg14 : memref<!tpu.dma_semaphore, #tpu.memory_space<semaphore_mem>>)
        %dma_wait3A_73 = arith.constant 1 : i32
        %dma_wait3A_74 = arith.constant 0 : i32
        %dma_wait3A_75 = tpu.memref_slice %arg9[%dma_wait3A_73, %dma_wait3A_74] : memref<8x128xi32, #tpu.memory_space<vmem>> -> memref<1x128xi32, #tpu.memory_space<vmem>>
        %dma_wait3A_76 = tpu.memref_squeeze %dma_wait3A_75 : memref<1x128xi32, #tpu.memory_space<vmem>> -> memref<128xi32, #tpu.memory_space<vmem>>
        %dma_wait3A_77 = arith.constant 0 : i32
        %dma_wait3A_78 = arith.constant 0 : i32
        %dma_wait3A_79 = tpu.memref_slice %arg4[%dma_wait3A_77, %dma_wait3A_78] : memref<10000x128xf32, #tpu.memory_space<hbm>> -> memref<10000x128xf32, #tpu.memory_space<hbm>>
        tpu.wait_indirect_dma semaphore(%arg15 : memref<!tpu.dma_semaphore, #tpu.memory_space<semaphore_mem>>) src(%dma_wait3A_79 : memref<10000x128xf32, #tpu.memory_space<hbm>>) dst(%arg12 : memref<128x128xf32, #tpu.memory_space<vmem>>)
        %dma_start3A_80 = arith.constant 1 : i32
        %dma_start3A_81 = arith.constant 0 : i32
        %dma_start3A_82 = tpu.memref_slice %arg10[%dma_start3A_80, %dma_start3A_81] : memref<8x128xi32, #tpu.memory_space<vmem>> -> memref<1x128xi32, #tpu.memory_space<vmem>>
        %dma_start3A_83 = tpu.memref_squeeze %dma_start3A_82 : memref<1x128xi32, #tpu.memory_space<vmem>> -> memref<128xi32, #tpu.memory_space<vmem>>
        %dma_start3A_84 = arith.constant 0 : i32
        %dma_start3A_85 = arith.constant 0 : i32
        %dma_start3A_86 = tpu.memref_slice %arg13[%dma_start3A_84, %dma_start3A_85] : memref<10240x128xf32, #tpu.memory_space<vmem_shared>> -> memref<10240x128xf32, #tpu.memory_space<vmem_shared>>
        tpu.enqueue_indirect_dma source(%arg12 : memref<128x128xf32, #tpu.memory_space<vmem>>) target(%dma_start3A_86 : memref<10240x128xf32, #tpu.memory_space<vmem_shared>>) offsets(%dma_start3A_83 : memref<128xi32, #tpu.memory_space<vmem>>) semaphore(%arg17 : memref<!tpu.dma_semaphore, #tpu.memory_space<semaphore_mem>>) {add = true}
        %dma_wait3A_87 = arith.constant 1 : i32
        %dma_wait3A_88 = arith.constant 0 : i32
        %dma_wait3A_89 = tpu.memref_slice %arg10[%dma_wait3A_87, %dma_wait3A_88] : memref<8x128xi32, #tpu.memory_space<vmem>> -> memref<1x128xi32, #tpu.memory_space<vmem>>
        %dma_wait3A_90 = tpu.memref_squeeze %dma_wait3A_89 : memref<1x128xi32, #tpu.memory_space<vmem>> -> memref<128xi32, #tpu.memory_space<vmem>>
        %dma_wait3A_91 = arith.constant 0 : i32
        %dma_wait3A_92 = arith.constant 0 : i32
        %dma_wait3A_93 = tpu.memref_slice %arg13[%dma_wait3A_91, %dma_wait3A_92] : memref<10240x128xf32, #tpu.memory_space<vmem_shared>> -> memref<10240x128xf32, #tpu.memory_space<vmem_shared>>
        tpu.wait_indirect_dma semaphore(%arg17 : memref<!tpu.dma_semaphore, #tpu.memory_space<semaphore_mem>>) src(%arg12 : memref<128x128xf32, #tpu.memory_space<vmem>>) dst(%dma_wait3A_93 : memref<10240x128xf32, #tpu.memory_space<vmem_shared>>)
        %dma_start3A_94 = arith.constant 3 : i32
        %dma_start3A_95 = arith.constant 0 : i32
        %dma_start3A_96 = tpu.memref_slice %arg9[%dma_start3A_94, %dma_start3A_95] : memref<8x128xi32, #tpu.memory_space<vmem>> -> memref<1x128xi32, #tpu.memory_space<vmem>>
        %dma_start3A_97 = tpu.memref_squeeze %dma_start3A_96 : memref<1x128xi32, #tpu.memory_space<vmem>> -> memref<128xi32, #tpu.memory_space<vmem>>
        %dma_start3A_98 = arith.constant 0 : i32
        %dma_start3A_99 = arith.constant 0 : i32
        %dma_start3A_100 = tpu.memref_slice %arg4[%dma_start3A_98, %dma_start3A_99] : memref<10000x128xf32, #tpu.memory_space<hbm>> -> memref<10000x128xf32, #tpu.memory_space<hbm>>
        tpu.enqueue_indirect_dma source(%dma_start3A_100 : memref<10000x128xf32, #tpu.memory_space<hbm>>) target(%arg12 : memref<128x128xf32, #tpu.memory_space<vmem>>) offsets(%dma_start3A_97 : memref<128xi32, #tpu.memory_space<vmem>>) semaphore(%arg15 : memref<!tpu.dma_semaphore, #tpu.memory_space<semaphore_mem>>)
        %dma_wait3A_101 = arith.constant 2 : i32
        %dma_wait3A_102 = arith.constant 0 : i32
        %dma_wait3A_103 = tpu.memref_slice %arg9[%dma_wait3A_101, %dma_wait3A_102] : memref<8x128xi32, #tpu.memory_space<vmem>> -> memref<1x128xi32, #tpu.memory_space<vmem>>
        %dma_wait3A_104 = tpu.memref_squeeze %dma_wait3A_103 : memref<1x128xi32, #tpu.memory_space<vmem>> -> memref<128xi32, #tpu.memory_space<vmem>>
        %dma_wait3A_105 = arith.constant 0 : i32
        %dma_wait3A_106 = arith.constant 0 : i32
        %dma_wait3A_107 = tpu.memref_slice %arg4[%dma_wait3A_105, %dma_wait3A_106] : memref<10000x128xf32, #tpu.memory_space<hbm>> -> memref<10000x128xf32, #tpu.memory_space<hbm>>
        tpu.wait_indirect_dma semaphore(%arg14 : memref<!tpu.dma_semaphore, #tpu.memory_space<semaphore_mem>>) src(%dma_wait3A_107 : memref<10000x128xf32, #tpu.memory_space<hbm>>) dst(%arg11 : memref<128x128xf32, #tpu.memory_space<vmem>>)
        %dma_start3A_108 = arith.constant 2 : i32
        %dma_start3A_109 = arith.constant 0 : i32
        %dma_start3A_110 = tpu.memref_slice %arg10[%dma_start3A_108, %dma_start3A_109] : memref<8x128xi32, #tpu.memory_space<vmem>> -> memref<1x128xi32, #tpu.memory_space<vmem>>
        %dma_start3A_111 = tpu.memref_squeeze %dma_start3A_110 : memref<1x128xi32, #tpu.memory_space<vmem>> -> memref<128xi32, #tpu.memory_space<vmem>>
        %dma_start3A_112 = arith.constant 0 : i32
        %dma_start3A_113 = arith.constant 0 : i32
        %dma_start3A_114 = tpu.memref_slice %arg13[%dma_start3A_112, %dma_start3A_113] : memref<10240x128xf32, #tpu.memory_space<vmem_shared>> -> memref<10240x128xf32, #tpu.memory_space<vmem_shared>>
        tpu.enqueue_indirect_dma source(%arg11 : memref<128x128xf32, #tpu.memory_space<vmem>>) target(%dma_start3A_114 : memref<10240x128xf32, #tpu.memory_space<vmem_shared>>) offsets(%dma_start3A_111 : memref<128xi32, #tpu.memory_space<vmem>>) semaphore(%arg16 : memref<!tpu.dma_semaphore, #tpu.memory_space<semaphore_mem>>) {add = true}
        %dma_wait3A_115 = arith.constant 2 : i32
        %dma_wait3A_116 = arith.constant 0 : i32
        %dma_wait3A_117 = tpu.memref_slice %arg10[%dma_wait3A_115, %dma_wait3A_116] : memref<8x128xi32, #tpu.memory_space<vmem>> -> memref<1x128xi32, #tpu.memory_space<vmem>>
        %dma_wait3A_118 = tpu.memref_squeeze %dma_wait3A_117 : memref<1x128xi32, #tpu.memory_space<vmem>> -> memref<128xi32, #tpu.memory_space<vmem>>
        %dma_wait3A_119 = arith.constant 0 : i32
        %dma_wait3A_120 = arith.constant 0 : i32
        %dma_wait3A_121 = tpu.memref_slice %arg13[%dma_wait3A_119, %dma_wait3A_120] : memref<10240x128xf32, #tpu.memory_space<vmem_shared>> -> memref<10240x128xf32, #tpu.memory_space<vmem_shared>>
        tpu.wait_indirect_dma semaphore(%arg16 : memref<!tpu.dma_semaphore, #tpu.memory_space<semaphore_mem>>) src(%arg11 : memref<128x128xf32, #tpu.memory_space<vmem>>) dst(%dma_wait3A_121 : memref<10240x128xf32, #tpu.memory_space<vmem_shared>>)
        %dma_start3A_122 = arith.constant 4 : i32
        %dma_start3A_123 = arith.constant 0 : i32
        %dma_start3A_124 = tpu.memref_slice %arg9[%dma_start3A_122, %dma_start3A_123] : memref<8x128xi32, #tpu.memory_space<vmem>> -> memref<1x128xi32, #tpu.memory_space<vmem>>
        %dma_start3A_125 = tpu.memref_squeeze %dma_start3A_124 : memref<1x128xi32, #tpu.memory_space<vmem>> -> memref<128xi32, #tpu.memory_space<vmem>>
        %dma_start3A_126 = arith.constant 0 : i32
        %dma_start3A_127 = arith.constant 0 : i32
        %dma_start3A_128 = tpu.memref_slice %arg4[%dma_start3A_126, %dma_start3A_127] : memref<10000x128xf32, #tpu.memory_space<hbm>> -> memref<10000x128xf32, #tpu.memory_space<hbm>>
        tpu.enqueue_indirect_dma source(%dma_start3A_128 : memref<10000x128xf32, #tpu.memory_space<hbm>>) target(%arg11 : memref<128x128xf32, #tpu.memory_space<vmem>>) offsets(%dma_start3A_125 : memref<128xi32, #tpu.memory_space<vmem>>) semaphore(%arg14 : memref<!tpu.dma_semaphore, #tpu.memory_space<semaphore_mem>>)
        %dma_wait3A_129 = arith.constant 3 : i32
        %dma_wait3A_130 = arith.constant 0 : i32
        %dma_wait3A_131 = tpu.memref_slice %arg9[%dma_wait3A_129, %dma_wait3A_130] : memref<8x128xi32, #tpu.memory_space<vmem>> -> memref<1x128xi32, #tpu.memory_space<vmem>>
        %dma_wait3A_132 = tpu.memref_squeeze %dma_wait3A_131 : memref<1x128xi32, #tpu.memory_space<vmem>> -> memref<128xi32, #tpu.memory_space<vmem>>
        %dma_wait3A_133 = arith.constant 0 : i32
        %dma_wait3A_134 = arith.constant 0 : i32
        %dma_wait3A_135 = tpu.memref_slice %arg4[%dma_wait3A_133, %dma_wait3A_134] : memref<10000x128xf32, #tpu.memory_space<hbm>> -> memref<10000x128xf32, #tpu.memory_space<hbm>>
        tpu.wait_indirect_dma semaphore(%arg15 : memref<!tpu.dma_semaphore, #tpu.memory_space<semaphore_mem>>) src(%dma_wait3A_135 : memref<10000x128xf32, #tpu.memory_space<hbm>>) dst(%arg12 : memref<128x128xf32, #tpu.memory_space<vmem>>)
        %dma_start3A_136 = arith.constant 3 : i32
        %dma_start3A_137 = arith.constant 0 : i32
        %dma_start3A_138 = tpu.memref_slice %arg10[%dma_start3A_136, %dma_start3A_137] : memref<8x128xi32, #tpu.memory_space<vmem>> -> memref<1x128xi32, #tpu.memory_space<vmem>>
        %dma_start3A_139 = tpu.memref_squeeze %dma_start3A_138 : memref<1x128xi32, #tpu.memory_space<vmem>> -> memref<128xi32, #tpu.memory_space<vmem>>
        %dma_start3A_140 = arith.constant 0 : i32
        %dma_start3A_141 = arith.constant 0 : i32
        %dma_start3A_142 = tpu.memref_slice %arg13[%dma_start3A_140, %dma_start3A_141] : memref<10240x128xf32, #tpu.memory_space<vmem_shared>> -> memref<10240x128xf32, #tpu.memory_space<vmem_shared>>
        tpu.enqueue_indirect_dma source(%arg12 : memref<128x128xf32, #tpu.memory_space<vmem>>) target(%dma_start3A_142 : memref<10240x128xf32, #tpu.memory_space<vmem_shared>>) offsets(%dma_start3A_139 : memref<128xi32, #tpu.memory_space<vmem>>) semaphore(%arg17 : memref<!tpu.dma_semaphore, #tpu.memory_space<semaphore_mem>>) {add = true}
        %dma_wait3A_143 = arith.constant 3 : i32
        %dma_wait3A_144 = arith.constant 0 : i32
        %dma_wait3A_145 = tpu.memref_slice %arg10[%dma_wait3A_143, %dma_wait3A_144] : memref<8x128xi32, #tpu.memory_space<vmem>> -> memref<1x128xi32, #tpu.memory_space<vmem>>
        %dma_wait3A_146 = tpu.memref_squeeze %dma_wait3A_145 : memref<1x128xi32, #tpu.memory_space<vmem>> -> memref<128xi32, #tpu.memory_space<vmem>>
        %dma_wait3A_147 = arith.constant 0 : i32
        %dma_wait3A_148 = arith.constant 0 : i32
        %dma_wait3A_149 = tpu.memref_slice %arg13[%dma_wait3A_147, %dma_wait3A_148] : memref<10240x128xf32, #tpu.memory_space<vmem_shared>> -> memref<10240x128xf32, #tpu.memory_space<vmem_shared>>
        tpu.wait_indirect_dma semaphore(%arg17 : memref<!tpu.dma_semaphore, #tpu.memory_space<semaphore_mem>>) src(%arg12 : memref<128x128xf32, #tpu.memory_space<vmem>>) dst(%dma_wait3A_149 : memref<10240x128xf32, #tpu.memory_space<vmem_shared>>)
        %dma_start3A_150 = arith.constant 5 : i32
        %dma_start3A_151 = arith.constant 0 : i32
        %dma_start3A_152 = tpu.memref_slice %arg9[%dma_start3A_150, %dma_start3A_151] : memref<8x128xi32, #tpu.memory_space<vmem>> -> memref<1x128xi32, #tpu.memory_space<vmem>>
        %dma_start3A_153 = tpu.memref_squeeze %dma_start3A_152 : memref<1x128xi32, #tpu.memory_space<vmem>> -> memref<128xi32, #tpu.memory_space<vmem>>
        %dma_start3A_154 = arith.constant 0 : i32
        %dma_start3A_155 = arith.constant 0 : i32
        %dma_start3A_156 = tpu.memref_slice %arg4[%dma_start3A_154, %dma_start3A_155] : memref<10000x128xf32, #tpu.memory_space<hbm>> -> memref<10000x128xf32, #tpu.memory_space<hbm>>
        tpu.enqueue_indirect_dma source(%dma_start3A_156 : memref<10000x128xf32, #tpu.memory_space<hbm>>) target(%arg12 : memref<128x128xf32, #tpu.memory_space<vmem>>) offsets(%dma_start3A_153 : memref<128xi32, #tpu.memory_space<vmem>>) semaphore(%arg15 : memref<!tpu.dma_semaphore, #tpu.memory_space<semaphore_mem>>)
        %dma_wait3A_157 = arith.constant 4 : i32
        %dma_wait3A_158 = arith.constant 0 : i32
        %dma_wait3A_159 = tpu.memref_slice %arg9[%dma_wait3A_157, %dma_wait3A_158] : memref<8x128xi32, #tpu.memory_space<vmem>> -> memref<1x128xi32, #tpu.memory_space<vmem>>
        %dma_wait3A_160 = tpu.memref_squeeze %dma_wait3A_159 : memref<1x128xi32, #tpu.memory_space<vmem>> -> memref<128xi32, #tpu.memory_space<vmem>>
        %dma_wait3A_161 = arith.constant 0 : i32
        %dma_wait3A_162 = arith.constant 0 : i32
        %dma_wait3A_163 = tpu.memref_slice %arg4[%dma_wait3A_161, %dma_wait3A_162] : memref<10000x128xf32, #tpu.memory_space<hbm>> -> memref<10000x128xf32, #tpu.memory_space<hbm>>
        tpu.wait_indirect_dma semaphore(%arg14 : memref<!tpu.dma_semaphore, #tpu.memory_space<semaphore_mem>>) src(%dma_wait3A_163 : memref<10000x128xf32, #tpu.memory_space<hbm>>) dst(%arg11 : memref<128x128xf32, #tpu.memory_space<vmem>>)
        %dma_start3A_164 = arith.constant 4 : i32
        %dma_start3A_165 = arith.constant 0 : i32
        %dma_start3A_166 = tpu.memref_slice %arg10[%dma_start3A_164, %dma_start3A_165] : memref<8x128xi32, #tpu.memory_space<vmem>> -> memref<1x128xi32, #tpu.memory_space<vmem>>
        %dma_start3A_167 = tpu.memref_squeeze %dma_start3A_166 : memref<1x128xi32, #tpu.memory_space<vmem>> -> memref<128xi32, #tpu.memory_space<vmem>>
        %dma_start3A_168 = arith.constant 0 : i32
        %dma_start3A_169 = arith.constant 0 : i32
        %dma_start3A_170 = tpu.memref_slice %arg13[%dma_start3A_168, %dma_start3A_169] : memref<10240x128xf32, #tpu.memory_space<vmem_shared>> -> memref<10240x128xf32, #tpu.memory_space<vmem_shared>>
        tpu.enqueue_indirect_dma source(%arg11 : memref<128x128xf32, #tpu.memory_space<vmem>>) target(%dma_start3A_170 : memref<10240x128xf32, #tpu.memory_space<vmem_shared>>) offsets(%dma_start3A_167 : memref<128xi32, #tpu.memory_space<vmem>>) semaphore(%arg16 : memref<!tpu.dma_semaphore, #tpu.memory_space<semaphore_mem>>) {add = true}
        %dma_wait3A_171 = arith.constant 4 : i32
        %dma_wait3A_172 = arith.constant 0 : i32
        %dma_wait3A_173 = tpu.memref_slice %arg10[%dma_wait3A_171, %dma_wait3A_172] : memref<8x128xi32, #tpu.memory_space<vmem>> -> memref<1x128xi32, #tpu.memory_space<vmem>>
        %dma_wait3A_174 = tpu.memref_squeeze %dma_wait3A_173 : memref<1x128xi32, #tpu.memory_space<vmem>> -> memref<128xi32, #tpu.memory_space<vmem>>
        %dma_wait3A_175 = arith.constant 0 : i32
        %dma_wait3A_176 = arith.constant 0 : i32
        %dma_wait3A_177 = tpu.memref_slice %arg13[%dma_wait3A_175, %dma_wait3A_176] : memref<10240x128xf32, #tpu.memory_space<vmem_shared>> -> memref<10240x128xf32, #tpu.memory_space<vmem_shared>>
        tpu.wait_indirect_dma semaphore(%arg16 : memref<!tpu.dma_semaphore, #tpu.memory_space<semaphore_mem>>) src(%arg11 : memref<128x128xf32, #tpu.memory_space<vmem>>) dst(%dma_wait3A_177 : memref<10240x128xf32, #tpu.memory_space<vmem_shared>>)
        %dma_start3A_178 = arith.constant 6 : i32
        %dma_start3A_179 = arith.constant 0 : i32
        %dma_start3A_180 = tpu.memref_slice %arg9[%dma_start3A_178, %dma_start3A_179] : memref<8x128xi32, #tpu.memory_space<vmem>> -> memref<1x128xi32, #tpu.memory_space<vmem>>
        %dma_start3A_181 = tpu.memref_squeeze %dma_start3A_180 : memref<1x128xi32, #tpu.memory_space<vmem>> -> memref<128xi32, #tpu.memory_space<vmem>>
        %dma_start3A_182 = arith.constant 0 : i32
        %dma_start3A_183 = arith.constant 0 : i32
        %dma_start3A_184 = tpu.memref_slice %arg4[%dma_start3A_182, %dma_start3A_183] : memref<10000x128xf32, #tpu.memory_space<hbm>> -> memref<10000x128xf32, #tpu.memory_space<hbm>>
        tpu.enqueue_indirect_dma source(%dma_start3A_184 : memref<10000x128xf32, #tpu.memory_space<hbm>>) target(%arg11 : memref<128x128xf32, #tpu.memory_space<vmem>>) offsets(%dma_start3A_181 : memref<128xi32, #tpu.memory_space<vmem>>) semaphore(%arg14 : memref<!tpu.dma_semaphore, #tpu.memory_space<semaphore_mem>>)
        %dma_wait3A_185 = arith.constant 5 : i32
        %dma_wait3A_186 = arith.constant 0 : i32
        %dma_wait3A_187 = tpu.memref_slice %arg9[%dma_wait3A_185, %dma_wait3A_186] : memref<8x128xi32, #tpu.memory_space<vmem>> -> memref<1x128xi32, #tpu.memory_space<vmem>>
        %dma_wait3A_188 = tpu.memref_squeeze %dma_wait3A_187 : memref<1x128xi32, #tpu.memory_space<vmem>> -> memref<128xi32, #tpu.memory_space<vmem>>
        %dma_wait3A_189 = arith.constant 0 : i32
        %dma_wait3A_190 = arith.constant 0 : i32
        %dma_wait3A_191 = tpu.memref_slice %arg4[%dma_wait3A_189, %dma_wait3A_190] : memref<10000x128xf32, #tpu.memory_space<hbm>> -> memref<10000x128xf32, #tpu.memory_space<hbm>>
        tpu.wait_indirect_dma semaphore(%arg15 : memref<!tpu.dma_semaphore, #tpu.memory_space<semaphore_mem>>) src(%dma_wait3A_191 : memref<10000x128xf32, #tpu.memory_space<hbm>>) dst(%arg12 : memref<128x128xf32, #tpu.memory_space<vmem>>)
        %dma_start3A_192 = arith.constant 5 : i32
        %dma_start3A_193 = arith.constant 0 : i32
        %dma_start3A_194 = tpu.memref_slice %arg10[%dma_start3A_192, %dma_start3A_193] : memref<8x128xi32, #tpu.memory_space<vmem>> -> memref<1x128xi32, #tpu.memory_space<vmem>>
        %dma_start3A_195 = tpu.memref_squeeze %dma_start3A_194 : memref<1x128xi32, #tpu.memory_space<vmem>> -> memref<128xi32, #tpu.memory_space<vmem>>
        %dma_start3A_196 = arith.constant 0 : i32
        %dma_start3A_197 = arith.constant 0 : i32
        %dma_start3A_198 = tpu.memref_slice %arg13[%dma_start3A_196, %dma_start3A_197] : memref<10240x128xf32, #tpu.memory_space<vmem_shared>> -> memref<10240x128xf32, #tpu.memory_space<vmem_shared>>
        tpu.enqueue_indirect_dma source(%arg12 : memref<128x128xf32, #tpu.memory_space<vmem>>) target(%dma_start3A_198 : memref<10240x128xf32, #tpu.memory_space<vmem_shared>>) offsets(%dma_start3A_195 : memref<128xi32, #tpu.memory_space<vmem>>) semaphore(%arg17 : memref<!tpu.dma_semaphore, #tpu.memory_space<semaphore_mem>>) {add = true}
        %dma_wait3A_199 = arith.constant 5 : i32
        %dma_wait3A_200 = arith.constant 0 : i32
        %dma_wait3A_201 = tpu.memref_slice %arg10[%dma_wait3A_199, %dma_wait3A_200] : memref<8x128xi32, #tpu.memory_space<vmem>> -> memref<1x128xi32, #tpu.memory_space<vmem>>
        %dma_wait3A_202 = tpu.memref_squeeze %dma_wait3A_201 : memref<1x128xi32, #tpu.memory_space<vmem>> -> memref<128xi32, #tpu.memory_space<vmem>>
        %dma_wait3A_203 = arith.constant 0 : i32
        %dma_wait3A_204 = arith.constant 0 : i32
        %dma_wait3A_205 = tpu.memref_slice %arg13[%dma_wait3A_203, %dma_wait3A_204] : memref<10240x128xf32, #tpu.memory_space<vmem_shared>> -> memref<10240x128xf32, #tpu.memory_space<vmem_shared>>
        tpu.wait_indirect_dma semaphore(%arg17 : memref<!tpu.dma_semaphore, #tpu.memory_space<semaphore_mem>>) src(%arg12 : memref<128x128xf32, #tpu.memory_space<vmem>>) dst(%dma_wait3A_205 : memref<10240x128xf32, #tpu.memory_space<vmem_shared>>)
        %dma_start3A_206 = arith.constant 7 : i32
        %dma_start3A_207 = arith.constant 0 : i32
        %dma_start3A_208 = tpu.memref_slice %arg9[%dma_start3A_206, %dma_start3A_207] : memref<8x128xi32, #tpu.memory_space<vmem>> -> memref<1x128xi32, #tpu.memory_space<vmem>>
        %dma_start3A_209 = tpu.memref_squeeze %dma_start3A_208 : memref<1x128xi32, #tpu.memory_space<vmem>> -> memref<128xi32, #tpu.memory_space<vmem>>
        %dma_start3A_210 = arith.constant 0 : i32
        %dma_start3A_211 = arith.constant 0 : i32
        %dma_start3A_212 = tpu.memref_slice %arg4[%dma_start3A_210, %dma_start3A_211] : memref<10000x128xf32, #tpu.memory_space<hbm>> -> memref<10000x128xf32, #tpu.memory_space<hbm>>
        tpu.enqueue_indirect_dma source(%dma_start3A_212 : memref<10000x128xf32, #tpu.memory_space<hbm>>) target(%arg12 : memref<128x128xf32, #tpu.memory_space<vmem>>) offsets(%dma_start3A_209 : memref<128xi32, #tpu.memory_space<vmem>>) semaphore(%arg15 : memref<!tpu.dma_semaphore, #tpu.memory_space<semaphore_mem>>)
        %dma_wait3A_213 = arith.constant 6 : i32
        %dma_wait3A_214 = arith.constant 0 : i32
        %dma_wait3A_215 = tpu.memref_slice %arg9[%dma_wait3A_213, %dma_wait3A_214] : memref<8x128xi32, #tpu.memory_space<vmem>> -> memref<1x128xi32, #tpu.memory_space<vmem>>
        %dma_wait3A_216 = tpu.memref_squeeze %dma_wait3A_215 : memref<1x128xi32, #tpu.memory_space<vmem>> -> memref<128xi32, #tpu.memory_space<vmem>>
        %dma_wait3A_217 = arith.constant 0 : i32
        %dma_wait3A_218 = arith.constant 0 : i32
        %dma_wait3A_219 = tpu.memref_slice %arg4[%dma_wait3A_217, %dma_wait3A_218] : memref<10000x128xf32, #tpu.memory_space<hbm>> -> memref<10000x128xf32, #tpu.memory_space<hbm>>
        tpu.wait_indirect_dma semaphore(%arg14 : memref<!tpu.dma_semaphore, #tpu.memory_space<semaphore_mem>>) src(%dma_wait3A_219 : memref<10000x128xf32, #tpu.memory_space<hbm>>) dst(%arg11 : memref<128x128xf32, #tpu.memory_space<vmem>>)
        %dma_start3A_220 = arith.constant 6 : i32
        %dma_start3A_221 = arith.constant 0 : i32
        %dma_start3A_222 = tpu.memref_slice %arg10[%dma_start3A_220, %dma_start3A_221] : memref<8x128xi32, #tpu.memory_space<vmem>> -> memref<1x128xi32, #tpu.memory_space<vmem>>
        %dma_start3A_223 = tpu.memref_squeeze %dma_start3A_222 : memref<1x128xi32, #tpu.memory_space<vmem>> -> memref<128xi32, #tpu.memory_space<vmem>>
        %dma_start3A_224 = arith.constant 0 : i32
        %dma_start3A_225 = arith.constant 0 : i32
        %dma_start3A_226 = tpu.memref_slice %arg13[%dma_start3A_224, %dma_start3A_225] : memref<10240x128xf32, #tpu.memory_space<vmem_shared>> -> memref<10240x128xf32, #tpu.memory_space<vmem_shared>>
        tpu.enqueue_indirect_dma source(%arg11 : memref<128x128xf32, #tpu.memory_space<vmem>>) target(%dma_start3A_226 : memref<10240x128xf32, #tpu.memory_space<vmem_shared>>) offsets(%dma_start3A_223 : memref<128xi32, #tpu.memory_space<vmem>>) semaphore(%arg16 : memref<!tpu.dma_semaphore, #tpu.memory_space<semaphore_mem>>) {add = true}
        %dma_wait3A_227 = arith.constant 7 : i32
        %dma_wait3A_228 = arith.constant 0 : i32
        %dma_wait3A_229 = tpu.memref_slice %arg9[%dma_wait3A_227, %dma_wait3A_228] : memref<8x128xi32, #tpu.memory_space<vmem>> -> memref<1x128xi32, #tpu.memory_space<vmem>>
        %dma_wait3A_230 = tpu.memref_squeeze %dma_wait3A_229 : memref<1x128xi32, #tpu.memory_space<vmem>> -> memref<128xi32, #tpu.memory_space<vmem>>
        %dma_wait3A_231 = arith.constant 0 : i32
        %dma_wait3A_232 = arith.constant 0 : i32
        %dma_wait3A_233 = tpu.memref_slice %arg4[%dma_wait3A_231, %dma_wait3A_232] : memref<10000x128xf32, #tpu.memory_space<hbm>> -> memref<10000x128xf32, #tpu.memory_space<hbm>>
        tpu.wait_indirect_dma semaphore(%arg15 : memref<!tpu.dma_semaphore, #tpu.memory_space<semaphore_mem>>) src(%dma_wait3A_233 : memref<10000x128xf32, #tpu.memory_space<hbm>>) dst(%arg12 : memref<128x128xf32, #tpu.memory_space<vmem>>)
        %dma_start3A_234 = arith.constant 7 : i32
        %dma_start3A_235 = arith.constant 0 : i32
        %dma_start3A_236 = tpu.memref_slice %arg10[%dma_start3A_234, %dma_start3A_235] : memref<8x128xi32, #tpu.memory_space<vmem>> -> memref<1x128xi32, #tpu.memory_space<vmem>>
        %dma_start3A_237 = tpu.memref_squeeze %dma_start3A_236 : memref<1x128xi32, #tpu.memory_space<vmem>> -> memref<128xi32, #tpu.memory_space<vmem>>
        %dma_start3A_238 = arith.constant 0 : i32
        %dma_start3A_239 = arith.constant 0 : i32
        %dma_start3A_240 = tpu.memref_slice %arg13[%dma_start3A_238, %dma_start3A_239] : memref<10240x128xf32, #tpu.memory_space<vmem_shared>> -> memref<10240x128xf32, #tpu.memory_space<vmem_shared>>
        tpu.enqueue_indirect_dma source(%arg12 : memref<128x128xf32, #tpu.memory_space<vmem>>) target(%dma_start3A_240 : memref<10240x128xf32, #tpu.memory_space<vmem_shared>>) offsets(%dma_start3A_237 : memref<128xi32, #tpu.memory_space<vmem>>) semaphore(%arg17 : memref<!tpu.dma_semaphore, #tpu.memory_space<semaphore_mem>>) {add = true}
        %dma_wait3A_241 = arith.constant 6 : i32
        %dma_wait3A_242 = arith.constant 0 : i32
        %dma_wait3A_243 = tpu.memref_slice %arg10[%dma_wait3A_241, %dma_wait3A_242] : memref<8x128xi32, #tpu.memory_space<vmem>> -> memref<1x128xi32, #tpu.memory_space<vmem>>
        %dma_wait3A_244 = tpu.memref_squeeze %dma_wait3A_243 : memref<1x128xi32, #tpu.memory_space<vmem>> -> memref<128xi32, #tpu.memory_space<vmem>>
        %dma_wait3A_245 = arith.constant 0 : i32
        %dma_wait3A_246 = arith.constant 0 : i32
        %dma_wait3A_247 = tpu.memref_slice %arg13[%dma_wait3A_245, %dma_wait3A_246] : memref<10240x128xf32, #tpu.memory_space<vmem_shared>> -> memref<10240x128xf32, #tpu.memory_space<vmem_shared>>
        tpu.wait_indirect_dma semaphore(%arg16 : memref<!tpu.dma_semaphore, #tpu.memory_space<semaphore_mem>>) src(%arg11 : memref<128x128xf32, #tpu.memory_space<vmem>>) dst(%dma_wait3A_247 : memref<10240x128xf32, #tpu.memory_space<vmem_shared>>)
        %dma_wait3A_248 = arith.constant 7 : i32
        %dma_wait3A_249 = arith.constant 0 : i32
        %dma_wait3A_250 = tpu.memref_slice %arg10[%dma_wait3A_248, %dma_wait3A_249] : memref<8x128xi32, #tpu.memory_space<vmem>> -> memref<1x128xi32, #tpu.memory_space<vmem>>
        %dma_wait3A_251 = tpu.memref_squeeze %dma_wait3A_250 : memref<1x128xi32, #tpu.memory_space<vmem>> -> memref<128xi32, #tpu.memory_space<vmem>>
        %dma_wait3A_252 = arith.constant 0 : i32
        %dma_wait3A_253 = arith.constant 0 : i32
        %dma_wait3A_254 = tpu.memref_slice %arg13[%dma_wait3A_252, %dma_wait3A_253] : memref<10240x128xf32, #tpu.memory_space<vmem_shared>> -> memref<10240x128xf32, #tpu.memory_space<vmem_shared>>
        tpu.wait_indirect_dma semaphore(%arg17 : memref<!tpu.dma_semaphore, #tpu.memory_space<semaphore_mem>>) src(%arg12 : memref<128x128xf32, #tpu.memory_space<vmem>>) dst(%dma_wait3A_254 : memref<10240x128xf32, #tpu.memory_space<vmem_shared>>)
        %scan3A_255 = arith.constant 0 : i32
        scf.yield %scan3A_255 : i32
      }
      %scan3A_26 = arith.constant 20 : i32
    } else {
    }
    %eq3A_3 = arith.constant 1 : i32
    %eq3A_4 = arith.cmpi eq, %arg0, %eq3A_3 : i32
    %convert_element_type3A_5 = arith.extui %eq3A_4 : i1 to i32
    %cond3A_6 = arith.constant 0 : i32
    %cond3A_7 = arith.cmpi ne, %convert_element_type3A_5, %cond3A_6 : i32
    scf.if %cond3A_7 {
      %scan3A = arith.constant 0 : i32
      %scan3A_21 = arith.constant 0 : i32
      %scan3A_22 = arith.constant 20 : i32
      %scan3A_23 = arith.addi %scan3A_21, %scan3A_22 : i32
      %scan3A_24 = arith.constant 1 : i32
      %scan3A_25 = scf.for %scan3A_27 = %scan3A_21 to %scan3A_23 step %scan3A_24 iter_args(%scan3A_28 = %scan3A) -> (i32)  : i32 {
        %mul3A_29 = arith.constant 8 : i32
        %mul3A_30 = arith.muli %scan3A_27, %mul3A_29 : i32
        "tpu.region"() ({
          %run_scoped3A = tpu.sem_alloc : memref<!tpu.dma_semaphore, #tpu.memory_space<semaphore_mem>>
          %dma_start3A_256 = arith.constant 0 : i32
          %dma_start3A_257 = tpu.memref_slice %arg2[%arg1, %mul3A_30, %dma_start3A_256] : memref<16x160x128xi32, #tpu.memory_space<hbm>> -> memref<1x8x128xi32, #tpu.memory_space<hbm>>
          %dma_start3A_258 = tpu.memref_squeeze %dma_start3A_257 : memref<1x8x128xi32, #tpu.memory_space<hbm>> -> memref<8x128xi32, #tpu.memory_space<hbm>>
          %dma_start3A_259 = arith.constant 0 : i32
          %dma_start3A_260 = tpu.memref_slice %arg2[%arg1, %mul3A_30, %dma_start3A_259] : memref<16x160x128xi32, #tpu.memory_space<hbm>> -> memref<1x8x128xi32, #tpu.memory_space<hbm>>
          %dma_start3A_261 = tpu.memref_squeeze %dma_start3A_260 : memref<1x8x128xi32, #tpu.memory_space<hbm>> -> memref<8x128xi32, #tpu.memory_space<hbm>>
          tpu.enqueue_dma source(%dma_start3A_261 : memref<8x128xi32, #tpu.memory_space<hbm>>) target(%arg9 : memref<8x128xi32, #tpu.memory_space<vmem>>) target_semaphore(%run_scoped3A : memref<!tpu.dma_semaphore, #tpu.memory_space<semaphore_mem>>)
          %dma_wait3A_262 = arith.constant 0 : i32
          %dma_wait3A_263 = tpu.memref_slice %arg2[%arg1, %mul3A_30, %dma_wait3A_262] : memref<16x160x128xi32, #tpu.memory_space<hbm>> -> memref<1x8x128xi32, #tpu.memory_space<hbm>>
          %dma_wait3A_264 = tpu.memref_squeeze %dma_wait3A_263 : memref<1x8x128xi32, #tpu.memory_space<hbm>> -> memref<8x128xi32, #tpu.memory_space<hbm>>
          %dma_wait3A_265 = arith.constant 0 : i32
          %dma_wait3A_266 = tpu.memref_slice %arg2[%arg1, %mul3A_30, %dma_wait3A_265] : memref<16x160x128xi32, #tpu.memory_space<hbm>> -> memref<1x8x128xi32, #tpu.memory_space<hbm>>
          %dma_wait3A_267 = tpu.memref_squeeze %dma_wait3A_266 : memref<1x8x128xi32, #tpu.memory_space<hbm>> -> memref<8x128xi32, #tpu.memory_space<hbm>>
          tpu.wait_dma2 semaphore(%run_scoped3A : memref<!tpu.dma_semaphore, #tpu.memory_space<semaphore_mem>>) src(%dma_wait3A_267 : memref<8x128xi32, #tpu.memory_space<hbm>>) dst(%arg9 : memref<8x128xi32, #tpu.memory_space<vmem>>)
          tpu.yield
        }) : () -> ()
        %mul3A_31 = arith.constant 8 : i32
        %mul3A_32 = arith.muli %scan3A_27, %mul3A_31 : i32
        "tpu.region"() ({
          %run_scoped3A = tpu.sem_alloc : memref<!tpu.dma_semaphore, #tpu.memory_space<semaphore_mem>>
          %dma_start3A_256 = arith.constant 0 : i32
          %dma_start3A_257 = tpu.memref_slice %arg3[%arg1, %mul3A_32, %dma_start3A_256] : memref<16x160x128xi32, #tpu.memory_space<hbm>> -> memref<1x8x128xi32, #tpu.memory_space<hbm>>
          %dma_start3A_258 = tpu.memref_squeeze %dma_start3A_257 : memref<1x8x128xi32, #tpu.memory_space<hbm>> -> memref<8x128xi32, #tpu.memory_space<hbm>>
          %dma_start3A_259 = arith.constant 0 : i32
          %dma_start3A_260 = tpu.memref_slice %arg3[%arg1, %mul3A_32, %dma_start3A_259] : memref<16x160x128xi32, #tpu.memory_space<hbm>> -> memref<1x8x128xi32, #tpu.memory_space<hbm>>
          %dma_start3A_261 = tpu.memref_squeeze %dma_start3A_260 : memref<1x8x128xi32, #tpu.memory_space<hbm>> -> memref<8x128xi32, #tpu.memory_space<hbm>>
          tpu.enqueue_dma source(%dma_start3A_261 : memref<8x128xi32, #tpu.memory_space<hbm>>) target(%arg10 : memref<8x128xi32, #tpu.memory_space<vmem>>) target_semaphore(%run_scoped3A : memref<!tpu.dma_semaphore, #tpu.memory_space<semaphore_mem>>)
          %dma_wait3A_262 = arith.constant 0 : i32
          %dma_wait3A_263 = tpu.memref_slice %arg3[%arg1, %mul3A_32, %dma_wait3A_262] : memref<16x160x128xi32, #tpu.memory_space<hbm>> -> memref<1x8x128xi32, #tpu.memory_space<hbm>>
          %dma_wait3A_264 = tpu.memref_squeeze %dma_wait3A_263 : memref<1x8x128xi32, #tpu.memory_space<hbm>> -> memref<8x128xi32, #tpu.memory_space<hbm>>
          %dma_wait3A_265 = arith.constant 0 : i32
          %dma_wait3A_266 = tpu.memref_slice %arg3[%arg1, %mul3A_32, %dma_wait3A_265] : memref<16x160x128xi32, #tpu.memory_space<hbm>> -> memref<1x8x128xi32, #tpu.memory_space<hbm>>
          %dma_wait3A_267 = tpu.memref_squeeze %dma_wait3A_266 : memref<1x8x128xi32, #tpu.memory_space<hbm>> -> memref<8x128xi32, #tpu.memory_space<hbm>>
          tpu.wait_dma2 semaphore(%run_scoped3A : memref<!tpu.dma_semaphore, #tpu.memory_space<semaphore_mem>>) src(%dma_wait3A_267 : memref<8x128xi32, #tpu.memory_space<hbm>>) dst(%arg10 : memref<8x128xi32, #tpu.memory_space<vmem>>)
          tpu.yield
        }) : () -> ()
        %dma_start3A = arith.constant 0 : i32
        %dma_start3A_33 = arith.constant 0 : i32
        %dma_start3A_34 = tpu.memref_slice %arg9[%dma_start3A, %dma_start3A_33] : memref<8x128xi32, #tpu.memory_space<vmem>> -> memref<1x128xi32, #tpu.memory_space<vmem>>
        %dma_start3A_35 = tpu.memref_squeeze %dma_start3A_34 : memref<1x128xi32, #tpu.memory_space<vmem>> -> memref<128xi32, #tpu.memory_space<vmem>>
        %dma_start3A_36 = arith.constant 0 : i32
        %dma_start3A_37 = arith.constant 0 : i32
        %dma_start3A_38 = tpu.memref_slice %arg5[%dma_start3A_36, %dma_start3A_37] : memref<10000x128xf32, #tpu.memory_space<hbm>> -> memref<10000x128xf32, #tpu.memory_space<hbm>>
        tpu.enqueue_indirect_dma source(%dma_start3A_38 : memref<10000x128xf32, #tpu.memory_space<hbm>>) target(%arg11 : memref<128x128xf32, #tpu.memory_space<vmem>>) offsets(%dma_start3A_35 : memref<128xi32, #tpu.memory_space<vmem>>) semaphore(%arg14 : memref<!tpu.dma_semaphore, #tpu.memory_space<semaphore_mem>>)
        %dma_start3A_39 = arith.constant 1 : i32
        %dma_start3A_40 = arith.constant 0 : i32
        %dma_start3A_41 = tpu.memref_slice %arg9[%dma_start3A_39, %dma_start3A_40] : memref<8x128xi32, #tpu.memory_space<vmem>> -> memref<1x128xi32, #tpu.memory_space<vmem>>
        %dma_start3A_42 = tpu.memref_squeeze %dma_start3A_41 : memref<1x128xi32, #tpu.memory_space<vmem>> -> memref<128xi32, #tpu.memory_space<vmem>>
        %dma_start3A_43 = arith.constant 0 : i32
        %dma_start3A_44 = arith.constant 0 : i32
        %dma_start3A_45 = tpu.memref_slice %arg5[%dma_start3A_43, %dma_start3A_44] : memref<10000x128xf32, #tpu.memory_space<hbm>> -> memref<10000x128xf32, #tpu.memory_space<hbm>>
        tpu.enqueue_indirect_dma source(%dma_start3A_45 : memref<10000x128xf32, #tpu.memory_space<hbm>>) target(%arg12 : memref<128x128xf32, #tpu.memory_space<vmem>>) offsets(%dma_start3A_42 : memref<128xi32, #tpu.memory_space<vmem>>) semaphore(%arg15 : memref<!tpu.dma_semaphore, #tpu.memory_space<semaphore_mem>>)
        %dma_wait3A = arith.constant 0 : i32
        %dma_wait3A_46 = arith.constant 0 : i32
        %dma_wait3A_47 = tpu.memref_slice %arg9[%dma_wait3A, %dma_wait3A_46] : memref<8x128xi32, #tpu.memory_space<vmem>> -> memref<1x128xi32, #tpu.memory_space<vmem>>
        %dma_wait3A_48 = tpu.memref_squeeze %dma_wait3A_47 : memref<1x128xi32, #tpu.memory_space<vmem>> -> memref<128xi32, #tpu.memory_space<vmem>>
        %dma_wait3A_49 = arith.constant 0 : i32
        %dma_wait3A_50 = arith.constant 0 : i32
        %dma_wait3A_51 = tpu.memref_slice %arg5[%dma_wait3A_49, %dma_wait3A_50] : memref<10000x128xf32, #tpu.memory_space<hbm>> -> memref<10000x128xf32, #tpu.memory_space<hbm>>
        tpu.wait_indirect_dma semaphore(%arg14 : memref<!tpu.dma_semaphore, #tpu.memory_space<semaphore_mem>>) src(%dma_wait3A_51 : memref<10000x128xf32, #tpu.memory_space<hbm>>) dst(%arg11 : memref<128x128xf32, #tpu.memory_space<vmem>>)
        %dma_start3A_52 = arith.constant 0 : i32
        %dma_start3A_53 = arith.constant 0 : i32
        %dma_start3A_54 = tpu.memref_slice %arg10[%dma_start3A_52, %dma_start3A_53] : memref<8x128xi32, #tpu.memory_space<vmem>> -> memref<1x128xi32, #tpu.memory_space<vmem>>
        %dma_start3A_55 = tpu.memref_squeeze %dma_start3A_54 : memref<1x128xi32, #tpu.memory_space<vmem>> -> memref<128xi32, #tpu.memory_space<vmem>>
        %dma_start3A_56 = arith.constant 0 : i32
        %dma_start3A_57 = arith.constant 0 : i32
        %dma_start3A_58 = tpu.memref_slice %arg13[%dma_start3A_56, %dma_start3A_57] : memref<10240x128xf32, #tpu.memory_space<vmem_shared>> -> memref<10240x128xf32, #tpu.memory_space<vmem_shared>>
        tpu.enqueue_indirect_dma source(%arg11 : memref<128x128xf32, #tpu.memory_space<vmem>>) target(%dma_start3A_58 : memref<10240x128xf32, #tpu.memory_space<vmem_shared>>) offsets(%dma_start3A_55 : memref<128xi32, #tpu.memory_space<vmem>>) semaphore(%arg16 : memref<!tpu.dma_semaphore, #tpu.memory_space<semaphore_mem>>) {add = true}
        %dma_wait3A_59 = arith.constant 0 : i32
        %dma_wait3A_60 = arith.constant 0 : i32
        %dma_wait3A_61 = tpu.memref_slice %arg10[%dma_wait3A_59, %dma_wait3A_60] : memref<8x128xi32, #tpu.memory_space<vmem>> -> memref<1x128xi32, #tpu.memory_space<vmem>>
        %dma_wait3A_62 = tpu.memref_squeeze %dma_wait3A_61 : memref<1x128xi32, #tpu.memory_space<vmem>> -> memref<128xi32, #tpu.memory_space<vmem>>
        %dma_wait3A_63 = arith.constant 0 : i32
        %dma_wait3A_64 = arith.constant 0 : i32
        %dma_wait3A_65 = tpu.memref_slice %arg13[%dma_wait3A_63, %dma_wait3A_64] : memref<10240x128xf32, #tpu.memory_space<vmem_shared>> -> memref<10240x128xf32, #tpu.memory_space<vmem_shared>>
        tpu.wait_indirect_dma semaphore(%arg16 : memref<!tpu.dma_semaphore, #tpu.memory_space<semaphore_mem>>) src(%arg11 : memref<128x128xf32, #tpu.memory_space<vmem>>) dst(%dma_wait3A_65 : memref<10240x128xf32, #tpu.memory_space<vmem_shared>>)
        %dma_start3A_66 = arith.constant 2 : i32
        %dma_start3A_67 = arith.constant 0 : i32
        %dma_start3A_68 = tpu.memref_slice %arg9[%dma_start3A_66, %dma_start3A_67] : memref<8x128xi32, #tpu.memory_space<vmem>> -> memref<1x128xi32, #tpu.memory_space<vmem>>
        %dma_start3A_69 = tpu.memref_squeeze %dma_start3A_68 : memref<1x128xi32, #tpu.memory_space<vmem>> -> memref<128xi32, #tpu.memory_space<vmem>>
        %dma_start3A_70 = arith.constant 0 : i32
        %dma_start3A_71 = arith.constant 0 : i32
        %dma_start3A_72 = tpu.memref_slice %arg5[%dma_start3A_70, %dma_start3A_71] : memref<10000x128xf32, #tpu.memory_space<hbm>> -> memref<10000x128xf32, #tpu.memory_space<hbm>>
        tpu.enqueue_indirect_dma source(%dma_start3A_72 : memref<10000x128xf32, #tpu.memory_space<hbm>>) target(%arg11 : memref<128x128xf32, #tpu.memory_space<vmem>>) offsets(%dma_start3A_69 : memref<128xi32, #tpu.memory_space<vmem>>) semaphore(%arg14 : memref<!tpu.dma_semaphore, #tpu.memory_space<semaphore_mem>>)
        %dma_wait3A_73 = arith.constant 1 : i32
        %dma_wait3A_74 = arith.constant 0 : i32
        %dma_wait3A_75 = tpu.memref_slice %arg9[%dma_wait3A_73, %dma_wait3A_74] : memref<8x128xi32, #tpu.memory_space<vmem>> -> memref<1x128xi32, #tpu.memory_space<vmem>>
        %dma_wait3A_76 = tpu.memref_squeeze %dma_wait3A_75 : memref<1x128xi32, #tpu.memory_space<vmem>> -> memref<128xi32, #tpu.memory_space<vmem>>
        %dma_wait3A_77 = arith.constant 0 : i32
        %dma_wait3A_78 = arith.constant 0 : i32
        %dma_wait3A_79 = tpu.memref_slice %arg5[%dma_wait3A_77, %dma_wait3A_78] : memref<10000x128xf32, #tpu.memory_space<hbm>> -> memref<10000x128xf32, #tpu.memory_space<hbm>>
        tpu.wait_indirect_dma semaphore(%arg15 : memref<!tpu.dma_semaphore, #tpu.memory_space<semaphore_mem>>) src(%dma_wait3A_79 : memref<10000x128xf32, #tpu.memory_space<hbm>>) dst(%arg12 : memref<128x128xf32, #tpu.memory_space<vmem>>)
        %dma_start3A_80 = arith.constant 1 : i32
        %dma_start3A_81 = arith.constant 0 : i32
        %dma_start3A_82 = tpu.memref_slice %arg10[%dma_start3A_80, %dma_start3A_81] : memref<8x128xi32, #tpu.memory_space<vmem>> -> memref<1x128xi32, #tpu.memory_space<vmem>>
        %dma_start3A_83 = tpu.memref_squeeze %dma_start3A_82 : memref<1x128xi32, #tpu.memory_space<vmem>> -> memref<128xi32, #tpu.memory_space<vmem>>
        %dma_start3A_84 = arith.constant 0 : i32
        %dma_start3A_85 = arith.constant 0 : i32
        %dma_start3A_86 = tpu.memref_slice %arg13[%dma_start3A_84, %dma_start3A_85] : memref<10240x128xf32, #tpu.memory_space<vmem_shared>> -> memref<10240x128xf32, #tpu.memory_space<vmem_shared>>
        tpu.enqueue_indirect_dma source(%arg12 : memref<128x128xf32, #tpu.memory_space<vmem>>) target(%dma_start3A_86 : memref<10240x128xf32, #tpu.memory_space<vmem_shared>>) offsets(%dma_start3A_83 : memref<128xi32, #tpu.memory_space<vmem>>) semaphore(%arg17 : memref<!tpu.dma_semaphore, #tpu.memory_space<semaphore_mem>>) {add = true}
        %dma_wait3A_87 = arith.constant 1 : i32
        %dma_wait3A_88 = arith.constant 0 : i32
        %dma_wait3A_89 = tpu.memref_slice %arg10[%dma_wait3A_87, %dma_wait3A_88] : memref<8x128xi32, #tpu.memory_space<vmem>> -> memref<1x128xi32, #tpu.memory_space<vmem>>
        %dma_wait3A_90 = tpu.memref_squeeze %dma_wait3A_89 : memref<1x128xi32, #tpu.memory_space<vmem>> -> memref<128xi32, #tpu.memory_space<vmem>>
        %dma_wait3A_91 = arith.constant 0 : i32
        %dma_wait3A_92 = arith.constant 0 : i32
        %dma_wait3A_93 = tpu.memref_slice %arg13[%dma_wait3A_91, %dma_wait3A_92] : memref<10240x128xf32, #tpu.memory_space<vmem_shared>> -> memref<10240x128xf32, #tpu.memory_space<vmem_shared>>
        tpu.wait_indirect_dma semaphore(%arg17 : memref<!tpu.dma_semaphore, #tpu.memory_space<semaphore_mem>>) src(%arg12 : memref<128x128xf32, #tpu.memory_space<vmem>>) dst(%dma_wait3A_93 : memref<10240x128xf32, #tpu.memory_space<vmem_shared>>)
        %dma_start3A_94 = arith.constant 3 : i32
        %dma_start3A_95 = arith.constant 0 : i32
        %dma_start3A_96 = tpu.memref_slice %arg9[%dma_start3A_94, %dma_start3A_95] : memref<8x128xi32, #tpu.memory_space<vmem>> -> memref<1x128xi32, #tpu.memory_space<vmem>>
        %dma_start3A_97 = tpu.memref_squeeze %dma_start3A_96 : memref<1x128xi32, #tpu.memory_space<vmem>> -> memref<128xi32, #tpu.memory_space<vmem>>
        %dma_start3A_98 = arith.constant 0 : i32
        %dma_start3A_99 = arith.constant 0 : i32
        %dma_start3A_100 = tpu.memref_slice %arg5[%dma_start3A_98, %dma_start3A_99] : memref<10000x128xf32, #tpu.memory_space<hbm>> -> memref<10000x128xf32, #tpu.memory_space<hbm>>
        tpu.enqueue_indirect_dma source(%dma_start3A_100 : memref<10000x128xf32, #tpu.memory_space<hbm>>) target(%arg12 : memref<128x128xf32, #tpu.memory_space<vmem>>) offsets(%dma_start3A_97 : memref<128xi32, #tpu.memory_space<vmem>>) semaphore(%arg15 : memref<!tpu.dma_semaphore, #tpu.memory_space<semaphore_mem>>)
        %dma_wait3A_101 = arith.constant 2 : i32
        %dma_wait3A_102 = arith.constant 0 : i32
        %dma_wait3A_103 = tpu.memref_slice %arg9[%dma_wait3A_101, %dma_wait3A_102] : memref<8x128xi32, #tpu.memory_space<vmem>> -> memref<1x128xi32, #tpu.memory_space<vmem>>
        %dma_wait3A_104 = tpu.memref_squeeze %dma_wait3A_103 : memref<1x128xi32, #tpu.memory_space<vmem>> -> memref<128xi32, #tpu.memory_space<vmem>>
        %dma_wait3A_105 = arith.constant 0 : i32
        %dma_wait3A_106 = arith.constant 0 : i32
        %dma_wait3A_107 = tpu.memref_slice %arg5[%dma_wait3A_105, %dma_wait3A_106] : memref<10000x128xf32, #tpu.memory_space<hbm>> -> memref<10000x128xf32, #tpu.memory_space<hbm>>
        tpu.wait_indirect_dma semaphore(%arg14 : memref<!tpu.dma_semaphore, #tpu.memory_space<semaphore_mem>>) src(%dma_wait3A_107 : memref<10000x128xf32, #tpu.memory_space<hbm>>) dst(%arg11 : memref<128x128xf32, #tpu.memory_space<vmem>>)
        %dma_start3A_108 = arith.constant 2 : i32
        %dma_start3A_109 = arith.constant 0 : i32
        %dma_start3A_110 = tpu.memref_slice %arg10[%dma_start3A_108, %dma_start3A_109] : memref<8x128xi32, #tpu.memory_space<vmem>> -> memref<1x128xi32, #tpu.memory_space<vmem>>
        %dma_start3A_111 = tpu.memref_squeeze %dma_start3A_110 : memref<1x128xi32, #tpu.memory_space<vmem>> -> memref<128xi32, #tpu.memory_space<vmem>>
        %dma_start3A_112 = arith.constant 0 : i32
        %dma_start3A_113 = arith.constant 0 : i32
        %dma_start3A_114 = tpu.memref_slice %arg13[%dma_start3A_112, %dma_start3A_113] : memref<10240x128xf32, #tpu.memory_space<vmem_shared>> -> memref<10240x128xf32, #tpu.memory_space<vmem_shared>>
        tpu.enqueue_indirect_dma source(%arg11 : memref<128x128xf32, #tpu.memory_space<vmem>>) target(%dma_start3A_114 : memref<10240x128xf32, #tpu.memory_space<vmem_shared>>) offsets(%dma_start3A_111 : memref<128xi32, #tpu.memory_space<vmem>>) semaphore(%arg16 : memref<!tpu.dma_semaphore, #tpu.memory_space<semaphore_mem>>) {add = true}
        %dma_wait3A_115 = arith.constant 2 : i32
        %dma_wait3A_116 = arith.constant 0 : i32
        %dma_wait3A_117 = tpu.memref_slice %arg10[%dma_wait3A_115, %dma_wait3A_116] : memref<8x128xi32, #tpu.memory_space<vmem>> -> memref<1x128xi32, #tpu.memory_space<vmem>>
        %dma_wait3A_118 = tpu.memref_squeeze %dma_wait3A_117 : memref<1x128xi32, #tpu.memory_space<vmem>> -> memref<128xi32, #tpu.memory_space<vmem>>
        %dma_wait3A_119 = arith.constant 0 : i32
        %dma_wait3A_120 = arith.constant 0 : i32
        %dma_wait3A_121 = tpu.memref_slice %arg13[%dma_wait3A_119, %dma_wait3A_120] : memref<10240x128xf32, #tpu.memory_space<vmem_shared>> -> memref<10240x128xf32, #tpu.memory_space<vmem_shared>>
        tpu.wait_indirect_dma semaphore(%arg16 : memref<!tpu.dma_semaphore, #tpu.memory_space<semaphore_mem>>) src(%arg11 : memref<128x128xf32, #tpu.memory_space<vmem>>) dst(%dma_wait3A_121 : memref<10240x128xf32, #tpu.memory_space<vmem_shared>>)
        %dma_start3A_122 = arith.constant 4 : i32
        %dma_start3A_123 = arith.constant 0 : i32
        %dma_start3A_124 = tpu.memref_slice %arg9[%dma_start3A_122, %dma_start3A_123] : memref<8x128xi32, #tpu.memory_space<vmem>> -> memref<1x128xi32, #tpu.memory_space<vmem>>
        %dma_start3A_125 = tpu.memref_squeeze %dma_start3A_124 : memref<1x128xi32, #tpu.memory_space<vmem>> -> memref<128xi32, #tpu.memory_space<vmem>>
        %dma_start3A_126 = arith.constant 0 : i32
        %dma_start3A_127 = arith.constant 0 : i32
        %dma_start3A_128 = tpu.memref_slice %arg5[%dma_start3A_126, %dma_start3A_127] : memref<10000x128xf32, #tpu.memory_space<hbm>> -> memref<10000x128xf32, #tpu.memory_space<hbm>>
        tpu.enqueue_indirect_dma source(%dma_start3A_128 : memref<10000x128xf32, #tpu.memory_space<hbm>>) target(%arg11 : memref<128x128xf32, #tpu.memory_space<vmem>>) offsets(%dma_start3A_125 : memref<128xi32, #tpu.memory_space<vmem>>) semaphore(%arg14 : memref<!tpu.dma_semaphore, #tpu.memory_space<semaphore_mem>>)
        %dma_wait3A_129 = arith.constant 3 : i32
        %dma_wait3A_130 = arith.constant 0 : i32
        %dma_wait3A_131 = tpu.memref_slice %arg9[%dma_wait3A_129, %dma_wait3A_130] : memref<8x128xi32, #tpu.memory_space<vmem>> -> memref<1x128xi32, #tpu.memory_space<vmem>>
        %dma_wait3A_132 = tpu.memref_squeeze %dma_wait3A_131 : memref<1x128xi32, #tpu.memory_space<vmem>> -> memref<128xi32, #tpu.memory_space<vmem>>
        %dma_wait3A_133 = arith.constant 0 : i32
        %dma_wait3A_134 = arith.constant 0 : i32
        %dma_wait3A_135 = tpu.memref_slice %arg5[%dma_wait3A_133, %dma_wait3A_134] : memref<10000x128xf32, #tpu.memory_space<hbm>> -> memref<10000x128xf32, #tpu.memory_space<hbm>>
        tpu.wait_indirect_dma semaphore(%arg15 : memref<!tpu.dma_semaphore, #tpu.memory_space<semaphore_mem>>) src(%dma_wait3A_135 : memref<10000x128xf32, #tpu.memory_space<hbm>>) dst(%arg12 : memref<128x128xf32, #tpu.memory_space<vmem>>)
        %dma_start3A_136 = arith.constant 3 : i32
        %dma_start3A_137 = arith.constant 0 : i32
        %dma_start3A_138 = tpu.memref_slice %arg10[%dma_start3A_136, %dma_start3A_137] : memref<8x128xi32, #tpu.memory_space<vmem>> -> memref<1x128xi32, #tpu.memory_space<vmem>>
        %dma_start3A_139 = tpu.memref_squeeze %dma_start3A_138 : memref<1x128xi32, #tpu.memory_space<vmem>> -> memref<128xi32, #tpu.memory_space<vmem>>
        %dma_start3A_140 = arith.constant 0 : i32
        %dma_start3A_141 = arith.constant 0 : i32
        %dma_start3A_142 = tpu.memref_slice %arg13[%dma_start3A_140, %dma_start3A_141] : memref<10240x128xf32, #tpu.memory_space<vmem_shared>> -> memref<10240x128xf32, #tpu.memory_space<vmem_shared>>
        tpu.enqueue_indirect_dma source(%arg12 : memref<128x128xf32, #tpu.memory_space<vmem>>) target(%dma_start3A_142 : memref<10240x128xf32, #tpu.memory_space<vmem_shared>>) offsets(%dma_start3A_139 : memref<128xi32, #tpu.memory_space<vmem>>) semaphore(%arg17 : memref<!tpu.dma_semaphore, #tpu.memory_space<semaphore_mem>>) {add = true}
        %dma_wait3A_143 = arith.constant 3 : i32
        %dma_wait3A_144 = arith.constant 0 : i32
        %dma_wait3A_145 = tpu.memref_slice %arg10[%dma_wait3A_143, %dma_wait3A_144] : memref<8x128xi32, #tpu.memory_space<vmem>> -> memref<1x128xi32, #tpu.memory_space<vmem>>
        %dma_wait3A_146 = tpu.memref_squeeze %dma_wait3A_145 : memref<1x128xi32, #tpu.memory_space<vmem>> -> memref<128xi32, #tpu.memory_space<vmem>>
        %dma_wait3A_147 = arith.constant 0 : i32
        %dma_wait3A_148 = arith.constant 0 : i32
        %dma_wait3A_149 = tpu.memref_slice %arg13[%dma_wait3A_147, %dma_wait3A_148] : memref<10240x128xf32, #tpu.memory_space<vmem_shared>> -> memref<10240x128xf32, #tpu.memory_space<vmem_shared>>
        tpu.wait_indirect_dma semaphore(%arg17 : memref<!tpu.dma_semaphore, #tpu.memory_space<semaphore_mem>>) src(%arg12 : memref<128x128xf32, #tpu.memory_space<vmem>>) dst(%dma_wait3A_149 : memref<10240x128xf32, #tpu.memory_space<vmem_shared>>)
        %dma_start3A_150 = arith.constant 5 : i32
        %dma_start3A_151 = arith.constant 0 : i32
        %dma_start3A_152 = tpu.memref_slice %arg9[%dma_start3A_150, %dma_start3A_151] : memref<8x128xi32, #tpu.memory_space<vmem>> -> memref<1x128xi32, #tpu.memory_space<vmem>>
        %dma_start3A_153 = tpu.memref_squeeze %dma_start3A_152 : memref<1x128xi32, #tpu.memory_space<vmem>> -> memref<128xi32, #tpu.memory_space<vmem>>
        %dma_start3A_154 = arith.constant 0 : i32
        %dma_start3A_155 = arith.constant 0 : i32
        %dma_start3A_156 = tpu.memref_slice %arg5[%dma_start3A_154, %dma_start3A_155] : memref<10000x128xf32, #tpu.memory_space<hbm>> -> memref<10000x128xf32, #tpu.memory_space<hbm>>
        tpu.enqueue_indirect_dma source(%dma_start3A_156 : memref<10000x128xf32, #tpu.memory_space<hbm>>) target(%arg12 : memref<128x128xf32, #tpu.memory_space<vmem>>) offsets(%dma_start3A_153 : memref<128xi32, #tpu.memory_space<vmem>>) semaphore(%arg15 : memref<!tpu.dma_semaphore, #tpu.memory_space<semaphore_mem>>)
        %dma_wait3A_157 = arith.constant 4 : i32
        %dma_wait3A_158 = arith.constant 0 : i32
        %dma_wait3A_159 = tpu.memref_slice %arg9[%dma_wait3A_157, %dma_wait3A_158] : memref<8x128xi32, #tpu.memory_space<vmem>> -> memref<1x128xi32, #tpu.memory_space<vmem>>
        %dma_wait3A_160 = tpu.memref_squeeze %dma_wait3A_159 : memref<1x128xi32, #tpu.memory_space<vmem>> -> memref<128xi32, #tpu.memory_space<vmem>>
        %dma_wait3A_161 = arith.constant 0 : i32
        %dma_wait3A_162 = arith.constant 0 : i32
        %dma_wait3A_163 = tpu.memref_slice %arg5[%dma_wait3A_161, %dma_wait3A_162] : memref<10000x128xf32, #tpu.memory_space<hbm>> -> memref<10000x128xf32, #tpu.memory_space<hbm>>
        tpu.wait_indirect_dma semaphore(%arg14 : memref<!tpu.dma_semaphore, #tpu.memory_space<semaphore_mem>>) src(%dma_wait3A_163 : memref<10000x128xf32, #tpu.memory_space<hbm>>) dst(%arg11 : memref<128x128xf32, #tpu.memory_space<vmem>>)
        %dma_start3A_164 = arith.constant 4 : i32
        %dma_start3A_165 = arith.constant 0 : i32
        %dma_start3A_166 = tpu.memref_slice %arg10[%dma_start3A_164, %dma_start3A_165] : memref<8x128xi32, #tpu.memory_space<vmem>> -> memref<1x128xi32, #tpu.memory_space<vmem>>
        %dma_start3A_167 = tpu.memref_squeeze %dma_start3A_166 : memref<1x128xi32, #tpu.memory_space<vmem>> -> memref<128xi32, #tpu.memory_space<vmem>>
        %dma_start3A_168 = arith.constant 0 : i32
        %dma_start3A_169 = arith.constant 0 : i32
        %dma_start3A_170 = tpu.memref_slice %arg13[%dma_start3A_168, %dma_start3A_169] : memref<10240x128xf32, #tpu.memory_space<vmem_shared>> -> memref<10240x128xf32, #tpu.memory_space<vmem_shared>>
        tpu.enqueue_indirect_dma source(%arg11 : memref<128x128xf32, #tpu.memory_space<vmem>>) target(%dma_start3A_170 : memref<10240x128xf32, #tpu.memory_space<vmem_shared>>) offsets(%dma_start3A_167 : memref<128xi32, #tpu.memory_space<vmem>>) semaphore(%arg16 : memref<!tpu.dma_semaphore, #tpu.memory_space<semaphore_mem>>) {add = true}
        %dma_wait3A_171 = arith.constant 4 : i32
        %dma_wait3A_172 = arith.constant 0 : i32
        %dma_wait3A_173 = tpu.memref_slice %arg10[%dma_wait3A_171, %dma_wait3A_172] : memref<8x128xi32, #tpu.memory_space<vmem>> -> memref<1x128xi32, #tpu.memory_space<vmem>>
        %dma_wait3A_174 = tpu.memref_squeeze %dma_wait3A_173 : memref<1x128xi32, #tpu.memory_space<vmem>> -> memref<128xi32, #tpu.memory_space<vmem>>
        %dma_wait3A_175 = arith.constant 0 : i32
        %dma_wait3A_176 = arith.constant 0 : i32
        %dma_wait3A_177 = tpu.memref_slice %arg13[%dma_wait3A_175, %dma_wait3A_176] : memref<10240x128xf32, #tpu.memory_space<vmem_shared>> -> memref<10240x128xf32, #tpu.memory_space<vmem_shared>>
        tpu.wait_indirect_dma semaphore(%arg16 : memref<!tpu.dma_semaphore, #tpu.memory_space<semaphore_mem>>) src(%arg11 : memref<128x128xf32, #tpu.memory_space<vmem>>) dst(%dma_wait3A_177 : memref<10240x128xf32, #tpu.memory_space<vmem_shared>>)
        %dma_start3A_178 = arith.constant 6 : i32
        %dma_start3A_179 = arith.constant 0 : i32
        %dma_start3A_180 = tpu.memref_slice %arg9[%dma_start3A_178, %dma_start3A_179] : memref<8x128xi32, #tpu.memory_space<vmem>> -> memref<1x128xi32, #tpu.memory_space<vmem>>
        %dma_start3A_181 = tpu.memref_squeeze %dma_start3A_180 : memref<1x128xi32, #tpu.memory_space<vmem>> -> memref<128xi32, #tpu.memory_space<vmem>>
        %dma_start3A_182 = arith.constant 0 : i32
        %dma_start3A_183 = arith.constant 0 : i32
        %dma_start3A_184 = tpu.memref_slice %arg5[%dma_start3A_182, %dma_start3A_183] : memref<10000x128xf32, #tpu.memory_space<hbm>> -> memref<10000x128xf32, #tpu.memory_space<hbm>>
        tpu.enqueue_indirect_dma source(%dma_start3A_184 : memref<10000x128xf32, #tpu.memory_space<hbm>>) target(%arg11 : memref<128x128xf32, #tpu.memory_space<vmem>>) offsets(%dma_start3A_181 : memref<128xi32, #tpu.memory_space<vmem>>) semaphore(%arg14 : memref<!tpu.dma_semaphore, #tpu.memory_space<semaphore_mem>>)
        %dma_wait3A_185 = arith.constant 5 : i32
        %dma_wait3A_186 = arith.constant 0 : i32
        %dma_wait3A_187 = tpu.memref_slice %arg9[%dma_wait3A_185, %dma_wait3A_186] : memref<8x128xi32, #tpu.memory_space<vmem>> -> memref<1x128xi32, #tpu.memory_space<vmem>>
        %dma_wait3A_188 = tpu.memref_squeeze %dma_wait3A_187 : memref<1x128xi32, #tpu.memory_space<vmem>> -> memref<128xi32, #tpu.memory_space<vmem>>
        %dma_wait3A_189 = arith.constant 0 : i32
        %dma_wait3A_190 = arith.constant 0 : i32
        %dma_wait3A_191 = tpu.memref_slice %arg5[%dma_wait3A_189, %dma_wait3A_190] : memref<10000x128xf32, #tpu.memory_space<hbm>> -> memref<10000x128xf32, #tpu.memory_space<hbm>>
        tpu.wait_indirect_dma semaphore(%arg15 : memref<!tpu.dma_semaphore, #tpu.memory_space<semaphore_mem>>) src(%dma_wait3A_191 : memref<10000x128xf32, #tpu.memory_space<hbm>>) dst(%arg12 : memref<128x128xf32, #tpu.memory_space<vmem>>)
        %dma_start3A_192 = arith.constant 5 : i32
        %dma_start3A_193 = arith.constant 0 : i32
        %dma_start3A_194 = tpu.memref_slice %arg10[%dma_start3A_192, %dma_start3A_193] : memref<8x128xi32, #tpu.memory_space<vmem>> -> memref<1x128xi32, #tpu.memory_space<vmem>>
        %dma_start3A_195 = tpu.memref_squeeze %dma_start3A_194 : memref<1x128xi32, #tpu.memory_space<vmem>> -> memref<128xi32, #tpu.memory_space<vmem>>
        %dma_start3A_196 = arith.constant 0 : i32
        %dma_start3A_197 = arith.constant 0 : i32
        %dma_start3A_198 = tpu.memref_slice %arg13[%dma_start3A_196, %dma_start3A_197] : memref<10240x128xf32, #tpu.memory_space<vmem_shared>> -> memref<10240x128xf32, #tpu.memory_space<vmem_shared>>
        tpu.enqueue_indirect_dma source(%arg12 : memref<128x128xf32, #tpu.memory_space<vmem>>) target(%dma_start3A_198 : memref<10240x128xf32, #tpu.memory_space<vmem_shared>>) offsets(%dma_start3A_195 : memref<128xi32, #tpu.memory_space<vmem>>) semaphore(%arg17 : memref<!tpu.dma_semaphore, #tpu.memory_space<semaphore_mem>>) {add = true}
        %dma_wait3A_199 = arith.constant 5 : i32
        %dma_wait3A_200 = arith.constant 0 : i32
        %dma_wait3A_201 = tpu.memref_slice %arg10[%dma_wait3A_199, %dma_wait3A_200] : memref<8x128xi32, #tpu.memory_space<vmem>> -> memref<1x128xi32, #tpu.memory_space<vmem>>
        %dma_wait3A_202 = tpu.memref_squeeze %dma_wait3A_201 : memref<1x128xi32, #tpu.memory_space<vmem>> -> memref<128xi32, #tpu.memory_space<vmem>>
        %dma_wait3A_203 = arith.constant 0 : i32
        %dma_wait3A_204 = arith.constant 0 : i32
        %dma_wait3A_205 = tpu.memref_slice %arg13[%dma_wait3A_203, %dma_wait3A_204] : memref<10240x128xf32, #tpu.memory_space<vmem_shared>> -> memref<10240x128xf32, #tpu.memory_space<vmem_shared>>
        tpu.wait_indirect_dma semaphore(%arg17 : memref<!tpu.dma_semaphore, #tpu.memory_space<semaphore_mem>>) src(%arg12 : memref<128x128xf32, #tpu.memory_space<vmem>>) dst(%dma_wait3A_205 : memref<10240x128xf32, #tpu.memory_space<vmem_shared>>)
        %dma_start3A_206 = arith.constant 7 : i32
        %dma_start3A_207 = arith.constant 0 : i32
        %dma_start3A_208 = tpu.memref_slice %arg9[%dma_start3A_206, %dma_start3A_207] : memref<8x128xi32, #tpu.memory_space<vmem>> -> memref<1x128xi32, #tpu.memory_space<vmem>>
        %dma_start3A_209 = tpu.memref_squeeze %dma_start3A_208 : memref<1x128xi32, #tpu.memory_space<vmem>> -> memref<128xi32, #tpu.memory_space<vmem>>
        %dma_start3A_210 = arith.constant 0 : i32
        %dma_start3A_211 = arith.constant 0 : i32
        %dma_start3A_212 = tpu.memref_slice %arg5[%dma_start3A_210, %dma_start3A_211] : memref<10000x128xf32, #tpu.memory_space<hbm>> -> memref<10000x128xf32, #tpu.memory_space<hbm>>
        tpu.enqueue_indirect_dma source(%dma_start3A_212 : memref<10000x128xf32, #tpu.memory_space<hbm>>) target(%arg12 : memref<128x128xf32, #tpu.memory_space<vmem>>) offsets(%dma_start3A_209 : memref<128xi32, #tpu.memory_space<vmem>>) semaphore(%arg15 : memref<!tpu.dma_semaphore, #tpu.memory_space<semaphore_mem>>)
        %dma_wait3A_213 = arith.constant 6 : i32
        %dma_wait3A_214 = arith.constant 0 : i32
        %dma_wait3A_215 = tpu.memref_slice %arg9[%dma_wait3A_213, %dma_wait3A_214] : memref<8x128xi32, #tpu.memory_space<vmem>> -> memref<1x128xi32, #tpu.memory_space<vmem>>
        %dma_wait3A_216 = tpu.memref_squeeze %dma_wait3A_215 : memref<1x128xi32, #tpu.memory_space<vmem>> -> memref<128xi32, #tpu.memory_space<vmem>>
        %dma_wait3A_217 = arith.constant 0 : i32
        %dma_wait3A_218 = arith.constant 0 : i32
        %dma_wait3A_219 = tpu.memref_slice %arg5[%dma_wait3A_217, %dma_wait3A_218] : memref<10000x128xf32, #tpu.memory_space<hbm>> -> memref<10000x128xf32, #tpu.memory_space<hbm>>
        tpu.wait_indirect_dma semaphore(%arg14 : memref<!tpu.dma_semaphore, #tpu.memory_space<semaphore_mem>>) src(%dma_wait3A_219 : memref<10000x128xf32, #tpu.memory_space<hbm>>) dst(%arg11 : memref<128x128xf32, #tpu.memory_space<vmem>>)
        %dma_start3A_220 = arith.constant 6 : i32
        %dma_start3A_221 = arith.constant 0 : i32
        %dma_start3A_222 = tpu.memref_slice %arg10[%dma_start3A_220, %dma_start3A_221] : memref<8x128xi32, #tpu.memory_space<vmem>> -> memref<1x128xi32, #tpu.memory_space<vmem>>
        %dma_start3A_223 = tpu.memref_squeeze %dma_start3A_222 : memref<1x128xi32, #tpu.memory_space<vmem>> -> memref<128xi32, #tpu.memory_space<vmem>>
        %dma_start3A_224 = arith.constant 0 : i32
        %dma_start3A_225 = arith.constant 0 : i32
        %dma_start3A_226 = tpu.memref_slice %arg13[%dma_start3A_224, %dma_start3A_225] : memref<10240x128xf32, #tpu.memory_space<vmem_shared>> -> memref<10240x128xf32, #tpu.memory_space<vmem_shared>>
        tpu.enqueue_indirect_dma source(%arg11 : memref<128x128xf32, #tpu.memory_space<vmem>>) target(%dma_start3A_226 : memref<10240x128xf32, #tpu.memory_space<vmem_shared>>) offsets(%dma_start3A_223 : memref<128xi32, #tpu.memory_space<vmem>>) semaphore(%arg16 : memref<!tpu.dma_semaphore, #tpu.memory_space<semaphore_mem>>) {add = true}
        %dma_wait3A_227 = arith.constant 7 : i32
        %dma_wait3A_228 = arith.constant 0 : i32
        %dma_wait3A_229 = tpu.memref_slice %arg9[%dma_wait3A_227, %dma_wait3A_228] : memref<8x128xi32, #tpu.memory_space<vmem>> -> memref<1x128xi32, #tpu.memory_space<vmem>>
        %dma_wait3A_230 = tpu.memref_squeeze %dma_wait3A_229 : memref<1x128xi32, #tpu.memory_space<vmem>> -> memref<128xi32, #tpu.memory_space<vmem>>
        %dma_wait3A_231 = arith.constant 0 : i32
        %dma_wait3A_232 = arith.constant 0 : i32
        %dma_wait3A_233 = tpu.memref_slice %arg5[%dma_wait3A_231, %dma_wait3A_232] : memref<10000x128xf32, #tpu.memory_space<hbm>> -> memref<10000x128xf32, #tpu.memory_space<hbm>>
        tpu.wait_indirect_dma semaphore(%arg15 : memref<!tpu.dma_semaphore, #tpu.memory_space<semaphore_mem>>) src(%dma_wait3A_233 : memref<10000x128xf32, #tpu.memory_space<hbm>>) dst(%arg12 : memref<128x128xf32, #tpu.memory_space<vmem>>)
        %dma_start3A_234 = arith.constant 7 : i32
        %dma_start3A_235 = arith.constant 0 : i32
        %dma_start3A_236 = tpu.memref_slice %arg10[%dma_start3A_234, %dma_start3A_235] : memref<8x128xi32, #tpu.memory_space<vmem>> -> memref<1x128xi32, #tpu.memory_space<vmem>>
        %dma_start3A_237 = tpu.memref_squeeze %dma_start3A_236 : memref<1x128xi32, #tpu.memory_space<vmem>> -> memref<128xi32, #tpu.memory_space<vmem>>
        %dma_start3A_238 = arith.constant 0 : i32
        %dma_start3A_239 = arith.constant 0 : i32
        %dma_start3A_240 = tpu.memref_slice %arg13[%dma_start3A_238, %dma_start3A_239] : memref<10240x128xf32, #tpu.memory_space<vmem_shared>> -> memref<10240x128xf32, #tpu.memory_space<vmem_shared>>
        tpu.enqueue_indirect_dma source(%arg12 : memref<128x128xf32, #tpu.memory_space<vmem>>) target(%dma_start3A_240 : memref<10240x128xf32, #tpu.memory_space<vmem_shared>>) offsets(%dma_start3A_237 : memref<128xi32, #tpu.memory_space<vmem>>) semaphore(%arg17 : memref<!tpu.dma_semaphore, #tpu.memory_space<semaphore_mem>>) {add = true}
        %dma_wait3A_241 = arith.constant 6 : i32
        %dma_wait3A_242 = arith.constant 0 : i32
        %dma_wait3A_243 = tpu.memref_slice %arg10[%dma_wait3A_241, %dma_wait3A_242] : memref<8x128xi32, #tpu.memory_space<vmem>> -> memref<1x128xi32, #tpu.memory_space<vmem>>
        %dma_wait3A_244 = tpu.memref_squeeze %dma_wait3A_243 : memref<1x128xi32, #tpu.memory_space<vmem>> -> memref<128xi32, #tpu.memory_space<vmem>>
        %dma_wait3A_245 = arith.constant 0 : i32
        %dma_wait3A_246 = arith.constant 0 : i32
        %dma_wait3A_247 = tpu.memref_slice %arg13[%dma_wait3A_245, %dma_wait3A_246] : memref<10240x128xf32, #tpu.memory_space<vmem_shared>> -> memref<10240x128xf32, #tpu.memory_space<vmem_shared>>
        tpu.wait_indirect_dma semaphore(%arg16 : memref<!tpu.dma_semaphore, #tpu.memory_space<semaphore_mem>>) src(%arg11 : memref<128x128xf32, #tpu.memory_space<vmem>>) dst(%dma_wait3A_247 : memref<10240x128xf32, #tpu.memory_space<vmem_shared>>)
        %dma_wait3A_248 = arith.constant 7 : i32
        %dma_wait3A_249 = arith.constant 0 : i32
        %dma_wait3A_250 = tpu.memref_slice %arg10[%dma_wait3A_248, %dma_wait3A_249] : memref<8x128xi32, #tpu.memory_space<vmem>> -> memref<1x128xi32, #tpu.memory_space<vmem>>
        %dma_wait3A_251 = tpu.memref_squeeze %dma_wait3A_250 : memref<1x128xi32, #tpu.memory_space<vmem>> -> memref<128xi32, #tpu.memory_space<vmem>>
        %dma_wait3A_252 = arith.constant 0 : i32
        %dma_wait3A_253 = arith.constant 0 : i32
        %dma_wait3A_254 = tpu.memref_slice %arg13[%dma_wait3A_252, %dma_wait3A_253] : memref<10240x128xf32, #tpu.memory_space<vmem_shared>> -> memref<10240x128xf32, #tpu.memory_space<vmem_shared>>
        tpu.wait_indirect_dma semaphore(%arg17 : memref<!tpu.dma_semaphore, #tpu.memory_space<semaphore_mem>>) src(%arg12 : memref<128x128xf32, #tpu.memory_space<vmem>>) dst(%dma_wait3A_254 : memref<10240x128xf32, #tpu.memory_space<vmem_shared>>)
        %scan3A_255 = arith.constant 0 : i32
        scf.yield %scan3A_255 : i32
      }
      %scan3A_26 = arith.constant 20 : i32
    } else {
    }
    %barrier3A_8 = arith.constant 0 : index
    tpu.barrier barrier_id(%barrier3A_8)
    %mul3A_9 = arith.constant 640 : i32
    %mul3A_10 = arith.muli %arg1, %mul3A_9 : i32
    %eq3A_11 = arith.constant 0 : i32
    %eq3A_12 = arith.cmpi eq, %arg0, %eq3A_11 : i32
    %convert_element_type3A_13 = arith.extui %eq3A_12 : i1 to i32
    %cond3A_14 = arith.constant 0 : i32
    %cond3A_15 = arith.cmpi ne, %convert_element_type3A_13, %cond3A_14 : i32
    scf.if %cond3A_15 {
      "tpu.region"() ({
        %run_scoped3A = tpu.sem_alloc : memref<!tpu.dma_semaphore, #tpu.memory_space<semaphore_mem>>
        %dma_start3A = arith.constant 0 : i32
        %dma_start3A_21 = tpu.memref_slice %arg7[%mul3A_10, %dma_start3A] : memref<10240x128xf32, #tpu.memory_space<hbm>> -> memref<640x128xf32, #tpu.memory_space<hbm>>
        %dma_start3A_22 = arith.constant 0 : i32
        %dma_start3A_23 = tpu.memref_slice %arg13[%mul3A_10, %dma_start3A_22] : memref<10240x128xf32, #tpu.memory_space<vmem_shared>> -> memref<640x128xf32, #tpu.memory_space<vmem_shared>>
        tpu.enqueue_dma source(%dma_start3A_23 : memref<640x128xf32, #tpu.memory_space<vmem_shared>>) target(%dma_start3A_21 : memref<640x128xf32, #tpu.memory_space<hbm>>) target_semaphore(%run_scoped3A : memref<!tpu.dma_semaphore, #tpu.memory_space<semaphore_mem>>)
        %dma_wait3A = arith.constant 0 : i32
        %dma_wait3A_24 = tpu.memref_slice %arg7[%mul3A_10, %dma_wait3A] : memref<10240x128xf32, #tpu.memory_space<hbm>> -> memref<640x128xf32, #tpu.memory_space<hbm>>
        %dma_wait3A_25 = arith.constant 0 : i32
        %dma_wait3A_26 = tpu.memref_slice %arg13[%mul3A_10, %dma_wait3A_25] : memref<10240x128xf32, #tpu.memory_space<vmem_shared>> -> memref<640x128xf32, #tpu.memory_space<vmem_shared>>
        tpu.wait_dma2 semaphore(%run_scoped3A : memref<!tpu.dma_semaphore, #tpu.memory_space<semaphore_mem>>) src(%dma_wait3A_26 : memref<640x128xf32, #tpu.memory_space<vmem_shared>>) dst(%dma_wait3A_24 : memref<640x128xf32, #tpu.memory_space<hbm>>)
        tpu.yield
      }) : () -> ()
    } else {
    }
    %eq3A_16 = arith.constant 1 : i32
    %eq3A_17 = arith.cmpi eq, %arg0, %eq3A_16 : i32
    %convert_element_type3A_18 = arith.extui %eq3A_17 : i1 to i32
    %cond3A_19 = arith.constant 0 : i32
    %cond3A_20 = arith.cmpi ne, %convert_element_type3A_18, %cond3A_19 : i32
    scf.if %cond3A_20 {
      "tpu.region"() ({
        %run_scoped3A = tpu.sem_alloc : memref<!tpu.dma_semaphore, #tpu.memory_space<semaphore_mem>>
        %dma_start3A = arith.constant 0 : i32
        %dma_start3A_21 = tpu.memref_slice %arg8[%mul3A_10, %dma_start3A] : memref<10240x128xf32, #tpu.memory_space<hbm>> -> memref<640x128xf32, #tpu.memory_space<hbm>>
        %dma_start3A_22 = arith.constant 0 : i32
        %dma_start3A_23 = tpu.memref_slice %arg13[%mul3A_10, %dma_start3A_22] : memref<10240x128xf32, #tpu.memory_space<vmem_shared>> -> memref<640x128xf32, #tpu.memory_space<vmem_shared>>
        tpu.enqueue_dma source(%dma_start3A_23 : memref<640x128xf32, #tpu.memory_space<vmem_shared>>) target(%dma_start3A_21 : memref<640x128xf32, #tpu.memory_space<hbm>>) target_semaphore(%run_scoped3A : memref<!tpu.dma_semaphore, #tpu.memory_space<semaphore_mem>>)
        %dma_wait3A = arith.constant 0 : i32
        %dma_wait3A_24 = tpu.memref_slice %arg8[%mul3A_10, %dma_wait3A] : memref<10240x128xf32, #tpu.memory_space<hbm>> -> memref<640x128xf32, #tpu.memory_space<hbm>>
        %dma_wait3A_25 = arith.constant 0 : i32
        %dma_wait3A_26 = tpu.memref_slice %arg13[%mul3A_10, %dma_wait3A_25] : memref<10240x128xf32, #tpu.memory_space<vmem_shared>> -> memref<640x128xf32, #tpu.memory_space<vmem_shared>>
        tpu.wait_dma2 semaphore(%run_scoped3A : memref<!tpu.dma_semaphore, #tpu.memory_space<semaphore_mem>>) src(%dma_wait3A_26 : memref<640x128xf32, #tpu.memory_space<vmem_shared>>) dst(%dma_wait3A_24 : memref<640x128xf32, #tpu.memory_space<hbm>>)
        tpu.yield
      }) : () -> ()
    } else {
    }
    return
  }
}

#map = affine_map<(d0, d1) -> (0, 0, 0)>
#map1 = affine_map<(d0, d1) -> (0, 0)>
module attributes {stable_mosaic.version = 14 : i64} {
  func.func @_agg_kernel(%arg0: i32, %arg1: i32, %arg2: memref<16x160x128xi32, #tpu.memory_space<hbm>>, %arg3: memref<16x160x128xi32, #tpu.memory_space<hbm>>, %arg4: memref<10000x128xf32, #tpu.memory_space<hbm>>, %arg5: memref<10000x128xf32, #tpu.memory_space<hbm>>, %arg6: memref<640x128xf32, #tpu.memory_space<hbm>>, %arg7: memref<10240x128xf32, #tpu.memory_space<hbm>>, %arg8: memref<10240x128xf32, #tpu.memory_space<hbm>>, %arg9: memref<8x128xi32, #tpu.memory_space<vmem>>, %arg10: memref<8x128xi32, #tpu.memory_space<vmem>>, %arg11: memref<128x128xf32, #tpu.memory_space<vmem>>, %arg12: memref<128x128xf32, #tpu.memory_space<vmem>>, %arg13: memref<10240x128xf32, #tpu.memory_space<vmem_shared>>, %arg14: memref<!tpu.dma_semaphore, #tpu.memory_space<semaphore_mem>>, %arg15: memref<!tpu.dma_semaphore, #tpu.memory_space<semaphore_mem>>, %arg16: memref<!tpu.dma_semaphore, #tpu.memory_space<semaphore_mem>>, %arg17: memref<!tpu.dma_semaphore, #tpu.memory_space<semaphore_mem>>) attributes {dimension_semantics = [#tpu.dimension_semantics<core_parallel>, #tpu.dimension_semantics<subcore_parallel>], iteration_bounds = array<i64: 2, 16>, scalar_prefetch = 0 : i64, scratch_operands = 9 : i64, tpu.core_type = #tpu.core_type<sc_vector_subcore>, window_params = [{transform_indices = #map}, {transform_indices = #map}, {transform_indices = #map1}, {transform_indices = #map1}, {transform_indices = #map1}, {transform_indices = #map1}, {transform_indices = #map1}]} {
    %mul3A = arith.constant 640 : i32
    %mul3A_0 = arith.muli %arg1, %mul3A : i32
    "tpu.region"() ({
      %run_scoped3A = tpu.sem_alloc : memref<!tpu.dma_semaphore, #tpu.memory_space<semaphore_mem>>
      %dma_start3A = arith.constant 0 : i32
      %dma_start3A_21 = tpu.memref_slice %arg13[%mul3A_0, %dma_start3A] : memref<10240x128xf32, #tpu.memory_space<vmem_shared>> -> memref<640x128xf32, #tpu.memory_space<vmem_shared>>
      tpu.enqueue_dma source(%arg6 : memref<640x128xf32, #tpu.memory_space<hbm>>) target(%dma_start3A_21 : memref<640x128xf32, #tpu.memory_space<vmem_shared>>) target_semaphore(%run_scoped3A : memref<!tpu.dma_semaphore, #tpu.memory_space<semaphore_mem>>)
      %dma_wait3A = arith.constant 0 : i32
      %dma_wait3A_22 = tpu.memref_slice %arg13[%mul3A_0, %dma_wait3A] : memref<10240x128xf32, #tpu.memory_space<vmem_shared>> -> memref<640x128xf32, #tpu.memory_space<vmem_shared>>
      tpu.wait_dma2 semaphore(%run_scoped3A : memref<!tpu.dma_semaphore, #tpu.memory_space<semaphore_mem>>) src(%arg6 : memref<640x128xf32, #tpu.memory_space<hbm>>) dst(%dma_wait3A_22 : memref<640x128xf32, #tpu.memory_space<vmem_shared>>)
      tpu.yield
    }) : () -> ()
    %barrier3A = arith.constant 0 : index
    tpu.barrier barrier_id(%barrier3A)
    %eq3A = arith.constant 0 : i32
    %eq3A_1 = arith.cmpi eq, %arg0, %eq3A : i32
    %convert_element_type3A = arith.extui %eq3A_1 : i1 to i32
    %cond3A = arith.constant 0 : i32
    %cond3A_2 = arith.cmpi ne, %convert_element_type3A, %cond3A : i32
    scf.if %cond3A_2 {
      %scan3A = arith.constant 0 : i32
      %scan3A_21 = arith.constant 0 : i32
      %scan3A_22 = arith.constant 20 : i32
      %scan3A_23 = arith.addi %scan3A_21, %scan3A_22 : i32
      %scan3A_24 = arith.constant 1 : i32
      %scan3A_25 = scf.for %scan3A_27 = %scan3A_21 to %scan3A_23 step %scan3A_24 iter_args(%scan3A_28 = %scan3A) -> (i32)  : i32 {
        %mul3A_29 = arith.constant 8 : i32
        %mul3A_30 = arith.muli %scan3A_27, %mul3A_29 : i32
        "tpu.region"() ({
          %run_scoped3A = tpu.sem_alloc : memref<!tpu.dma_semaphore, #tpu.memory_space<semaphore_mem>>
          %dma_start3A_256 = arith.constant 0 : i32
          %dma_start3A_257 = tpu.memref_slice %arg2[%arg1, %mul3A_30, %dma_start3A_256] : memref<16x160x128xi32, #tpu.memory_space<hbm>> -> memref<1x8x128xi32, #tpu.memory_space<hbm>>
          %dma_start3A_258 = tpu.memref_squeeze %dma_start3A_257 : memref<1x8x128xi32, #tpu.memory_space<hbm>> -> memref<8x128xi32, #tpu.memory_space<hbm>>
          %dma_start3A_259 = arith.constant 0 : i32
          %dma_start3A_260 = tpu.memref_slice %arg2[%arg1, %mul3A_30, %dma_start3A_259] : memref<16x160x128xi32, #tpu.memory_space<hbm>> -> memref<1x8x128xi32, #tpu.memory_space<hbm>>
          %dma_start3A_261 = tpu.memref_squeeze %dma_start3A_260 : memref<1x8x128xi32, #tpu.memory_space<hbm>> -> memref<8x128xi32, #tpu.memory_space<hbm>>
          tpu.enqueue_dma source(%dma_start3A_261 : memref<8x128xi32, #tpu.memory_space<hbm>>) target(%arg9 : memref<8x128xi32, #tpu.memory_space<vmem>>) target_semaphore(%run_scoped3A : memref<!tpu.dma_semaphore, #tpu.memory_space<semaphore_mem>>)
          %dma_wait3A_262 = arith.constant 0 : i32
          %dma_wait3A_263 = tpu.memref_slice %arg2[%arg1, %mul3A_30, %dma_wait3A_262] : memref<16x160x128xi32, #tpu.memory_space<hbm>> -> memref<1x8x128xi32, #tpu.memory_space<hbm>>
          %dma_wait3A_264 = tpu.memref_squeeze %dma_wait3A_263 : memref<1x8x128xi32, #tpu.memory_space<hbm>> -> memref<8x128xi32, #tpu.memory_space<hbm>>
          %dma_wait3A_265 = arith.constant 0 : i32
          %dma_wait3A_266 = tpu.memref_slice %arg2[%arg1, %mul3A_30, %dma_wait3A_265] : memref<16x160x128xi32, #tpu.memory_space<hbm>> -> memref<1x8x128xi32, #tpu.memory_space<hbm>>
          %dma_wait3A_267 = tpu.memref_squeeze %dma_wait3A_266 : memref<1x8x128xi32, #tpu.memory_space<hbm>> -> memref<8x128xi32, #tpu.memory_space<hbm>>
          tpu.wait_dma2 semaphore(%run_scoped3A : memref<!tpu.dma_semaphore, #tpu.memory_space<semaphore_mem>>) src(%dma_wait3A_267 : memref<8x128xi32, #tpu.memory_space<hbm>>) dst(%arg9 : memref<8x128xi32, #tpu.memory_space<vmem>>)
          tpu.yield
        }) : () -> ()
        %mul3A_31 = arith.constant 8 : i32
        %mul3A_32 = arith.muli %scan3A_27, %mul3A_31 : i32
        "tpu.region"() ({
          %run_scoped3A = tpu.sem_alloc : memref<!tpu.dma_semaphore, #tpu.memory_space<semaphore_mem>>
          %dma_start3A_256 = arith.constant 0 : i32
          %dma_start3A_257 = tpu.memref_slice %arg3[%arg1, %mul3A_32, %dma_start3A_256] : memref<16x160x128xi32, #tpu.memory_space<hbm>> -> memref<1x8x128xi32, #tpu.memory_space<hbm>>
          %dma_start3A_258 = tpu.memref_squeeze %dma_start3A_257 : memref<1x8x128xi32, #tpu.memory_space<hbm>> -> memref<8x128xi32, #tpu.memory_space<hbm>>
          %dma_start3A_259 = arith.constant 0 : i32
          %dma_start3A_260 = tpu.memref_slice %arg3[%arg1, %mul3A_32, %dma_start3A_259] : memref<16x160x128xi32, #tpu.memory_space<hbm>> -> memref<1x8x128xi32, #tpu.memory_space<hbm>>
          %dma_start3A_261 = tpu.memref_squeeze %dma_start3A_260 : memref<1x8x128xi32, #tpu.memory_space<hbm>> -> memref<8x128xi32, #tpu.memory_space<hbm>>
          tpu.enqueue_dma source(%dma_start3A_261 : memref<8x128xi32, #tpu.memory_space<hbm>>) target(%arg10 : memref<8x128xi32, #tpu.memory_space<vmem>>) target_semaphore(%run_scoped3A : memref<!tpu.dma_semaphore, #tpu.memory_space<semaphore_mem>>)
          %dma_wait3A_262 = arith.constant 0 : i32
          %dma_wait3A_263 = tpu.memref_slice %arg3[%arg1, %mul3A_32, %dma_wait3A_262] : memref<16x160x128xi32, #tpu.memory_space<hbm>> -> memref<1x8x128xi32, #tpu.memory_space<hbm>>
          %dma_wait3A_264 = tpu.memref_squeeze %dma_wait3A_263 : memref<1x8x128xi32, #tpu.memory_space<hbm>> -> memref<8x128xi32, #tpu.memory_space<hbm>>
          %dma_wait3A_265 = arith.constant 0 : i32
          %dma_wait3A_266 = tpu.memref_slice %arg3[%arg1, %mul3A_32, %dma_wait3A_265] : memref<16x160x128xi32, #tpu.memory_space<hbm>> -> memref<1x8x128xi32, #tpu.memory_space<hbm>>
          %dma_wait3A_267 = tpu.memref_squeeze %dma_wait3A_266 : memref<1x8x128xi32, #tpu.memory_space<hbm>> -> memref<8x128xi32, #tpu.memory_space<hbm>>
          tpu.wait_dma2 semaphore(%run_scoped3A : memref<!tpu.dma_semaphore, #tpu.memory_space<semaphore_mem>>) src(%dma_wait3A_267 : memref<8x128xi32, #tpu.memory_space<hbm>>) dst(%arg10 : memref<8x128xi32, #tpu.memory_space<vmem>>)
          tpu.yield
        }) : () -> ()
        %dma_start3A = arith.constant 0 : i32
        %dma_start3A_33 = arith.constant 0 : i32
        %dma_start3A_34 = tpu.memref_slice %arg9[%dma_start3A, %dma_start3A_33] : memref<8x128xi32, #tpu.memory_space<vmem>> -> memref<1x128xi32, #tpu.memory_space<vmem>>
        %dma_start3A_35 = tpu.memref_squeeze %dma_start3A_34 : memref<1x128xi32, #tpu.memory_space<vmem>> -> memref<128xi32, #tpu.memory_space<vmem>>
        %dma_start3A_36 = arith.constant 0 : i32
        %dma_start3A_37 = arith.constant 0 : i32
        %dma_start3A_38 = tpu.memref_slice %arg4[%dma_start3A_36, %dma_start3A_37] : memref<10000x128xf32, #tpu.memory_space<hbm>> -> memref<10000x128xf32, #tpu.memory_space<hbm>>
        tpu.enqueue_indirect_dma source(%dma_start3A_38 : memref<10000x128xf32, #tpu.memory_space<hbm>>) target(%arg11 : memref<128x128xf32, #tpu.memory_space<vmem>>) offsets(%dma_start3A_35 : memref<128xi32, #tpu.memory_space<vmem>>) semaphore(%arg14 : memref<!tpu.dma_semaphore, #tpu.memory_space<semaphore_mem>>)
        %dma_start3A_39 = arith.constant 1 : i32
        %dma_start3A_40 = arith.constant 0 : i32
        %dma_start3A_41 = tpu.memref_slice %arg9[%dma_start3A_39, %dma_start3A_40] : memref<8x128xi32, #tpu.memory_space<vmem>> -> memref<1x128xi32, #tpu.memory_space<vmem>>
        %dma_start3A_42 = tpu.memref_squeeze %dma_start3A_41 : memref<1x128xi32, #tpu.memory_space<vmem>> -> memref<128xi32, #tpu.memory_space<vmem>>
        %dma_start3A_43 = arith.constant 0 : i32
        %dma_start3A_44 = arith.constant 0 : i32
        %dma_start3A_45 = tpu.memref_slice %arg4[%dma_start3A_43, %dma_start3A_44] : memref<10000x128xf32, #tpu.memory_space<hbm>> -> memref<10000x128xf32, #tpu.memory_space<hbm>>
        tpu.enqueue_indirect_dma source(%dma_start3A_45 : memref<10000x128xf32, #tpu.memory_space<hbm>>) target(%arg12 : memref<128x128xf32, #tpu.memory_space<vmem>>) offsets(%dma_start3A_42 : memref<128xi32, #tpu.memory_space<vmem>>) semaphore(%arg15 : memref<!tpu.dma_semaphore, #tpu.memory_space<semaphore_mem>>)
        %dma_wait3A = arith.constant 0 : i32
        %dma_wait3A_46 = arith.constant 0 : i32
        %dma_wait3A_47 = tpu.memref_slice %arg9[%dma_wait3A, %dma_wait3A_46] : memref<8x128xi32, #tpu.memory_space<vmem>> -> memref<1x128xi32, #tpu.memory_space<vmem>>
        %dma_wait3A_48 = tpu.memref_squeeze %dma_wait3A_47 : memref<1x128xi32, #tpu.memory_space<vmem>> -> memref<128xi32, #tpu.memory_space<vmem>>
        %dma_wait3A_49 = arith.constant 0 : i32
        %dma_wait3A_50 = arith.constant 0 : i32
        %dma_wait3A_51 = tpu.memref_slice %arg4[%dma_wait3A_49, %dma_wait3A_50] : memref<10000x128xf32, #tpu.memory_space<hbm>> -> memref<10000x128xf32, #tpu.memory_space<hbm>>
        tpu.wait_indirect_dma semaphore(%arg14 : memref<!tpu.dma_semaphore, #tpu.memory_space<semaphore_mem>>) src(%dma_wait3A_51 : memref<10000x128xf32, #tpu.memory_space<hbm>>) dst(%arg11 : memref<128x128xf32, #tpu.memory_space<vmem>>)
        %dma_start3A_52 = arith.constant 0 : i32
        %dma_start3A_53 = arith.constant 0 : i32
        %dma_start3A_54 = tpu.memref_slice %arg10[%dma_start3A_52, %dma_start3A_53] : memref<8x128xi32, #tpu.memory_space<vmem>> -> memref<1x128xi32, #tpu.memory_space<vmem>>
        %dma_start3A_55 = tpu.memref_squeeze %dma_start3A_54 : memref<1x128xi32, #tpu.memory_space<vmem>> -> memref<128xi32, #tpu.memory_space<vmem>>
        %dma_start3A_56 = arith.constant 0 : i32
        %dma_start3A_57 = arith.constant 0 : i32
        %dma_start3A_58 = tpu.memref_slice %arg13[%dma_start3A_56, %dma_start3A_57] : memref<10240x128xf32, #tpu.memory_space<vmem_shared>> -> memref<10240x128xf32, #tpu.memory_space<vmem_shared>>
        tpu.enqueue_indirect_dma source(%arg11 : memref<128x128xf32, #tpu.memory_space<vmem>>) target(%dma_start3A_58 : memref<10240x128xf32, #tpu.memory_space<vmem_shared>>) offsets(%dma_start3A_55 : memref<128xi32, #tpu.memory_space<vmem>>) semaphore(%arg16 : memref<!tpu.dma_semaphore, #tpu.memory_space<semaphore_mem>>) {add = true}
        %dma_wait3A_59 = arith.constant 0 : i32
        %dma_wait3A_60 = arith.constant 0 : i32
        %dma_wait3A_61 = tpu.memref_slice %arg10[%dma_wait3A_59, %dma_wait3A_60] : memref<8x128xi32, #tpu.memory_space<vmem>> -> memref<1x128xi32, #tpu.memory_space<vmem>>
        %dma_wait3A_62 = tpu.memref_squeeze %dma_wait3A_61 : memref<1x128xi32, #tpu.memory_space<vmem>> -> memref<128xi32, #tpu.memory_space<vmem>>
        %dma_wait3A_63 = arith.constant 0 : i32
        %dma_wait3A_64 = arith.constant 0 : i32
        %dma_wait3A_65 = tpu.memref_slice %arg13[%dma_wait3A_63, %dma_wait3A_64] : memref<10240x128xf32, #tpu.memory_space<vmem_shared>> -> memref<10240x128xf32, #tpu.memory_space<vmem_shared>>
        tpu.wait_indirect_dma semaphore(%arg16 : memref<!tpu.dma_semaphore, #tpu.memory_space<semaphore_mem>>) src(%arg11 : memref<128x128xf32, #tpu.memory_space<vmem>>) dst(%dma_wait3A_65 : memref<10240x128xf32, #tpu.memory_space<vmem_shared>>)
        %dma_start3A_66 = arith.constant 2 : i32
        %dma_start3A_67 = arith.constant 0 : i32
        %dma_start3A_68 = tpu.memref_slice %arg9[%dma_start3A_66, %dma_start3A_67] : memref<8x128xi32, #tpu.memory_space<vmem>> -> memref<1x128xi32, #tpu.memory_space<vmem>>
        %dma_start3A_69 = tpu.memref_squeeze %dma_start3A_68 : memref<1x128xi32, #tpu.memory_space<vmem>> -> memref<128xi32, #tpu.memory_space<vmem>>
        %dma_start3A_70 = arith.constant 0 : i32
        %dma_start3A_71 = arith.constant 0 : i32
        %dma_start3A_72 = tpu.memref_slice %arg4[%dma_start3A_70, %dma_start3A_71] : memref<10000x128xf32, #tpu.memory_space<hbm>> -> memref<10000x128xf32, #tpu.memory_space<hbm>>
        tpu.enqueue_indirect_dma source(%dma_start3A_72 : memref<10000x128xf32, #tpu.memory_space<hbm>>) target(%arg11 : memref<128x128xf32, #tpu.memory_space<vmem>>) offsets(%dma_start3A_69 : memref<128xi32, #tpu.memory_space<vmem>>) semaphore(%arg14 : memref<!tpu.dma_semaphore, #tpu.memory_space<semaphore_mem>>)
        %dma_wait3A_73 = arith.constant 1 : i32
        %dma_wait3A_74 = arith.constant 0 : i32
        %dma_wait3A_75 = tpu.memref_slice %arg9[%dma_wait3A_73, %dma_wait3A_74] : memref<8x128xi32, #tpu.memory_space<vmem>> -> memref<1x128xi32, #tpu.memory_space<vmem>>
        %dma_wait3A_76 = tpu.memref_squeeze %dma_wait3A_75 : memref<1x128xi32, #tpu.memory_space<vmem>> -> memref<128xi32, #tpu.memory_space<vmem>>
        %dma_wait3A_77 = arith.constant 0 : i32
        %dma_wait3A_78 = arith.constant 0 : i32
        %dma_wait3A_79 = tpu.memref_slice %arg4[%dma_wait3A_77, %dma_wait3A_78] : memref<10000x128xf32, #tpu.memory_space<hbm>> -> memref<10000x128xf32, #tpu.memory_space<hbm>>
        tpu.wait_indirect_dma semaphore(%arg15 : memref<!tpu.dma_semaphore, #tpu.memory_space<semaphore_mem>>) src(%dma_wait3A_79 : memref<10000x128xf32, #tpu.memory_space<hbm>>) dst(%arg12 : memref<128x128xf32, #tpu.memory_space<vmem>>)
        %dma_start3A_80 = arith.constant 1 : i32
        %dma_start3A_81 = arith.constant 0 : i32
        %dma_start3A_82 = tpu.memref_slice %arg10[%dma_start3A_80, %dma_start3A_81] : memref<8x128xi32, #tpu.memory_space<vmem>> -> memref<1x128xi32, #tpu.memory_space<vmem>>
        %dma_start3A_83 = tpu.memref_squeeze %dma_start3A_82 : memref<1x128xi32, #tpu.memory_space<vmem>> -> memref<128xi32, #tpu.memory_space<vmem>>
        %dma_start3A_84 = arith.constant 0 : i32
        %dma_start3A_85 = arith.constant 0 : i32
        %dma_start3A_86 = tpu.memref_slice %arg13[%dma_start3A_84, %dma_start3A_85] : memref<10240x128xf32, #tpu.memory_space<vmem_shared>> -> memref<10240x128xf32, #tpu.memory_space<vmem_shared>>
        tpu.enqueue_indirect_dma source(%arg12 : memref<128x128xf32, #tpu.memory_space<vmem>>) target(%dma_start3A_86 : memref<10240x128xf32, #tpu.memory_space<vmem_shared>>) offsets(%dma_start3A_83 : memref<128xi32, #tpu.memory_space<vmem>>) semaphore(%arg17 : memref<!tpu.dma_semaphore, #tpu.memory_space<semaphore_mem>>) {add = true}
        %dma_wait3A_87 = arith.constant 1 : i32
        %dma_wait3A_88 = arith.constant 0 : i32
        %dma_wait3A_89 = tpu.memref_slice %arg10[%dma_wait3A_87, %dma_wait3A_88] : memref<8x128xi32, #tpu.memory_space<vmem>> -> memref<1x128xi32, #tpu.memory_space<vmem>>
        %dma_wait3A_90 = tpu.memref_squeeze %dma_wait3A_89 : memref<1x128xi32, #tpu.memory_space<vmem>> -> memref<128xi32, #tpu.memory_space<vmem>>
        %dma_wait3A_91 = arith.constant 0 : i32
        %dma_wait3A_92 = arith.constant 0 : i32
        %dma_wait3A_93 = tpu.memref_slice %arg13[%dma_wait3A_91, %dma_wait3A_92] : memref<10240x128xf32, #tpu.memory_space<vmem_shared>> -> memref<10240x128xf32, #tpu.memory_space<vmem_shared>>
        tpu.wait_indirect_dma semaphore(%arg17 : memref<!tpu.dma_semaphore, #tpu.memory_space<semaphore_mem>>) src(%arg12 : memref<128x128xf32, #tpu.memory_space<vmem>>) dst(%dma_wait3A_93 : memref<10240x128xf32, #tpu.memory_space<vmem_shared>>)
        %dma_start3A_94 = arith.constant 3 : i32
        %dma_start3A_95 = arith.constant 0 : i32
        %dma_start3A_96 = tpu.memref_slice %arg9[%dma_start3A_94, %dma_start3A_95] : memref<8x128xi32, #tpu.memory_space<vmem>> -> memref<1x128xi32, #tpu.memory_space<vmem>>
        %dma_start3A_97 = tpu.memref_squeeze %dma_start3A_96 : memref<1x128xi32, #tpu.memory_space<vmem>> -> memref<128xi32, #tpu.memory_space<vmem>>
        %dma_start3A_98 = arith.constant 0 : i32
        %dma_start3A_99 = arith.constant 0 : i32
        %dma_start3A_100 = tpu.memref_slice %arg4[%dma_start3A_98, %dma_start3A_99] : memref<10000x128xf32, #tpu.memory_space<hbm>> -> memref<10000x128xf32, #tpu.memory_space<hbm>>
        tpu.enqueue_indirect_dma source(%dma_start3A_100 : memref<10000x128xf32, #tpu.memory_space<hbm>>) target(%arg12 : memref<128x128xf32, #tpu.memory_space<vmem>>) offsets(%dma_start3A_97 : memref<128xi32, #tpu.memory_space<vmem>>) semaphore(%arg15 : memref<!tpu.dma_semaphore, #tpu.memory_space<semaphore_mem>>)
        %dma_wait3A_101 = arith.constant 2 : i32
        %dma_wait3A_102 = arith.constant 0 : i32
        %dma_wait3A_103 = tpu.memref_slice %arg9[%dma_wait3A_101, %dma_wait3A_102] : memref<8x128xi32, #tpu.memory_space<vmem>> -> memref<1x128xi32, #tpu.memory_space<vmem>>
        %dma_wait3A_104 = tpu.memref_squeeze %dma_wait3A_103 : memref<1x128xi32, #tpu.memory_space<vmem>> -> memref<128xi32, #tpu.memory_space<vmem>>
        %dma_wait3A_105 = arith.constant 0 : i32
        %dma_wait3A_106 = arith.constant 0 : i32
        %dma_wait3A_107 = tpu.memref_slice %arg4[%dma_wait3A_105, %dma_wait3A_106] : memref<10000x128xf32, #tpu.memory_space<hbm>> -> memref<10000x128xf32, #tpu.memory_space<hbm>>
        tpu.wait_indirect_dma semaphore(%arg14 : memref<!tpu.dma_semaphore, #tpu.memory_space<semaphore_mem>>) src(%dma_wait3A_107 : memref<10000x128xf32, #tpu.memory_space<hbm>>) dst(%arg11 : memref<128x128xf32, #tpu.memory_space<vmem>>)
        %dma_start3A_108 = arith.constant 2 : i32
        %dma_start3A_109 = arith.constant 0 : i32
        %dma_start3A_110 = tpu.memref_slice %arg10[%dma_start3A_108, %dma_start3A_109] : memref<8x128xi32, #tpu.memory_space<vmem>> -> memref<1x128xi32, #tpu.memory_space<vmem>>
        %dma_start3A_111 = tpu.memref_squeeze %dma_start3A_110 : memref<1x128xi32, #tpu.memory_space<vmem>> -> memref<128xi32, #tpu.memory_space<vmem>>
        %dma_start3A_112 = arith.constant 0 : i32
        %dma_start3A_113 = arith.constant 0 : i32
        %dma_start3A_114 = tpu.memref_slice %arg13[%dma_start3A_112, %dma_start3A_113] : memref<10240x128xf32, #tpu.memory_space<vmem_shared>> -> memref<10240x128xf32, #tpu.memory_space<vmem_shared>>
        tpu.enqueue_indirect_dma source(%arg11 : memref<128x128xf32, #tpu.memory_space<vmem>>) target(%dma_start3A_114 : memref<10240x128xf32, #tpu.memory_space<vmem_shared>>) offsets(%dma_start3A_111 : memref<128xi32, #tpu.memory_space<vmem>>) semaphore(%arg16 : memref<!tpu.dma_semaphore, #tpu.memory_space<semaphore_mem>>) {add = true}
        %dma_wait3A_115 = arith.constant 2 : i32
        %dma_wait3A_116 = arith.constant 0 : i32
        %dma_wait3A_117 = tpu.memref_slice %arg10[%dma_wait3A_115, %dma_wait3A_116] : memref<8x128xi32, #tpu.memory_space<vmem>> -> memref<1x128xi32, #tpu.memory_space<vmem>>
        %dma_wait3A_118 = tpu.memref_squeeze %dma_wait3A_117 : memref<1x128xi32, #tpu.memory_space<vmem>> -> memref<128xi32, #tpu.memory_space<vmem>>
        %dma_wait3A_119 = arith.constant 0 : i32
        %dma_wait3A_120 = arith.constant 0 : i32
        %dma_wait3A_121 = tpu.memref_slice %arg13[%dma_wait3A_119, %dma_wait3A_120] : memref<10240x128xf32, #tpu.memory_space<vmem_shared>> -> memref<10240x128xf32, #tpu.memory_space<vmem_shared>>
        tpu.wait_indirect_dma semaphore(%arg16 : memref<!tpu.dma_semaphore, #tpu.memory_space<semaphore_mem>>) src(%arg11 : memref<128x128xf32, #tpu.memory_space<vmem>>) dst(%dma_wait3A_121 : memref<10240x128xf32, #tpu.memory_space<vmem_shared>>)
        %dma_start3A_122 = arith.constant 4 : i32
        %dma_start3A_123 = arith.constant 0 : i32
        %dma_start3A_124 = tpu.memref_slice %arg9[%dma_start3A_122, %dma_start3A_123] : memref<8x128xi32, #tpu.memory_space<vmem>> -> memref<1x128xi32, #tpu.memory_space<vmem>>
        %dma_start3A_125 = tpu.memref_squeeze %dma_start3A_124 : memref<1x128xi32, #tpu.memory_space<vmem>> -> memref<128xi32, #tpu.memory_space<vmem>>
        %dma_start3A_126 = arith.constant 0 : i32
        %dma_start3A_127 = arith.constant 0 : i32
        %dma_start3A_128 = tpu.memref_slice %arg4[%dma_start3A_126, %dma_start3A_127] : memref<10000x128xf32, #tpu.memory_space<hbm>> -> memref<10000x128xf32, #tpu.memory_space<hbm>>
        tpu.enqueue_indirect_dma source(%dma_start3A_128 : memref<10000x128xf32, #tpu.memory_space<hbm>>) target(%arg11 : memref<128x128xf32, #tpu.memory_space<vmem>>) offsets(%dma_start3A_125 : memref<128xi32, #tpu.memory_space<vmem>>) semaphore(%arg14 : memref<!tpu.dma_semaphore, #tpu.memory_space<semaphore_mem>>)
        %dma_wait3A_129 = arith.constant 3 : i32
        %dma_wait3A_130 = arith.constant 0 : i32
        %dma_wait3A_131 = tpu.memref_slice %arg9[%dma_wait3A_129, %dma_wait3A_130] : memref<8x128xi32, #tpu.memory_space<vmem>> -> memref<1x128xi32, #tpu.memory_space<vmem>>
        %dma_wait3A_132 = tpu.memref_squeeze %dma_wait3A_131 : memref<1x128xi32, #tpu.memory_space<vmem>> -> memref<128xi32, #tpu.memory_space<vmem>>
        %dma_wait3A_133 = arith.constant 0 : i32
        %dma_wait3A_134 = arith.constant 0 : i32
        %dma_wait3A_135 = tpu.memref_slice %arg4[%dma_wait3A_133, %dma_wait3A_134] : memref<10000x128xf32, #tpu.memory_space<hbm>> -> memref<10000x128xf32, #tpu.memory_space<hbm>>
        tpu.wait_indirect_dma semaphore(%arg15 : memref<!tpu.dma_semaphore, #tpu.memory_space<semaphore_mem>>) src(%dma_wait3A_135 : memref<10000x128xf32, #tpu.memory_space<hbm>>) dst(%arg12 : memref<128x128xf32, #tpu.memory_space<vmem>>)
        %dma_start3A_136 = arith.constant 3 : i32
        %dma_start3A_137 = arith.constant 0 : i32
        %dma_start3A_138 = tpu.memref_slice %arg10[%dma_start3A_136, %dma_start3A_137] : memref<8x128xi32, #tpu.memory_space<vmem>> -> memref<1x128xi32, #tpu.memory_space<vmem>>
        %dma_start3A_139 = tpu.memref_squeeze %dma_start3A_138 : memref<1x128xi32, #tpu.memory_space<vmem>> -> memref<128xi32, #tpu.memory_space<vmem>>
        %dma_start3A_140 = arith.constant 0 : i32
        %dma_start3A_141 = arith.constant 0 : i32
        %dma_start3A_142 = tpu.memref_slice %arg13[%dma_start3A_140, %dma_start3A_141] : memref<10240x128xf32, #tpu.memory_space<vmem_shared>> -> memref<10240x128xf32, #tpu.memory_space<vmem_shared>>
        tpu.enqueue_indirect_dma source(%arg12 : memref<128x128xf32, #tpu.memory_space<vmem>>) target(%dma_start3A_142 : memref<10240x128xf32, #tpu.memory_space<vmem_shared>>) offsets(%dma_start3A_139 : memref<128xi32, #tpu.memory_space<vmem>>) semaphore(%arg17 : memref<!tpu.dma_semaphore, #tpu.memory_space<semaphore_mem>>) {add = true}
        %dma_wait3A_143 = arith.constant 3 : i32
        %dma_wait3A_144 = arith.constant 0 : i32
        %dma_wait3A_145 = tpu.memref_slice %arg10[%dma_wait3A_143, %dma_wait3A_144] : memref<8x128xi32, #tpu.memory_space<vmem>> -> memref<1x128xi32, #tpu.memory_space<vmem>>
        %dma_wait3A_146 = tpu.memref_squeeze %dma_wait3A_145 : memref<1x128xi32, #tpu.memory_space<vmem>> -> memref<128xi32, #tpu.memory_space<vmem>>
        %dma_wait3A_147 = arith.constant 0 : i32
        %dma_wait3A_148 = arith.constant 0 : i32
        %dma_wait3A_149 = tpu.memref_slice %arg13[%dma_wait3A_147, %dma_wait3A_148] : memref<10240x128xf32, #tpu.memory_space<vmem_shared>> -> memref<10240x128xf32, #tpu.memory_space<vmem_shared>>
        tpu.wait_indirect_dma semaphore(%arg17 : memref<!tpu.dma_semaphore, #tpu.memory_space<semaphore_mem>>) src(%arg12 : memref<128x128xf32, #tpu.memory_space<vmem>>) dst(%dma_wait3A_149 : memref<10240x128xf32, #tpu.memory_space<vmem_shared>>)
        %dma_start3A_150 = arith.constant 5 : i32
        %dma_start3A_151 = arith.constant 0 : i32
        %dma_start3A_152 = tpu.memref_slice %arg9[%dma_start3A_150, %dma_start3A_151] : memref<8x128xi32, #tpu.memory_space<vmem>> -> memref<1x128xi32, #tpu.memory_space<vmem>>
        %dma_start3A_153 = tpu.memref_squeeze %dma_start3A_152 : memref<1x128xi32, #tpu.memory_space<vmem>> -> memref<128xi32, #tpu.memory_space<vmem>>
        %dma_start3A_154 = arith.constant 0 : i32
        %dma_start3A_155 = arith.constant 0 : i32
        %dma_start3A_156 = tpu.memref_slice %arg4[%dma_start3A_154, %dma_start3A_155] : memref<10000x128xf32, #tpu.memory_space<hbm>> -> memref<10000x128xf32, #tpu.memory_space<hbm>>
        tpu.enqueue_indirect_dma source(%dma_start3A_156 : memref<10000x128xf32, #tpu.memory_space<hbm>>) target(%arg12 : memref<128x128xf32, #tpu.memory_space<vmem>>) offsets(%dma_start3A_153 : memref<128xi32, #tpu.memory_space<vmem>>) semaphore(%arg15 : memref<!tpu.dma_semaphore, #tpu.memory_space<semaphore_mem>>)
        %dma_wait3A_157 = arith.constant 4 : i32
        %dma_wait3A_158 = arith.constant 0 : i32
        %dma_wait3A_159 = tpu.memref_slice %arg9[%dma_wait3A_157, %dma_wait3A_158] : memref<8x128xi32, #tpu.memory_space<vmem>> -> memref<1x128xi32, #tpu.memory_space<vmem>>
        %dma_wait3A_160 = tpu.memref_squeeze %dma_wait3A_159 : memref<1x128xi32, #tpu.memory_space<vmem>> -> memref<128xi32, #tpu.memory_space<vmem>>
        %dma_wait3A_161 = arith.constant 0 : i32
        %dma_wait3A_162 = arith.constant 0 : i32
        %dma_wait3A_163 = tpu.memref_slice %arg4[%dma_wait3A_161, %dma_wait3A_162] : memref<10000x128xf32, #tpu.memory_space<hbm>> -> memref<10000x128xf32, #tpu.memory_space<hbm>>
        tpu.wait_indirect_dma semaphore(%arg14 : memref<!tpu.dma_semaphore, #tpu.memory_space<semaphore_mem>>) src(%dma_wait3A_163 : memref<10000x128xf32, #tpu.memory_space<hbm>>) dst(%arg11 : memref<128x128xf32, #tpu.memory_space<vmem>>)
        %dma_start3A_164 = arith.constant 4 : i32
        %dma_start3A_165 = arith.constant 0 : i32
        %dma_start3A_166 = tpu.memref_slice %arg10[%dma_start3A_164, %dma_start3A_165] : memref<8x128xi32, #tpu.memory_space<vmem>> -> memref<1x128xi32, #tpu.memory_space<vmem>>
        %dma_start3A_167 = tpu.memref_squeeze %dma_start3A_166 : memref<1x128xi32, #tpu.memory_space<vmem>> -> memref<128xi32, #tpu.memory_space<vmem>>
        %dma_start3A_168 = arith.constant 0 : i32
        %dma_start3A_169 = arith.constant 0 : i32
        %dma_start3A_170 = tpu.memref_slice %arg13[%dma_start3A_168, %dma_start3A_169] : memref<10240x128xf32, #tpu.memory_space<vmem_shared>> -> memref<10240x128xf32, #tpu.memory_space<vmem_shared>>
        tpu.enqueue_indirect_dma source(%arg11 : memref<128x128xf32, #tpu.memory_space<vmem>>) target(%dma_start3A_170 : memref<10240x128xf32, #tpu.memory_space<vmem_shared>>) offsets(%dma_start3A_167 : memref<128xi32, #tpu.memory_space<vmem>>) semaphore(%arg16 : memref<!tpu.dma_semaphore, #tpu.memory_space<semaphore_mem>>) {add = true}
        %dma_wait3A_171 = arith.constant 4 : i32
        %dma_wait3A_172 = arith.constant 0 : i32
        %dma_wait3A_173 = tpu.memref_slice %arg10[%dma_wait3A_171, %dma_wait3A_172] : memref<8x128xi32, #tpu.memory_space<vmem>> -> memref<1x128xi32, #tpu.memory_space<vmem>>
        %dma_wait3A_174 = tpu.memref_squeeze %dma_wait3A_173 : memref<1x128xi32, #tpu.memory_space<vmem>> -> memref<128xi32, #tpu.memory_space<vmem>>
        %dma_wait3A_175 = arith.constant 0 : i32
        %dma_wait3A_176 = arith.constant 0 : i32
        %dma_wait3A_177 = tpu.memref_slice %arg13[%dma_wait3A_175, %dma_wait3A_176] : memref<10240x128xf32, #tpu.memory_space<vmem_shared>> -> memref<10240x128xf32, #tpu.memory_space<vmem_shared>>
        tpu.wait_indirect_dma semaphore(%arg16 : memref<!tpu.dma_semaphore, #tpu.memory_space<semaphore_mem>>) src(%arg11 : memref<128x128xf32, #tpu.memory_space<vmem>>) dst(%dma_wait3A_177 : memref<10240x128xf32, #tpu.memory_space<vmem_shared>>)
        %dma_start3A_178 = arith.constant 6 : i32
        %dma_start3A_179 = arith.constant 0 : i32
        %dma_start3A_180 = tpu.memref_slice %arg9[%dma_start3A_178, %dma_start3A_179] : memref<8x128xi32, #tpu.memory_space<vmem>> -> memref<1x128xi32, #tpu.memory_space<vmem>>
        %dma_start3A_181 = tpu.memref_squeeze %dma_start3A_180 : memref<1x128xi32, #tpu.memory_space<vmem>> -> memref<128xi32, #tpu.memory_space<vmem>>
        %dma_start3A_182 = arith.constant 0 : i32
        %dma_start3A_183 = arith.constant 0 : i32
        %dma_start3A_184 = tpu.memref_slice %arg4[%dma_start3A_182, %dma_start3A_183] : memref<10000x128xf32, #tpu.memory_space<hbm>> -> memref<10000x128xf32, #tpu.memory_space<hbm>>
        tpu.enqueue_indirect_dma source(%dma_start3A_184 : memref<10000x128xf32, #tpu.memory_space<hbm>>) target(%arg11 : memref<128x128xf32, #tpu.memory_space<vmem>>) offsets(%dma_start3A_181 : memref<128xi32, #tpu.memory_space<vmem>>) semaphore(%arg14 : memref<!tpu.dma_semaphore, #tpu.memory_space<semaphore_mem>>)
        %dma_wait3A_185 = arith.constant 5 : i32
        %dma_wait3A_186 = arith.constant 0 : i32
        %dma_wait3A_187 = tpu.memref_slice %arg9[%dma_wait3A_185, %dma_wait3A_186] : memref<8x128xi32, #tpu.memory_space<vmem>> -> memref<1x128xi32, #tpu.memory_space<vmem>>
        %dma_wait3A_188 = tpu.memref_squeeze %dma_wait3A_187 : memref<1x128xi32, #tpu.memory_space<vmem>> -> memref<128xi32, #tpu.memory_space<vmem>>
        %dma_wait3A_189 = arith.constant 0 : i32
        %dma_wait3A_190 = arith.constant 0 : i32
        %dma_wait3A_191 = tpu.memref_slice %arg4[%dma_wait3A_189, %dma_wait3A_190] : memref<10000x128xf32, #tpu.memory_space<hbm>> -> memref<10000x128xf32, #tpu.memory_space<hbm>>
        tpu.wait_indirect_dma semaphore(%arg15 : memref<!tpu.dma_semaphore, #tpu.memory_space<semaphore_mem>>) src(%dma_wait3A_191 : memref<10000x128xf32, #tpu.memory_space<hbm>>) dst(%arg12 : memref<128x128xf32, #tpu.memory_space<vmem>>)
        %dma_start3A_192 = arith.constant 5 : i32
        %dma_start3A_193 = arith.constant 0 : i32
        %dma_start3A_194 = tpu.memref_slice %arg10[%dma_start3A_192, %dma_start3A_193] : memref<8x128xi32, #tpu.memory_space<vmem>> -> memref<1x128xi32, #tpu.memory_space<vmem>>
        %dma_start3A_195 = tpu.memref_squeeze %dma_start3A_194 : memref<1x128xi32, #tpu.memory_space<vmem>> -> memref<128xi32, #tpu.memory_space<vmem>>
        %dma_start3A_196 = arith.constant 0 : i32
        %dma_start3A_197 = arith.constant 0 : i32
        %dma_start3A_198 = tpu.memref_slice %arg13[%dma_start3A_196, %dma_start3A_197] : memref<10240x128xf32, #tpu.memory_space<vmem_shared>> -> memref<10240x128xf32, #tpu.memory_space<vmem_shared>>
        tpu.enqueue_indirect_dma source(%arg12 : memref<128x128xf32, #tpu.memory_space<vmem>>) target(%dma_start3A_198 : memref<10240x128xf32, #tpu.memory_space<vmem_shared>>) offsets(%dma_start3A_195 : memref<128xi32, #tpu.memory_space<vmem>>) semaphore(%arg17 : memref<!tpu.dma_semaphore, #tpu.memory_space<semaphore_mem>>) {add = true}
        %dma_wait3A_199 = arith.constant 5 : i32
        %dma_wait3A_200 = arith.constant 0 : i32
        %dma_wait3A_201 = tpu.memref_slice %arg10[%dma_wait3A_199, %dma_wait3A_200] : memref<8x128xi32, #tpu.memory_space<vmem>> -> memref<1x128xi32, #tpu.memory_space<vmem>>
        %dma_wait3A_202 = tpu.memref_squeeze %dma_wait3A_201 : memref<1x128xi32, #tpu.memory_space<vmem>> -> memref<128xi32, #tpu.memory_space<vmem>>
        %dma_wait3A_203 = arith.constant 0 : i32
        %dma_wait3A_204 = arith.constant 0 : i32
        %dma_wait3A_205 = tpu.memref_slice %arg13[%dma_wait3A_203, %dma_wait3A_204] : memref<10240x128xf32, #tpu.memory_space<vmem_shared>> -> memref<10240x128xf32, #tpu.memory_space<vmem_shared>>
        tpu.wait_indirect_dma semaphore(%arg17 : memref<!tpu.dma_semaphore, #tpu.memory_space<semaphore_mem>>) src(%arg12 : memref<128x128xf32, #tpu.memory_space<vmem>>) dst(%dma_wait3A_205 : memref<10240x128xf32, #tpu.memory_space<vmem_shared>>)
        %dma_start3A_206 = arith.constant 7 : i32
        %dma_start3A_207 = arith.constant 0 : i32
        %dma_start3A_208 = tpu.memref_slice %arg9[%dma_start3A_206, %dma_start3A_207] : memref<8x128xi32, #tpu.memory_space<vmem>> -> memref<1x128xi32, #tpu.memory_space<vmem>>
        %dma_start3A_209 = tpu.memref_squeeze %dma_start3A_208 : memref<1x128xi32, #tpu.memory_space<vmem>> -> memref<128xi32, #tpu.memory_space<vmem>>
        %dma_start3A_210 = arith.constant 0 : i32
        %dma_start3A_211 = arith.constant 0 : i32
        %dma_start3A_212 = tpu.memref_slice %arg4[%dma_start3A_210, %dma_start3A_211] : memref<10000x128xf32, #tpu.memory_space<hbm>> -> memref<10000x128xf32, #tpu.memory_space<hbm>>
        tpu.enqueue_indirect_dma source(%dma_start3A_212 : memref<10000x128xf32, #tpu.memory_space<hbm>>) target(%arg12 : memref<128x128xf32, #tpu.memory_space<vmem>>) offsets(%dma_start3A_209 : memref<128xi32, #tpu.memory_space<vmem>>) semaphore(%arg15 : memref<!tpu.dma_semaphore, #tpu.memory_space<semaphore_mem>>)
        %dma_wait3A_213 = arith.constant 6 : i32
        %dma_wait3A_214 = arith.constant 0 : i32
        %dma_wait3A_215 = tpu.memref_slice %arg9[%dma_wait3A_213, %dma_wait3A_214] : memref<8x128xi32, #tpu.memory_space<vmem>> -> memref<1x128xi32, #tpu.memory_space<vmem>>
        %dma_wait3A_216 = tpu.memref_squeeze %dma_wait3A_215 : memref<1x128xi32, #tpu.memory_space<vmem>> -> memref<128xi32, #tpu.memory_space<vmem>>
        %dma_wait3A_217 = arith.constant 0 : i32
        %dma_wait3A_218 = arith.constant 0 : i32
        %dma_wait3A_219 = tpu.memref_slice %arg4[%dma_wait3A_217, %dma_wait3A_218] : memref<10000x128xf32, #tpu.memory_space<hbm>> -> memref<10000x128xf32, #tpu.memory_space<hbm>>
        tpu.wait_indirect_dma semaphore(%arg14 : memref<!tpu.dma_semaphore, #tpu.memory_space<semaphore_mem>>) src(%dma_wait3A_219 : memref<10000x128xf32, #tpu.memory_space<hbm>>) dst(%arg11 : memref<128x128xf32, #tpu.memory_space<vmem>>)
        %dma_start3A_220 = arith.constant 6 : i32
        %dma_start3A_221 = arith.constant 0 : i32
        %dma_start3A_222 = tpu.memref_slice %arg10[%dma_start3A_220, %dma_start3A_221] : memref<8x128xi32, #tpu.memory_space<vmem>> -> memref<1x128xi32, #tpu.memory_space<vmem>>
        %dma_start3A_223 = tpu.memref_squeeze %dma_start3A_222 : memref<1x128xi32, #tpu.memory_space<vmem>> -> memref<128xi32, #tpu.memory_space<vmem>>
        %dma_start3A_224 = arith.constant 0 : i32
        %dma_start3A_225 = arith.constant 0 : i32
        %dma_start3A_226 = tpu.memref_slice %arg13[%dma_start3A_224, %dma_start3A_225] : memref<10240x128xf32, #tpu.memory_space<vmem_shared>> -> memref<10240x128xf32, #tpu.memory_space<vmem_shared>>
        tpu.enqueue_indirect_dma source(%arg11 : memref<128x128xf32, #tpu.memory_space<vmem>>) target(%dma_start3A_226 : memref<10240x128xf32, #tpu.memory_space<vmem_shared>>) offsets(%dma_start3A_223 : memref<128xi32, #tpu.memory_space<vmem>>) semaphore(%arg16 : memref<!tpu.dma_semaphore, #tpu.memory_space<semaphore_mem>>) {add = true}
        %dma_wait3A_227 = arith.constant 7 : i32
        %dma_wait3A_228 = arith.constant 0 : i32
        %dma_wait3A_229 = tpu.memref_slice %arg9[%dma_wait3A_227, %dma_wait3A_228] : memref<8x128xi32, #tpu.memory_space<vmem>> -> memref<1x128xi32, #tpu.memory_space<vmem>>
        %dma_wait3A_230 = tpu.memref_squeeze %dma_wait3A_229 : memref<1x128xi32, #tpu.memory_space<vmem>> -> memref<128xi32, #tpu.memory_space<vmem>>
        %dma_wait3A_231 = arith.constant 0 : i32
        %dma_wait3A_232 = arith.constant 0 : i32
        %dma_wait3A_233 = tpu.memref_slice %arg4[%dma_wait3A_231, %dma_wait3A_232] : memref<10000x128xf32, #tpu.memory_space<hbm>> -> memref<10000x128xf32, #tpu.memory_space<hbm>>
        tpu.wait_indirect_dma semaphore(%arg15 : memref<!tpu.dma_semaphore, #tpu.memory_space<semaphore_mem>>) src(%dma_wait3A_233 : memref<10000x128xf32, #tpu.memory_space<hbm>>) dst(%arg12 : memref<128x128xf32, #tpu.memory_space<vmem>>)
        %dma_start3A_234 = arith.constant 7 : i32
        %dma_start3A_235 = arith.constant 0 : i32
        %dma_start3A_236 = tpu.memref_slice %arg10[%dma_start3A_234, %dma_start3A_235] : memref<8x128xi32, #tpu.memory_space<vmem>> -> memref<1x128xi32, #tpu.memory_space<vmem>>
        %dma_start3A_237 = tpu.memref_squeeze %dma_start3A_236 : memref<1x128xi32, #tpu.memory_space<vmem>> -> memref<128xi32, #tpu.memory_space<vmem>>
        %dma_start3A_238 = arith.constant 0 : i32
        %dma_start3A_239 = arith.constant 0 : i32
        %dma_start3A_240 = tpu.memref_slice %arg13[%dma_start3A_238, %dma_start3A_239] : memref<10240x128xf32, #tpu.memory_space<vmem_shared>> -> memref<10240x128xf32, #tpu.memory_space<vmem_shared>>
        tpu.enqueue_indirect_dma source(%arg12 : memref<128x128xf32, #tpu.memory_space<vmem>>) target(%dma_start3A_240 : memref<10240x128xf32, #tpu.memory_space<vmem_shared>>) offsets(%dma_start3A_237 : memref<128xi32, #tpu.memory_space<vmem>>) semaphore(%arg17 : memref<!tpu.dma_semaphore, #tpu.memory_space<semaphore_mem>>) {add = true}
        %dma_wait3A_241 = arith.constant 6 : i32
        %dma_wait3A_242 = arith.constant 0 : i32
        %dma_wait3A_243 = tpu.memref_slice %arg10[%dma_wait3A_241, %dma_wait3A_242] : memref<8x128xi32, #tpu.memory_space<vmem>> -> memref<1x128xi32, #tpu.memory_space<vmem>>
        %dma_wait3A_244 = tpu.memref_squeeze %dma_wait3A_243 : memref<1x128xi32, #tpu.memory_space<vmem>> -> memref<128xi32, #tpu.memory_space<vmem>>
        %dma_wait3A_245 = arith.constant 0 : i32
        %dma_wait3A_246 = arith.constant 0 : i32
        %dma_wait3A_247 = tpu.memref_slice %arg13[%dma_wait3A_245, %dma_wait3A_246] : memref<10240x128xf32, #tpu.memory_space<vmem_shared>> -> memref<10240x128xf32, #tpu.memory_space<vmem_shared>>
        tpu.wait_indirect_dma semaphore(%arg16 : memref<!tpu.dma_semaphore, #tpu.memory_space<semaphore_mem>>) src(%arg11 : memref<128x128xf32, #tpu.memory_space<vmem>>) dst(%dma_wait3A_247 : memref<10240x128xf32, #tpu.memory_space<vmem_shared>>)
        %dma_wait3A_248 = arith.constant 7 : i32
        %dma_wait3A_249 = arith.constant 0 : i32
        %dma_wait3A_250 = tpu.memref_slice %arg10[%dma_wait3A_248, %dma_wait3A_249] : memref<8x128xi32, #tpu.memory_space<vmem>> -> memref<1x128xi32, #tpu.memory_space<vmem>>
        %dma_wait3A_251 = tpu.memref_squeeze %dma_wait3A_250 : memref<1x128xi32, #tpu.memory_space<vmem>> -> memref<128xi32, #tpu.memory_space<vmem>>
        %dma_wait3A_252 = arith.constant 0 : i32
        %dma_wait3A_253 = arith.constant 0 : i32
        %dma_wait3A_254 = tpu.memref_slice %arg13[%dma_wait3A_252, %dma_wait3A_253] : memref<10240x128xf32, #tpu.memory_space<vmem_shared>> -> memref<10240x128xf32, #tpu.memory_space<vmem_shared>>
        tpu.wait_indirect_dma semaphore(%arg17 : memref<!tpu.dma_semaphore, #tpu.memory_space<semaphore_mem>>) src(%arg12 : memref<128x128xf32, #tpu.memory_space<vmem>>) dst(%dma_wait3A_254 : memref<10240x128xf32, #tpu.memory_space<vmem_shared>>)
        %scan3A_255 = arith.constant 0 : i32
        scf.yield %scan3A_255 : i32
      }
      %scan3A_26 = arith.constant 20 : i32
    } else {
    }
    %eq3A_3 = arith.constant 1 : i32
    %eq3A_4 = arith.cmpi eq, %arg0, %eq3A_3 : i32
    %convert_element_type3A_5 = arith.extui %eq3A_4 : i1 to i32
    %cond3A_6 = arith.constant 0 : i32
    %cond3A_7 = arith.cmpi ne, %convert_element_type3A_5, %cond3A_6 : i32
    scf.if %cond3A_7 {
      %scan3A = arith.constant 0 : i32
      %scan3A_21 = arith.constant 0 : i32
      %scan3A_22 = arith.constant 20 : i32
      %scan3A_23 = arith.addi %scan3A_21, %scan3A_22 : i32
      %scan3A_24 = arith.constant 1 : i32
      %scan3A_25 = scf.for %scan3A_27 = %scan3A_21 to %scan3A_23 step %scan3A_24 iter_args(%scan3A_28 = %scan3A) -> (i32)  : i32 {
        %mul3A_29 = arith.constant 8 : i32
        %mul3A_30 = arith.muli %scan3A_27, %mul3A_29 : i32
        "tpu.region"() ({
          %run_scoped3A = tpu.sem_alloc : memref<!tpu.dma_semaphore, #tpu.memory_space<semaphore_mem>>
          %dma_start3A_256 = arith.constant 0 : i32
          %dma_start3A_257 = tpu.memref_slice %arg2[%arg1, %mul3A_30, %dma_start3A_256] : memref<16x160x128xi32, #tpu.memory_space<hbm>> -> memref<1x8x128xi32, #tpu.memory_space<hbm>>
          %dma_start3A_258 = tpu.memref_squeeze %dma_start3A_257 : memref<1x8x128xi32, #tpu.memory_space<hbm>> -> memref<8x128xi32, #tpu.memory_space<hbm>>
          %dma_start3A_259 = arith.constant 0 : i32
          %dma_start3A_260 = tpu.memref_slice %arg2[%arg1, %mul3A_30, %dma_start3A_259] : memref<16x160x128xi32, #tpu.memory_space<hbm>> -> memref<1x8x128xi32, #tpu.memory_space<hbm>>
          %dma_start3A_261 = tpu.memref_squeeze %dma_start3A_260 : memref<1x8x128xi32, #tpu.memory_space<hbm>> -> memref<8x128xi32, #tpu.memory_space<hbm>>
          tpu.enqueue_dma source(%dma_start3A_261 : memref<8x128xi32, #tpu.memory_space<hbm>>) target(%arg9 : memref<8x128xi32, #tpu.memory_space<vmem>>) target_semaphore(%run_scoped3A : memref<!tpu.dma_semaphore, #tpu.memory_space<semaphore_mem>>)
          %dma_wait3A_262 = arith.constant 0 : i32
          %dma_wait3A_263 = tpu.memref_slice %arg2[%arg1, %mul3A_30, %dma_wait3A_262] : memref<16x160x128xi32, #tpu.memory_space<hbm>> -> memref<1x8x128xi32, #tpu.memory_space<hbm>>
          %dma_wait3A_264 = tpu.memref_squeeze %dma_wait3A_263 : memref<1x8x128xi32, #tpu.memory_space<hbm>> -> memref<8x128xi32, #tpu.memory_space<hbm>>
          %dma_wait3A_265 = arith.constant 0 : i32
          %dma_wait3A_266 = tpu.memref_slice %arg2[%arg1, %mul3A_30, %dma_wait3A_265] : memref<16x160x128xi32, #tpu.memory_space<hbm>> -> memref<1x8x128xi32, #tpu.memory_space<hbm>>
          %dma_wait3A_267 = tpu.memref_squeeze %dma_wait3A_266 : memref<1x8x128xi32, #tpu.memory_space<hbm>> -> memref<8x128xi32, #tpu.memory_space<hbm>>
          tpu.wait_dma2 semaphore(%run_scoped3A : memref<!tpu.dma_semaphore, #tpu.memory_space<semaphore_mem>>) src(%dma_wait3A_267 : memref<8x128xi32, #tpu.memory_space<hbm>>) dst(%arg9 : memref<8x128xi32, #tpu.memory_space<vmem>>)
          tpu.yield
        }) : () -> ()
        %mul3A_31 = arith.constant 8 : i32
        %mul3A_32 = arith.muli %scan3A_27, %mul3A_31 : i32
        "tpu.region"() ({
          %run_scoped3A = tpu.sem_alloc : memref<!tpu.dma_semaphore, #tpu.memory_space<semaphore_mem>>
          %dma_start3A_256 = arith.constant 0 : i32
          %dma_start3A_257 = tpu.memref_slice %arg3[%arg1, %mul3A_32, %dma_start3A_256] : memref<16x160x128xi32, #tpu.memory_space<hbm>> -> memref<1x8x128xi32, #tpu.memory_space<hbm>>
          %dma_start3A_258 = tpu.memref_squeeze %dma_start3A_257 : memref<1x8x128xi32, #tpu.memory_space<hbm>> -> memref<8x128xi32, #tpu.memory_space<hbm>>
          %dma_start3A_259 = arith.constant 0 : i32
          %dma_start3A_260 = tpu.memref_slice %arg3[%arg1, %mul3A_32, %dma_start3A_259] : memref<16x160x128xi32, #tpu.memory_space<hbm>> -> memref<1x8x128xi32, #tpu.memory_space<hbm>>
          %dma_start3A_261 = tpu.memref_squeeze %dma_start3A_260 : memref<1x8x128xi32, #tpu.memory_space<hbm>> -> memref<8x128xi32, #tpu.memory_space<hbm>>
          tpu.enqueue_dma source(%dma_start3A_261 : memref<8x128xi32, #tpu.memory_space<hbm>>) target(%arg10 : memref<8x128xi32, #tpu.memory_space<vmem>>) target_semaphore(%run_scoped3A : memref<!tpu.dma_semaphore, #tpu.memory_space<semaphore_mem>>)
          %dma_wait3A_262 = arith.constant 0 : i32
          %dma_wait3A_263 = tpu.memref_slice %arg3[%arg1, %mul3A_32, %dma_wait3A_262] : memref<16x160x128xi32, #tpu.memory_space<hbm>> -> memref<1x8x128xi32, #tpu.memory_space<hbm>>
          %dma_wait3A_264 = tpu.memref_squeeze %dma_wait3A_263 : memref<1x8x128xi32, #tpu.memory_space<hbm>> -> memref<8x128xi32, #tpu.memory_space<hbm>>
          %dma_wait3A_265 = arith.constant 0 : i32
          %dma_wait3A_266 = tpu.memref_slice %arg3[%arg1, %mul3A_32, %dma_wait3A_265] : memref<16x160x128xi32, #tpu.memory_space<hbm>> -> memref<1x8x128xi32, #tpu.memory_space<hbm>>
          %dma_wait3A_267 = tpu.memref_squeeze %dma_wait3A_266 : memref<1x8x128xi32, #tpu.memory_space<hbm>> -> memref<8x128xi32, #tpu.memory_space<hbm>>
          tpu.wait_dma2 semaphore(%run_scoped3A : memref<!tpu.dma_semaphore, #tpu.memory_space<semaphore_mem>>) src(%dma_wait3A_267 : memref<8x128xi32, #tpu.memory_space<hbm>>) dst(%arg10 : memref<8x128xi32, #tpu.memory_space<vmem>>)
          tpu.yield
        }) : () -> ()
        %dma_start3A = arith.constant 0 : i32
        %dma_start3A_33 = arith.constant 0 : i32
        %dma_start3A_34 = tpu.memref_slice %arg9[%dma_start3A, %dma_start3A_33] : memref<8x128xi32, #tpu.memory_space<vmem>> -> memref<1x128xi32, #tpu.memory_space<vmem>>
        %dma_start3A_35 = tpu.memref_squeeze %dma_start3A_34 : memref<1x128xi32, #tpu.memory_space<vmem>> -> memref<128xi32, #tpu.memory_space<vmem>>
        %dma_start3A_36 = arith.constant 0 : i32
        %dma_start3A_37 = arith.constant 0 : i32
        %dma_start3A_38 = tpu.memref_slice %arg5[%dma_start3A_36, %dma_start3A_37] : memref<10000x128xf32, #tpu.memory_space<hbm>> -> memref<10000x128xf32, #tpu.memory_space<hbm>>
        tpu.enqueue_indirect_dma source(%dma_start3A_38 : memref<10000x128xf32, #tpu.memory_space<hbm>>) target(%arg11 : memref<128x128xf32, #tpu.memory_space<vmem>>) offsets(%dma_start3A_35 : memref<128xi32, #tpu.memory_space<vmem>>) semaphore(%arg14 : memref<!tpu.dma_semaphore, #tpu.memory_space<semaphore_mem>>)
        %dma_start3A_39 = arith.constant 1 : i32
        %dma_start3A_40 = arith.constant 0 : i32
        %dma_start3A_41 = tpu.memref_slice %arg9[%dma_start3A_39, %dma_start3A_40] : memref<8x128xi32, #tpu.memory_space<vmem>> -> memref<1x128xi32, #tpu.memory_space<vmem>>
        %dma_start3A_42 = tpu.memref_squeeze %dma_start3A_41 : memref<1x128xi32, #tpu.memory_space<vmem>> -> memref<128xi32, #tpu.memory_space<vmem>>
        %dma_start3A_43 = arith.constant 0 : i32
        %dma_start3A_44 = arith.constant 0 : i32
        %dma_start3A_45 = tpu.memref_slice %arg5[%dma_start3A_43, %dma_start3A_44] : memref<10000x128xf32, #tpu.memory_space<hbm>> -> memref<10000x128xf32, #tpu.memory_space<hbm>>
        tpu.enqueue_indirect_dma source(%dma_start3A_45 : memref<10000x128xf32, #tpu.memory_space<hbm>>) target(%arg12 : memref<128x128xf32, #tpu.memory_space<vmem>>) offsets(%dma_start3A_42 : memref<128xi32, #tpu.memory_space<vmem>>) semaphore(%arg15 : memref<!tpu.dma_semaphore, #tpu.memory_space<semaphore_mem>>)
        %dma_wait3A = arith.constant 0 : i32
        %dma_wait3A_46 = arith.constant 0 : i32
        %dma_wait3A_47 = tpu.memref_slice %arg9[%dma_wait3A, %dma_wait3A_46] : memref<8x128xi32, #tpu.memory_space<vmem>> -> memref<1x128xi32, #tpu.memory_space<vmem>>
        %dma_wait3A_48 = tpu.memref_squeeze %dma_wait3A_47 : memref<1x128xi32, #tpu.memory_space<vmem>> -> memref<128xi32, #tpu.memory_space<vmem>>
        %dma_wait3A_49 = arith.constant 0 : i32
        %dma_wait3A_50 = arith.constant 0 : i32
        %dma_wait3A_51 = tpu.memref_slice %arg5[%dma_wait3A_49, %dma_wait3A_50] : memref<10000x128xf32, #tpu.memory_space<hbm>> -> memref<10000x128xf32, #tpu.memory_space<hbm>>
        tpu.wait_indirect_dma semaphore(%arg14 : memref<!tpu.dma_semaphore, #tpu.memory_space<semaphore_mem>>) src(%dma_wait3A_51 : memref<10000x128xf32, #tpu.memory_space<hbm>>) dst(%arg11 : memref<128x128xf32, #tpu.memory_space<vmem>>)
        %dma_start3A_52 = arith.constant 0 : i32
        %dma_start3A_53 = arith.constant 0 : i32
        %dma_start3A_54 = tpu.memref_slice %arg10[%dma_start3A_52, %dma_start3A_53] : memref<8x128xi32, #tpu.memory_space<vmem>> -> memref<1x128xi32, #tpu.memory_space<vmem>>
        %dma_start3A_55 = tpu.memref_squeeze %dma_start3A_54 : memref<1x128xi32, #tpu.memory_space<vmem>> -> memref<128xi32, #tpu.memory_space<vmem>>
        %dma_start3A_56 = arith.constant 0 : i32
        %dma_start3A_57 = arith.constant 0 : i32
        %dma_start3A_58 = tpu.memref_slice %arg13[%dma_start3A_56, %dma_start3A_57] : memref<10240x128xf32, #tpu.memory_space<vmem_shared>> -> memref<10240x128xf32, #tpu.memory_space<vmem_shared>>
        tpu.enqueue_indirect_dma source(%arg11 : memref<128x128xf32, #tpu.memory_space<vmem>>) target(%dma_start3A_58 : memref<10240x128xf32, #tpu.memory_space<vmem_shared>>) offsets(%dma_start3A_55 : memref<128xi32, #tpu.memory_space<vmem>>) semaphore(%arg16 : memref<!tpu.dma_semaphore, #tpu.memory_space<semaphore_mem>>) {add = true}
        %dma_wait3A_59 = arith.constant 0 : i32
        %dma_wait3A_60 = arith.constant 0 : i32
        %dma_wait3A_61 = tpu.memref_slice %arg10[%dma_wait3A_59, %dma_wait3A_60] : memref<8x128xi32, #tpu.memory_space<vmem>> -> memref<1x128xi32, #tpu.memory_space<vmem>>
        %dma_wait3A_62 = tpu.memref_squeeze %dma_wait3A_61 : memref<1x128xi32, #tpu.memory_space<vmem>> -> memref<128xi32, #tpu.memory_space<vmem>>
        %dma_wait3A_63 = arith.constant 0 : i32
        %dma_wait3A_64 = arith.constant 0 : i32
        %dma_wait3A_65 = tpu.memref_slice %arg13[%dma_wait3A_63, %dma_wait3A_64] : memref<10240x128xf32, #tpu.memory_space<vmem_shared>> -> memref<10240x128xf32, #tpu.memory_space<vmem_shared>>
        tpu.wait_indirect_dma semaphore(%arg16 : memref<!tpu.dma_semaphore, #tpu.memory_space<semaphore_mem>>) src(%arg11 : memref<128x128xf32, #tpu.memory_space<vmem>>) dst(%dma_wait3A_65 : memref<10240x128xf32, #tpu.memory_space<vmem_shared>>)
        %dma_start3A_66 = arith.constant 2 : i32
        %dma_start3A_67 = arith.constant 0 : i32
        %dma_start3A_68 = tpu.memref_slice %arg9[%dma_start3A_66, %dma_start3A_67] : memref<8x128xi32, #tpu.memory_space<vmem>> -> memref<1x128xi32, #tpu.memory_space<vmem>>
        %dma_start3A_69 = tpu.memref_squeeze %dma_start3A_68 : memref<1x128xi32, #tpu.memory_space<vmem>> -> memref<128xi32, #tpu.memory_space<vmem>>
        %dma_start3A_70 = arith.constant 0 : i32
        %dma_start3A_71 = arith.constant 0 : i32
        %dma_start3A_72 = tpu.memref_slice %arg5[%dma_start3A_70, %dma_start3A_71] : memref<10000x128xf32, #tpu.memory_space<hbm>> -> memref<10000x128xf32, #tpu.memory_space<hbm>>
        tpu.enqueue_indirect_dma source(%dma_start3A_72 : memref<10000x128xf32, #tpu.memory_space<hbm>>) target(%arg11 : memref<128x128xf32, #tpu.memory_space<vmem>>) offsets(%dma_start3A_69 : memref<128xi32, #tpu.memory_space<vmem>>) semaphore(%arg14 : memref<!tpu.dma_semaphore, #tpu.memory_space<semaphore_mem>>)
        %dma_wait3A_73 = arith.constant 1 : i32
        %dma_wait3A_74 = arith.constant 0 : i32
        %dma_wait3A_75 = tpu.memref_slice %arg9[%dma_wait3A_73, %dma_wait3A_74] : memref<8x128xi32, #tpu.memory_space<vmem>> -> memref<1x128xi32, #tpu.memory_space<vmem>>
        %dma_wait3A_76 = tpu.memref_squeeze %dma_wait3A_75 : memref<1x128xi32, #tpu.memory_space<vmem>> -> memref<128xi32, #tpu.memory_space<vmem>>
        %dma_wait3A_77 = arith.constant 0 : i32
        %dma_wait3A_78 = arith.constant 0 : i32
        %dma_wait3A_79 = tpu.memref_slice %arg5[%dma_wait3A_77, %dma_wait3A_78] : memref<10000x128xf32, #tpu.memory_space<hbm>> -> memref<10000x128xf32, #tpu.memory_space<hbm>>
        tpu.wait_indirect_dma semaphore(%arg15 : memref<!tpu.dma_semaphore, #tpu.memory_space<semaphore_mem>>) src(%dma_wait3A_79 : memref<10000x128xf32, #tpu.memory_space<hbm>>) dst(%arg12 : memref<128x128xf32, #tpu.memory_space<vmem>>)
        %dma_start3A_80 = arith.constant 1 : i32
        %dma_start3A_81 = arith.constant 0 : i32
        %dma_start3A_82 = tpu.memref_slice %arg10[%dma_start3A_80, %dma_start3A_81] : memref<8x128xi32, #tpu.memory_space<vmem>> -> memref<1x128xi32, #tpu.memory_space<vmem>>
        %dma_start3A_83 = tpu.memref_squeeze %dma_start3A_82 : memref<1x128xi32, #tpu.memory_space<vmem>> -> memref<128xi32, #tpu.memory_space<vmem>>
        %dma_start3A_84 = arith.constant 0 : i32
        %dma_start3A_85 = arith.constant 0 : i32
        %dma_start3A_86 = tpu.memref_slice %arg13[%dma_start3A_84, %dma_start3A_85] : memref<10240x128xf32, #tpu.memory_space<vmem_shared>> -> memref<10240x128xf32, #tpu.memory_space<vmem_shared>>
        tpu.enqueue_indirect_dma source(%arg12 : memref<128x128xf32, #tpu.memory_space<vmem>>) target(%dma_start3A_86 : memref<10240x128xf32, #tpu.memory_space<vmem_shared>>) offsets(%dma_start3A_83 : memref<128xi32, #tpu.memory_space<vmem>>) semaphore(%arg17 : memref<!tpu.dma_semaphore, #tpu.memory_space<semaphore_mem>>) {add = true}
        %dma_wait3A_87 = arith.constant 1 : i32
        %dma_wait3A_88 = arith.constant 0 : i32
        %dma_wait3A_89 = tpu.memref_slice %arg10[%dma_wait3A_87, %dma_wait3A_88] : memref<8x128xi32, #tpu.memory_space<vmem>> -> memref<1x128xi32, #tpu.memory_space<vmem>>
        %dma_wait3A_90 = tpu.memref_squeeze %dma_wait3A_89 : memref<1x128xi32, #tpu.memory_space<vmem>> -> memref<128xi32, #tpu.memory_space<vmem>>
        %dma_wait3A_91 = arith.constant 0 : i32
        %dma_wait3A_92 = arith.constant 0 : i32
        %dma_wait3A_93 = tpu.memref_slice %arg13[%dma_wait3A_91, %dma_wait3A_92] : memref<10240x128xf32, #tpu.memory_space<vmem_shared>> -> memref<10240x128xf32, #tpu.memory_space<vmem_shared>>
        tpu.wait_indirect_dma semaphore(%arg17 : memref<!tpu.dma_semaphore, #tpu.memory_space<semaphore_mem>>) src(%arg12 : memref<128x128xf32, #tpu.memory_space<vmem>>) dst(%dma_wait3A_93 : memref<10240x128xf32, #tpu.memory_space<vmem_shared>>)
        %dma_start3A_94 = arith.constant 3 : i32
        %dma_start3A_95 = arith.constant 0 : i32
        %dma_start3A_96 = tpu.memref_slice %arg9[%dma_start3A_94, %dma_start3A_95] : memref<8x128xi32, #tpu.memory_space<vmem>> -> memref<1x128xi32, #tpu.memory_space<vmem>>
        %dma_start3A_97 = tpu.memref_squeeze %dma_start3A_96 : memref<1x128xi32, #tpu.memory_space<vmem>> -> memref<128xi32, #tpu.memory_space<vmem>>
        %dma_start3A_98 = arith.constant 0 : i32
        %dma_start3A_99 = arith.constant 0 : i32
        %dma_start3A_100 = tpu.memref_slice %arg5[%dma_start3A_98, %dma_start3A_99] : memref<10000x128xf32, #tpu.memory_space<hbm>> -> memref<10000x128xf32, #tpu.memory_space<hbm>>
        tpu.enqueue_indirect_dma source(%dma_start3A_100 : memref<10000x128xf32, #tpu.memory_space<hbm>>) target(%arg12 : memref<128x128xf32, #tpu.memory_space<vmem>>) offsets(%dma_start3A_97 : memref<128xi32, #tpu.memory_space<vmem>>) semaphore(%arg15 : memref<!tpu.dma_semaphore, #tpu.memory_space<semaphore_mem>>)
        %dma_wait3A_101 = arith.constant 2 : i32
        %dma_wait3A_102 = arith.constant 0 : i32
        %dma_wait3A_103 = tpu.memref_slice %arg9[%dma_wait3A_101, %dma_wait3A_102] : memref<8x128xi32, #tpu.memory_space<vmem>> -> memref<1x128xi32, #tpu.memory_space<vmem>>
        %dma_wait3A_104 = tpu.memref_squeeze %dma_wait3A_103 : memref<1x128xi32, #tpu.memory_space<vmem>> -> memref<128xi32, #tpu.memory_space<vmem>>
        %dma_wait3A_105 = arith.constant 0 : i32
        %dma_wait3A_106 = arith.constant 0 : i32
        %dma_wait3A_107 = tpu.memref_slice %arg5[%dma_wait3A_105, %dma_wait3A_106] : memref<10000x128xf32, #tpu.memory_space<hbm>> -> memref<10000x128xf32, #tpu.memory_space<hbm>>
        tpu.wait_indirect_dma semaphore(%arg14 : memref<!tpu.dma_semaphore, #tpu.memory_space<semaphore_mem>>) src(%dma_wait3A_107 : memref<10000x128xf32, #tpu.memory_space<hbm>>) dst(%arg11 : memref<128x128xf32, #tpu.memory_space<vmem>>)
        %dma_start3A_108 = arith.constant 2 : i32
        %dma_start3A_109 = arith.constant 0 : i32
        %dma_start3A_110 = tpu.memref_slice %arg10[%dma_start3A_108, %dma_start3A_109] : memref<8x128xi32, #tpu.memory_space<vmem>> -> memref<1x128xi32, #tpu.memory_space<vmem>>
        %dma_start3A_111 = tpu.memref_squeeze %dma_start3A_110 : memref<1x128xi32, #tpu.memory_space<vmem>> -> memref<128xi32, #tpu.memory_space<vmem>>
        %dma_start3A_112 = arith.constant 0 : i32
        %dma_start3A_113 = arith.constant 0 : i32
        %dma_start3A_114 = tpu.memref_slice %arg13[%dma_start3A_112, %dma_start3A_113] : memref<10240x128xf32, #tpu.memory_space<vmem_shared>> -> memref<10240x128xf32, #tpu.memory_space<vmem_shared>>
        tpu.enqueue_indirect_dma source(%arg11 : memref<128x128xf32, #tpu.memory_space<vmem>>) target(%dma_start3A_114 : memref<10240x128xf32, #tpu.memory_space<vmem_shared>>) offsets(%dma_start3A_111 : memref<128xi32, #tpu.memory_space<vmem>>) semaphore(%arg16 : memref<!tpu.dma_semaphore, #tpu.memory_space<semaphore_mem>>) {add = true}
        %dma_wait3A_115 = arith.constant 2 : i32
        %dma_wait3A_116 = arith.constant 0 : i32
        %dma_wait3A_117 = tpu.memref_slice %arg10[%dma_wait3A_115, %dma_wait3A_116] : memref<8x128xi32, #tpu.memory_space<vmem>> -> memref<1x128xi32, #tpu.memory_space<vmem>>
        %dma_wait3A_118 = tpu.memref_squeeze %dma_wait3A_117 : memref<1x128xi32, #tpu.memory_space<vmem>> -> memref<128xi32, #tpu.memory_space<vmem>>
        %dma_wait3A_119 = arith.constant 0 : i32
        %dma_wait3A_120 = arith.constant 0 : i32
        %dma_wait3A_121 = tpu.memref_slice %arg13[%dma_wait3A_119, %dma_wait3A_120] : memref<10240x128xf32, #tpu.memory_space<vmem_shared>> -> memref<10240x128xf32, #tpu.memory_space<vmem_shared>>
        tpu.wait_indirect_dma semaphore(%arg16 : memref<!tpu.dma_semaphore, #tpu.memory_space<semaphore_mem>>) src(%arg11 : memref<128x128xf32, #tpu.memory_space<vmem>>) dst(%dma_wait3A_121 : memref<10240x128xf32, #tpu.memory_space<vmem_shared>>)
        %dma_start3A_122 = arith.constant 4 : i32
        %dma_start3A_123 = arith.constant 0 : i32
        %dma_start3A_124 = tpu.memref_slice %arg9[%dma_start3A_122, %dma_start3A_123] : memref<8x128xi32, #tpu.memory_space<vmem>> -> memref<1x128xi32, #tpu.memory_space<vmem>>
        %dma_start3A_125 = tpu.memref_squeeze %dma_start3A_124 : memref<1x128xi32, #tpu.memory_space<vmem>> -> memref<128xi32, #tpu.memory_space<vmem>>
        %dma_start3A_126 = arith.constant 0 : i32
        %dma_start3A_127 = arith.constant 0 : i32
        %dma_start3A_128 = tpu.memref_slice %arg5[%dma_start3A_126, %dma_start3A_127] : memref<10000x128xf32, #tpu.memory_space<hbm>> -> memref<10000x128xf32, #tpu.memory_space<hbm>>
        tpu.enqueue_indirect_dma source(%dma_start3A_128 : memref<10000x128xf32, #tpu.memory_space<hbm>>) target(%arg11 : memref<128x128xf32, #tpu.memory_space<vmem>>) offsets(%dma_start3A_125 : memref<128xi32, #tpu.memory_space<vmem>>) semaphore(%arg14 : memref<!tpu.dma_semaphore, #tpu.memory_space<semaphore_mem>>)
        %dma_wait3A_129 = arith.constant 3 : i32
        %dma_wait3A_130 = arith.constant 0 : i32
        %dma_wait3A_131 = tpu.memref_slice %arg9[%dma_wait3A_129, %dma_wait3A_130] : memref<8x128xi32, #tpu.memory_space<vmem>> -> memref<1x128xi32, #tpu.memory_space<vmem>>
        %dma_wait3A_132 = tpu.memref_squeeze %dma_wait3A_131 : memref<1x128xi32, #tpu.memory_space<vmem>> -> memref<128xi32, #tpu.memory_space<vmem>>
        %dma_wait3A_133 = arith.constant 0 : i32
        %dma_wait3A_134 = arith.constant 0 : i32
        %dma_wait3A_135 = tpu.memref_slice %arg5[%dma_wait3A_133, %dma_wait3A_134] : memref<10000x128xf32, #tpu.memory_space<hbm>> -> memref<10000x128xf32, #tpu.memory_space<hbm>>
        tpu.wait_indirect_dma semaphore(%arg15 : memref<!tpu.dma_semaphore, #tpu.memory_space<semaphore_mem>>) src(%dma_wait3A_135 : memref<10000x128xf32, #tpu.memory_space<hbm>>) dst(%arg12 : memref<128x128xf32, #tpu.memory_space<vmem>>)
        %dma_start3A_136 = arith.constant 3 : i32
        %dma_start3A_137 = arith.constant 0 : i32
        %dma_start3A_138 = tpu.memref_slice %arg10[%dma_start3A_136, %dma_start3A_137] : memref<8x128xi32, #tpu.memory_space<vmem>> -> memref<1x128xi32, #tpu.memory_space<vmem>>
        %dma_start3A_139 = tpu.memref_squeeze %dma_start3A_138 : memref<1x128xi32, #tpu.memory_space<vmem>> -> memref<128xi32, #tpu.memory_space<vmem>>
        %dma_start3A_140 = arith.constant 0 : i32
        %dma_start3A_141 = arith.constant 0 : i32
        %dma_start3A_142 = tpu.memref_slice %arg13[%dma_start3A_140, %dma_start3A_141] : memref<10240x128xf32, #tpu.memory_space<vmem_shared>> -> memref<10240x128xf32, #tpu.memory_space<vmem_shared>>
        tpu.enqueue_indirect_dma source(%arg12 : memref<128x128xf32, #tpu.memory_space<vmem>>) target(%dma_start3A_142 : memref<10240x128xf32, #tpu.memory_space<vmem_shared>>) offsets(%dma_start3A_139 : memref<128xi32, #tpu.memory_space<vmem>>) semaphore(%arg17 : memref<!tpu.dma_semaphore, #tpu.memory_space<semaphore_mem>>) {add = true}
        %dma_wait3A_143 = arith.constant 3 : i32
        %dma_wait3A_144 = arith.constant 0 : i32
        %dma_wait3A_145 = tpu.memref_slice %arg10[%dma_wait3A_143, %dma_wait3A_144] : memref<8x128xi32, #tpu.memory_space<vmem>> -> memref<1x128xi32, #tpu.memory_space<vmem>>
        %dma_wait3A_146 = tpu.memref_squeeze %dma_wait3A_145 : memref<1x128xi32, #tpu.memory_space<vmem>> -> memref<128xi32, #tpu.memory_space<vmem>>
        %dma_wait3A_147 = arith.constant 0 : i32
        %dma_wait3A_148 = arith.constant 0 : i32
        %dma_wait3A_149 = tpu.memref_slice %arg13[%dma_wait3A_147, %dma_wait3A_148] : memref<10240x128xf32, #tpu.memory_space<vmem_shared>> -> memref<10240x128xf32, #tpu.memory_space<vmem_shared>>
        tpu.wait_indirect_dma semaphore(%arg17 : memref<!tpu.dma_semaphore, #tpu.memory_space<semaphore_mem>>) src(%arg12 : memref<128x128xf32, #tpu.memory_space<vmem>>) dst(%dma_wait3A_149 : memref<10240x128xf32, #tpu.memory_space<vmem_shared>>)
        %dma_start3A_150 = arith.constant 5 : i32
        %dma_start3A_151 = arith.constant 0 : i32
        %dma_start3A_152 = tpu.memref_slice %arg9[%dma_start3A_150, %dma_start3A_151] : memref<8x128xi32, #tpu.memory_space<vmem>> -> memref<1x128xi32, #tpu.memory_space<vmem>>
        %dma_start3A_153 = tpu.memref_squeeze %dma_start3A_152 : memref<1x128xi32, #tpu.memory_space<vmem>> -> memref<128xi32, #tpu.memory_space<vmem>>
        %dma_start3A_154 = arith.constant 0 : i32
        %dma_start3A_155 = arith.constant 0 : i32
        %dma_start3A_156 = tpu.memref_slice %arg5[%dma_start3A_154, %dma_start3A_155] : memref<10000x128xf32, #tpu.memory_space<hbm>> -> memref<10000x128xf32, #tpu.memory_space<hbm>>
        tpu.enqueue_indirect_dma source(%dma_start3A_156 : memref<10000x128xf32, #tpu.memory_space<hbm>>) target(%arg12 : memref<128x128xf32, #tpu.memory_space<vmem>>) offsets(%dma_start3A_153 : memref<128xi32, #tpu.memory_space<vmem>>) semaphore(%arg15 : memref<!tpu.dma_semaphore, #tpu.memory_space<semaphore_mem>>)
        %dma_wait3A_157 = arith.constant 4 : i32
        %dma_wait3A_158 = arith.constant 0 : i32
        %dma_wait3A_159 = tpu.memref_slice %arg9[%dma_wait3A_157, %dma_wait3A_158] : memref<8x128xi32, #tpu.memory_space<vmem>> -> memref<1x128xi32, #tpu.memory_space<vmem>>
        %dma_wait3A_160 = tpu.memref_squeeze %dma_wait3A_159 : memref<1x128xi32, #tpu.memory_space<vmem>> -> memref<128xi32, #tpu.memory_space<vmem>>
        %dma_wait3A_161 = arith.constant 0 : i32
        %dma_wait3A_162 = arith.constant 0 : i32
        %dma_wait3A_163 = tpu.memref_slice %arg5[%dma_wait3A_161, %dma_wait3A_162] : memref<10000x128xf32, #tpu.memory_space<hbm>> -> memref<10000x128xf32, #tpu.memory_space<hbm>>
        tpu.wait_indirect_dma semaphore(%arg14 : memref<!tpu.dma_semaphore, #tpu.memory_space<semaphore_mem>>) src(%dma_wait3A_163 : memref<10000x128xf32, #tpu.memory_space<hbm>>) dst(%arg11 : memref<128x128xf32, #tpu.memory_space<vmem>>)
        %dma_start3A_164 = arith.constant 4 : i32
        %dma_start3A_165 = arith.constant 0 : i32
        %dma_start3A_166 = tpu.memref_slice %arg10[%dma_start3A_164, %dma_start3A_165] : memref<8x128xi32, #tpu.memory_space<vmem>> -> memref<1x128xi32, #tpu.memory_space<vmem>>
        %dma_start3A_167 = tpu.memref_squeeze %dma_start3A_166 : memref<1x128xi32, #tpu.memory_space<vmem>> -> memref<128xi32, #tpu.memory_space<vmem>>
        %dma_start3A_168 = arith.constant 0 : i32
        %dma_start3A_169 = arith.constant 0 : i32
        %dma_start3A_170 = tpu.memref_slice %arg13[%dma_start3A_168, %dma_start3A_169] : memref<10240x128xf32, #tpu.memory_space<vmem_shared>> -> memref<10240x128xf32, #tpu.memory_space<vmem_shared>>
        tpu.enqueue_indirect_dma source(%arg11 : memref<128x128xf32, #tpu.memory_space<vmem>>) target(%dma_start3A_170 : memref<10240x128xf32, #tpu.memory_space<vmem_shared>>) offsets(%dma_start3A_167 : memref<128xi32, #tpu.memory_space<vmem>>) semaphore(%arg16 : memref<!tpu.dma_semaphore, #tpu.memory_space<semaphore_mem>>) {add = true}
        %dma_wait3A_171 = arith.constant 4 : i32
        %dma_wait3A_172 = arith.constant 0 : i32
        %dma_wait3A_173 = tpu.memref_slice %arg10[%dma_wait3A_171, %dma_wait3A_172] : memref<8x128xi32, #tpu.memory_space<vmem>> -> memref<1x128xi32, #tpu.memory_space<vmem>>
        %dma_wait3A_174 = tpu.memref_squeeze %dma_wait3A_173 : memref<1x128xi32, #tpu.memory_space<vmem>> -> memref<128xi32, #tpu.memory_space<vmem>>
        %dma_wait3A_175 = arith.constant 0 : i32
        %dma_wait3A_176 = arith.constant 0 : i32
        %dma_wait3A_177 = tpu.memref_slice %arg13[%dma_wait3A_175, %dma_wait3A_176] : memref<10240x128xf32, #tpu.memory_space<vmem_shared>> -> memref<10240x128xf32, #tpu.memory_space<vmem_shared>>
        tpu.wait_indirect_dma semaphore(%arg16 : memref<!tpu.dma_semaphore, #tpu.memory_space<semaphore_mem>>) src(%arg11 : memref<128x128xf32, #tpu.memory_space<vmem>>) dst(%dma_wait3A_177 : memref<10240x128xf32, #tpu.memory_space<vmem_shared>>)
        %dma_start3A_178 = arith.constant 6 : i32
        %dma_start3A_179 = arith.constant 0 : i32
        %dma_start3A_180 = tpu.memref_slice %arg9[%dma_start3A_178, %dma_start3A_179] : memref<8x128xi32, #tpu.memory_space<vmem>> -> memref<1x128xi32, #tpu.memory_space<vmem>>
        %dma_start3A_181 = tpu.memref_squeeze %dma_start3A_180 : memref<1x128xi32, #tpu.memory_space<vmem>> -> memref<128xi32, #tpu.memory_space<vmem>>
        %dma_start3A_182 = arith.constant 0 : i32
        %dma_start3A_183 = arith.constant 0 : i32
        %dma_start3A_184 = tpu.memref_slice %arg5[%dma_start3A_182, %dma_start3A_183] : memref<10000x128xf32, #tpu.memory_space<hbm>> -> memref<10000x128xf32, #tpu.memory_space<hbm>>
        tpu.enqueue_indirect_dma source(%dma_start3A_184 : memref<10000x128xf32, #tpu.memory_space<hbm>>) target(%arg11 : memref<128x128xf32, #tpu.memory_space<vmem>>) offsets(%dma_start3A_181 : memref<128xi32, #tpu.memory_space<vmem>>) semaphore(%arg14 : memref<!tpu.dma_semaphore, #tpu.memory_space<semaphore_mem>>)
        %dma_wait3A_185 = arith.constant 5 : i32
        %dma_wait3A_186 = arith.constant 0 : i32
        %dma_wait3A_187 = tpu.memref_slice %arg9[%dma_wait3A_185, %dma_wait3A_186] : memref<8x128xi32, #tpu.memory_space<vmem>> -> memref<1x128xi32, #tpu.memory_space<vmem>>
        %dma_wait3A_188 = tpu.memref_squeeze %dma_wait3A_187 : memref<1x128xi32, #tpu.memory_space<vmem>> -> memref<128xi32, #tpu.memory_space<vmem>>
        %dma_wait3A_189 = arith.constant 0 : i32
        %dma_wait3A_190 = arith.constant 0 : i32
        %dma_wait3A_191 = tpu.memref_slice %arg5[%dma_wait3A_189, %dma_wait3A_190] : memref<10000x128xf32, #tpu.memory_space<hbm>> -> memref<10000x128xf32, #tpu.memory_space<hbm>>
        tpu.wait_indirect_dma semaphore(%arg15 : memref<!tpu.dma_semaphore, #tpu.memory_space<semaphore_mem>>) src(%dma_wait3A_191 : memref<10000x128xf32, #tpu.memory_space<hbm>>) dst(%arg12 : memref<128x128xf32, #tpu.memory_space<vmem>>)
        %dma_start3A_192 = arith.constant 5 : i32
        %dma_start3A_193 = arith.constant 0 : i32
        %dma_start3A_194 = tpu.memref_slice %arg10[%dma_start3A_192, %dma_start3A_193] : memref<8x128xi32, #tpu.memory_space<vmem>> -> memref<1x128xi32, #tpu.memory_space<vmem>>
        %dma_start3A_195 = tpu.memref_squeeze %dma_start3A_194 : memref<1x128xi32, #tpu.memory_space<vmem>> -> memref<128xi32, #tpu.memory_space<vmem>>
        %dma_start3A_196 = arith.constant 0 : i32
        %dma_start3A_197 = arith.constant 0 : i32
        %dma_start3A_198 = tpu.memref_slice %arg13[%dma_start3A_196, %dma_start3A_197] : memref<10240x128xf32, #tpu.memory_space<vmem_shared>> -> memref<10240x128xf32, #tpu.memory_space<vmem_shared>>
        tpu.enqueue_indirect_dma source(%arg12 : memref<128x128xf32, #tpu.memory_space<vmem>>) target(%dma_start3A_198 : memref<10240x128xf32, #tpu.memory_space<vmem_shared>>) offsets(%dma_start3A_195 : memref<128xi32, #tpu.memory_space<vmem>>) semaphore(%arg17 : memref<!tpu.dma_semaphore, #tpu.memory_space<semaphore_mem>>) {add = true}
        %dma_wait3A_199 = arith.constant 5 : i32
        %dma_wait3A_200 = arith.constant 0 : i32
        %dma_wait3A_201 = tpu.memref_slice %arg10[%dma_wait3A_199, %dma_wait3A_200] : memref<8x128xi32, #tpu.memory_space<vmem>> -> memref<1x128xi32, #tpu.memory_space<vmem>>
        %dma_wait3A_202 = tpu.memref_squeeze %dma_wait3A_201 : memref<1x128xi32, #tpu.memory_space<vmem>> -> memref<128xi32, #tpu.memory_space<vmem>>
        %dma_wait3A_203 = arith.constant 0 : i32
        %dma_wait3A_204 = arith.constant 0 : i32
        %dma_wait3A_205 = tpu.memref_slice %arg13[%dma_wait3A_203, %dma_wait3A_204] : memref<10240x128xf32, #tpu.memory_space<vmem_shared>> -> memref<10240x128xf32, #tpu.memory_space<vmem_shared>>
        tpu.wait_indirect_dma semaphore(%arg17 : memref<!tpu.dma_semaphore, #tpu.memory_space<semaphore_mem>>) src(%arg12 : memref<128x128xf32, #tpu.memory_space<vmem>>) dst(%dma_wait3A_205 : memref<10240x128xf32, #tpu.memory_space<vmem_shared>>)
        %dma_start3A_206 = arith.constant 7 : i32
        %dma_start3A_207 = arith.constant 0 : i32
        %dma_start3A_208 = tpu.memref_slice %arg9[%dma_start3A_206, %dma_start3A_207] : memref<8x128xi32, #tpu.memory_space<vmem>> -> memref<1x128xi32, #tpu.memory_space<vmem>>
        %dma_start3A_209 = tpu.memref_squeeze %dma_start3A_208 : memref<1x128xi32, #tpu.memory_space<vmem>> -> memref<128xi32, #tpu.memory_space<vmem>>
        %dma_start3A_210 = arith.constant 0 : i32
        %dma_start3A_211 = arith.constant 0 : i32
        %dma_start3A_212 = tpu.memref_slice %arg5[%dma_start3A_210, %dma_start3A_211] : memref<10000x128xf32, #tpu.memory_space<hbm>> -> memref<10000x128xf32, #tpu.memory_space<hbm>>
        tpu.enqueue_indirect_dma source(%dma_start3A_212 : memref<10000x128xf32, #tpu.memory_space<hbm>>) target(%arg12 : memref<128x128xf32, #tpu.memory_space<vmem>>) offsets(%dma_start3A_209 : memref<128xi32, #tpu.memory_space<vmem>>) semaphore(%arg15 : memref<!tpu.dma_semaphore, #tpu.memory_space<semaphore_mem>>)
        %dma_wait3A_213 = arith.constant 6 : i32
        %dma_wait3A_214 = arith.constant 0 : i32
        %dma_wait3A_215 = tpu.memref_slice %arg9[%dma_wait3A_213, %dma_wait3A_214] : memref<8x128xi32, #tpu.memory_space<vmem>> -> memref<1x128xi32, #tpu.memory_space<vmem>>
        %dma_wait3A_216 = tpu.memref_squeeze %dma_wait3A_215 : memref<1x128xi32, #tpu.memory_space<vmem>> -> memref<128xi32, #tpu.memory_space<vmem>>
        %dma_wait3A_217 = arith.constant 0 : i32
        %dma_wait3A_218 = arith.constant 0 : i32
        %dma_wait3A_219 = tpu.memref_slice %arg5[%dma_wait3A_217, %dma_wait3A_218] : memref<10000x128xf32, #tpu.memory_space<hbm>> -> memref<10000x128xf32, #tpu.memory_space<hbm>>
        tpu.wait_indirect_dma semaphore(%arg14 : memref<!tpu.dma_semaphore, #tpu.memory_space<semaphore_mem>>) src(%dma_wait3A_219 : memref<10000x128xf32, #tpu.memory_space<hbm>>) dst(%arg11 : memref<128x128xf32, #tpu.memory_space<vmem>>)
        %dma_start3A_220 = arith.constant 6 : i32
        %dma_start3A_221 = arith.constant 0 : i32
        %dma_start3A_222 = tpu.memref_slice %arg10[%dma_start3A_220, %dma_start3A_221] : memref<8x128xi32, #tpu.memory_space<vmem>> -> memref<1x128xi32, #tpu.memory_space<vmem>>
        %dma_start3A_223 = tpu.memref_squeeze %dma_start3A_222 : memref<1x128xi32, #tpu.memory_space<vmem>> -> memref<128xi32, #tpu.memory_space<vmem>>
        %dma_start3A_224 = arith.constant 0 : i32
        %dma_start3A_225 = arith.constant 0 : i32
        %dma_start3A_226 = tpu.memref_slice %arg13[%dma_start3A_224, %dma_start3A_225] : memref<10240x128xf32, #tpu.memory_space<vmem_shared>> -> memref<10240x128xf32, #tpu.memory_space<vmem_shared>>
        tpu.enqueue_indirect_dma source(%arg11 : memref<128x128xf32, #tpu.memory_space<vmem>>) target(%dma_start3A_226 : memref<10240x128xf32, #tpu.memory_space<vmem_shared>>) offsets(%dma_start3A_223 : memref<128xi32, #tpu.memory_space<vmem>>) semaphore(%arg16 : memref<!tpu.dma_semaphore, #tpu.memory_space<semaphore_mem>>) {add = true}
        %dma_wait3A_227 = arith.constant 7 : i32
        %dma_wait3A_228 = arith.constant 0 : i32
        %dma_wait3A_229 = tpu.memref_slice %arg9[%dma_wait3A_227, %dma_wait3A_228] : memref<8x128xi32, #tpu.memory_space<vmem>> -> memref<1x128xi32, #tpu.memory_space<vmem>>
        %dma_wait3A_230 = tpu.memref_squeeze %dma_wait3A_229 : memref<1x128xi32, #tpu.memory_space<vmem>> -> memref<128xi32, #tpu.memory_space<vmem>>
        %dma_wait3A_231 = arith.constant 0 : i32
        %dma_wait3A_232 = arith.constant 0 : i32
        %dma_wait3A_233 = tpu.memref_slice %arg5[%dma_wait3A_231, %dma_wait3A_232] : memref<10000x128xf32, #tpu.memory_space<hbm>> -> memref<10000x128xf32, #tpu.memory_space<hbm>>
        tpu.wait_indirect_dma semaphore(%arg15 : memref<!tpu.dma_semaphore, #tpu.memory_space<semaphore_mem>>) src(%dma_wait3A_233 : memref<10000x128xf32, #tpu.memory_space<hbm>>) dst(%arg12 : memref<128x128xf32, #tpu.memory_space<vmem>>)
        %dma_start3A_234 = arith.constant 7 : i32
        %dma_start3A_235 = arith.constant 0 : i32
        %dma_start3A_236 = tpu.memref_slice %arg10[%dma_start3A_234, %dma_start3A_235] : memref<8x128xi32, #tpu.memory_space<vmem>> -> memref<1x128xi32, #tpu.memory_space<vmem>>
        %dma_start3A_237 = tpu.memref_squeeze %dma_start3A_236 : memref<1x128xi32, #tpu.memory_space<vmem>> -> memref<128xi32, #tpu.memory_space<vmem>>
        %dma_start3A_238 = arith.constant 0 : i32
        %dma_start3A_239 = arith.constant 0 : i32
        %dma_start3A_240 = tpu.memref_slice %arg13[%dma_start3A_238, %dma_start3A_239] : memref<10240x128xf32, #tpu.memory_space<vmem_shared>> -> memref<10240x128xf32, #tpu.memory_space<vmem_shared>>
        tpu.enqueue_indirect_dma source(%arg12 : memref<128x128xf32, #tpu.memory_space<vmem>>) target(%dma_start3A_240 : memref<10240x128xf32, #tpu.memory_space<vmem_shared>>) offsets(%dma_start3A_237 : memref<128xi32, #tpu.memory_space<vmem>>) semaphore(%arg17 : memref<!tpu.dma_semaphore, #tpu.memory_space<semaphore_mem>>) {add = true}
        %dma_wait3A_241 = arith.constant 6 : i32
        %dma_wait3A_242 = arith.constant 0 : i32
        %dma_wait3A_243 = tpu.memref_slice %arg10[%dma_wait3A_241, %dma_wait3A_242] : memref<8x128xi32, #tpu.memory_space<vmem>> -> memref<1x128xi32, #tpu.memory_space<vmem>>
        %dma_wait3A_244 = tpu.memref_squeeze %dma_wait3A_243 : memref<1x128xi32, #tpu.memory_space<vmem>> -> memref<128xi32, #tpu.memory_space<vmem>>
        %dma_wait3A_245 = arith.constant 0 : i32
        %dma_wait3A_246 = arith.constant 0 : i32
        %dma_wait3A_247 = tpu.memref_slice %arg13[%dma_wait3A_245, %dma_wait3A_246] : memref<10240x128xf32, #tpu.memory_space<vmem_shared>> -> memref<10240x128xf32, #tpu.memory_space<vmem_shared>>
        tpu.wait_indirect_dma semaphore(%arg16 : memref<!tpu.dma_semaphore, #tpu.memory_space<semaphore_mem>>) src(%arg11 : memref<128x128xf32, #tpu.memory_space<vmem>>) dst(%dma_wait3A_247 : memref<10240x128xf32, #tpu.memory_space<vmem_shared>>)
        %dma_wait3A_248 = arith.constant 7 : i32
        %dma_wait3A_249 = arith.constant 0 : i32
        %dma_wait3A_250 = tpu.memref_slice %arg10[%dma_wait3A_248, %dma_wait3A_249] : memref<8x128xi32, #tpu.memory_space<vmem>> -> memref<1x128xi32, #tpu.memory_space<vmem>>
        %dma_wait3A_251 = tpu.memref_squeeze %dma_wait3A_250 : memref<1x128xi32, #tpu.memory_space<vmem>> -> memref<128xi32, #tpu.memory_space<vmem>>
        %dma_wait3A_252 = arith.constant 0 : i32
        %dma_wait3A_253 = arith.constant 0 : i32
        %dma_wait3A_254 = tpu.memref_slice %arg13[%dma_wait3A_252, %dma_wait3A_253] : memref<10240x128xf32, #tpu.memory_space<vmem_shared>> -> memref<10240x128xf32, #tpu.memory_space<vmem_shared>>
        tpu.wait_indirect_dma semaphore(%arg17 : memref<!tpu.dma_semaphore, #tpu.memory_space<semaphore_mem>>) src(%arg12 : memref<128x128xf32, #tpu.memory_space<vmem>>) dst(%dma_wait3A_254 : memref<10240x128xf32, #tpu.memory_space<vmem_shared>>)
        %scan3A_255 = arith.constant 0 : i32
        scf.yield %scan3A_255 : i32
      }
      %scan3A_26 = arith.constant 20 : i32
    } else {
    }
    %barrier3A_8 = arith.constant 0 : index
    tpu.barrier barrier_id(%barrier3A_8)
    %mul3A_9 = arith.constant 640 : i32
    %mul3A_10 = arith.muli %arg1, %mul3A_9 : i32
    %eq3A_11 = arith.constant 0 : i32
    %eq3A_12 = arith.cmpi eq, %arg0, %eq3A_11 : i32
    %convert_element_type3A_13 = arith.extui %eq3A_12 : i1 to i32
    %cond3A_14 = arith.constant 0 : i32
    %cond3A_15 = arith.cmpi ne, %convert_element_type3A_13, %cond3A_14 : i32
    scf.if %cond3A_15 {
      "tpu.region"() ({
        %run_scoped3A = tpu.sem_alloc : memref<!tpu.dma_semaphore, #tpu.memory_space<semaphore_mem>>
        %dma_start3A = arith.constant 0 : i32
        %dma_start3A_21 = tpu.memref_slice %arg7[%mul3A_10, %dma_start3A] : memref<10240x128xf32, #tpu.memory_space<hbm>> -> memref<640x128xf32, #tpu.memory_space<hbm>>
        %dma_start3A_22 = arith.constant 0 : i32
        %dma_start3A_23 = tpu.memref_slice %arg13[%mul3A_10, %dma_start3A_22] : memref<10240x128xf32, #tpu.memory_space<vmem_shared>> -> memref<640x128xf32, #tpu.memory_space<vmem_shared>>
        tpu.enqueue_dma source(%dma_start3A_23 : memref<640x128xf32, #tpu.memory_space<vmem_shared>>) target(%dma_start3A_21 : memref<640x128xf32, #tpu.memory_space<hbm>>) target_semaphore(%run_scoped3A : memref<!tpu.dma_semaphore, #tpu.memory_space<semaphore_mem>>)
        %dma_wait3A = arith.constant 0 : i32
        %dma_wait3A_24 = tpu.memref_slice %arg7[%mul3A_10, %dma_wait3A] : memref<10240x128xf32, #tpu.memory_space<hbm>> -> memref<640x128xf32, #tpu.memory_space<hbm>>
        %dma_wait3A_25 = arith.constant 0 : i32
        %dma_wait3A_26 = tpu.memref_slice %arg13[%mul3A_10, %dma_wait3A_25] : memref<10240x128xf32, #tpu.memory_space<vmem_shared>> -> memref<640x128xf32, #tpu.memory_space<vmem_shared>>
        tpu.wait_dma2 semaphore(%run_scoped3A : memref<!tpu.dma_semaphore, #tpu.memory_space<semaphore_mem>>) src(%dma_wait3A_26 : memref<640x128xf32, #tpu.memory_space<vmem_shared>>) dst(%dma_wait3A_24 : memref<640x128xf32, #tpu.memory_space<hbm>>)
        tpu.yield
      }) : () -> ()
    } else {
    }
    %eq3A_16 = arith.constant 1 : i32
    %eq3A_17 = arith.cmpi eq, %arg0, %eq3A_16 : i32
    %convert_element_type3A_18 = arith.extui %eq3A_17 : i1 to i32
    %cond3A_19 = arith.constant 0 : i32
    %cond3A_20 = arith.cmpi ne, %convert_element_type3A_18, %cond3A_19 : i32
    scf.if %cond3A_20 {
      "tpu.region"() ({
        %run_scoped3A = tpu.sem_alloc : memref<!tpu.dma_semaphore, #tpu.memory_space<semaphore_mem>>
        %dma_start3A = arith.constant 0 : i32
        %dma_start3A_21 = tpu.memref_slice %arg8[%mul3A_10, %dma_start3A] : memref<10240x128xf32, #tpu.memory_space<hbm>> -> memref<640x128xf32, #tpu.memory_space<hbm>>
        %dma_start3A_22 = arith.constant 0 : i32
        %dma_start3A_23 = tpu.memref_slice %arg13[%mul3A_10, %dma_start3A_22] : memref<10240x128xf32, #tpu.memory_space<vmem_shared>> -> memref<640x128xf32, #tpu.memory_space<vmem_shared>>
        tpu.enqueue_dma source(%dma_start3A_23 : memref<640x128xf32, #tpu.memory_space<vmem_shared>>) target(%dma_start3A_21 : memref<640x128xf32, #tpu.memory_space<hbm>>) target_semaphore(%run_scoped3A : memref<!tpu.dma_semaphore, #tpu.memory_space<semaphore_mem>>)
        %dma_wait3A = arith.constant 0 : i32
        %dma_wait3A_24 = tpu.memref_slice %arg8[%mul3A_10, %dma_wait3A] : memref<10240x128xf32, #tpu.memory_space<hbm>> -> memref<640x128xf32, #tpu.memory_space<hbm>>
        %dma_wait3A_25 = arith.constant 0 : i32
        %dma_wait3A_26 = tpu.memref_slice %arg13[%mul3A_10, %dma_wait3A_25] : memref<10240x128xf32, #tpu.memory_space<vmem_shared>> -> memref<640x128xf32, #tpu.memory_space<vmem_shared>>
        tpu.wait_dma2 semaphore(%run_scoped3A : memref<!tpu.dma_semaphore, #tpu.memory_space<semaphore_mem>>) src(%dma_wait3A_26 : memref<640x128xf32, #tpu.memory_space<vmem_shared>>) dst(%dma_wait3A_24 : memref<640x128xf32, #tpu.memory_space<hbm>>)
        tpu.yield
      }) : () -> ()
    } else {
    }
    return
  }
}

module attributes {stable_mosaic.version = 14 : i64} {
  func.func @_zs_body(%arg0: i32, %arg1: memref<1000x128xf32, #tpu.memory_space<vmem>>, %arg2: memref<1000x128xf32, #tpu.memory_space<vmem>>, %arg3: memref<1000x128xf32, #tpu.memory_space<vmem>>, %arg4: memref<1x128xf32, #tpu.memory_space<vmem>>, %arg5: memref<1x128xf32, #tpu.memory_space<vmem>>, %arg6: memref<128x256xf32, #tpu.memory_space<vmem>>, %arg7: memref<1000x128xf32, #tpu.memory_space<vmem>>, %arg8: memref<1000x128xf32, #tpu.memory_space<vmem>>) attributes {dimension_semantics = [#tpu.dimension_semantics<arbitrary>], iteration_bounds = array<i64: 10>, scalar_prefetch = 0 : i64, scratch_operands = 0 : i64, tpu.core_type = #tpu.core_type<tc>, window_params = [{transform_indices = @transform_0, window_bounds = array<i64: 1000, 128>}, {transform_indices = @transform_1, window_bounds = array<i64: 1000, 128>}, {transform_indices = @transform_2, window_bounds = array<i64: 1000, 128>}, {pipeline_mode = #tpu.pipeline_mode<synchronous>, transform_indices = @transform_3, window_bounds = array<i64: 1, 128>}, {pipeline_mode = #tpu.pipeline_mode<synchronous>, transform_indices = @transform_4, window_bounds = array<i64: 1, 128>}, {pipeline_mode = #tpu.pipeline_mode<synchronous>, transform_indices = @transform_5, window_bounds = array<i64: 128, 256>}, {transform_indices = @transform_6, window_bounds = array<i64: 1000, 128>}, {transform_indices = @transform_7, window_bounds = array<i64: 1000, 128>}]} {
    %get3A = arith.constant 0 : index
    %get3A_0 = arith.constant 0 : index
    %get3A_1 = vector.load %arg2[%get3A, %get3A_0] : memref<1000x128xf32, #tpu.memory_space<vmem>>, vector<1000x1xf32>
    %get3A_2 = arith.constant 0 : index
    %get3A_3 = arith.constant 0 : index
    %get3A_4 = vector.load %arg3[%get3A_2, %get3A_3] : memref<1000x128xf32, #tpu.memory_space<vmem>>, vector<1000x1xf32>
    %add3A = arith.addf %get3A_1, %get3A_4 : vector<1000x1xf32>
    %add3A_5 = arith.constant 1.000000e+00 : f32
    %add3A_6 = vector.broadcast %add3A_5 : f32 to vector<1000x1xf32>
    %add3A_7 = arith.addf %add3A, %add3A_6 : vector<1000x1xf32>
    %rsqrt3A = math.rsqrt %add3A_7 : vector<1000x1xf32>
    %get3A_8 = arith.constant 0 : index
    %get3A_9 = arith.constant 0 : index
    %get3A_10 = vector.load %arg1[%get3A_8, %get3A_9] : memref<1000x128xf32, #tpu.memory_space<vmem>>, vector<1000x128xf32>
    %get3A_11 = arith.constant 0 : index
    %get3A_12 = arith.constant 0 : index
    %get3A_13 = vector.load %arg4[%get3A_11, %get3A_12] : memref<1x128xf32, #tpu.memory_space<vmem>>, vector<1x128xf32>
    %mul3A = vector.broadcast %get3A_13 : vector<1x128xf32> to vector<1000x128xf32>
    %mul3A_14 = arith.mulf %get3A_10, %mul3A : vector<1000x128xf32>
    %get3A_15 = arith.constant 0 : index
    %get3A_16 = arith.constant 0 : index
    %get3A_17 = vector.load %arg5[%get3A_15, %get3A_16] : memref<1x128xf32, #tpu.memory_space<vmem>>, vector<1x128xf32>
    %add3A_18 = vector.broadcast %get3A_17 : vector<1x128xf32> to vector<1000x128xf32>
    %add3A_19 = arith.addf %mul3A_14, %add3A_18 : vector<1000x128xf32>
    %get3A_20 = arith.constant 0 : index
    %get3A_21 = arith.constant 0 : index
    %get3A_22 = vector.load %arg6[%get3A_20, %get3A_21] : memref<128x256xf32, #tpu.memory_space<vmem>>, vector<128x256xf32>
    %dot_general3A = arith.constant dense<0.000000e+00> : vector<1000x256xf32>
    %dot_general3A_23 = tpu.matmul %add3A_19, %get3A_22, %dot_general3A {dimension_numbers = #tpu.dot_dimension_numbers<[1], [0], [0], [1], [0, 0, 1, 1], [], []>, transpose_lhs_hint = false} : vector<1000x128xf32>, vector<128x256xf32>, vector<1000x256xf32> -> vector<1000x256xf32>
    %mul3A_24 = vector.broadcast %rsqrt3A : vector<1000x1xf32> to vector<1000x256xf32>
    %mul3A_25 = arith.mulf %dot_general3A_23, %mul3A_24 : vector<1000x256xf32>
    %slice3A = vector.extract_strided_slice %mul3A_25 {offsets = [0, 0], sizes = [1000, 128], strides = [1, 1]} : vector<1000x256xf32> to vector<1000x128xf32>
    %swap3A = arith.constant 0 : index
    %swap3A_26 = arith.constant 0 : index
    %swap3A_27 = vector.load %arg7[%swap3A, %swap3A_26] : memref<1000x128xf32, #tpu.memory_space<vmem>>, vector<1000x128xf32>
    tpu.vector_store %arg7[%swap3A, %swap3A_26], %slice3A {strides = array<i32>} : memref<1000x128xf32, #tpu.memory_space<vmem>>, vector<1000x128xf32>,
    %slice3A_28 = vector.extract_strided_slice %mul3A_25 {offsets = [0, 128], sizes = [1000, 128], strides = [1, 1]} : vector<1000x256xf32> to vector<1000x128xf32>
    %swap3A_29 = arith.constant 0 : index
    %swap3A_30 = arith.constant 0 : index
    %swap3A_31 = vector.load %arg8[%swap3A_29, %swap3A_30] : memref<1000x128xf32, #tpu.memory_space<vmem>>, vector<1000x128xf32>
    tpu.vector_store %arg8[%swap3A_29, %swap3A_30], %slice3A_28 {strides = array<i32>} : memref<1000x128xf32, #tpu.memory_space<vmem>>, vector<1000x128xf32>,
    return
  }
  func.func @transform_0(%arg0: i32) -> (i32, i32) {
    %c0_i32 = arith.constant 0 : i32
    %c0_i32_0 = arith.constant 0 : i32
    return %arg0, %c0_i32 : i32, i32
  }
  func.func @transform_1(%arg0: i32) -> (i32, i32) {
    %c0_i32 = arith.constant 0 : i32
    %c0_i32_0 = arith.constant 0 : i32
    return %arg0, %c0_i32 : i32, i32
  }
  func.func @transform_2(%arg0: i32) -> (i32, i32) {
    %c0_i32 = arith.constant 0 : i32
    %c0_i32_0 = arith.constant 0 : i32
    return %arg0, %c0_i32 : i32, i32
  }
  func.func @transform_3(%arg0: i32) -> (i32, i32) {
    %c0_i32 = arith.constant 0 : i32
    %c0_i32_0 = arith.constant 0 : i32
    %c0_i32_1 = arith.constant 0 : i32
    return %c0_i32, %c0_i32_0 : i32, i32
  }
  func.func @transform_4(%arg0: i32) -> (i32, i32) {
    %c0_i32 = arith.constant 0 : i32
    %c0_i32_0 = arith.constant 0 : i32
    %c0_i32_1 = arith.constant 0 : i32
    return %c0_i32, %c0_i32_0 : i32, i32
  }
  func.func @transform_5(%arg0: i32) -> (i32, i32) {
    %c0_i32 = arith.constant 0 : i32
    %c0_i32_0 = arith.constant 0 : i32
    %c0_i32_1 = arith.constant 0 : i32
    return %c0_i32, %c0_i32_0 : i32, i32
  }
  func.func @transform_6(%arg0: i32) -> (i32, i32) {
    %c0_i32 = arith.constant 0 : i32
    %c0_i32_0 = arith.constant 0 : i32
    return %arg0, %c0_i32 : i32, i32
  }
  func.func @transform_7(%arg0: i32) -> (i32, i32) {
    %c0_i32 = arith.constant 0 : i32
    %c0_i32_0 = arith.constant 0 : i32
    return %arg0, %c0_i32 : i32, i32
  }
}

module attributes {stable_mosaic.version = 14 : i64} {
  func.func @_mid_body(%arg0: i32, %arg1: memref<1000x128xf32, #tpu.memory_space<vmem>>, %arg2: memref<1000x128xf32, #tpu.memory_space<vmem>>, %arg3: memref<1000x128xf32, #tpu.memory_space<vmem>>, %arg4: memref<1000x128xf32, #tpu.memory_space<vmem>>, %arg5: memref<1000x128xf32, #tpu.memory_space<vmem>>, %arg6: memref<1000x128xf32, #tpu.memory_space<vmem>>, %arg7: memref<1x256xf32, #tpu.memory_space<vmem>>, %arg8: memref<1x256xf32, #tpu.memory_space<vmem>>, %arg9: memref<1x256xf32, #tpu.memory_space<vmem>>, %arg10: memref<1x256xf32, #tpu.memory_space<vmem>>, %arg11: memref<1x256xf32, #tpu.memory_space<vmem>>, %arg12: memref<256x256xf32, #tpu.memory_space<vmem>>, %arg13: memref<1000x256xf32, #tpu.memory_space<vmem>>, %arg14: memref<1000x128xf32, #tpu.memory_space<vmem>>, %arg15: memref<1000x128xf32, #tpu.memory_space<vmem>>) attributes {dimension_semantics = [#tpu.dimension_semantics<arbitrary>], iteration_bounds = array<i64: 10>, scalar_prefetch = 0 : i64, scratch_operands = 0 : i64, tpu.core_type = #tpu.core_type<tc>, window_params = [{transform_indices = @transform_0, window_bounds = array<i64: 1000, 128>}, {transform_indices = @transform_1, window_bounds = array<i64: 1000, 128>}, {transform_indices = @transform_2, window_bounds = array<i64: 1000, 128>}, {transform_indices = @transform_3, window_bounds = array<i64: 1000, 128>}, {transform_indices = @transform_4, window_bounds = array<i64: 1000, 128>}, {transform_indices = @transform_5, window_bounds = array<i64: 1000, 128>}, {pipeline_mode = #tpu.pipeline_mode<synchronous>, transform_indices = @transform_6, window_bounds = array<i64: 1, 256>}, {pipeline_mode = #tpu.pipeline_mode<synchronous>, transform_indices = @transform_7, window_bounds = array<i64: 1, 256>}, {pipeline_mode = #tpu.pipeline_mode<synchronous>, transform_indices = @transform_8, window_bounds = array<i64: 1, 256>}, {pipeline_mode = #tpu.pipeline_mode<synchronous>, transform_indices = @transform_9, window_bounds = array<i64: 1, 256>}, {pipeline_mode = #tpu.pipeline_mode<synchronous>, transform_indices = @transform_10, window_bounds = array<i64: 1, 256>}, {pipeline_mode = #tpu.pipeline_mode<synchronous>, transform_indices = @transform_11, window_bounds = array<i64: 256, 256>}, {transform_indices = @transform_12, window_bounds = array<i64: 1000, 256>}, {transform_indices = @transform_13, window_bounds = array<i64: 1000, 128>}, {transform_indices = @transform_14, window_bounds = array<i64: 1000, 128>}]} {
    %get3A = arith.constant 0 : index
    %get3A_0 = arith.constant 0 : index
    %get3A_1 = vector.load %arg5[%get3A, %get3A_0] : memref<1000x128xf32, #tpu.memory_space<vmem>>, vector<1000x1xf32>
    %get3A_2 = arith.constant 0 : index
    %get3A_3 = arith.constant 0 : index
    %get3A_4 = vector.load %arg6[%get3A_2, %get3A_3] : memref<1000x128xf32, #tpu.memory_space<vmem>>, vector<1000x1xf32>
    %add3A = arith.addf %get3A_1, %get3A_4 : vector<1000x1xf32>
    %add3A_5 = arith.constant 1.000000e+00 : f32
    %add3A_6 = vector.broadcast %add3A_5 : f32 to vector<1000x1xf32>
    %add3A_7 = arith.addf %add3A, %add3A_6 : vector<1000x1xf32>
    %rsqrt3A = math.rsqrt %add3A_7 : vector<1000x1xf32>
    %get3A_8 = arith.constant 0 : index
    %get3A_9 = arith.constant 0 : index
    %get3A_10 = vector.load %arg1[%get3A_8, %get3A_9] : memref<1000x128xf32, #tpu.memory_space<vmem>>, vector<1000x128xf32>
    %get3A_11 = arith.constant 0 : index
    %get3A_12 = arith.constant 0 : index
    %get3A_13 = vector.load %arg2[%get3A_11, %get3A_12] : memref<1000x128xf32, #tpu.memory_space<vmem>>, vector<1000x128xf32>
    %concatenate3A = tpu.concatenate %get3A_10, %get3A_13 in 1 : vector<1000x128xf32>, vector<1000x128xf32> -> vector<1000x256xf32>
    %get3A_14 = arith.constant 0 : index
    %get3A_15 = arith.constant 0 : index
    %get3A_16 = vector.load %arg3[%get3A_14, %get3A_15] : memref<1000x128xf32, #tpu.memory_space<vmem>>, vector<1000x128xf32>
    %get3A_17 = arith.constant 0 : index
    %get3A_18 = arith.constant 0 : index
    %get3A_19 = vector.load %arg4[%get3A_17, %get3A_18] : memref<1000x128xf32, #tpu.memory_space<vmem>>, vector<1000x128xf32>
    %concatenate3A_20 = tpu.concatenate %get3A_16, %get3A_19 in 1 : vector<1000x128xf32>, vector<1000x128xf32> -> vector<1000x256xf32>
    %add3A_21 = arith.addf %concatenate3A, %concatenate3A_20 : vector<1000x256xf32>
    %mul3A = vector.broadcast %rsqrt3A : vector<1000x1xf32> to vector<1000x256xf32>
    %mul3A_22 = arith.mulf %mul3A, %add3A_21 : vector<1000x256xf32>
    %get3A_23 = arith.constant 0 : index
    %get3A_24 = arith.constant 0 : index
    %get3A_25 = vector.load %arg7[%get3A_23, %get3A_24] : memref<1x256xf32, #tpu.memory_space<vmem>>, vector<1x256xf32>
    %add3A_26 = vector.broadcast %get3A_25 : vector<1x256xf32> to vector<1000x256xf32>
    %add3A_27 = arith.addf %mul3A_22, %add3A_26 : vector<1000x256xf32>
    %max3A = arith.constant 0.000000e+00 : f32
    %max3A_28 = vector.broadcast %max3A : f32 to vector<1000x256xf32>
    %max3A_29 = arith.maximumf %add3A_27, %max3A_28 : vector<1000x256xf32>
    %get3A_30 = arith.constant 0 : index
    %get3A_31 = arith.constant 0 : index
    %get3A_32 = vector.load %arg8[%get3A_30, %get3A_31] : memref<1x256xf32, #tpu.memory_space<vmem>>, vector<1x256xf32>
    %mul3A_33 = vector.broadcast %get3A_32 : vector<1x256xf32> to vector<1000x256xf32>
    %mul3A_34 = arith.mulf %max3A_29, %mul3A_33 : vector<1000x256xf32>
    %get3A_35 = arith.constant 0 : index
    %get3A_36 = arith.constant 0 : index
    %get3A_37 = vector.load %arg9[%get3A_35, %get3A_36] : memref<1x256xf32, #tpu.memory_space<vmem>>, vector<1x256xf32>
    %add3A_38 = vector.broadcast %get3A_37 : vector<1x256xf32> to vector<1000x256xf32>
    %add3A_39 = arith.addf %mul3A_34, %add3A_38 : vector<1000x256xf32>
    %reduce_sum3A = arith.constant dense<0.000000e+00> : vector<1000xf32>
    %reduce_sum3A_40 = vector.multi_reduction <add>, %add3A_39, %reduce_sum3A [1] : vector<1000x256xf32> to vector<1000xf32>
    %broadcast_in_dim3A = vector.shape_cast %reduce_sum3A_40 : vector<1000xf32> to vector<1000x1xf32>
    %div3A = arith.constant 2.560000e+02 : f32
    %div3A_41 = vector.broadcast %div3A : f32 to vector<1000x1xf32>
    %div3A_42 = arith.divf %broadcast_in_dim3A, %div3A_41 : vector<1000x1xf32>
    %sub3A = vector.broadcast %div3A_42 : vector<1000x1xf32> to vector<1000x256xf32>
    %sub3A_43 = arith.subf %add3A_39, %sub3A : vector<1000x256xf32>
    %mul3A_44 = arith.mulf %sub3A_43, %sub3A_43 : vector<1000x256xf32>
    %reduce_sum3A_45 = arith.constant dense<0.000000e+00> : vector<1000xf32>
    %reduce_sum3A_46 = vector.multi_reduction <add>, %mul3A_44, %reduce_sum3A_45 [1] : vector<1000x256xf32> to vector<1000xf32>
    %broadcast_in_dim3A_47 = vector.shape_cast %reduce_sum3A_46 : vector<1000xf32> to vector<1000x1xf32>
    %div3A_48 = arith.constant 2.560000e+02 : f32
    %div3A_49 = vector.broadcast %div3A_48 : f32 to vector<1000x1xf32>
    %div3A_50 = arith.divf %broadcast_in_dim3A_47, %div3A_49 : vector<1000x1xf32>
    %add3A_51 = arith.constant 9.99999974E-6 : f32
    %add3A_52 = vector.broadcast %add3A_51 : f32 to vector<1000x1xf32>
    %add3A_53 = arith.addf %div3A_50, %add3A_52 : vector<1000x1xf32>
    %rsqrt3A_54 = math.rsqrt %add3A_53 : vector<1000x1xf32>
    %mul3A_55 = vector.broadcast %rsqrt3A_54 : vector<1000x1xf32> to vector<1000x256xf32>
    %mul3A_56 = arith.mulf %sub3A_43, %mul3A_55 : vector<1000x256xf32>
    %get3A_57 = arith.constant 0 : index
    %get3A_58 = arith.constant 0 : index
    %get3A_59 = vector.load %arg10[%get3A_57, %get3A_58] : memref<1x256xf32, #tpu.memory_space<vmem>>, vector<1x256xf32>
    %mul3A_60 = vector.broadcast %get3A_59 : vector<1x256xf32> to vector<1000x256xf32>
    %mul3A_61 = arith.mulf %mul3A_56, %mul3A_60 : vector<1000x256xf32>
    %get3A_62 = arith.constant 0 : index
    %get3A_63 = arith.constant 0 : index
    %get3A_64 = vector.load %arg11[%get3A_62, %get3A_63] : memref<1x256xf32, #tpu.memory_space<vmem>>, vector<1x256xf32>
    %add3A_65 = vector.broadcast %get3A_64 : vector<1x256xf32> to vector<1000x256xf32>
    %add3A_66 = arith.addf %mul3A_61, %add3A_65 : vector<1000x256xf32>
    %swap3A = arith.constant 0 : index
    %swap3A_67 = arith.constant 0 : index
    %swap3A_68 = vector.load %arg13[%swap3A, %swap3A_67] : memref<1000x256xf32, #tpu.memory_space<vmem>>, vector<1000x256xf32>
    tpu.vector_store %arg13[%swap3A, %swap3A_67], %add3A_66 {strides = array<i32>} : memref<1000x256xf32, #tpu.memory_space<vmem>>, vector<1000x256xf32>,
    %get3A_69 = arith.constant 0 : index
    %get3A_70 = arith.constant 0 : index
    %get3A_71 = vector.load %arg12[%get3A_69, %get3A_70] : memref<256x256xf32, #tpu.memory_space<vmem>>, vector<256x256xf32>
    %dot_general3A = arith.constant dense<0.000000e+00> : vector<1000x256xf32>
    %dot_general3A_72 = tpu.matmul %add3A_66, %get3A_71, %dot_general3A {dimension_numbers = #tpu.dot_dimension_numbers<[1], [0], [0], [1], [0, 0, 1, 1], [], []>, transpose_lhs_hint = false} : vector<1000x256xf32>, vector<256x256xf32>, vector<1000x256xf32> -> vector<1000x256xf32>
    %mul3A_73 = vector.broadcast %rsqrt3A : vector<1000x1xf32> to vector<1000x256xf32>
    %mul3A_74 = arith.mulf %dot_general3A_72, %mul3A_73 : vector<1000x256xf32>
    %slice3A = vector.extract_strided_slice %mul3A_74 {offsets = [0, 0], sizes = [1000, 128], strides = [1, 1]} : vector<1000x256xf32> to vector<1000x128xf32>
    %swap3A_75 = arith.constant 0 : index
    %swap3A_76 = arith.constant 0 : index
    %swap3A_77 = vector.load %arg14[%swap3A_75, %swap3A_76] : memref<1000x128xf32, #tpu.memory_space<vmem>>, vector<1000x128xf32>
    tpu.vector_store %arg14[%swap3A_75, %swap3A_76], %slice3A {strides = array<i32>} : memref<1000x128xf32, #tpu.memory_space<vmem>>, vector<1000x128xf32>,
    %slice3A_78 = vector.extract_strided_slice %mul3A_74 {offsets = [0, 128], sizes = [1000, 128], strides = [1, 1]} : vector<1000x256xf32> to vector<1000x128xf32>
    %swap3A_79 = arith.constant 0 : index
    %swap3A_80 = arith.constant 0 : index
    %swap3A_81 = vector.load %arg15[%swap3A_79, %swap3A_80] : memref<1000x128xf32, #tpu.memory_space<vmem>>, vector<1000x128xf32>
    tpu.vector_store %arg15[%swap3A_79, %swap3A_80], %slice3A_78 {strides = array<i32>} : memref<1000x128xf32, #tpu.memory_space<vmem>>, vector<1000x128xf32>,
    return
  }
  func.func @transform_0(%arg0: i32) -> (i32, i32) {
    %c0_i32 = arith.constant 0 : i32
    %c0_i32_0 = arith.constant 0 : i32
    return %arg0, %c0_i32 : i32, i32
  }
  func.func @transform_1(%arg0: i32) -> (i32, i32) {
    %c0_i32 = arith.constant 0 : i32
    %c0_i32_0 = arith.constant 0 : i32
    return %arg0, %c0_i32 : i32, i32
  }
  func.func @transform_2(%arg0: i32) -> (i32, i32) {
    %c0_i32 = arith.constant 0 : i32
    %c0_i32_0 = arith.constant 0 : i32
    return %arg0, %c0_i32 : i32, i32
  }
  func.func @transform_3(%arg0: i32) -> (i32, i32) {
    %c0_i32 = arith.constant 0 : i32
    %c0_i32_0 = arith.constant 0 : i32
    return %arg0, %c0_i32 : i32, i32
  }
  func.func @transform_4(%arg0: i32) -> (i32, i32) {
    %c0_i32 = arith.constant 0 : i32
    %c0_i32_0 = arith.constant 0 : i32
    return %arg0, %c0_i32 : i32, i32
  }
  func.func @transform_5(%arg0: i32) -> (i32, i32) {
    %c0_i32 = arith.constant 0 : i32
    %c0_i32_0 = arith.constant 0 : i32
    return %arg0, %c0_i32 : i32, i32
  }
  func.func @transform_6(%arg0: i32) -> (i32, i32) {
    %c0_i32 = arith.constant 0 : i32
    %c0_i32_0 = arith.constant 0 : i32
    %c0_i32_1 = arith.constant 0 : i32
    return %c0_i32, %c0_i32_0 : i32, i32
  }
  func.func @transform_7(%arg0: i32) -> (i32, i32) {
    %c0_i32 = arith.constant 0 : i32
    %c0_i32_0 = arith.constant 0 : i32
    %c0_i32_1 = arith.constant 0 : i32
    return %c0_i32, %c0_i32_0 : i32, i32
  }
  func.func @transform_8(%arg0: i32) -> (i32, i32) {
    %c0_i32 = arith.constant 0 : i32
    %c0_i32_0 = arith.constant 0 : i32
    %c0_i32_1 = arith.constant 0 : i32
    return %c0_i32, %c0_i32_0 : i32, i32
  }
  func.func @transform_9(%arg0: i32) -> (i32, i32) {
    %c0_i32 = arith.constant 0 : i32
    %c0_i32_0 = arith.constant 0 : i32
    %c0_i32_1 = arith.constant 0 : i32
    return %c0_i32, %c0_i32_0 : i32, i32
  }
  func.func @transform_10(%arg0: i32) -> (i32, i32) {
    %c0_i32 = arith.constant 0 : i32
    %c0_i32_0 = arith.constant 0 : i32
    %c0_i32_1 = arith.constant 0 : i32
    return %c0_i32, %c0_i32_0 : i32, i32
  }
  func.func @transform_11(%arg0: i32) -> (i32, i32) {
    %c0_i32 = arith.constant 0 : i32
    %c0_i32_0 = arith.constant 0 : i32
    %c0_i32_1 = arith.constant 0 : i32
    return %c0_i32, %c0_i32_0 : i32, i32
  }
  func.func @transform_12(%arg0: i32) -> (i32, i32) {
    %c0_i32 = arith.constant 0 : i32
    %c0_i32_0 = arith.constant 0 : i32
    return %arg0, %c0_i32 : i32, i32
  }
  func.func @transform_13(%arg0: i32) -> (i32, i32) {
    %c0_i32 = arith.constant 0 : i32
    %c0_i32_0 = arith.constant 0 : i32
    return %arg0, %c0_i32 : i32, i32
  }
  func.func @transform_14(%arg0: i32) -> (i32, i32) {
    %c0_i32 = arith.constant 0 : i32
    %c0_i32_0 = arith.constant 0 : i32
    return %arg0, %c0_i32 : i32, i32
  }
}

module attributes {stable_mosaic.version = 14 : i64} {
  func.func @_fin_body(%arg0: i32, %arg1: memref<1000x128xf32, #tpu.memory_space<vmem>>, %arg2: memref<1000x128xf32, #tpu.memory_space<vmem>>, %arg3: memref<1000x128xf32, #tpu.memory_space<vmem>>, %arg4: memref<1000x128xf32, #tpu.memory_space<vmem>>, %arg5: memref<1000x128xf32, #tpu.memory_space<vmem>>, %arg6: memref<1000x128xf32, #tpu.memory_space<vmem>>, %arg7: memref<1000x256xf32, #tpu.memory_space<vmem>>, %arg8: memref<1x256xf32, #tpu.memory_space<vmem>>, %arg9: memref<1x256xf32, #tpu.memory_space<vmem>>, %arg10: memref<1x256xf32, #tpu.memory_space<vmem>>, %arg11: memref<1x256xf32, #tpu.memory_space<vmem>>, %arg12: memref<1x256xf32, #tpu.memory_space<vmem>>, %arg13: memref<2x256xf32, #tpu.memory_space<vmem>>, %arg14: memref<1x2xf32, #tpu.memory_space<vmem>>, %arg15: memref<1000x2xf32, #tpu.memory_space<vmem>>) attributes {dimension_semantics = [#tpu.dimension_semantics<arbitrary>], iteration_bounds = array<i64: 10>, scalar_prefetch = 0 : i64, scratch_operands = 0 : i64, tpu.core_type = #tpu.core_type<tc>, window_params = [{transform_indices = @transform_0, window_bounds = array<i64: 1000, 128>}, {transform_indices = @transform_1, window_bounds = array<i64: 1000, 128>}, {transform_indices = @transform_2, window_bounds = array<i64: 1000, 128>}, {transform_indices = @transform_3, window_bounds = array<i64: 1000, 128>}, {transform_indices = @transform_4, window_bounds = array<i64: 1000, 128>}, {transform_indices = @transform_5, window_bounds = array<i64: 1000, 128>}, {transform_indices = @transform_6, window_bounds = array<i64: 1000, 256>}, {pipeline_mode = #tpu.pipeline_mode<synchronous>, transform_indices = @transform_7, window_bounds = array<i64: 1, 256>}, {pipeline_mode = #tpu.pipeline_mode<synchronous>, transform_indices = @transform_8, window_bounds = array<i64: 1, 256>}, {pipeline_mode = #tpu.pipeline_mode<synchronous>, transform_indices = @transform_9, window_bounds = array<i64: 1, 256>}, {pipeline_mode = #tpu.pipeline_mode<synchronous>, transform_indices = @transform_10, window_bounds = array<i64: 1, 256>}, {pipeline_mode = #tpu.pipeline_mode<synchronous>, transform_indices = @transform_11, window_bounds = array<i64: 1, 256>}, {pipeline_mode = #tpu.pipeline_mode<synchronous>, transform_indices = @transform_12, window_bounds = array<i64: 2, 256>}, {pipeline_mode = #tpu.pipeline_mode<synchronous>, transform_indices = @transform_13, window_bounds = array<i64: 1, 2>}, {transform_indices = @transform_14, window_bounds = array<i64: 1000, 2>}]} {
    %get3A = arith.constant 0 : index
    %get3A_0 = arith.constant 0 : index
    %get3A_1 = vector.load %arg5[%get3A, %get3A_0] : memref<1000x128xf32, #tpu.memory_space<vmem>>, vector<1000x1xf32>
    %get3A_2 = arith.constant 0 : index
    %get3A_3 = arith.constant 0 : index
    %get3A_4 = vector.load %arg6[%get3A_2, %get3A_3] : memref<1000x128xf32, #tpu.memory_space<vmem>>, vector<1000x1xf32>
    %add3A = arith.addf %get3A_1, %get3A_4 : vector<1000x1xf32>
    %add3A_5 = arith.constant 1.000000e+00 : f32
    %add3A_6 = vector.broadcast %add3A_5 : f32 to vector<1000x1xf32>
    %add3A_7 = arith.addf %add3A, %add3A_6 : vector<1000x1xf32>
    %rsqrt3A = math.rsqrt %add3A_7 : vector<1000x1xf32>
    %get3A_8 = arith.constant 0 : index
    %get3A_9 = arith.constant 0 : index
    %get3A_10 = vector.load %arg1[%get3A_8, %get3A_9] : memref<1000x128xf32, #tpu.memory_space<vmem>>, vector<1000x128xf32>
    %get3A_11 = arith.constant 0 : index
    %get3A_12 = arith.constant 0 : index
    %get3A_13 = vector.load %arg2[%get3A_11, %get3A_12] : memref<1000x128xf32, #tpu.memory_space<vmem>>, vector<1000x128xf32>
    %concatenate3A = tpu.concatenate %get3A_10, %get3A_13 in 1 : vector<1000x128xf32>, vector<1000x128xf32> -> vector<1000x256xf32>
    %get3A_14 = arith.constant 0 : index
    %get3A_15 = arith.constant 0 : index
    %get3A_16 = vector.load %arg3[%get3A_14, %get3A_15] : memref<1000x128xf32, #tpu.memory_space<vmem>>, vector<1000x128xf32>
    %get3A_17 = arith.constant 0 : index
    %get3A_18 = arith.constant 0 : index
    %get3A_19 = vector.load %arg4[%get3A_17, %get3A_18] : memref<1000x128xf32, #tpu.memory_space<vmem>>, vector<1000x128xf32>
    %concatenate3A_20 = tpu.concatenate %get3A_16, %get3A_19 in 1 : vector<1000x128xf32>, vector<1000x128xf32> -> vector<1000x256xf32>
    %add3A_21 = arith.addf %concatenate3A, %concatenate3A_20 : vector<1000x256xf32>
    %mul3A = vector.broadcast %rsqrt3A : vector<1000x1xf32> to vector<1000x256xf32>
    %mul3A_22 = arith.mulf %mul3A, %add3A_21 : vector<1000x256xf32>
    %get3A_23 = arith.constant 0 : index
    %get3A_24 = arith.constant 0 : index
    %get3A_25 = vector.load %arg8[%get3A_23, %get3A_24] : memref<1x256xf32, #tpu.memory_space<vmem>>, vector<1x256xf32>
    %add3A_26 = vector.broadcast %get3A_25 : vector<1x256xf32> to vector<1000x256xf32>
    %add3A_27 = arith.addf %mul3A_22, %add3A_26 : vector<1000x256xf32>
    %max3A = arith.constant 0.000000e+00 : f32
    %max3A_28 = vector.broadcast %max3A : f32 to vector<1000x256xf32>
    %max3A_29 = arith.maximumf %add3A_27, %max3A_28 : vector<1000x256xf32>
    %get3A_30 = arith.constant 0 : index
    %get3A_31 = arith.constant 0 : index
    %get3A_32 = vector.load %arg9[%get3A_30, %get3A_31] : memref<1x256xf32, #tpu.memory_space<vmem>>, vector<1x256xf32>
    %mul3A_33 = vector.broadcast %get3A_32 : vector<1x256xf32> to vector<1000x256xf32>
    %mul3A_34 = arith.mulf %max3A_29, %mul3A_33 : vector<1000x256xf32>
    %get3A_35 = arith.constant 0 : index
    %get3A_36 = arith.constant 0 : index
    %get3A_37 = vector.load %arg10[%get3A_35, %get3A_36] : memref<1x256xf32, #tpu.memory_space<vmem>>, vector<1x256xf32>
    %add3A_38 = vector.broadcast %get3A_37 : vector<1x256xf32> to vector<1000x256xf32>
    %add3A_39 = arith.addf %mul3A_34, %add3A_38 : vector<1000x256xf32>
    %reduce_sum3A = arith.constant dense<0.000000e+00> : vector<1000xf32>
    %reduce_sum3A_40 = vector.multi_reduction <add>, %add3A_39, %reduce_sum3A [1] : vector<1000x256xf32> to vector<1000xf32>
    %broadcast_in_dim3A = vector.shape_cast %reduce_sum3A_40 : vector<1000xf32> to vector<1000x1xf32>
    %div3A = arith.constant 2.560000e+02 : f32
    %div3A_41 = vector.broadcast %div3A : f32 to vector<1000x1xf32>
    %div3A_42 = arith.divf %broadcast_in_dim3A, %div3A_41 : vector<1000x1xf32>
    %sub3A = vector.broadcast %div3A_42 : vector<1000x1xf32> to vector<1000x256xf32>
    %sub3A_43 = arith.subf %add3A_39, %sub3A : vector<1000x256xf32>
    %mul3A_44 = arith.mulf %sub3A_43, %sub3A_43 : vector<1000x256xf32>
    %reduce_sum3A_45 = arith.constant dense<0.000000e+00> : vector<1000xf32>
    %reduce_sum3A_46 = vector.multi_reduction <add>, %mul3A_44, %reduce_sum3A_45 [1] : vector<1000x256xf32> to vector<1000xf32>
    %broadcast_in_dim3A_47 = vector.shape_cast %reduce_sum3A_46 : vector<1000xf32> to vector<1000x1xf32>
    %div3A_48 = arith.constant 2.560000e+02 : f32
    %div3A_49 = vector.broadcast %div3A_48 : f32 to vector<1000x1xf32>
    %div3A_50 = arith.divf %broadcast_in_dim3A_47, %div3A_49 : vector<1000x1xf32>
    %add3A_51 = arith.constant 9.99999974E-6 : f32
    %add3A_52 = vector.broadcast %add3A_51 : f32 to vector<1000x1xf32>
    %add3A_53 = arith.addf %div3A_50, %add3A_52 : vector<1000x1xf32>
    %rsqrt3A_54 = math.rsqrt %add3A_53 : vector<1000x1xf32>
    %mul3A_55 = vector.broadcast %rsqrt3A_54 : vector<1000x1xf32> to vector<1000x256xf32>
    %mul3A_56 = arith.mulf %sub3A_43, %mul3A_55 : vector<1000x256xf32>
    %get3A_57 = arith.constant 0 : index
    %get3A_58 = arith.constant 0 : index
    %get3A_59 = vector.load %arg11[%get3A_57, %get3A_58] : memref<1x256xf32, #tpu.memory_space<vmem>>, vector<1x256xf32>
    %mul3A_60 = vector.broadcast %get3A_59 : vector<1x256xf32> to vector<1000x256xf32>
    %mul3A_61 = arith.mulf %mul3A_56, %mul3A_60 : vector<1000x256xf32>
    %get3A_62 = arith.constant 0 : index
    %get3A_63 = arith.constant 0 : index
    %get3A_64 = vector.load %arg12[%get3A_62, %get3A_63] : memref<1x256xf32, #tpu.memory_space<vmem>>, vector<1x256xf32>
    %add3A_65 = vector.broadcast %get3A_64 : vector<1x256xf32> to vector<1000x256xf32>
    %add3A_66 = arith.addf %mul3A_61, %add3A_65 : vector<1000x256xf32>
    %get3A_67 = arith.constant 0 : index
    %get3A_68 = arith.constant 0 : index
    %get3A_69 = vector.load %arg7[%get3A_67, %get3A_68] : memref<1000x256xf32, #tpu.memory_space<vmem>>, vector<1000x256xf32>
    %add3A_70 = arith.addf %add3A_66, %get3A_69 : vector<1000x256xf32>
    %get3A_71 = arith.constant 0 : index
    %get3A_72 = arith.constant 0 : index
    %get3A_73 = vector.load %arg13[%get3A_71, %get3A_72] : memref<2x256xf32, #tpu.memory_space<vmem>>, vector<2x256xf32>
    %slice3A = vector.extract_strided_slice %get3A_73 {offsets = [0, 0], sizes = [1, 256], strides = [1, 1]} : vector<2x256xf32> to vector<1x256xf32>
    %mul3A_74 = vector.broadcast %slice3A : vector<1x256xf32> to vector<1000x256xf32>
    %mul3A_75 = arith.mulf %add3A_70, %mul3A_74 : vector<1000x256xf32>
    %reduce_sum3A_76 = arith.constant dense<0.000000e+00> : vector<1000xf32>
    %reduce_sum3A_77 = vector.multi_reduction <add>, %mul3A_75, %reduce_sum3A_76 [1] : vector<1000x256xf32> to vector<1000xf32>
    %broadcast_in_dim3A_78 = vector.shape_cast %reduce_sum3A_77 : vector<1000xf32> to vector<1000x1xf32>
    %slice3A_79 = vector.extract_strided_slice %get3A_73 {offsets = [1, 0], sizes = [1, 256], strides = [1, 1]} : vector<2x256xf32> to vector<1x256xf32>
    %mul3A_80 = vector.broadcast %slice3A_79 : vector<1x256xf32> to vector<1000x256xf32>
    %mul3A_81 = arith.mulf %add3A_70, %mul3A_80 : vector<1000x256xf32>
    %reduce_sum3A_82 = arith.constant dense<0.000000e+00> : vector<1000xf32>
    %reduce_sum3A_83 = vector.multi_reduction <add>, %mul3A_81, %reduce_sum3A_82 [1] : vector<1000x256xf32> to vector<1000xf32>
    %broadcast_in_dim3A_84 = vector.shape_cast %reduce_sum3A_83 : vector<1000xf32> to vector<1000x1xf32>
    %concatenate3A_85 = tpu.concatenate %broadcast_in_dim3A_78, %broadcast_in_dim3A_84 in 1 : vector<1000x1xf32>, vector<1000x1xf32> -> vector<1000x2xf32>
    %get3A_86 = arith.constant 0 : index
    %get3A_87 = arith.constant 0 : index
    %get3A_88 = vector.load %arg14[%get3A_86, %get3A_87] : memref<1x2xf32, #tpu.memory_space<vmem>>, vector<1x2xf32>
    %add3A_89 = vector.broadcast %get3A_88 : vector<1x2xf32> to vector<1000x2xf32>
    %add3A_90 = arith.addf %concatenate3A_85, %add3A_89 : vector<1000x2xf32>
    %swap3A = arith.constant 0 : index
    %swap3A_91 = arith.constant 0 : index
    %swap3A_92 = vector.load %arg15[%swap3A, %swap3A_91] : memref<1000x2xf32, #tpu.memory_space<vmem>>, vector<1000x2xf32>
    tpu.vector_store %arg15[%swap3A, %swap3A_91], %add3A_90 {strides = array<i32>} : memref<1000x2xf32, #tpu.memory_space<vmem>>, vector<1000x2xf32>,
    return
  }
  func.func @transform_0(%arg0: i32) -> (i32, i32) {
    %c0_i32 = arith.constant 0 : i32
    %c0_i32_0 = arith.constant 0 : i32
    return %arg0, %c0_i32 : i32, i32
  }
  func.func @transform_1(%arg0: i32) -> (i32, i32) {
    %c0_i32 = arith.constant 0 : i32
    %c0_i32_0 = arith.constant 0 : i32
    return %arg0, %c0_i32 : i32, i32
  }
  func.func @transform_2(%arg0: i32) -> (i32, i32) {
    %c0_i32 = arith.constant 0 : i32
    %c0_i32_0 = arith.constant 0 : i32
    return %arg0, %c0_i32 : i32, i32
  }
  func.func @transform_3(%arg0: i32) -> (i32, i32) {
    %c0_i32 = arith.constant 0 : i32
    %c0_i32_0 = arith.constant 0 : i32
    return %arg0, %c0_i32 : i32, i32
  }
  func.func @transform_4(%arg0: i32) -> (i32, i32) {
    %c0_i32 = arith.constant 0 : i32
    %c0_i32_0 = arith.constant 0 : i32
    return %arg0, %c0_i32 : i32, i32
  }
  func.func @transform_5(%arg0: i32) -> (i32, i32) {
    %c0_i32 = arith.constant 0 : i32
    %c0_i32_0 = arith.constant 0 : i32
    return %arg0, %c0_i32 : i32, i32
  }
  func.func @transform_6(%arg0: i32) -> (i32, i32) {
    %c0_i32 = arith.constant 0 : i32
    %c0_i32_0 = arith.constant 0 : i32
    return %arg0, %c0_i32 : i32, i32
  }
  func.func @transform_7(%arg0: i32) -> (i32, i32) {
    %c0_i32 = arith.constant 0 : i32
    %c0_i32_0 = arith.constant 0 : i32
    %c0_i32_1 = arith.constant 0 : i32
    return %c0_i32, %c0_i32_0 : i32, i32
  }
  func.func @transform_8(%arg0: i32) -> (i32, i32) {
    %c0_i32 = arith.constant 0 : i32
    %c0_i32_0 = arith.constant 0 : i32
    %c0_i32_1 = arith.constant 0 : i32
    return %c0_i32, %c0_i32_0 : i32, i32
  }
  func.func @transform_9(%arg0: i32) -> (i32, i32) {
    %c0_i32 = arith.constant 0 : i32
    %c0_i32_0 = arith.constant 0 : i32
    %c0_i32_1 = arith.constant 0 : i32
    return %c0_i32, %c0_i32_0 : i32, i32
  }
  func.func @transform_10(%arg0: i32) -> (i32, i32) {
    %c0_i32 = arith.constant 0 : i32
    %c0_i32_0 = arith.constant 0 : i32
    %c0_i32_1 = arith.constant 0 : i32
    return %c0_i32, %c0_i32_0 : i32, i32
  }
  func.func @transform_11(%arg0: i32) -> (i32, i32) {
    %c0_i32 = arith.constant 0 : i32
    %c0_i32_0 = arith.constant 0 : i32
    %c0_i32_1 = arith.constant 0 : i32
    return %c0_i32, %c0_i32_0 : i32, i32
  }
  func.func @transform_12(%arg0: i32) -> (i32, i32) {
    %c0_i32 = arith.constant 0 : i32
    %c0_i32_0 = arith.constant 0 : i32
    %c0_i32_1 = arith.constant 0 : i32
    return %c0_i32, %c0_i32_0 : i32, i32
  }
  func.func @transform_13(%arg0: i32) -> (i32, i32) {
    %c0_i32 = arith.constant 0 : i32
    %c0_i32_0 = arith.constant 0 : i32
    %c0_i32_1 = arith.constant 0 : i32
    return %c0_i32, %c0_i32_0 : i32, i32
  }
  func.func @transform_14(%arg0: i32) -> (i32, i32) {
    %c0_i32 = arith.constant 0 : i32
    %c0_i32_0 = arith.constant 0 : i32
    return %arg0, %c0_i32 : i32, i32
  }
}

</mosaic_0001>

<sc_bundles>
// kernel: kernel.11.cloned.1.call-start
scs
__scs_entry_jumppad:
0x0: {  	(pc) =	sbr.rel $0x88, $3  }
0x1: {  	(tag) =	ssettag $0x0;
	lr =	simm.s32 $0x1  }
0x2: {  	[smem:$0x3F8D] =	sst lr;
	_ =	strace $0xD0000000  }
0x3: {  	_ = 	snop  }
0x4: {  	_ = 	snop  }
0x5: {  	_ = 	snop  }
0x6: {  	_ = 	snop  }
0x7: {  	_ = 	snop  }
__scs_overlays_trampoline_lowered:
0x8: {  	[smem:$0x3F9C] =	sst s0  }
0x9: {  	[smem:$0x3F9D] =	sst s1  }
0xa: {  	[smem:$0x3F9E] =	sst s2  }
0xb: {  	[smem:$0x3F9F] =	sst s3  }
0xc: {  	[smem:$0x3FA0] =	sst s4  }
0xd: {  	[smem:$0x3FA1] =	sst s5  }
0xe: {  	[smem:$0x3FA2] =	sst s6  }
0xf: {  	[smem:$0x3FA3] =	sst s7  }
0x10: {  	[smem:$0x3FA4] =	sst s8  }
0x11: {  	[smem:$0x3FA5] =	sst s9;
	s0 =	simm.s32 @!p0 $0x0  }
0x12: {  	s1 =	sld [smem:$0x3F8B];
	s0 =	simm.s32 @p0 $0x1  }
0x13: {  	[smem:$0x3FA6] =	sst s0;
	s0 =	simm.s32 @!p1 $0x0  }
0x14: {  	s2 =	sld [smem:$0x3F8A];
	s0 =	simm.s32 @p1 $0x1  }
0x15: {  	[smem:$0x3FA7] =	sst s0;
	s0 =	simm.s32 @!p2 $0x0  }
0x16: {  	s3 =	sld [smem:$0x3FDB];
	s0 =	simm.s32 @p2 $0x1  }
0x17: {  	s4 =	simm.s32 $0x1BF5;
	[smem:$0x3FA9] =	sst s0  }
0x18: {  	s0 =	sld [smem:$0x3F8C];
	_ =	swait.ge [sflag:s4], $0x0  }
0x19: {  	s7 =	sld [smem:$0x3F8D]  }
0x1a: {  	s8 =	sadd.s32 $0xFFFFE003, lr  }
0x1b: {  	s9 =	sadd.s32 $0xFFFFFEF7, lr;
	s5 =	simm.s32 $0xFFFFFFFF;
	p2 =	slt.u32 s8, $0xFFFFF086  }
0x1c: {  	p1 =	slt.u32 s9, $0xF7A;
	s5 =	simm.s32 @!p2 $0x0  }
0x1d: {  	s5 =	simm.s32 @p1 $0x1;
	p0 =	seq.s32 s7, s2  }
0x1e: {  	s7 =	smul.u32 @!p0 $0xF7A, s2;
	p2 =	seq.s32 @!p0 s5, $0x0  }
0x1f: {  	s9 =	smul.u32 $0xF7A, s1;
	s8 =	simm.s32 @!p0 $0x1BF5;
	p2 =	por !p2, p0  }
0x20: {  	[sflag:s8] =	ssyncset.s32 @!p0 $0xFFFFF086;
	s6 =	sadd.s32 @!p0 s3, s7;
	s7 =	simm.s32 @!p0 $0x108  }
0x21: {  	s3 =	sadd.s32 s3, s9;
	s6 =	sadd.s32 @!p0 $0x88, s6;
	s7 =	simm.s32 @p2 $0x1082  }
0x22: {  	[simem:s7], [sflag:s8] =	dma.local @!p0 [hbm:s6], $0xF7A  }
0x23: {  	s9 =	sor.u32 $0xD0000000, s2;
	s6 =	simm.s32 $0x108;
	_ =	swait.ge @!p0 [sflag:s8], $0x0  }
0x24: {  	s3 =	sadd.s32 $0x88, s3;
	s6 =	simm.s32 @!p1 $0x1082;
	[sflag:s4] =	ssyncset.s32 $0xFFFFF086  }
0x25: {  	[simem:s6], [sflag:s4] =	dma.local [hbm:s3], $0xF7A  }
0x26: {  	[smem:$0x3F8D] =	sst s1;
	(tag) =	ssettag s2;
	_ =	strace s9  }
0x27: {  	s1 =	sld [smem:$0x3F9D]  }
0x28: {  	s2 =	sld [smem:$0x3F9E]  }
0x29: {  	s4 =	sld [smem:$0x3FA0]  }
0x2a: {  	p0 =	seq.s32 s5, $0x0;
	s5 =	sld [smem:$0x3FA1]  }
0x2b: {  	s6 =	sld [smem:$0x3FA2]  }
0x2c: {  	s7 =	sld [smem:$0x3FA3]  }
0x2d: {  	s3 =	simm.s32 $0x108;
	s8 =	sld [smem:$0x3FA4]  }
0x2e: {  	s3 =	simm.s32 @!p0 $0x1082;
	s9 =	sld [smem:$0x3FA5]  }
0x2f: {  	lr =	sadd.s32 s0, s3;
	s0 =	sld [smem:$0x3F9C]  }
0x30: {  	s3 =	sld [smem:$0x3F9F]  }
0x31: {  	[smem:$0x3FA8] =	sst s10  }
0x32: {  	s10 =	sld [smem:$0x3FA6];
	_ =	sdelay $0x3  }
0x33: {  	p0 =	seq.s32 s10, $0x1;
	s10 =	sld [smem:$0x3FA8];
	_ =	sdelay $0x3  }
0x34: {  	[smem:$0x3FA8] =	sst s10  }
0x35: {  	s10 =	sld [smem:$0x3FA7];
	_ =	sdelay $0x3  }
0x36: {  	p1 =	seq.s32 s10, $0x1;
	s10 =	sld [smem:$0x3FA8];
	_ =	sdelay $0x3  }
0x37: {  	[smem:$0x3FA8] =	sst s10  }
0x38: {  	s10 =	sld [smem:$0x3FA9]  }
0x39: {  	_ = 	snop;
	(pc) =	sbr.ind lr, $3  }
0x3a: {  	_ = 	snop  }
0x3b: {  	_ = 	snop  }
0x3c: {  	p2 =	seq.s32 s10, $0x1;
	s10 =	sld [smem:$0x3FA8]  }
0x3d: {  	_ =	shalt  }
0x3e: {  	_ =	shalt  }
0x3f: {  	_ =	shalt  }
0x40: {  	_ =	shalt  }
0x41: {  	_ =	shalt  }
0x42: {  	_ =	shalt  }
0x43: {  	_ =	shalt  }
0x44: {  	_ =	shalt  }
0x45: {  	_ =	shalt  }
0x46: {  	_ =	shalt  }
0x47: {  	_ =	shalt  }
0x48: {  	_ =	shalt  }
0x49: {  	_ =	shalt  }
0x4a: {  	_ =	shalt  }
0x4b: {  	_ =	shalt  }
0x4c: {  	_ =	shalt  }
0x4d: {  	_ =	shalt  }
0x4e: {  	_ =	shalt  }
0x4f: {  	_ =	shalt  }
0x50: {  	_ =	shalt  }
0x51: {  	_ =	shalt  }
0x52: {  	_ =	shalt  }
0x53: {  	_ =	shalt  }
0x54: {  	_ =	shalt  }
0x55: {  	_ =	shalt  }
0x56: {  	_ =	shalt  }
0x57: {  	_ =	shalt  }
0x58: {  	_ =	shalt  }
0x59: {  	_ =	shalt  }
0x5a: {  	_ =	shalt  }
0x5b: {  	_ =	shalt  }
0x5c: {  	_ =	shalt  }
0x5d: {  	_ =	shalt  }
0x5e: {  	_ =	shalt  }
0x5f: {  	_ =	shalt  }
0x60: {  	_ =	shalt  }
0x61: {  	_ =	shalt  }
0x62: {  	_ =	shalt  }
0x63: {  	_ =	shalt  }
0x64: {  	_ =	shalt  }
0x65: {  	_ =	shalt  }
0x66: {  	_ =	shalt  }
0x67: {  	_ =	shalt  }
0x68: {  	_ =	shalt  }
0x69: {  	_ =	shalt  }
0x6a: {  	_ =	shalt  }
0x6b: {  	_ =	shalt  }
0x6c: {  	_ =	shalt  }
0x6d: {  	_ =	shalt  }
0x6e: {  	_ =	shalt  }
0x6f: {  	_ =	shalt  }
0x70: {  	_ =	shalt  }
0x71: {  	_ =	shalt  }
0x72: {  	_ =	shalt  }
0x73: {  	_ =	shalt  }
0x74: {  	_ =	shalt  }
0x75: {  	_ =	shalt  }
0x76: {  	_ =	shalt  }
0x77: {  	_ =	shalt  }
0x78: {  	_ =	shalt  }
0x79: {  	_ =	shalt  }
0x7a: {  	_ =	shalt  }
0x7b: {  	_ =	shalt  }
0x7c: {  	_ =	shalt  }
0x7d: {  	_ =	shalt  }
0x7e: {  	_ =	shalt  }
0x7f: {  	_ =	shalt  }
0x80: {  	_ =	shalt  }
0x81: {  	_ =	shalt  }
0x82: {  	_ =	shalt  }
0x83: {  	_ =	shalt  }
0x84: {  	_ =	shalt  }
0x85: {  	_ =	shalt  }
0x86: {  	_ =	shalt  }
0x87: {  	_ =	shalt  }
.Lfunc_end0:
.L_simem_size_0:
called_computation.1_lowered:
.L_overlay_start_0:
0x88: {  	s2 =	sld [smem:$0x3FD9]  }
0x89: {  	s3 =	sld [smem:$0x3FFE];
	_ =	sdelay $0x1  }
0x8a: {  	s1 =	srdreg.scid  }
0x8b: {  	s0 =	sand.u32 $0x1, s1  }
0x8c: {  	s16 =	sshll.u32 s0, $0xA;
	s2 =	sadd.s32 s3, s2  }
0x8d: {  	s2 =	sadd.s32 s2, s16  }
0x8e: {  	[smem:$0x3FB4] =	sst s2  }
0x8f: {  	_ = 	snop  }
0x90: {  	(tm) =	ssettm $0x1  }
0x91: {  	s17 =	sld [smem:$0x3FFB];
	_ =	sdelay $0x3  }
0x92: {  	_ =	strace s17  }
0x93: {  	s2 =	sld [smem:$0x3FFC];
	_ =	sdelay $0x3  }
0x94: {  	_ =	strace s2  }
0x95: {  	s2 =	sld [smem:$0x3FFD];
	_ =	sdelay $0x3  }
0x96: {  	_ =	strace s2  }
0x97: {  	_ =	strace $0x8FFFFFFF  }
0x98: {  	s18 =	sld [smem:$0x3FDB];
	_ =	sdelay $0x1  }
0x99: {  	s19 =	simm.s32 $_scs_section_size  }
0x9a: {  	s4 =	simm.s32 $_size__tile_overlayer_lowered;
	s5 =	simm.s32 $_tile_overlayer_lowered  }
0x9b: {  	s22 =	simm.s32 $0x1BFF;
	s21 =	sshll.u32 s5, $0x1;
	s2 =	sadd.s32 s19, s18  }
0x9c: {  	s6 =	simm.s32 $0x0;
	s20 =	sshll.u32 s4, $0x1;
	s4 =	sadd.s32 s21, s2  }
0x9d: {  	[timem:s6], [sflag:s22] =	dma.local [hbm:s4], s20  }
0x9e: {  	_ =	swait.ge [sflag:s22], s20  }
0x9f: {  	s3 =	ssub.s32 $0x0, s20;
	[sflag:s22] =	ssyncset.done $0x0  }
0xa0: {  	[sflag:s22] =	ssyncadd.s32 s3;
	_ =	sdelay $0x1  }
0xa1: {  	s23 =	simm.s32 $0x1B8B  }
0xa2: {  	_ =	swait.ge [sflag:s23], $0x1  }
0xa3: {  	[sflag:s23] =	ssyncset.done $0x0  }
0xa4: {  	s25 =	simm.s32 $0x1B8E;
	s24 =	sld [smem:$0x3FFE];
	[sflag:s23] =	ssyncadd.s32 $0xFFFFFFFF  }
0xa5: {  	s26 =	simm.s32 $execute0_lowered;
	[smem:$0x3FD2] =	sst s25  }
0xa6: {  	s4 =	sshll.u32 s26, $0x1;
	_ =	strace $0x80000049;
	[dreg:$0x1] =	wrdreg $0xFFFFFFFF  }
0xa7: {  	s28 =	simm.s32 $_size_execute0_lowered;
	s2 =	sadd.s32 s2, s4;
	[dreg:$0x0] =	wrdreg $0x0  }
0xa8: {  	s4 =	sshll.u32 s28, $0x1;
	[dreg:$0x2] =	wrdreg s2  }
0xa9: {  	[dreg:$0x3] =	wrdreg s4  }
0xaa: {  	[dreg:$0x4] =	wrdreg $0xC0  }
0xab: {  	_ =	task [dreg:s6], $0x5FFFF  }
0xac: {  	[dreg:$0x1] =	wrdreg $0xFFFFFFFF  }
0xad: {  	[dreg:$0x0] =	wrdreg $0x60  }
0xae: {  	[dreg:$0x2] =	wrdreg s24  }
0xaf: {  	[dreg:$0x3] =	wrdreg $0x88000  }
0xb0: {  	[dreg:$0x4] =	wrdreg $0x9  }
0xb1: {  	_ =	task.clear_ibuf [dreg:s6], $0x5FFFF;
	_ =	strace $0x90000049  }
0xb2: {  	s29 =	simm.s32 $0x9;
	_ =	strace $0x8000004B  }
0xb3: {  	_ =	swait.ge [sflag:s29], $0x1  }
0xb4: {  	[sflag:s29] =	ssyncadd.s32 $0xFFFFFFFF  }
0xb5: {  	_ =	strace $0x9000004B  }
0xb6: {  	_ =	sfence  }
0xb7: {  	s30 =	sld [smem:$0x0];
	_ =	sdelay $0x2  }
0xb8: {  	s31 =	sshll.u32 s1, $0xD;
	s1 =	sshrl.u32 s1, $0x2  }
0xb9: {  	s3 =	sand.u32 $0x4000, s31;
	s1 =	sadd.s32 s1, s30  }
0xba: {  	s0 =	sor.u32 s3, s0;
	s1 =	sshll.u32 s1, $0x11  }
0xbb: {  	s0 =	sor.u32 s1, s0  }
0xbc: {  	s0 =	sadd.s32 $0x8F2B, s0  }
0xbd: {  	[sflag:s0] =	ssyncadd.remote.s32 $0x1  }
0xbe: {  	_ =	sfence.sel $0xFFFF  }
0xbf: {  	[dreg:$0x0] =	wrdreg $0xFFFFFFFF;
	(pc) =	sbr.abs _section_cstart, $3  }
0xc0: {  	[dreg:$0x1] =	wrdreg $0xFFFFFFFF  }
0xc1: {  	_ =	task.clear_ibuf [dreg:s6], $0x2FFFF;
	_ =	strace $0x9FFFFFFF  }
0xc2: {  	(tm) =	ssettm $0x7FFFFFFF  }
0xc3: {  	_ =	shalt  }
tec
execute0_lowered:
.L_overlay_start_1:
0x0: {  	(tag) =	ssettag $0x1  }
0x1: {  	s0 =	rddreg [dreg:$0x0]  }
0x2: {  	s2 =	rddreg [dreg:$0x1];
	s3 =	simm.s32 $0x0  }
0x3: {  	s10 =	stileid.u32;
	s6 =	srdreg.scid;
	s15 =	simm.s32 $0x5  }
0x4: {  	s16 =	simm.s32 $0x400;
	s17 =	simm.s32 $0x80;
	s18 =	simm.s32 $0x800  }
0x5: {  	s19 =	simm.s32 $0x4800;
	s20 =	simm.s32 $0x1;
	s21 =	simm.s32 $0x3  }
0x6: {  	s28 =	simm.s32 $0x500;
	s29 =	simm.s32 $0x200;
	s30 =	simm.s32 $0x580  }
0x7: {  	s31 =	simm.s32 $0x280;
	s14 =	simm.s32 $0x0;
	[smem:$0x7FF] =	sst s3  }
0x8: {  	s1 =	smul.u32 $0xA00, s10;
	s4 =	sadd.s32 $0x39000, s0;
	s5 =	sadd.s32 $0x9D000, s0  }
0x9: {  	s6 =	sand.u32 $0x1, s6;
	s7 =	smul.u32 $0x50000, s10;
	s8 =	sadd.s32 $0xF600, s0  }
0xa: {  	s22 =	sadd.s32 $0xC4200, s0;
	s25 =	sshll.u32 s10, $0x6;
	s26 =	smul.u32 $0x2800, s10  }
0xb: {  	s10 =	simm.s32 $0x780;
	_ =	strace $0x8000004A;
	[dreg:$0x3] =	wrdreg s8  }
0xc: {  	[dreg:$0x4] =	wrdreg s22;
	s23 =	ssub.s32 $0x2, s6;
	s9 =	sor.u32 $0x1C05, s25  }
0xd: {  	p0 =	sne.s32 s6, $0x0;
	s22 =	simm.s32 $0x100;
	s25 =	simm.s32 $0x4  }
0xe: {  	s8 =	simm.s32 $0x380;
	s6 =	simm.s32 $0x700;
	s1 =	sadd.s32 s1, s0  }
0xf: {  	s0 =	sadd.s32 $0xEC200, s0;
	s24 =	sshrl.u32 s23, $0x1;
	[dreg:$0x7] =	wrdreg s26  }
0x10: {  	s7 =	sshrl.u32 s7, $0x2;
	s26 =	simm.s32 $0x180;
	[dreg:$0x6] =	wrdreg s9  }
.Ltmp0:
0x11: {  	[dreg:$0x5] =	wrdreg s0;
	s0 =	ssub.s32 s23, s24;
	(pc) =	sbr.rel .LBB2_1-.Ltmp0, $4  }
0x12: {  	s7 =	sadd.s32 s7, s2;
	s12 =	sadd.s32 $0x61E00, s1;
	s13 =	sadd.s32 $0x6BE00, s1  }
0x13: {  	s23 =	simm.s32 $0x2;
	s24 =	simm.s32 $0x480;
	s0 =	smax.u32 s0, $0x1  }
0x14: {  	s1 =	simm.s32 $0x300;
	s11 =	sshrl.u32 s7, $0x3;
	[dreg:$0x8] =	wrdreg s0  }
0x15: {  	s7 =	simm.s32 $0x680;
	s0 =	simm.s32 $0x600;
	[dreg:$0x9] =	wrdreg s11  }
.LBB2_7:
0x16: {  	s11 =	sadd.s32 s9, s13;
	[sflag:s25] =	ssyncadd.s32 $0xFFFFC000  }
0x17: {  	[tilespmem:s3], [sflag:$0x5] =	stream.linear.gather [hbm4b:s11+s3], $0x400, $0x38;
	[tilespmem:$0x1C800] =	vst v63  }
0x18: {  	_ =	swait.ge [sflag:s15], $0x400  }
0x19: {  	[sflag:s15] =	ssyncset.done $0x0  }
0x1a: {  	s14 =	sadd.s32 s9, s12;
	[sflag:s15] =	ssyncadd.s32 $0xFFFFFC00  }
0x1b: {  	[tilespmem:s16], [sflag:$0x5] =	stream.linear.gather [hbm4b:s14+s3], $0x400, $0x38;
	[tilespmem:$0x1C800] =	vst v63  }
0x1c: {  	_ =	swait.ge [sflag:s15], $0x400  }
0x1d: {  	[sflag:s15] =	ssyncset.done $0x0  }
0x1e: {  	[sflag:s15] =	ssyncadd.s32 $0xFFFFFC00  }
0x1f: {  	[tilespmem:s18], [sflag:$0x1] =	stream.indirect.gather [hbm4b:s5+s17], $0x80, s3, s17, $0xb8;
	[tilespmem:$0x1C800] =	vst v63  }
0x20: {  	_ = 	snop  }
0x21: {  	[tilespmem:s19], [sflag:$0x2] =	stream.indirect.gather [hbm4b:s5+s17], $0x80, s17, s17, $0xb8;
	[tilespmem:$0x1C800] =	vst v63  }
0x22: {  	_ =	swait.ge [sflag:s20], $0x4000  }
0x23: {  	[sflag:s20] =	ssyncset.done $0x0  }
0x24: {  	[sflag:s20] =	ssyncadd.s32 $0xFFFFC000  }
0x25: {  	[spmem:s2] =	stream.indirect.scatter.add.f32 [tilespmem:s18], [sflag:$0x3], $0x80, s16, s17, $0xb8;
	[tilespmem:$0x1C800] =	vst v63  }
0x26: {  	_ =	swait.ge [sflag:s21], $0x4000  }
0x27: {  	[sflag:s21] =	ssyncset.done $0x0  }
0x28: {  	[sflag:s21] =	ssyncadd.s32 $0xFFFFC000  }
0x29: {  	[tilespmem:s18], [sflag:$0x1] =	stream.indirect.gather [hbm4b:s5+s17], $0x80, s22, s17, $0xb8;
	[tilespmem:$0x1C800] =	vst v63  }
0x2a: {  	_ =	swait.ge [sflag:s23], $0x4000  }
0x2b: {  	[sflag:s23] =	ssyncset.done $0x0  }
0x2c: {  	[sflag:s23] =	ssyncadd.s32 $0xFFFFC000  }
0x2d: {  	[spmem:s2] =	stream.indirect.scatter.add.f32 [tilespmem:s19], [sflag:$0x4], $0x80, s24, s17, $0xb8;
	[tilespmem:$0x1C800] =	vst v63  }
0x2e: {  	_ =	swait.ge [sflag:s25], $0x4000  }
0x2f: {  	[sflag:s25] =	ssyncset.done $0x0  }
0x30: {  	[sflag:s25] =	ssyncadd.s32 $0xFFFFC000  }
0x31: {  	[tilespmem:s19], [sflag:$0x2] =	stream.indirect.gather [hbm4b:s5+s17], $0x80, s26, s17, $0xb8;
	[tilespmem:$0x1C800] =	vst v63  }
0x32: {  	_ =	swait.ge [sflag:s20], $0x4000  }
0x33: {  	[sflag:s20] =	ssyncset.done $0x0  }
0x34: {  	[sflag:s20] =	ssyncadd.s32 $0xFFFFC000  }
0x35: {  	[spmem:s2] =	stream.indirect.scatter.add.f32 [tilespmem:s18], [sflag:$0x3], $0x80, s28, s17, $0xb8;
	[tilespmem:$0x1C800] =	vst v63  }
0x36: {  	_ =	swait.ge [sflag:s21], $0x4000  }
0x37: {  	[sflag:s21] =	ssyncset.done $0x0  }
0x38: {  	[sflag:s21] =	ssyncadd.s32 $0xFFFFC000  }
0x39: {  	[tilespmem:s18], [sflag:$0x1] =	stream.indirect.gather [hbm4b:s5+s17], $0x80, s29, s17, $0xb8;
	[tilespmem:$0x1C800] =	vst v63  }
0x3a: {  	_ =	swait.ge [sflag:s23], $0x4000  }
0x3b: {  	[sflag:s23] =	ssyncset.done $0x0  }
0x3c: {  	[sflag:s23] =	ssyncadd.s32 $0xFFFFC000  }
0x3d: {  	[spmem:s2] =	stream.indirect.scatter.add.f32 [tilespmem:s19], [sflag:$0x4], $0x80, s30, s17, $0xb8;
	[tilespmem:$0x1C800] =	vst v63  }
0x3e: {  	_ =	swait.ge [sflag:s25], $0x4000  }
0x3f: {  	[sflag:s25] =	ssyncset.done $0x0  }
0x40: {  	[sflag:s25] =	ssyncadd.s32 $0xFFFFC000  }
0x41: {  	[tilespmem:s19], [sflag:$0x2] =	stream.indirect.gather [hbm4b:s5+s17], $0x80, s31, s17, $0xb8;
	[tilespmem:$0x1C800] =	vst v63  }
0x42: {  	_ =	swait.ge [sflag:s20], $0x4000  }
0x43: {  	[sflag:s20] =	ssyncset.done $0x0  }
0x44: {  	[sflag:s20] =	ssyncadd.s32 $0xFFFFC000  }
0x45: {  	[spmem:s2] =	stream.indirect.scatter.add.f32 [tilespmem:s18], [sflag:$0x3], $0x80, s0, s17, $0xb8;
	[tilespmem:$0x1C800] =	vst v63  }
0x46: {  	_ =	swait.ge [sflag:s21], $0x4000  }
0x47: {  	[sflag:s21] =	ssyncset.done $0x0  }
0x48: {  	[sflag:s21] =	ssyncadd.s32 $0xFFFFC000  }
0x49: {  	[tilespmem:s18], [sflag:$0x1] =	stream.indirect.gather [hbm4b:s5+s17], $0x80, s1, s17, $0xb8;
	[tilespmem:$0x1C800] =	vst v63  }
0x4a: {  	_ =	swait.ge [sflag:s23], $0x4000  }
0x4b: {  	[sflag:s23] =	ssyncset.done $0x0  }
0x4c: {  	[sflag:s23] =	ssyncadd.s32 $0xFFFFC000  }
0x4d: {  	[spmem:s2] =	stream.indirect.scatter.add.f32 [tilespmem:s19], [sflag:$0x4], $0x80, s7, s17, $0xb8;
	[tilespmem:$0x1C800] =	vst v63  }
0x4e: {  	_ =	swait.ge [sflag:s25], $0x4000  }
0x4f: {  	[sflag:s25] =	ssyncset.done $0x0  }
0x50: {  	[sflag:s25] =	ssyncadd.s32 $0xFFFFC000  }
0x51: {  	[tilespmem:s19], [sflag:$0x2] =	stream.indirect.gather [hbm4b:s5+s17], $0x80, s8, s17, $0xb8;
	[tilespmem:$0x1C800] =	vst v63  }
0x52: {  	_ =	swait.ge [sflag:s20], $0x4000  }
0x53: {  	[sflag:s20] =	ssyncset.done $0x0  }
0x54: {  	[sflag:s20] =	ssyncadd.s32 $0xFFFFC000  }
0x55: {  	[spmem:s2] =	stream.indirect.scatter.add.f32 [tilespmem:s18], [sflag:$0x3], $0x80, s6, s17, $0xb8;
	[tilespmem:$0x1C800] =	vst v63  }
0x56: {  	_ =	swait.ge [sflag:s23], $0x4000  }
0x57: {  	[sflag:s23] =	ssyncset.done $0x0  }
0x58: {  	[sflag:s23] =	ssyncadd.s32 $0xFFFFC000  }
0x59: {  	[spmem:s2] =	stream.indirect.scatter.add.f32 [tilespmem:s19], [sflag:$0x4], $0x80, s10, s17, $0xb8;
	[tilespmem:$0x1C800] =	vst v63  }
0x5a: {  	_ =	swait.ge [sflag:s21], $0x4000  }
0x5b: {  	[sflag:s21] =	ssyncset.done $0x0  }
0x5c: {  	[sflag:s21] =	ssyncadd.s32 $0xFFFFC000  }
0x5d: {  	_ =	swait.ge [sflag:s25], $0x4000  }
0x5e: {  	[sflag:s25] =	ssyncset.done $0x0  }
0x5f: {  	s9 =	rddreg [dreg:$0x5];
	[sflag:s25] =	ssyncadd.s32 $0xFFFFC000  }
.LBB2_8:
0x60: {  	s11 =	rddreg [dreg:$0x7]  }
0x61: {  	s9 =	sadd.s32 s9, s11  }
0x62: {  	[dreg:$0xb] =	wrdreg s9  }
0x63: {  	[bflag:$0x0] =	sbarrier.arrive $0xFFFF  }
0x64: {  	s9 =	rddreg [dreg:$0xb]  }
0x65: {  	s11 =	rddreg [dreg:$0x9]  }
0x66: {  	s14 =	rddreg [dreg:$0x6]  }
0x67: {  	[hbm:s9], [sflag:s14] =	dma.local [spmem:s11], $0x2800  }
0x68: {  	s11 =	rddreg [dreg:$0x9];
	_ =	swait.ge [sflag:s15], $0x2800  }
0x69: {  	s9 =	rddreg [dreg:$0xa]  }
0x6a: {  	s14 =	sadd.s32 $0x1, s9;
	s9 =	rddreg [dreg:$0x8]  }
0x6b: {  	p1 =	sne.s32 s14, s9  }
.Ltmp1:
0x6c: {  	_ = 	snop;
	(pc) =	sbr.rel @!p1 .LBB2_9-.Ltmp1, $3  }
0x6d: {  	_ =	sdelay $0x1  }
0x6e: {  	[sflag:s15] =	ssyncset.done $0x0  }
0x6f: {  	[sflag:s15] =	ssyncadd.s32 $0xFFFFD800  }
.LBB2_1:
0x70: {  	[dreg:$0xa] =	wrdreg s14  }
0x71: {  	s9 =	rddreg [dreg:$0x3]  }
0x72: {  	s14 =	smov.u32 s11;
	s11 =	rddreg [dreg:$0x6]  }
0x73: {  	[spmem:s14], [sflag:s11] =	dma.local [hbm:s9], $0x2800  }
.Ltmp2:
0x74: {  	_ =	swait.ge [sflag:s15], $0x2800;
	(pc) =	sbr.rel @p0 .LBB2_5-.Ltmp2, $4  }
0x75: {  	[sflag:s15] =	ssyncset.done $0x0  }
0x76: {  	[sflag:s15] =	ssyncadd.s32 $0xFFFFD800  }
0x77: {  	[bflag:$0x0] =	sbarrier.arrive $0xFFFF  }
0x78: {  	s9 =	sadd.s32 $0x0, s13  }
0x79: {  	[tilespmem:s3], [sflag:$0x5] =	stream.linear.gather [hbm4b:s9+s3], $0x400, $0x38;
	[tilespmem:$0x1C800] =	vst v63  }
0x7a: {  	_ =	swait.ge [sflag:s15], $0x400  }
0x7b: {  	[sflag:s15] =	ssyncset.done $0x0  }
0x7c: {  	s14 =	sadd.s32 $0x0, s12;
	[sflag:s15] =	ssyncadd.s32 $0xFFFFFC00  }
0x7d: {  	[tilespmem:s16], [sflag:$0x5] =	stream.linear.gather [hbm4b:s14+s3], $0x400, $0x38;
	[tilespmem:$0x1C800] =	vst v63  }
0x7e: {  	_ =	swait.ge [sflag:s15], $0x400  }
0x7f: {  	[sflag:s15] =	ssyncset.done $0x0  }
0x80: {  	[sflag:s15] =	ssyncadd.s32 $0xFFFFFC00  }
0x81: {  	[tilespmem:s18], [sflag:$0x1] =	stream.indirect.gather [hbm4b:s4+s17], $0x80, s3, s17, $0xb8;
	[tilespmem:$0x1C800] =	vst v63  }
0x82: {  	_ = 	snop  }
0x83: {  	[tilespmem:s19], [sflag:$0x2] =	stream.indirect.gather [hbm4b:s4+s17], $0x80, s17, s17, $0xb8;
	[tilespmem:$0x1C800] =	vst v63  }
0x84: {  	_ =	swait.ge [sflag:s20], $0x4000  }
0x85: {  	[sflag:s20] =	ssyncset.done $0x0  }
0x86: {  	[sflag:s20] =	ssyncadd.s32 $0xFFFFC000  }
0x87: {  	[spmem:s2] =	stream.indirect.scatter.add.f32 [tilespmem:s18], [sflag:$0x3], $0x80, s16, s17, $0xb8;
	[tilespmem:$0x1C800] =	vst v63  }
0x88: {  	_ =	swait.ge [sflag:s21], $0x4000  }
0x89: {  	[sflag:s21] =	ssyncset.done $0x0  }
0x8a: {  	[sflag:s21] =	ssyncadd.s32 $0xFFFFC000  }
0x8b: {  	[tilespmem:s18], [sflag:$0x1] =	stream.indirect.gather [hbm4b:s4+s17], $0x80, s22, s17, $0xb8;
	[tilespmem:$0x1C800] =	vst v63  }
0x8c: {  	_ =	swait.ge [sflag:s23], $0x4000  }
0x8d: {  	[sflag:s23] =	ssyncset.done $0x0  }
0x8e: {  	[sflag:s23] =	ssyncadd.s32 $0xFFFFC000  }
0x8f: {  	[spmem:s2] =	stream.indirect.scatter.add.f32 [tilespmem:s19], [sflag:$0x4], $0x80, s24, s17, $0xb8;
	[tilespmem:$0x1C800] =	vst v63  }
0x90: {  	_ =	swait.ge [sflag:s25], $0x4000  }
0x91: {  	[sflag:s25] =	ssyncset.done $0x0  }
0x92: {  	[sflag:s25] =	ssyncadd.s32 $0xFFFFC000  }
0x93: {  	[tilespmem:s19], [sflag:$0x2] =	stream.indirect.gather [hbm4b:s4+s17], $0x80, s26, s17, $0xb8;
	[tilespmem:$0x1C800] =	vst v63  }
0x94: {  	_ =	swait.ge [sflag:s20], $0x4000  }
0x95: {  	[sflag:s20] =	ssyncset.done $0x0  }
0x96: {  	[sflag:s20] =	ssyncadd.s32 $0xFFFFC000  }
0x97: {  	[spmem:s2] =	stream.indirect.scatter.add.f32 [tilespmem:s18], [sflag:$0x3], $0x80, s28, s17, $0xb8;
	[tilespmem:$0x1C800] =	vst v63  }
0x98: {  	_ =	swait.ge [sflag:s21], $0x4000  }
0x99: {  	[sflag:s21] =	ssyncset.done $0x0  }
0x9a: {  	[sflag:s21] =	ssyncadd.s32 $0xFFFFC000  }
0x9b: {  	[tilespmem:s18], [sflag:$0x1] =	stream.indirect.gather [hbm4b:s4+s17], $0x80, s29, s17, $0xb8;
	[tilespmem:$0x1C800] =	vst v63  }
0x9c: {  	_ =	swait.ge [sflag:s23], $0x4000  }
0x9d: {  	[sflag:s23] =	ssyncset.done $0x0  }
0x9e: {  	[sflag:s23] =	ssyncadd.s32 $0xFFFFC000  }
0x9f: {  	[spmem:s2] =	stream.indirect.scatter.add.f32 [tilespmem:s19], [sflag:$0x4], $0x80, s30, s17, $0xb8;
	[tilespmem:$0x1C800] =	vst v63  }
0xa0: {  	_ =	swait.ge [sflag:s25], $0x4000  }
0xa1: {  	[sflag:s25] =	ssyncset.done $0x0  }
0xa2: {  	[sflag:s25] =	ssyncadd.s32 $0xFFFFC000  }
0xa3: {  	[tilespmem:s19], [sflag:$0x2] =	stream.indirect.gather [hbm4b:s4+s17], $0x80, s31, s17, $0xb8;
	[tilespmem:$0x1C800] =	vst v63  }
0xa4: {  	_ =	swait.ge [sflag:s20], $0x4000  }
0xa5: {  	[sflag:s20] =	ssyncset.done $0x0  }
0xa6: {  	[sflag:s20] =	ssyncadd.s32 $0xFFFFC000  }
0xa7: {  	[spmem:s2] =	stream.indirect.scatter.add.f32 [tilespmem:s18], [sflag:$0x3], $0x80, s0, s17, $0xb8;
	[tilespmem:$0x1C800] =	vst v63  }
0xa8: {  	_ =	swait.ge [sflag:s21], $0x4000  }
0xa9: {  	[sflag:s21] =	ssyncset.done $0x0  }
0xaa: {  	[sflag:s21] =	ssyncadd.s32 $0xFFFFC000  }
0xab: {  	[tilespmem:s18], [sflag:$0x1] =	stream.indirect.gather [hbm4b:s4+s17], $0x80, s1, s17, $0xb8;
	[tilespmem:$0x1C800] =	vst v63  }
0xac: {  	_ =	swait.ge [sflag:s23], $0x4000  }
0xad: {  	[sflag:s23] =	ssyncset.done $0x0  }
0xae: {  	[sflag:s23] =	ssyncadd.s32 $0xFFFFC000  }
0xaf: {  	[spmem:s2] =	stream.indirect.scatter.add.f32 [tilespmem:s19], [sflag:$0x4], $0x80, s7, s17, $0xb8;
	[tilespmem:$0x1C800] =	vst v63  }
0xb0: {  	_ =	swait.ge [sflag:s25], $0x4000  }
0xb1: {  	[sflag:s25] =	ssyncset.done $0x0  }
0xb2: {  	[sflag:s25] =	ssyncadd.s32 $0xFFFFC000  }
0xb3: {  	[tilespmem:s19], [sflag:$0x2] =	stream.indirect.gather [hbm4b:s4+s17], $0x80, s8, s17, $0xb8;
	[tilespmem:$0x1C800] =	vst v63  }
0xb4: {  	_ =	swait.ge [sflag:s20], $0x4000  }
0xb5: {  	[sflag:s20] =	ssyncset.done $0x0  }
0xb6: {  	[sflag:s20] =	ssyncadd.s32 $0xFFFFC000  }
0xb7: {  	[spmem:s2] =	stream.indirect.scatter.add.f32 [tilespmem:s18], [sflag:$0x3], $0x80, s6, s17, $0xb8;
	[tilespmem:$0x1C800] =	vst v63  }
0xb8: {  	_ =	swait.ge [sflag:s23], $0x4000  }
0xb9: {  	[sflag:s23] =	ssyncset.done $0x0  }
0xba: {  	[sflag:s23] =	ssyncadd.s32 $0xFFFFC000  }
0xbb: {  	[spmem:s2] =	stream.indirect.scatter.add.f32 [tilespmem:s19], [sflag:$0x4], $0x80, s10, s17, $0xb8;
	[tilespmem:$0x1C800] =	vst v63  }
0xbc: {  	_ =	swait.ge [sflag:s21], $0x4000  }
0xbd: {  	[sflag:s21] =	ssyncset.done $0x0  }
0xbe: {  	[sflag:s21] =	ssyncadd.s32 $0xFFFFC000  }
0xbf: {  	_ =	swait.ge [sflag:s25], $0x4000  }
0xc0: {  	s9 =	simm.s32 $0x80;
	s14 =	simm.s32 $0x100;
	[sflag:s25] =	ssyncset.done $0x0  }
.LBB2_3:
0xc1: {  	s22 =	sadd.s32 s9, s13  }
0xc2: {  	[sflag:s25] =	ssyncadd.s32 $0xFFFFC000;
	s24 =	smov.u32 s14;
	s11 =	sadd.s32 $0x80, s14  }
0xc3: {  	[tilespmem:s3], [sflag:$0x5] =	stream.linear.gather [hbm4b:s22+s3], $0x400, $0x38;
	[tilespmem:$0x1C800] =	vst v63  }
0xc4: {  	s22 =	simm.s32 $0x100  }
0xc5: {  	p1 =	seq.s32 s14, $0x980;
	_ =	swait.ge [sflag:s15], $0x400  }
0xc6: {  	s14 =	sadd.s32 s9, s12;
	[sflag:s15] =	ssyncset.done $0x0  }
0xc7: {  	s9 =	smov.u32 s24;
	s24 =	simm.s32 $0x480;
	[sflag:s15] =	ssyncadd.s32 $0xFFFFFC00  }
0xc8: {  	[tilespmem:s16], [sflag:$0x5] =	stream.linear.gather [hbm4b:s14+s3], $0x400, $0x38;
	[tilespmem:$0x1C800] =	vst v63  }
0xc9: {  	_ =	swait.ge [sflag:s15], $0x400  }
0xca: {  	[sflag:s15] =	ssyncset.done $0x0  }
0xcb: {  	[sflag:s15] =	ssyncadd.s32 $0xFFFFFC00  }
0xcc: {  	[tilespmem:s18], [sflag:$0x1] =	stream.indirect.gather [hbm4b:s4+s17], $0x80, s3, s17, $0xb8;
	[tilespmem:$0x1C800] =	vst v63  }
0xcd: {  	_ = 	snop  }
0xce: {  	[tilespmem:s19], [sflag:$0x2] =	stream.indirect.gather [hbm4b:s4+s17], $0x80, s17, s17, $0xb8;
	[tilespmem:$0x1C800] =	vst v63  }
0xcf: {  	_ =	swait.ge [sflag:s20], $0x4000  }
0xd0: {  	[sflag:s20] =	ssyncset.done $0x0  }
0xd1: {  	[sflag:s20] =	ssyncadd.s32 $0xFFFFC000  }
0xd2: {  	[spmem:s2] =	stream.indirect.scatter.add.f32 [tilespmem:s18], [sflag:$0x3], $0x80, s16, s17, $0xb8;
	[tilespmem:$0x1C800] =	vst v63  }
0xd3: {  	_ =	swait.ge [sflag:s21], $0x4000  }
0xd4: {  	[sflag:s21] =	ssyncset.done $0x0  }
0xd5: {  	[sflag:s21] =	ssyncadd.s32 $0xFFFFC000  }
0xd6: {  	[tilespmem:s18], [sflag:$0x1] =	stream.indirect.gather [hbm4b:s4+s17], $0x80, s22, s17, $0xb8;
	[tilespmem:$0x1C800] =	vst v63  }
0xd7: {  	_ =	swait.ge [sflag:s23], $0x4000  }
0xd8: {  	[sflag:s23] =	ssyncset.done $0x0  }
0xd9: {  	[sflag:s23] =	ssyncadd.s32 $0xFFFFC000  }
0xda: {  	[spmem:s2] =	stream.indirect.scatter.add.f32 [tilespmem:s19], [sflag:$0x4], $0x80, s24, s17, $0xb8;
	[tilespmem:$0x1C800] =	vst v63  }
0xdb: {  	_ =	swait.ge [sflag:s25], $0x4000  }
0xdc: {  	[sflag:s25] =	ssyncset.done $0x0  }
0xdd: {  	[sflag:s25] =	ssyncadd.s32 $0xFFFFC000  }
0xde: {  	[tilespmem:s19], [sflag:$0x2] =	stream.indirect.gather [hbm4b:s4+s17], $0x80, s26, s17, $0xb8;
	[tilespmem:$0x1C800] =	vst v63  }
0xdf: {  	_ =	swait.ge [sflag:s20], $0x4000  }
0xe0: {  	[sflag:s20] =	ssyncset.done $0x0  }
0xe1: {  	[sflag:s20] =	ssyncadd.s32 $0xFFFFC000  }
0xe2: {  	[spmem:s2] =	stream.indirect.scatter.add.f32 [tilespmem:s18], [sflag:$0x3], $0x80, s28, s17, $0xb8;
	[tilespmem:$0x1C800] =	vst v63  }
0xe3: {  	_ =	swait.ge [sflag:s21], $0x4000  }
0xe4: {  	[sflag:s21] =	ssyncset.done $0x0  }
0xe5: {  	[sflag:s21] =	ssyncadd.s32 $0xFFFFC000  }
0xe6: {  	[tilespmem:s18], [sflag:$0x1] =	stream.indirect.gather [hbm4b:s4+s17], $0x80, s29, s17, $0xb8;
	[tilespmem:$0x1C800] =	vst v63  }
0xe7: {  	_ =	swait.ge [sflag:s23], $0x4000  }
0xe8: {  	[sflag:s23] =	ssyncset.done $0x0  }
0xe9: {  	[sflag:s23] =	ssyncadd.s32 $0xFFFFC000  }
0xea: {  	[spmem:s2] =	stream.indirect.scatter.add.f32 [tilespmem:s19], [sflag:$0x4], $0x80, s30, s17, $0xb8;
	[tilespmem:$0x1C800] =	vst v63  }
0xeb: {  	_ =	swait.ge [sflag:s25], $0x4000  }
0xec: {  	[sflag:s25] =	ssyncset.done $0x0  }
0xed: {  	[sflag:s25] =	ssyncadd.s32 $0xFFFFC000  }
0xee: {  	[tilespmem:s19], [sflag:$0x2] =	stream.indirect.gather [hbm4b:s4+s17], $0x80, s31, s17, $0xb8;
	[tilespmem:$0x1C800] =	vst v63  }
0xef: {  	_ =	swait.ge [sflag:s20], $0x4000  }
0xf0: {  	[sflag:s20] =	ssyncset.done $0x0  }
0xf1: {  	[sflag:s20] =	ssyncadd.s32 $0xFFFFC000  }
0xf2: {  	[spmem:s2] =	stream.indirect.scatter.add.f32 [tilespmem:s18], [sflag:$0x3], $0x80, s0, s17, $0xb8;
	[tilespmem:$0x1C800] =	vst v63  }
0xf3: {  	_ =	swait.ge [sflag:s21], $0x4000  }
0xf4: {  	[sflag:s21] =	ssyncset.done $0x0  }
0xf5: {  	[sflag:s21] =	ssyncadd.s32 $0xFFFFC000  }
0xf6: {  	[tilespmem:s18], [sflag:$0x1] =	stream.indirect.gather [hbm4b:s4+s17], $0x80, s1, s17, $0xb8;
	[tilespmem:$0x1C800] =	vst v63  }
0xf7: {  	_ =	swait.ge [sflag:s23], $0x4000  }
0xf8: {  	[sflag:s23] =	ssyncset.done $0x0  }
0xf9: {  	[sflag:s23] =	ssyncadd.s32 $0xFFFFC000  }
0xfa: {  	[spmem:s2] =	stream.indirect.scatter.add.f32 [tilespmem:s19], [sflag:$0x4], $0x80, s7, s17, $0xb8;
	[tilespmem:$0x1C800] =	vst v63  }
0xfb: {  	_ =	swait.ge [sflag:s25], $0x4000  }
0xfc: {  	[sflag:s25] =	ssyncset.done $0x0  }
0xfd: {  	[sflag:s25] =	ssyncadd.s32 $0xFFFFC000  }
0xfe: {  	[tilespmem:s19], [sflag:$0x2] =	stream.indirect.gather [hbm4b:s4+s17], $0x80, s8, s17, $0xb8;
	[tilespmem:$0x1C800] =	vst v63  }
0xff: {  	_ =	swait.ge [sflag:s20], $0x4000  }
0x100: {  	[sflag:s20] =	ssyncset.done $0x0  }
0x101: {  	[sflag:s20] =	ssyncadd.s32 $0xFFFFC000  }
0x102: {  	[spmem:s2] =	stream.indirect.scatter.add.f32 [tilespmem:s18], [sflag:$0x3], $0x80, s6, s17, $0xb8;
	[tilespmem:$0x1C800] =	vst v63  }
0x103: {  	_ =	swait.ge [sflag:s23], $0x4000  }
0x104: {  	[sflag:s23] =	ssyncset.done $0x0  }
0x105: {  	[sflag:s23] =	ssyncadd.s32 $0xFFFFC000  }
0x106: {  	[spmem:s2] =	stream.indirect.scatter.add.f32 [tilespmem:s19], [sflag:$0x4], $0x80, s10, s17, $0xb8;
	[tilespmem:$0x1C800] =	vst v63  }
.Ltmp3:
0x107: {  	_ =	swait.ge [sflag:s21], $0x4000;
	(pc) =	sbr.rel @!p1 .LBB2_3-.Ltmp3, $4  }
0x108: {  	[sflag:s21] =	ssyncset.done $0x0  }
0x109: {  	[sflag:s21] =	ssyncadd.s32 $0xFFFFC000  }
0x10a: {  	_ =	swait.ge [sflag:s25], $0x4000  }
0x10b: {  	s14 =	smov.u32 s11;
	[sflag:s25] =	ssyncset.done $0x0  }
0x10c: {  	s11 =	sadd.s32 s9, s13;
	[sflag:s25] =	ssyncadd.s32 $0xFFFFC000  }
0x10d: {  	[tilespmem:s3], [sflag:$0x5] =	stream.linear.gather [hbm4b:s11+s3], $0x400, $0x38;
	[tilespmem:$0x1C800] =	vst v63  }
0x10e: {  	_ =	swait.ge [sflag:s15], $0x400  }
0x10f: {  	[sflag:s15] =	ssyncset.done $0x0  }
0x110: {  	s14 =	sadd.s32 s9, s12;
	[sflag:s15] =	ssyncadd.s32 $0xFFFFFC00  }
0x111: {  	[tilespmem:s16], [sflag:$0x5] =	stream.linear.gather [hbm4b:s14+s3], $0x400, $0x38;
	[tilespmem:$0x1C800] =	vst v63  }
0x112: {  	_ =	swait.ge [sflag:s15], $0x400  }
0x113: {  	[sflag:s15] =	ssyncset.done $0x0  }
0x114: {  	[sflag:s15] =	ssyncadd.s32 $0xFFFFFC00  }
0x115: {  	[tilespmem:s18], [sflag:$0x1] =	stream.indirect.gather [hbm4b:s4+s17], $0x80, s3, s17, $0xb8;
	[tilespmem:$0x1C800] =	vst v63  }
0x116: {  	_ = 	snop  }
0x117: {  	[tilespmem:s19], [sflag:$0x2] =	stream.indirect.gather [hbm4b:s4+s17], $0x80, s17, s17, $0xb8;
	[tilespmem:$0x1C800] =	vst v63  }
0x118: {  	_ =	swait.ge [sflag:s20], $0x4000  }
0x119: {  	[sflag:s20] =	ssyncset.done $0x0  }
0x11a: {  	[sflag:s20] =	ssyncadd.s32 $0xFFFFC000  }
0x11b: {  	[spmem:s2] =	stream.indirect.scatter.add.f32 [tilespmem:s18], [sflag:$0x3], $0x80, s16, s17, $0xb8;
	[tilespmem:$0x1C800] =	vst v63  }
0x11c: {  	_ =	swait.ge [sflag:s21], $0x4000  }
0x11d: {  	[sflag:s21] =	ssyncset.done $0x0  }
0x11e: {  	[sflag:s21] =	ssyncadd.s32 $0xFFFFC000  }
0x11f: {  	[tilespmem:s18], [sflag:$0x1] =	stream.indirect.gather [hbm4b:s4+s17], $0x80, s22, s17, $0xb8;
	[tilespmem:$0x1C800] =	vst v63  }
0x120: {  	_ =	swait.ge [sflag:s23], $0x4000  }
0x121: {  	[sflag:s23] =	ssyncset.done $0x0  }
0x122: {  	[sflag:s23] =	ssyncadd.s32 $0xFFFFC000  }
0x123: {  	[spmem:s2] =	stream.indirect.scatter.add.f32 [tilespmem:s19], [sflag:$0x4], $0x80, s24, s17, $0xb8;
	[tilespmem:$0x1C800] =	vst v63  }
0x124: {  	_ =	swait.ge [sflag:s25], $0x4000  }
0x125: {  	[sflag:s25] =	ssyncset.done $0x0  }
0x126: {  	[sflag:s25] =	ssyncadd.s32 $0xFFFFC000  }
0x127: {  	[tilespmem:s19], [sflag:$0x2] =	stream.indirect.gather [hbm4b:s4+s17], $0x80, s26, s17, $0xb8;
	[tilespmem:$0x1C800] =	vst v63  }
0x128: {  	_ =	swait.ge [sflag:s20], $0x4000  }
0x129: {  	[sflag:s20] =	ssyncset.done $0x0  }
0x12a: {  	[sflag:s20] =	ssyncadd.s32 $0xFFFFC000  }
0x12b: {  	[spmem:s2] =	stream.indirect.scatter.add.f32 [tilespmem:s18], [sflag:$0x3], $0x80, s28, s17, $0xb8;
	[tilespmem:$0x1C800] =	vst v63  }
0x12c: {  	_ =	swait.ge [sflag:s21], $0x4000  }
0x12d: {  	[sflag:s21] =	ssyncset.done $0x0  }
0x12e: {  	[sflag:s21] =	ssyncadd.s32 $0xFFFFC000  }
0x12f: {  	[tilespmem:s18], [sflag:$0x1] =	stream.indirect.gather [hbm4b:s4+s17], $0x80, s29, s17, $0xb8;
	[tilespmem:$0x1C800] =	vst v63  }
0x130: {  	_ =	swait.ge [sflag:s23], $0x4000  }
0x131: {  	[sflag:s23] =	ssyncset.done $0x0  }
0x132: {  	[sflag:s23] =	ssyncadd.s32 $0xFFFFC000  }
0x133: {  	[spmem:s2] =	stream.indirect.scatter.add.f32 [tilespmem:s19], [sflag:$0x4], $0x80, s30, s17, $0xb8;
	[tilespmem:$0x1C800] =	vst v63  }
0x134: {  	_ =	swait.ge [sflag:s25], $0x4000  }
0x135: {  	[sflag:s25] =	ssyncset.done $0x0  }
0x136: {  	[sflag:s25] =	ssyncadd.s32 $0xFFFFC000  }
0x137: {  	[tilespmem:s19], [sflag:$0x2] =	stream.indirect.gather [hbm4b:s4+s17], $0x80, s31, s17, $0xb8;
	[tilespmem:$0x1C800] =	vst v63  }
0x138: {  	_ =	swait.ge [sflag:s20], $0x4000  }
0x139: {  	[sflag:s20] =	ssyncset.done $0x0  }
0x13a: {  	[sflag:s20] =	ssyncadd.s32 $0xFFFFC000  }
0x13b: {  	[spmem:s2] =	stream.indirect.scatter.add.f32 [tilespmem:s18], [sflag:$0x3], $0x80, s0, s17, $0xb8;
	[tilespmem:$0x1C800] =	vst v63  }
0x13c: {  	_ =	swait.ge [sflag:s21], $0x4000  }
0x13d: {  	[sflag:s21] =	ssyncset.done $0x0  }
0x13e: {  	[sflag:s21] =	ssyncadd.s32 $0xFFFFC000  }
0x13f: {  	[tilespmem:s18], [sflag:$0x1] =	stream.indirect.gather [hbm4b:s4+s17], $0x80, s1, s17, $0xb8;
	[tilespmem:$0x1C800] =	vst v63  }
0x140: {  	_ =	swait.ge [sflag:s23], $0x4000  }
0x141: {  	[sflag:s23] =	ssyncset.done $0x0  }
0x142: {  	[sflag:s23] =	ssyncadd.s32 $0xFFFFC000  }
0x143: {  	[spmem:s2] =	stream.indirect.scatter.add.f32 [tilespmem:s19], [sflag:$0x4], $0x80, s7, s17, $0xb8;
	[tilespmem:$0x1C800] =	vst v63  }
0x144: {  	_ =	swait.ge [sflag:s25], $0x4000  }
0x145: {  	[sflag:s25] =	ssyncset.done $0x0  }
0x146: {  	[sflag:s25] =	ssyncadd.s32 $0xFFFFC000  }
0x147: {  	[tilespmem:s19], [sflag:$0x2] =	stream.indirect.gather [hbm4b:s4+s17], $0x80, s8, s17, $0xb8;
	[tilespmem:$0x1C800] =	vst v63  }
0x148: {  	_ =	swait.ge [sflag:s20], $0x4000  }
0x149: {  	[sflag:s20] =	ssyncset.done $0x0  }
0x14a: {  	[sflag:s20] =	ssyncadd.s32 $0xFFFFC000  }
0x14b: {  	[spmem:s2] =	stream.indirect.scatter.add.f32 [tilespmem:s18], [sflag:$0x3], $0x80, s6, s17, $0xb8;
	[tilespmem:$0x1C800] =	vst v63  }
0x14c: {  	_ =	swait.ge [sflag:s23], $0x4000  }
0x14d: {  	[sflag:s23] =	ssyncset.done $0x0  }
0x14e: {  	[sflag:s23] =	ssyncadd.s32 $0xFFFFC000  }
0x14f: {  	[spmem:s2] =	stream.indirect.scatter.add.f32 [tilespmem:s19], [sflag:$0x4], $0x80, s10, s17, $0xb8;
	[tilespmem:$0x1C800] =	vst v63  }
0x150: {  	_ =	swait.ge [sflag:s21], $0x4000  }
.Ltmp4:
0x151: {  	[sflag:s21] =	ssyncset.done $0x0;
	(pc) =	sbr.rel .LBB2_8-.Ltmp4, $4  }
0x152: {  	[sflag:s21] =	ssyncadd.s32 $0xFFFFC000  }
0x153: {  	_ =	swait.ge [sflag:s25], $0x4000  }
0x154: {  	[sflag:s25] =	ssyncset.done $0x0  }
0x155: {  	s9 =	rddreg [dreg:$0x4];
	[sflag:s25] =	ssyncadd.s32 $0xFFFFC000  }
.LBB2_5:
0x156: {  	[tilespmem:s3], [sflag:$0x5] =	stream.linear.gather [hbm4b:s9+s3], $0x400, $0x38;
	[tilespmem:$0x1C800] =	vst v63  }
0x157: {  	_ =	swait.ge [sflag:s15], $0x400  }
0x158: {  	[sflag:s15] =	ssyncset.done $0x0  }
0x159: {  	s14 =	sadd.s32 $0x0, s12;
	[sflag:s15] =	ssyncadd.s32 $0xFFFFFC00  }
0x15a: {  	[tilespmem:s16], [sflag:$0x5] =	stream.linear.gather [hbm4b:s14+s3], $0x400, $0x38;
	[tilespmem:$0x1C800] =	vst v63  }
0x15b: {  	_ =	swait.ge [sflag:s15], $0x400  }
0x15c: {  	[sflag:s15] =	ssyncset.done $0x0  }
0x15d: {  	[sflag:s15] =	ssyncadd.s32 $0xFFFFFC00  }
0x15e: {  	[tilespmem:s18], [sflag:$0x1] =	stream.indirect.gather [hbm4b:s5+s17], $0x80, s3, s17, $0xb8;
	[tilespmem:$0x1C800] =	vst v63  }
0x15f: {  	_ = 	snop  }
0x160: {  	[tilespmem:s19], [sflag:$0x2] =	stream.indirect.gather [hbm4b:s5+s17], $0x80, s17, s17, $0xb8;
	[tilespmem:$0x1C800] =	vst v63  }
0x161: {  	_ =	swait.ge [sflag:s20], $0x4000  }
0x162: {  	[sflag:s20] =	ssyncset.done $0x0  }
0x163: {  	[sflag:s20] =	ssyncadd.s32 $0xFFFFC000  }
0x164: {  	[spmem:s2] =	stream.indirect.scatter.add.f32 [tilespmem:s18], [sflag:$0x3], $0x80, s16, s17, $0xb8;
	[tilespmem:$0x1C800] =	vst v63  }
0x165: {  	_ =	swait.ge [sflag:s21], $0x4000  }
0x166: {  	[sflag:s21] =	ssyncset.done $0x0  }
0x167: {  	[sflag:s21] =	ssyncadd.s32 $0xFFFFC000  }
0x168: {  	[tilespmem:s18], [sflag:$0x1] =	stream.indirect.gather [hbm4b:s5+s17], $0x80, s22, s17, $0xb8;
	[tilespmem:$0x1C800] =	vst v63  }
0x169: {  	_ =	swait.ge [sflag:s23], $0x4000  }
0x16a: {  	[sflag:s23] =	ssyncset.done $0x0  }
0x16b: {  	[sflag:s23] =	ssyncadd.s32 $0xFFFFC000  }
0x16c: {  	[spmem:s2] =	stream.indirect.scatter.add.f32 [tilespmem:s19], [sflag:$0x4], $0x80, s24, s17, $0xb8;
	[tilespmem:$0x1C800] =	vst v63  }
0x16d: {  	_ =	swait.ge [sflag:s25], $0x4000  }
0x16e: {  	[sflag:s25] =	ssyncset.done $0x0  }
0x16f: {  	[sflag:s25] =	ssyncadd.s32 $0xFFFFC000  }
0x170: {  	[tilespmem:s19], [sflag:$0x2] =	stream.indirect.gather [hbm4b:s5+s17], $0x80, s26, s17, $0xb8;
	[tilespmem:$0x1C800] =	vst v63  }
0x171: {  	_ =	swait.ge [sflag:s20], $0x4000  }
0x172: {  	[sflag:s20] =	ssyncset.done $0x0  }
0x173: {  	[sflag:s20] =	ssyncadd.s32 $0xFFFFC000  }
0x174: {  	[spmem:s2] =	stream.indirect.scatter.add.f32 [tilespmem:s18], [sflag:$0x3], $0x80, s28, s17, $0xb8;
	[tilespmem:$0x1C800] =	vst v63  }
0x175: {  	_ =	swait.ge [sflag:s21], $0x4000  }
0x176: {  	[sflag:s21] =	ssyncset.done $0x0  }
0x177: {  	[sflag:s21] =	ssyncadd.s32 $0xFFFFC000  }
0x178: {  	[tilespmem:s18], [sflag:$0x1] =	stream.indirect.gather [hbm4b:s5+s17], $0x80, s29, s17, $0xb8;
	[tilespmem:$0x1C800] =	vst v63  }
0x179: {  	_ =	swait.ge [sflag:s23], $0x4000  }
0x17a: {  	[sflag:s23] =	ssyncset.done $0x0  }
0x17b: {  	[sflag:s23] =	ssyncadd.s32 $0xFFFFC000  }
0x17c: {  	[spmem:s2] =	stream.indirect.scatter.add.f32 [tilespmem:s19], [sflag:$0x4], $0x80, s30, s17, $0xb8;
	[tilespmem:$0x1C800] =	vst v63  }
0x17d: {  	_ =	swait.ge [sflag:s25], $0x4000  }
0x17e: {  	[sflag:s25] =	ssyncset.done $0x0  }
0x17f: {  	[sflag:s25] =	ssyncadd.s32 $0xFFFFC000  }
0x180: {  	[tilespmem:s19], [sflag:$0x2] =	stream.indirect.gather [hbm4b:s5+s17], $0x80, s31, s17, $0xb8;
	[tilespmem:$0x1C800] =	vst v63  }
0x181: {  	_ =	swait.ge [sflag:s20], $0x4000  }
0x182: {  	[sflag:s20] =	ssyncset.done $0x0  }
0x183: {  	[sflag:s20] =	ssyncadd.s32 $0xFFFFC000  }
0x184: {  	[spmem:s2] =	stream.indirect.scatter.add.f32 [tilespmem:s18], [sflag:$0x3], $0x80, s0, s17, $0xb8;
	[tilespmem:$0x1C800] =	vst v63  }
0x185: {  	_ =	swait.ge [sflag:s21], $0x4000  }
0x186: {  	[sflag:s21] =	ssyncset.done $0x0  }
0x187: {  	[sflag:s21] =	ssyncadd.s32 $0xFFFFC000  }
0x188: {  	[tilespmem:s18], [sflag:$0x1] =	stream.indirect.gather [hbm4b:s5+s17], $0x80, s1, s17, $0xb8;
	[tilespmem:$0x1C800] =	vst v63  }
0x189: {  	_ =	swait.ge [sflag:s23], $0x4000  }
0x18a: {  	[sflag:s23] =	ssyncset.done $0x0  }
0x18b: {  	[sflag:s23] =	ssyncadd.s32 $0xFFFFC000  }
0x18c: {  	[spmem:s2] =	stream.indirect.scatter.add.f32 [tilespmem:s19], [sflag:$0x4], $0x80, s7, s17, $0xb8;
	[tilespmem:$0x1C800] =	vst v63  }
0x18d: {  	_ =	swait.ge [sflag:s25], $0x4000  }
0x18e: {  	[sflag:s25] =	ssyncset.done $0x0  }
0x18f: {  	[sflag:s25] =	ssyncadd.s32 $0xFFFFC000  }
0x190: {  	[tilespmem:s19], [sflag:$0x2] =	stream.indirect.gather [hbm4b:s5+s17], $0x80, s8, s17, $0xb8;
	[tilespmem:$0x1C800] =	vst v63  }
0x191: {  	_ =	swait.ge [sflag:s20], $0x4000  }
0x192: {  	[sflag:s20] =	ssyncset.done $0x0  }
0x193: {  	[sflag:s20] =	ssyncadd.s32 $0xFFFFC000  }
0x194: {  	[spmem:s2] =	stream.indirect.scatter.add.f32 [tilespmem:s18], [sflag:$0x3], $0x80, s6, s17, $0xb8;
	[tilespmem:$0x1C800] =	vst v63  }
0x195: {  	_ =	swait.ge [sflag:s23], $0x4000  }
0x196: {  	[sflag:s23] =	ssyncset.done $0x0  }
0x197: {  	[sflag:s23] =	ssyncadd.s32 $0xFFFFC000  }
0x198: {  	[spmem:s2] =	stream.indirect.scatter.add.f32 [tilespmem:s19], [sflag:$0x4], $0x80, s10, s17, $0xb8;
	[tilespmem:$0x1C800] =	vst v63  }
0x199: {  	_ =	swait.ge [sflag:s21], $0x4000  }
0x19a: {  	[sflag:s21] =	ssyncset.done $0x0  }
0x19b: {  	[sflag:s21] =	ssyncadd.s32 $0xFFFFC000  }
0x19c: {  	_ =	swait.ge [sflag:s25], $0x4000  }
0x19d: {  	s9 =	simm.s32 $0x80;
	s11 =	simm.s32 $0x100;
	[sflag:s25] =	ssyncset.done $0x0  }
.LBB2_6:
0x19e: {  	s22 =	sadd.s32 s9, s13  }
0x19f: {  	[sflag:s25] =	ssyncadd.s32 $0xFFFFC000;
	s24 =	smov.u32 s11;
	s14 =	sadd.s32 $0x80, s11  }
0x1a0: {  	[tilespmem:s3], [sflag:$0x5] =	stream.linear.gather [hbm4b:s22+s3], $0x400, $0x38;
	[tilespmem:$0x1C800] =	vst v63  }
0x1a1: {  	s22 =	simm.s32 $0x100  }
0x1a2: {  	p1 =	sne.s32 s11, $0x980;
	_ =	swait.ge [sflag:s15], $0x400  }
0x1a3: {  	s11 =	sadd.s32 s9, s12;
	[sflag:s15] =	ssyncset.done $0x0  }
0x1a4: {  	s9 =	smov.u32 s24;
	s24 =	simm.s32 $0x480;
	[sflag:s15] =	ssyncadd.s32 $0xFFFFFC00  }
0x1a5: {  	[tilespmem:s16], [sflag:$0x5] =	stream.linear.gather [hbm4b:s11+s3], $0x400, $0x38;
	[tilespmem:$0x1C800] =	vst v63  }
0x1a6: {  	_ =	swait.ge [sflag:s15], $0x400  }
0x1a7: {  	[sflag:s15] =	ssyncset.done $0x0  }
0x1a8: {  	[sflag:s15] =	ssyncadd.s32 $0xFFFFFC00  }
0x1a9: {  	[tilespmem:s18], [sflag:$0x1] =	stream.indirect.gather [hbm4b:s5+s17], $0x80, s3, s17, $0xb8;
	[tilespmem:$0x1C800] =	vst v63  }
0x1aa: {  	_ = 	snop  }
0x1ab: {  	[tilespmem:s19], [sflag:$0x2] =	stream.indirect.gather [hbm4b:s5+s17], $0x80, s17, s17, $0xb8;
	[tilespmem:$0x1C800] =	vst v63  }
0x1ac: {  	_ =	swait.ge [sflag:s20], $0x4000  }
0x1ad: {  	[sflag:s20] =	ssyncset.done $0x0  }
0x1ae: {  	[sflag:s20] =	ssyncadd.s32 $0xFFFFC000  }
0x1af: {  	[spmem:s2] =	stream.indirect.scatter.add.f32 [tilespmem:s18], [sflag:$0x3], $0x80, s16, s17, $0xb8;
	[tilespmem:$0x1C800] =	vst v63  }
0x1b0: {  	_ =	swait.ge [sflag:s21], $0x4000  }
0x1b1: {  	[sflag:s21] =	ssyncset.done $0x0  }
0x1b2: {  	[sflag:s21] =	ssyncadd.s32 $0xFFFFC000  }
0x1b3: {  	[tilespmem:s18], [sflag:$0x1] =	stream.indirect.gather [hbm4b:s5+s17], $0x80, s22, s17, $0xb8;
	[tilespmem:$0x1C800] =	vst v63  }
0x1b4: {  	_ =	swait.ge [sflag:s23], $0x4000  }
0x1b5: {  	[sflag:s23] =	ssyncset.done $0x0  }
0x1b6: {  	[sflag:s23] =	ssyncadd.s32 $0xFFFFC000  }
0x1b7: {  	[spmem:s2] =	stream.indirect.scatter.add.f32 [tilespmem:s19], [sflag:$0x4], $0x80, s24, s17, $0xb8;
	[tilespmem:$0x1C800] =	vst v63  }
0x1b8: {  	_ =	swait.ge [sflag:s25], $0x4000  }
0x1b9: {  	[sflag:s25] =	ssyncset.done $0x0  }
0x1ba: {  	[sflag:s25] =	ssyncadd.s32 $0xFFFFC000  }
0x1bb: {  	[tilespmem:s19], [sflag:$0x2] =	stream.indirect.gather [hbm4b:s5+s17], $0x80, s26, s17, $0xb8;
	[tilespmem:$0x1C800] =	vst v63  }
0x1bc: {  	_ =	swait.ge [sflag:s20], $0x4000  }
0x1bd: {  	[sflag:s20] =	ssyncset.done $0x0  }
0x1be: {  	[sflag:s20] =	ssyncadd.s32 $0xFFFFC000  }
0x1bf: {  	[spmem:s2] =	stream.indirect.scatter.add.f32 [tilespmem:s18], [sflag:$0x3], $0x80, s28, s17, $0xb8;
	[tilespmem:$0x1C800] =	vst v63  }
0x1c0: {  	_ =	swait.ge [sflag:s21], $0x4000  }
0x1c1: {  	[sflag:s21] =	ssyncset.done $0x0  }
0x1c2: {  	[sflag:s21] =	ssyncadd.s32 $0xFFFFC000  }
0x1c3: {  	[tilespmem:s18], [sflag:$0x1] =	stream.indirect.gather [hbm4b:s5+s17], $0x80, s29, s17, $0xb8;
	[tilespmem:$0x1C800] =	vst v63  }
0x1c4: {  	_ =	swait.ge [sflag:s23], $0x4000  }
0x1c5: {  	[sflag:s23] =	ssyncset.done $0x0  }
0x1c6: {  	[sflag:s23] =	ssyncadd.s32 $0xFFFFC000  }
0x1c7: {  	[spmem:s2] =	stream.indirect.scatter.add.f32 [tilespmem:s19], [sflag:$0x4], $0x80, s30, s17, $0xb8;
	[tilespmem:$0x1C800] =	vst v63  }
0x1c8: {  	_ =	swait.ge [sflag:s25], $0x4000  }
0x1c9: {  	[sflag:s25] =	ssyncset.done $0x0  }
0x1ca: {  	[sflag:s25] =	ssyncadd.s32 $0xFFFFC000  }
0x1cb: {  	[tilespmem:s19], [sflag:$0x2] =	stream.indirect.gather [hbm4b:s5+s17], $0x80, s31, s17, $0xb8;
	[tilespmem:$0x1C800] =	vst v63  }
0x1cc: {  	_ =	swait.ge [sflag:s20], $0x4000  }
0x1cd: {  	[sflag:s20] =	ssyncset.done $0x0  }
0x1ce: {  	[sflag:s20] =	ssyncadd.s32 $0xFFFFC000  }
0x1cf: {  	[spmem:s2] =	stream.indirect.scatter.add.f32 [tilespmem:s18], [sflag:$0x3], $0x80, s0, s17, $0xb8;
	[tilespmem:$0x1C800] =	vst v63  }
0x1d0: {  	_ =	swait.ge [sflag:s21], $0x4000  }
0x1d1: {  	[sflag:s21] =	ssyncset.done $0x0  }
0x1d2: {  	[sflag:s21] =	ssyncadd.s32 $0xFFFFC000  }
0x1d3: {  	[tilespmem:s18], [sflag:$0x1] =	stream.indirect.gather [hbm4b:s5+s17], $0x80, s1, s17, $0xb8;
	[tilespmem:$0x1C800] =	vst v63  }
0x1d4: {  	_ =	swait.ge [sflag:s23], $0x4000  }
0x1d5: {  	[sflag:s23] =	ssyncset.done $0x0  }
0x1d6: {  	[sflag:s23] =	ssyncadd.s32 $0xFFFFC000  }
0x1d7: {  	[spmem:s2] =	stream.indirect.scatter.add.f32 [tilespmem:s19], [sflag:$0x4], $0x80, s7, s17, $0xb8;
	[tilespmem:$0x1C800] =	vst v63  }
0x1d8: {  	_ =	swait.ge [sflag:s25], $0x4000  }
0x1d9: {  	[sflag:s25] =	ssyncset.done $0x0  }
0x1da: {  	[sflag:s25] =	ssyncadd.s32 $0xFFFFC000  }
0x1db: {  	[tilespmem:s19], [sflag:$0x2] =	stream.indirect.gather [hbm4b:s5+s17], $0x80, s8, s17, $0xb8;
	[tilespmem:$0x1C800] =	vst v63  }
0x1dc: {  	_ =	swait.ge [sflag:s20], $0x4000  }
0x1dd: {  	[sflag:s20] =	ssyncset.done $0x0  }
0x1de: {  	[sflag:s20] =	ssyncadd.s32 $0xFFFFC000  }
0x1df: {  	[spmem:s2] =	stream.indirect.scatter.add.f32 [tilespmem:s18], [sflag:$0x3], $0x80, s6, s17, $0xb8;
	[tilespmem:$0x1C800] =	vst v63  }
0x1e0: {  	_ =	swait.ge [sflag:s23], $0x4000  }
0x1e1: {  	[sflag:s23] =	ssyncset.done $0x0  }
0x1e2: {  	[sflag:s23] =	ssyncadd.s32 $0xFFFFC000  }
0x1e3: {  	[spmem:s2] =	stream.indirect.scatter.add.f32 [tilespmem:s19], [sflag:$0x4], $0x80, s10, s17, $0xb8;
	[tilespmem:$0x1C800] =	vst v63  }
.Ltmp5:
0x1e4: {  	_ =	swait.ge [sflag:s21], $0x4000;
	(pc) =	sbr.rel @p1 .LBB2_6-.Ltmp5, $4  }
0x1e5: {  	[sflag:s21] =	ssyncset.done $0x0  }
0x1e6: {  	[sflag:s21] =	ssyncadd.s32 $0xFFFFC000  }
0x1e7: {  	_ =	swait.ge [sflag:s25], $0x4000  }
0x1e8: {  	s11 =	smov.u32 s14;
	[sflag:s25] =	ssyncset.done $0x0  }
.Ltmp6:
0x1e9: {  	_ = 	snop;
	(pc) =	sbr.rel .LBB2_7-.Ltmp6, $1  }
0x1ea: {  	_ =	sdelay $0x3  }
.LBB2_9:
0x1eb: {  	_ =	sfence.sel $0x180000  }
0x1ec: {  	[bflag:$0x0] =	sbarrier.arrive $0xFFFF  }
0x1ed: {  	_ =	strace $0x9000004A  }
0x1ee: {  	s0 =	stileid.u32;
	[bflag:$0x2] =	sbarrier.arrive $0xFFFF  }
0x1ef: {  	p0 =	sne.s32 s0, $0x0;
	s0 =	rddreg [dreg:$0x2]  }
0x1f0: {  	s0 =	sadd.s32 @!p0 $0x100000, s0  }
0x1f1: {  	[sflag:s0] =	ssyncadd.tile.s32 @!p0 $0x1;
	_ =	shalt  }
.Lfunc_end2:
_tile_overlayer_lowered:
.L_overlay_start_2:
0x1f2: {  	(tag) =	ssettag $0x2  }
0x1f3: {  	s0 =	rddreg [dreg:$0x0];
	s2 =	stileid.u32  }
0x1f4: {  	s1 =	rddreg [dreg:$0x1];
	p0 =	sne.s32 s2, $0x0  }
0x1f5: {  	s3 =	rddreg [dreg:$0x2];
	[bflag:$0x3] =	sbarrier.arrive $0xFFFF;
	s2 =	simm.s32 @!p0 $0x1C05  }
0x1f6: {  	[timem:s3], [sflag:s2] =	dma.local @!p0 [hbm:s0], s1  }
0x1f7: {  	s0 =	simm.s32 @!p0 $0x5  }
0x1f8: {  	_ =	swait.ge @!p0 [sflag:s0], s1  }
0x1f9: {  	s1 =	ssub.s32 @!p0 $0x0, s1;
	[sflag:s0] =	ssyncset.done @!p0 $0x0  }
0x1fa: {  	[sflag:s0] =	ssyncadd.s32 @!p0 s1  }
0x1fb: {  	[bflag:$0x3] =	sbarrier.arrive $0xFFFF  }
0x1fc: {  	_ =	shalt  }

// kernel: kernel.14.cloned.1.call-start
scs
__scs_entry_jumppad:
0x0: {  	(pc) =	sbr.rel $0x88, $3  }
0x1: {  	(tag) =	ssettag $0x0;
	lr =	simm.s32 $0x1  }
0x2: {  	[smem:$0x3F8D] =	sst lr;
	_ =	strace $0xD0000000  }
0x3: {  	_ = 	snop  }
0x4: {  	_ = 	snop  }
0x5: {  	_ = 	snop  }
0x6: {  	_ = 	snop  }
0x7: {  	_ = 	snop  }
__scs_overlays_trampoline_lowered:
0x8: {  	[smem:$0x3F9C] =	sst s0  }
0x9: {  	[smem:$0x3F9D] =	sst s1  }
0xa: {  	[smem:$0x3F9E] =	sst s2  }
0xb: {  	[smem:$0x3F9F] =	sst s3  }
0xc: {  	[smem:$0x3FA0] =	sst s4  }
0xd: {  	[smem:$0x3FA1] =	sst s5  }
0xe: {  	[smem:$0x3FA2] =	sst s6  }
0xf: {  	[smem:$0x3FA3] =	sst s7  }
0x10: {  	[smem:$0x3FA4] =	sst s8  }
0x11: {  	[smem:$0x3FA5] =	sst s9;
	s0 =	simm.s32 @!p0 $0x0  }
0x12: {  	s1 =	sld [smem:$0x3F8B];
	s0 =	simm.s32 @p0 $0x1  }
0x13: {  	[smem:$0x3FA6] =	sst s0;
	s0 =	simm.s32 @!p1 $0x0  }
0x14: {  	s2 =	sld [smem:$0x3F8A];
	s0 =	simm.s32 @p1 $0x1  }
0x15: {  	[smem:$0x3FA7] =	sst s0;
	s0 =	simm.s32 @!p2 $0x0  }
0x16: {  	s3 =	sld [smem:$0x3FDB];
	s0 =	simm.s32 @p2 $0x1  }
0x17: {  	s4 =	simm.s32 $0x1BF5;
	[smem:$0x3FA9] =	sst s0  }
0x18: {  	s0 =	sld [smem:$0x3F8C];
	_ =	swait.ge [sflag:s4], $0x0  }
0x19: {  	s7 =	sld [smem:$0x3F8D]  }
0x1a: {  	s8 =	sadd.s32 $0xFFFFE003, lr  }
0x1b: {  	s9 =	sadd.s32 $0xFFFFFEF7, lr;
	s5 =	simm.s32 $0xFFFFFFFF;
	p2 =	slt.u32 s8, $0xFFFFF086  }
0x1c: {  	p1 =	slt.u32 s9, $0xF7A;
	s5 =	simm.s32 @!p2 $0x0  }
0x1d: {  	s5 =	simm.s32 @p1 $0x1;
	p0 =	seq.s32 s7, s2  }
0x1e: {  	s7 =	smul.u32 @!p0 $0xF7A, s2;
	p2 =	seq.s32 @!p0 s5, $0x0  }
0x1f: {  	s9 =	smul.u32 $0xF7A, s1;
	s8 =	simm.s32 @!p0 $0x1BF5;
	p2 =	por !p2, p0  }
0x20: {  	[sflag:s8] =	ssyncset.s32 @!p0 $0xFFFFF086;
	s6 =	sadd.s32 @!p0 s3, s7;
	s7 =	simm.s32 @!p0 $0x108  }
0x21: {  	s3 =	sadd.s32 s3, s9;
	s6 =	sadd.s32 @!p0 $0x88, s6;
	s7 =	simm.s32 @p2 $0x1082  }
0x22: {  	[simem:s7], [sflag:s8] =	dma.local @!p0 [hbm:s6], $0xF7A  }
0x23: {  	s9 =	sor.u32 $0xD0000000, s2;
	s6 =	simm.s32 $0x108;
	_ =	swait.ge @!p0 [sflag:s8], $0x0  }
0x24: {  	s3 =	sadd.s32 $0x88, s3;
	s6 =	simm.s32 @!p1 $0x1082;
	[sflag:s4] =	ssyncset.s32 $0xFFFFF086  }
0x25: {  	[simem:s6], [sflag:s4] =	dma.local [hbm:s3], $0xF7A  }
0x26: {  	[smem:$0x3F8D] =	sst s1;
	(tag) =	ssettag s2;
	_ =	strace s9  }
0x27: {  	s1 =	sld [smem:$0x3F9D]  }
0x28: {  	s2 =	sld [smem:$0x3F9E]  }
0x29: {  	s4 =	sld [smem:$0x3FA0]  }
0x2a: {  	p0 =	seq.s32 s5, $0x0;
	s5 =	sld [smem:$0x3FA1]  }
0x2b: {  	s6 =	sld [smem:$0x3FA2]  }
0x2c: {  	s7 =	sld [smem:$0x3FA3]  }
0x2d: {  	s3 =	simm.s32 $0x108;
	s8 =	sld [smem:$0x3FA4]  }
0x2e: {  	s3 =	simm.s32 @!p0 $0x1082;
	s9 =	sld [smem:$0x3FA5]  }
0x2f: {  	lr =	sadd.s32 s0, s3;
	s0 =	sld [smem:$0x3F9C]  }
0x30: {  	s3 =	sld [smem:$0x3F9F]  }
0x31: {  	[smem:$0x3FA8] =	sst s10  }
0x32: {  	s10 =	sld [smem:$0x3FA6];
	_ =	sdelay $0x3  }
0x33: {  	p0 =	seq.s32 s10, $0x1;
	s10 =	sld [smem:$0x3FA8];
	_ =	sdelay $0x3  }
0x34: {  	[smem:$0x3FA8] =	sst s10  }
0x35: {  	s10 =	sld [smem:$0x3FA7];
	_ =	sdelay $0x3  }
0x36: {  	p1 =	seq.s32 s10, $0x1;
	s10 =	sld [smem:$0x3FA8];
	_ =	sdelay $0x3  }
0x37: {  	[smem:$0x3FA8] =	sst s10  }
0x38: {  	s10 =	sld [smem:$0x3FA9]  }
0x39: {  	_ = 	snop;
	(pc) =	sbr.ind lr, $3  }
0x3a: {  	_ = 	snop  }
0x3b: {  	_ = 	snop  }
0x3c: {  	p2 =	seq.s32 s10, $0x1;
	s10 =	sld [smem:$0x3FA8]  }
0x3d: {  	_ =	shalt  }
0x3e: {  	_ =	shalt  }
0x3f: {  	_ =	shalt  }
0x40: {  	_ =	shalt  }
0x41: {  	_ =	shalt  }
0x42: {  	_ =	shalt  }
0x43: {  	_ =	shalt  }
0x44: {  	_ =	shalt  }
0x45: {  	_ =	shalt  }
0x46: {  	_ =	shalt  }
0x47: {  	_ =	shalt  }
0x48: {  	_ =	shalt  }
0x49: {  	_ =	shalt  }
0x4a: {  	_ =	shalt  }
0x4b: {  	_ =	shalt  }
0x4c: {  	_ =	shalt  }
0x4d: {  	_ =	shalt  }
0x4e: {  	_ =	shalt  }
0x4f: {  	_ =	shalt  }
0x50: {  	_ =	shalt  }
0x51: {  	_ =	shalt  }
0x52: {  	_ =	shalt  }
0x53: {  	_ =	shalt  }
0x54: {  	_ =	shalt  }
0x55: {  	_ =	shalt  }
0x56: {  	_ =	shalt  }
0x57: {  	_ =	shalt  }
0x58: {  	_ =	shalt  }
0x59: {  	_ =	shalt  }
0x5a: {  	_ =	shalt  }
0x5b: {  	_ =	shalt  }
0x5c: {  	_ =	shalt  }
0x5d: {  	_ =	shalt  }
0x5e: {  	_ =	shalt  }
0x5f: {  	_ =	shalt  }
0x60: {  	_ =	shalt  }
0x61: {  	_ =	shalt  }
0x62: {  	_ =	shalt  }
0x63: {  	_ =	shalt  }
0x64: {  	_ =	shalt  }
0x65: {  	_ =	shalt  }
0x66: {  	_ =	shalt  }
0x67: {  	_ =	shalt  }
0x68: {  	_ =	shalt  }
0x69: {  	_ =	shalt  }
0x6a: {  	_ =	shalt  }
0x6b: {  	_ =	shalt  }
0x6c: {  	_ =	shalt  }
0x6d: {  	_ =	shalt  }
0x6e: {  	_ =	shalt  }
0x6f: {  	_ =	shalt  }
0x70: {  	_ =	shalt  }
0x71: {  	_ =	shalt  }
0x72: {  	_ =	shalt  }
0x73: {  	_ =	shalt  }
0x74: {  	_ =	shalt  }
0x75: {  	_ =	shalt  }
0x76: {  	_ =	shalt  }
0x77: {  	_ =	shalt  }
0x78: {  	_ =	shalt  }
0x79: {  	_ =	shalt  }
0x7a: {  	_ =	shalt  }
0x7b: {  	_ =	shalt  }
0x7c: {  	_ =	shalt  }
0x7d: {  	_ =	shalt  }
0x7e: {  	_ =	shalt  }
0x7f: {  	_ =	shalt  }
0x80: {  	_ =	shalt  }
0x81: {  	_ =	shalt  }
0x82: {  	_ =	shalt  }
0x83: {  	_ =	shalt  }
0x84: {  	_ =	shalt  }
0x85: {  	_ =	shalt  }
0x86: {  	_ =	shalt  }
0x87: {  	_ =	shalt  }
.Lfunc_end0:
.L_simem_size_0:
called_computation.2_lowered:
.L_overlay_start_0:
0x88: {  	s2 =	sld [smem:$0x3FD9]  }
0x89: {  	s3 =	sld [smem:$0x3FFE];
	_ =	sdelay $0x1  }
0x8a: {  	s1 =	srdreg.scid  }
0x8b: {  	s0 =	sand.u32 $0x1, s1  }
0x8c: {  	s16 =	sshll.u32 s0, $0xA;
	s2 =	sadd.s32 s3, s2  }
0x8d: {  	s2 =	sadd.s32 s2, s16  }
0x8e: {  	[smem:$0x3FB4] =	sst s2  }
0x8f: {  	_ = 	snop  }
0x90: {  	(tm) =	ssettm $0x1  }
0x91: {  	s17 =	sld [smem:$0x3FFB];
	_ =	sdelay $0x3  }
0x92: {  	_ =	strace s17  }
0x93: {  	s2 =	sld [smem:$0x3FFC];
	_ =	sdelay $0x3  }
0x94: {  	_ =	strace s2  }
0x95: {  	s2 =	sld [smem:$0x3FFD];
	_ =	sdelay $0x3  }
0x96: {  	_ =	strace s2  }
0x97: {  	_ =	strace $0x8FFFFFFF  }
0x98: {  	s18 =	sld [smem:$0x3FDB];
	_ =	sdelay $0x1  }
0x99: {  	s19 =	simm.s32 $_scs_section_size  }
0x9a: {  	s4 =	simm.s32 $_size__tile_overlayer_lowered;
	s5 =	simm.s32 $_tile_overlayer_lowered  }
0x9b: {  	s22 =	simm.s32 $0x1BFF;
	s21 =	sshll.u32 s5, $0x1;
	s2 =	sadd.s32 s19, s18  }
0x9c: {  	s6 =	simm.s32 $0x0;
	s20 =	sshll.u32 s4, $0x1;
	s4 =	sadd.s32 s21, s2  }
0x9d: {  	[timem:s6], [sflag:s22] =	dma.local [hbm:s4], s20  }
0x9e: {  	_ =	swait.ge [sflag:s22], s20  }
0x9f: {  	s3 =	ssub.s32 $0x0, s20;
	[sflag:s22] =	ssyncset.done $0x0  }
0xa0: {  	[sflag:s22] =	ssyncadd.s32 s3;
	_ =	sdelay $0x1  }
0xa1: {  	s23 =	simm.s32 $0x1B8B  }
0xa2: {  	_ =	swait.ge [sflag:s23], $0x1  }
0xa3: {  	[sflag:s23] =	ssyncset.done $0x0  }
0xa4: {  	s25 =	simm.s32 $0x1B8E;
	s24 =	sld [smem:$0x3FFE];
	[sflag:s23] =	ssyncadd.s32 $0xFFFFFFFF  }
0xa5: {  	s26 =	simm.s32 $execute0_lowered;
	[smem:$0x3FD2] =	sst s25  }
0xa6: {  	s4 =	sshll.u32 s26, $0x1;
	_ =	strace $0x8000004C;
	[dreg:$0x1] =	wrdreg $0xFFFFFFFF  }
0xa7: {  	s28 =	simm.s32 $_size_execute0_lowered;
	s2 =	sadd.s32 s2, s4;
	[dreg:$0x0] =	wrdreg $0x0  }
0xa8: {  	s4 =	sshll.u32 s28, $0x1;
	[dreg:$0x2] =	wrdreg s2  }
0xa9: {  	[dreg:$0x3] =	wrdreg s4  }
0xaa: {  	[dreg:$0x4] =	wrdreg $0xC0  }
0xab: {  	_ =	task [dreg:s6], $0x5FFFF  }
0xac: {  	[dreg:$0x1] =	wrdreg $0xFFFFFFFF  }
0xad: {  	[dreg:$0x0] =	wrdreg $0x60  }
0xae: {  	[dreg:$0x2] =	wrdreg s24  }
0xaf: {  	[dreg:$0x3] =	wrdreg $0x88000  }
0xb0: {  	[dreg:$0x4] =	wrdreg $0x9  }
0xb1: {  	_ =	task.clear_ibuf [dreg:s6], $0x5FFFF;
	_ =	strace $0x9000004C  }
0xb2: {  	s29 =	simm.s32 $0x9;
	_ =	strace $0x8000004E  }
0xb3: {  	_ =	swait.ge [sflag:s29], $0x1  }
0xb4: {  	[sflag:s29] =	ssyncadd.s32 $0xFFFFFFFF  }
0xb5: {  	_ =	strace $0x9000004E  }
0xb6: {  	_ =	sfence  }
0xb7: {  	s30 =	sld [smem:$0x0];
	_ =	sdelay $0x2  }
0xb8: {  	s31 =	sshll.u32 s1, $0xD;
	s1 =	sshrl.u32 s1, $0x2  }
0xb9: {  	s3 =	sand.u32 $0x4000, s31;
	s1 =	sadd.s32 s1, s30  }
0xba: {  	s0 =	sor.u32 s3, s0;
	s1 =	sshll.u32 s1, $0x11  }
0xbb: {  	s0 =	sor.u32 s1, s0  }
0xbc: {  	s0 =	sadd.s32 $0x8F2B, s0  }
0xbd: {  	[sflag:s0] =	ssyncadd.remote.s32 $0x1  }
0xbe: {  	_ =	sfence.sel $0xFFFF  }
0xbf: {  	[dreg:$0x0] =	wrdreg $0xFFFFFFFF;
	(pc) =	sbr.abs _section_cstart, $3  }
0xc0: {  	[dreg:$0x1] =	wrdreg $0xFFFFFFFF  }
0xc1: {  	_ =	task.clear_ibuf [dreg:s6], $0x2FFFF;
	_ =	strace $0x9FFFFFFF  }
0xc2: {  	(tm) =	ssettm $0x7FFFFFFF  }
0xc3: {  	_ =	shalt  }
tec
execute0_lowered:
.L_overlay_start_1:
0x0: {  	(tag) =	ssettag $0x1  }
0x1: {  	s0 =	rddreg [dreg:$0x0]  }
0x2: {  	s2 =	rddreg [dreg:$0x1];
	s3 =	simm.s32 $0x0  }
0x3: {  	s10 =	stileid.u32;
	s6 =	srdreg.scid;
	s15 =	simm.s32 $0x5  }
0x4: {  	s16 =	simm.s32 $0x400;
	s17 =	simm.s32 $0x80;
	s18 =	simm.s32 $0x800  }
0x5: {  	s19 =	simm.s32 $0x4800;
	s20 =	simm.s32 $0x1;
	s21 =	simm.s32 $0x3  }
0x6: {  	s28 =	simm.s32 $0x500;
	s29 =	simm.s32 $0x200;
	s30 =	simm.s32 $0x580  }
0x7: {  	s31 =	simm.s32 $0x280;
	s14 =	simm.s32 $0x0;
	[smem:$0x7FF] =	sst s3  }
0x8: {  	s1 =	smul.u32 $0xA00, s10;
	s4 =	sadd.s32 $0x9D000, s0;
	s5 =	sadd.s32 $0x39000, s0  }
0x9: {  	s6 =	sand.u32 $0x1, s6;
	s7 =	smul.u32 $0x50000, s10;
	s8 =	sadd.s32 $0xF600, s0  }
0xa: {  	s22 =	sadd.s32 $0x112400, s0;
	s25 =	sshll.u32 s10, $0x6;
	s26 =	smul.u32 $0x2800, s10  }
0xb: {  	s10 =	simm.s32 $0x780;
	_ =	strace $0x8000004D;
	[dreg:$0x3] =	wrdreg s8  }
0xc: {  	[dreg:$0x4] =	wrdreg s22;
	s23 =	ssub.s32 $0x2, s6;
	s9 =	sor.u32 $0x1C05, s25  }
0xd: {  	p0 =	sne.s32 s6, $0x0;
	s22 =	simm.s32 $0x100;
	s25 =	simm.s32 $0x4  }
0xe: {  	s8 =	simm.s32 $0x380;
	s6 =	simm.s32 $0x700;
	s1 =	sadd.s32 s1, s0  }
0xf: {  	s0 =	sadd.s32 $0x13A400, s0;
	s24 =	sshrl.u32 s23, $0x1;
	[dreg:$0x7] =	wrdreg s26  }
0x10: {  	s7 =	sshrl.u32 s7, $0x2;
	s26 =	simm.s32 $0x180;
	[dreg:$0x6] =	wrdreg s9  }
.Ltmp0:
0x11: {  	[dreg:$0x5] =	wrdreg s0;
	s0 =	ssub.s32 s23, s24;
	(pc) =	sbr.rel .LBB2_1-.Ltmp0, $4  }
0x12: {  	s7 =	sadd.s32 s7, s2;
	s12 =	sadd.s32 $0x61E00, s1;
	s13 =	sadd.s32 $0x6BE00, s1  }
0x13: {  	s23 =	simm.s32 $0x2;
	s24 =	simm.s32 $0x480;
	s0 =	smax.u32 s0, $0x1  }
0x14: {  	s1 =	simm.s32 $0x300;
	s11 =	sshrl.u32 s7, $0x3;
	[dreg:$0x8] =	wrdreg s0  }
0x15: {  	s7 =	simm.s32 $0x680;
	s0 =	simm.s32 $0x600;
	[dreg:$0x9] =	wrdreg s11  }
.LBB2_7:
0x16: {  	s11 =	sadd.s32 s9, s13;
	[sflag:s25] =	ssyncadd.s32 $0xFFFFC000  }
0x17: {  	[tilespmem:s3], [sflag:$0x5] =	stream.linear.gather [hbm4b:s11+s3], $0x400, $0x38;
	[tilespmem:$0x1C800] =	vst v63  }
0x18: {  	_ =	swait.ge [sflag:s15], $0x400  }
0x19: {  	[sflag:s15] =	ssyncset.done $0x0  }
0x1a: {  	s14 =	sadd.s32 s9, s12;
	[sflag:s15] =	ssyncadd.s32 $0xFFFFFC00  }
0x1b: {  	[tilespmem:s16], [sflag:$0x5] =	stream.linear.gather [hbm4b:s14+s3], $0x400, $0x38;
	[tilespmem:$0x1C800] =	vst v63  }
0x1c: {  	_ =	swait.ge [sflag:s15], $0x400  }
0x1d: {  	[sflag:s15] =	ssyncset.done $0x0  }
0x1e: {  	[sflag:s15] =	ssyncadd.s32 $0xFFFFFC00  }
0x1f: {  	[tilespmem:s18], [sflag:$0x1] =	stream.indirect.gather [hbm4b:s5+s17], $0x80, s3, s17, $0xb8;
	[tilespmem:$0x1C800] =	vst v63  }
0x20: {  	_ = 	snop  }
0x21: {  	[tilespmem:s19], [sflag:$0x2] =	stream.indirect.gather [hbm4b:s5+s17], $0x80, s17, s17, $0xb8;
	[tilespmem:$0x1C800] =	vst v63  }
0x22: {  	_ =	swait.ge [sflag:s20], $0x4000  }
0x23: {  	[sflag:s20] =	ssyncset.done $0x0  }
0x24: {  	[sflag:s20] =	ssyncadd.s32 $0xFFFFC000  }
0x25: {  	[spmem:s2] =	stream.indirect.scatter.add.f32 [tilespmem:s18], [sflag:$0x3], $0x80, s16, s17, $0xb8;
	[tilespmem:$0x1C800] =	vst v63  }
0x26: {  	_ =	swait.ge [sflag:s21], $0x4000  }
0x27: {  	[sflag:s21] =	ssyncset.done $0x0  }
0x28: {  	[sflag:s21] =	ssyncadd.s32 $0xFFFFC000  }
0x29: {  	[tilespmem:s18], [sflag:$0x1] =	stream.indirect.gather [hbm4b:s5+s17], $0x80, s22, s17, $0xb8;
	[tilespmem:$0x1C800] =	vst v63  }
0x2a: {  	_ =	swait.ge [sflag:s23], $0x4000  }
0x2b: {  	[sflag:s23] =	ssyncset.done $0x0  }
0x2c: {  	[sflag:s23] =	ssyncadd.s32 $0xFFFFC000  }
0x2d: {  	[spmem:s2] =	stream.indirect.scatter.add.f32 [tilespmem:s19], [sflag:$0x4], $0x80, s24, s17, $0xb8;
	[tilespmem:$0x1C800] =	vst v63  }
0x2e: {  	_ =	swait.ge [sflag:s25], $0x4000  }
0x2f: {  	[sflag:s25] =	ssyncset.done $0x0  }
0x30: {  	[sflag:s25] =	ssyncadd.s32 $0xFFFFC000  }
0x31: {  	[tilespmem:s19], [sflag:$0x2] =	stream.indirect.gather [hbm4b:s5+s17], $0x80, s26, s17, $0xb8;
	[tilespmem:$0x1C800] =	vst v63  }
0x32: {  	_ =	swait.ge [sflag:s20], $0x4000  }
0x33: {  	[sflag:s20] =	ssyncset.done $0x0  }
0x34: {  	[sflag:s20] =	ssyncadd.s32 $0xFFFFC000  }
0x35: {  	[spmem:s2] =	stream.indirect.scatter.add.f32 [tilespmem:s18], [sflag:$0x3], $0x80, s28, s17, $0xb8;
	[tilespmem:$0x1C800] =	vst v63  }
0x36: {  	_ =	swait.ge [sflag:s21], $0x4000  }
0x37: {  	[sflag:s21] =	ssyncset.done $0x0  }
0x38: {  	[sflag:s21] =	ssyncadd.s32 $0xFFFFC000  }
0x39: {  	[tilespmem:s18], [sflag:$0x1] =	stream.indirect.gather [hbm4b:s5+s17], $0x80, s29, s17, $0xb8;
	[tilespmem:$0x1C800] =	vst v63  }
0x3a: {  	_ =	swait.ge [sflag:s23], $0x4000  }
0x3b: {  	[sflag:s23] =	ssyncset.done $0x0  }
0x3c: {  	[sflag:s23] =	ssyncadd.s32 $0xFFFFC000  }
0x3d: {  	[spmem:s2] =	stream.indirect.scatter.add.f32 [tilespmem:s19], [sflag:$0x4], $0x80, s30, s17, $0xb8;
	[tilespmem:$0x1C800] =	vst v63  }
0x3e: {  	_ =	swait.ge [sflag:s25], $0x4000  }
0x3f: {  	[sflag:s25] =	ssyncset.done $0x0  }
0x40: {  	[sflag:s25] =	ssyncadd.s32 $0xFFFFC000  }
0x41: {  	[tilespmem:s19], [sflag:$0x2] =	stream.indirect.gather [hbm4b:s5+s17], $0x80, s31, s17, $0xb8;
	[tilespmem:$0x1C800] =	vst v63  }
0x42: {  	_ =	swait.ge [sflag:s20], $0x4000  }
0x43: {  	[sflag:s20] =	ssyncset.done $0x0  }
0x44: {  	[sflag:s20] =	ssyncadd.s32 $0xFFFFC000  }
0x45: {  	[spmem:s2] =	stream.indirect.scatter.add.f32 [tilespmem:s18], [sflag:$0x3], $0x80, s0, s17, $0xb8;
	[tilespmem:$0x1C800] =	vst v63  }
0x46: {  	_ =	swait.ge [sflag:s21], $0x4000  }
0x47: {  	[sflag:s21] =	ssyncset.done $0x0  }
0x48: {  	[sflag:s21] =	ssyncadd.s32 $0xFFFFC000  }
0x49: {  	[tilespmem:s18], [sflag:$0x1] =	stream.indirect.gather [hbm4b:s5+s17], $0x80, s1, s17, $0xb8;
	[tilespmem:$0x1C800] =	vst v63  }
0x4a: {  	_ =	swait.ge [sflag:s23], $0x4000  }
0x4b: {  	[sflag:s23] =	ssyncset.done $0x0  }
0x4c: {  	[sflag:s23] =	ssyncadd.s32 $0xFFFFC000  }
0x4d: {  	[spmem:s2] =	stream.indirect.scatter.add.f32 [tilespmem:s19], [sflag:$0x4], $0x80, s7, s17, $0xb8;
	[tilespmem:$0x1C800] =	vst v63  }
0x4e: {  	_ =	swait.ge [sflag:s25], $0x4000  }
0x4f: {  	[sflag:s25] =	ssyncset.done $0x0  }
0x50: {  	[sflag:s25] =	ssyncadd.s32 $0xFFFFC000  }
0x51: {  	[tilespmem:s19], [sflag:$0x2] =	stream.indirect.gather [hbm4b:s5+s17], $0x80, s8, s17, $0xb8;
	[tilespmem:$0x1C800] =	vst v63  }
0x52: {  	_ =	swait.ge [sflag:s20], $0x4000  }
0x53: {  	[sflag:s20] =	ssyncset.done $0x0  }
0x54: {  	[sflag:s20] =	ssyncadd.s32 $0xFFFFC000  }
0x55: {  	[spmem:s2] =	stream.indirect.scatter.add.f32 [tilespmem:s18], [sflag:$0x3], $0x80, s6, s17, $0xb8;
	[tilespmem:$0x1C800] =	vst v63  }
0x56: {  	_ =	swait.ge [sflag:s23], $0x4000  }
0x57: {  	[sflag:s23] =	ssyncset.done $0x0  }
0x58: {  	[sflag:s23] =	ssyncadd.s32 $0xFFFFC000  }
0x59: {  	[spmem:s2] =	stream.indirect.scatter.add.f32 [tilespmem:s19], [sflag:$0x4], $0x80, s10, s17, $0xb8;
	[tilespmem:$0x1C800] =	vst v63  }
0x5a: {  	_ =	swait.ge [sflag:s21], $0x4000  }
0x5b: {  	[sflag:s21] =	ssyncset.done $0x0  }
0x5c: {  	[sflag:s21] =	ssyncadd.s32 $0xFFFFC000  }
0x5d: {  	_ =	swait.ge [sflag:s25], $0x4000  }
0x5e: {  	[sflag:s25] =	ssyncset.done $0x0  }
0x5f: {  	s9 =	rddreg [dreg:$0x5];
	[sflag:s25] =	ssyncadd.s32 $0xFFFFC000  }
.LBB2_8:
0x60: {  	s11 =	rddreg [dreg:$0x7]  }
0x61: {  	s9 =	sadd.s32 s9, s11  }
0x62: {  	[dreg:$0xb] =	wrdreg s9  }
0x63: {  	[bflag:$0x0] =	sbarrier.arrive $0xFFFF  }
0x64: {  	s9 =	rddreg [dreg:$0xb]  }
0x65: {  	s11 =	rddreg [dreg:$0x9]  }
0x66: {  	s14 =	rddreg [dreg:$0x6]  }
0x67: {  	[hbm:s9], [sflag:s14] =	dma.local [spmem:s11], $0x2800  }
0x68: {  	s11 =	rddreg [dreg:$0x9];
	_ =	swait.ge [sflag:s15], $0x2800  }
0x69: {  	s9 =	rddreg [dreg:$0xa]  }
0x6a: {  	s14 =	sadd.s32 $0x1, s9;
	s9 =	rddreg [dreg:$0x8]  }
0x6b: {  	p1 =	sne.s32 s14, s9  }
.Ltmp1:
0x6c: {  	_ = 	snop;
	(pc) =	sbr.rel @!p1 .LBB2_9-.Ltmp1, $3  }
0x6d: {  	_ =	sdelay $0x1  }
0x6e: {  	[sflag:s15] =	ssyncset.done $0x0  }
0x6f: {  	[sflag:s15] =	ssyncadd.s32 $0xFFFFD800  }
.LBB2_1:
0x70: {  	[dreg:$0xa] =	wrdreg s14  }
0x71: {  	s9 =	rddreg [dreg:$0x3]  }
0x72: {  	s14 =	smov.u32 s11;
	s11 =	rddreg [dreg:$0x6]  }
0x73: {  	[spmem:s14], [sflag:s11] =	dma.local [hbm:s9], $0x2800  }
.Ltmp2:
0x74: {  	_ =	swait.ge [sflag:s15], $0x2800;
	(pc) =	sbr.rel @p0 .LBB2_5-.Ltmp2, $4  }
0x75: {  	[sflag:s15] =	ssyncset.done $0x0  }
0x76: {  	[sflag:s15] =	ssyncadd.s32 $0xFFFFD800  }
0x77: {  	[bflag:$0x0] =	sbarrier.arrive $0xFFFF  }
0x78: {  	s9 =	sadd.s32 $0x0, s13  }
0x79: {  	[tilespmem:s3], [sflag:$0x5] =	stream.linear.gather [hbm4b:s9+s3], $0x400, $0x38;
	[tilespmem:$0x1C800] =	vst v63  }
0x7a: {  	_ =	swait.ge [sflag:s15], $0x400  }
0x7b: {  	[sflag:s15] =	ssyncset.done $0x0  }
0x7c: {  	s14 =	sadd.s32 $0x0, s12;
	[sflag:s15] =	ssyncadd.s32 $0xFFFFFC00  }
0x7d: {  	[tilespmem:s16], [sflag:$0x5] =	stream.linear.gather [hbm4b:s14+s3], $0x400, $0x38;
	[tilespmem:$0x1C800] =	vst v63  }
0x7e: {  	_ =	swait.ge [sflag:s15], $0x400  }
0x7f: {  	[sflag:s15] =	ssyncset.done $0x0  }
0x80: {  	[sflag:s15] =	ssyncadd.s32 $0xFFFFFC00  }
0x81: {  	[tilespmem:s18], [sflag:$0x1] =	stream.indirect.gather [hbm4b:s4+s17], $0x80, s3, s17, $0xb8;
	[tilespmem:$0x1C800] =	vst v63  }
0x82: {  	_ = 	snop  }
0x83: {  	[tilespmem:s19], [sflag:$0x2] =	stream.indirect.gather [hbm4b:s4+s17], $0x80, s17, s17, $0xb8;
	[tilespmem:$0x1C800] =	vst v63  }
0x84: {  	_ =	swait.ge [sflag:s20], $0x4000  }
0x85: {  	[sflag:s20] =	ssyncset.done $0x0  }
0x86: {  	[sflag:s20] =	ssyncadd.s32 $0xFFFFC000  }
0x87: {  	[spmem:s2] =	stream.indirect.scatter.add.f32 [tilespmem:s18], [sflag:$0x3], $0x80, s16, s17, $0xb8;
	[tilespmem:$0x1C800] =	vst v63  }
0x88: {  	_ =	swait.ge [sflag:s21], $0x4000  }
0x89: {  	[sflag:s21] =	ssyncset.done $0x0  }
0x8a: {  	[sflag:s21] =	ssyncadd.s32 $0xFFFFC000  }
0x8b: {  	[tilespmem:s18], [sflag:$0x1] =	stream.indirect.gather [hbm4b:s4+s17], $0x80, s22, s17, $0xb8;
	[tilespmem:$0x1C800] =	vst v63  }
0x8c: {  	_ =	swait.ge [sflag:s23], $0x4000  }
0x8d: {  	[sflag:s23] =	ssyncset.done $0x0  }
0x8e: {  	[sflag:s23] =	ssyncadd.s32 $0xFFFFC000  }
0x8f: {  	[spmem:s2] =	stream.indirect.scatter.add.f32 [tilespmem:s19], [sflag:$0x4], $0x80, s24, s17, $0xb8;
	[tilespmem:$0x1C800] =	vst v63  }
0x90: {  	_ =	swait.ge [sflag:s25], $0x4000  }
0x91: {  	[sflag:s25] =	ssyncset.done $0x0  }
0x92: {  	[sflag:s25] =	ssyncadd.s32 $0xFFFFC000  }
0x93: {  	[tilespmem:s19], [sflag:$0x2] =	stream.indirect.gather [hbm4b:s4+s17], $0x80, s26, s17, $0xb8;
	[tilespmem:$0x1C800] =	vst v63  }
0x94: {  	_ =	swait.ge [sflag:s20], $0x4000  }
0x95: {  	[sflag:s20] =	ssyncset.done $0x0  }
0x96: {  	[sflag:s20] =	ssyncadd.s32 $0xFFFFC000  }
0x97: {  	[spmem:s2] =	stream.indirect.scatter.add.f32 [tilespmem:s18], [sflag:$0x3], $0x80, s28, s17, $0xb8;
	[tilespmem:$0x1C800] =	vst v63  }
0x98: {  	_ =	swait.ge [sflag:s21], $0x4000  }
0x99: {  	[sflag:s21] =	ssyncset.done $0x0  }
0x9a: {  	[sflag:s21] =	ssyncadd.s32 $0xFFFFC000  }
0x9b: {  	[tilespmem:s18], [sflag:$0x1] =	stream.indirect.gather [hbm4b:s4+s17], $0x80, s29, s17, $0xb8;
	[tilespmem:$0x1C800] =	vst v63  }
0x9c: {  	_ =	swait.ge [sflag:s23], $0x4000  }
0x9d: {  	[sflag:s23] =	ssyncset.done $0x0  }
0x9e: {  	[sflag:s23] =	ssyncadd.s32 $0xFFFFC000  }
0x9f: {  	[spmem:s2] =	stream.indirect.scatter.add.f32 [tilespmem:s19], [sflag:$0x4], $0x80, s30, s17, $0xb8;
	[tilespmem:$0x1C800] =	vst v63  }
0xa0: {  	_ =	swait.ge [sflag:s25], $0x4000  }
0xa1: {  	[sflag:s25] =	ssyncset.done $0x0  }
0xa2: {  	[sflag:s25] =	ssyncadd.s32 $0xFFFFC000  }
0xa3: {  	[tilespmem:s19], [sflag:$0x2] =	stream.indirect.gather [hbm4b:s4+s17], $0x80, s31, s17, $0xb8;
	[tilespmem:$0x1C800] =	vst v63  }
0xa4: {  	_ =	swait.ge [sflag:s20], $0x4000  }
0xa5: {  	[sflag:s20] =	ssyncset.done $0x0  }
0xa6: {  	[sflag:s20] =	ssyncadd.s32 $0xFFFFC000  }
0xa7: {  	[spmem:s2] =	stream.indirect.scatter.add.f32 [tilespmem:s18], [sflag:$0x3], $0x80, s0, s17, $0xb8;
	[tilespmem:$0x1C800] =	vst v63  }
0xa8: {  	_ =	swait.ge [sflag:s21], $0x4000  }
0xa9: {  	[sflag:s21] =	ssyncset.done $0x0  }
0xaa: {  	[sflag:s21] =	ssyncadd.s32 $0xFFFFC000  }
0xab: {  	[tilespmem:s18], [sflag:$0x1] =	stream.indirect.gather [hbm4b:s4+s17], $0x80, s1, s17, $0xb8;
	[tilespmem:$0x1C800] =	vst v63  }
0xac: {  	_ =	swait.ge [sflag:s23], $0x4000  }
0xad: {  	[sflag:s23] =	ssyncset.done $0x0  }
0xae: {  	[sflag:s23] =	ssyncadd.s32 $0xFFFFC000  }
0xaf: {  	[spmem:s2] =	stream.indirect.scatter.add.f32 [tilespmem:s19], [sflag:$0x4], $0x80, s7, s17, $0xb8;
	[tilespmem:$0x1C800] =	vst v63  }
0xb0: {  	_ =	swait.ge [sflag:s25], $0x4000  }
0xb1: {  	[sflag:s25] =	ssyncset.done $0x0  }
0xb2: {  	[sflag:s25] =	ssyncadd.s32 $0xFFFFC000  }
0xb3: {  	[tilespmem:s19], [sflag:$0x2] =	stream.indirect.gather [hbm4b:s4+s17], $0x80, s8, s17, $0xb8;
	[tilespmem:$0x1C800] =	vst v63  }
0xb4: {  	_ =	swait.ge [sflag:s20], $0x4000  }
0xb5: {  	[sflag:s20] =	ssyncset.done $0x0  }
0xb6: {  	[sflag:s20] =	ssyncadd.s32 $0xFFFFC000  }
0xb7: {  	[spmem:s2] =	stream.indirect.scatter.add.f32 [tilespmem:s18], [sflag:$0x3], $0x80, s6, s17, $0xb8;
	[tilespmem:$0x1C800] =	vst v63  }
0xb8: {  	_ =	swait.ge [sflag:s23], $0x4000  }
0xb9: {  	[sflag:s23] =	ssyncset.done $0x0  }
0xba: {  	[sflag:s23] =	ssyncadd.s32 $0xFFFFC000  }
0xbb: {  	[spmem:s2] =	stream.indirect.scatter.add.f32 [tilespmem:s19], [sflag:$0x4], $0x80, s10, s17, $0xb8;
	[tilespmem:$0x1C800] =	vst v63  }
0xbc: {  	_ =	swait.ge [sflag:s21], $0x4000  }
0xbd: {  	[sflag:s21] =	ssyncset.done $0x0  }
0xbe: {  	[sflag:s21] =	ssyncadd.s32 $0xFFFFC000  }
0xbf: {  	_ =	swait.ge [sflag:s25], $0x4000  }
0xc0: {  	s9 =	simm.s32 $0x80;
	s14 =	simm.s32 $0x100;
	[sflag:s25] =	ssyncset.done $0x0  }
.LBB2_3:
0xc1: {  	s22 =	sadd.s32 s9, s13  }
0xc2: {  	[sflag:s25] =	ssyncadd.s32 $0xFFFFC000;
	s24 =	smov.u32 s14;
	s11 =	sadd.s32 $0x80, s14  }
0xc3: {  	[tilespmem:s3], [sflag:$0x5] =	stream.linear.gather [hbm4b:s22+s3], $0x400, $0x38;
	[tilespmem:$0x1C800] =	vst v63  }
0xc4: {  	s22 =	simm.s32 $0x100  }
0xc5: {  	p1 =	seq.s32 s14, $0x980;
	_ =	swait.ge [sflag:s15], $0x400  }
0xc6: {  	s14 =	sadd.s32 s9, s12;
	[sflag:s15] =	ssyncset.done $0x0  }
0xc7: {  	s9 =	smov.u32 s24;
	s24 =	simm.s32 $0x480;
	[sflag:s15] =	ssyncadd.s32 $0xFFFFFC00  }
0xc8: {  	[tilespmem:s16], [sflag:$0x5] =	stream.linear.gather [hbm4b:s14+s3], $0x400, $0x38;
	[tilespmem:$0x1C800] =	vst v63  }
0xc9: {  	_ =	swait.ge [sflag:s15], $0x400  }
0xca: {  	[sflag:s15] =	ssyncset.done $0x0  }
0xcb: {  	[sflag:s15] =	ssyncadd.s32 $0xFFFFFC00  }
0xcc: {  	[tilespmem:s18], [sflag:$0x1] =	stream.indirect.gather [hbm4b:s4+s17], $0x80, s3, s17, $0xb8;
	[tilespmem:$0x1C800] =	vst v63  }
0xcd: {  	_ = 	snop  }
0xce: {  	[tilespmem:s19], [sflag:$0x2] =	stream.indirect.gather [hbm4b:s4+s17], $0x80, s17, s17, $0xb8;
	[tilespmem:$0x1C800] =	vst v63  }
0xcf: {  	_ =	swait.ge [sflag:s20], $0x4000  }
0xd0: {  	[sflag:s20] =	ssyncset.done $0x0  }
0xd1: {  	[sflag:s20] =	ssyncadd.s32 $0xFFFFC000  }
0xd2: {  	[spmem:s2] =	stream.indirect.scatter.add.f32 [tilespmem:s18], [sflag:$0x3], $0x80, s16, s17, $0xb8;
	[tilespmem:$0x1C800] =	vst v63  }
0xd3: {  	_ =	swait.ge [sflag:s21], $0x4000  }
0xd4: {  	[sflag:s21] =	ssyncset.done $0x0  }
0xd5: {  	[sflag:s21] =	ssyncadd.s32 $0xFFFFC000  }
0xd6: {  	[tilespmem:s18], [sflag:$0x1] =	stream.indirect.gather [hbm4b:s4+s17], $0x80, s22, s17, $0xb8;
	[tilespmem:$0x1C800] =	vst v63  }
0xd7: {  	_ =	swait.ge [sflag:s23], $0x4000  }
0xd8: {  	[sflag:s23] =	ssyncset.done $0x0  }
0xd9: {  	[sflag:s23] =	ssyncadd.s32 $0xFFFFC000  }
0xda: {  	[spmem:s2] =	stream.indirect.scatter.add.f32 [tilespmem:s19], [sflag:$0x4], $0x80, s24, s17, $0xb8;
	[tilespmem:$0x1C800] =	vst v63  }
0xdb: {  	_ =	swait.ge [sflag:s25], $0x4000  }
0xdc: {  	[sflag:s25] =	ssyncset.done $0x0  }
0xdd: {  	[sflag:s25] =	ssyncadd.s32 $0xFFFFC000  }
0xde: {  	[tilespmem:s19], [sflag:$0x2] =	stream.indirect.gather [hbm4b:s4+s17], $0x80, s26, s17, $0xb8;
	[tilespmem:$0x1C800] =	vst v63  }
0xdf: {  	_ =	swait.ge [sflag:s20], $0x4000  }
0xe0: {  	[sflag:s20] =	ssyncset.done $0x0  }
0xe1: {  	[sflag:s20] =	ssyncadd.s32 $0xFFFFC000  }
0xe2: {  	[spmem:s2] =	stream.indirect.scatter.add.f32 [tilespmem:s18], [sflag:$0x3], $0x80, s28, s17, $0xb8;
	[tilespmem:$0x1C800] =	vst v63  }
0xe3: {  	_ =	swait.ge [sflag:s21], $0x4000  }
0xe4: {  	[sflag:s21] =	ssyncset.done $0x0  }
0xe5: {  	[sflag:s21] =	ssyncadd.s32 $0xFFFFC000  }
0xe6: {  	[tilespmem:s18], [sflag:$0x1] =	stream.indirect.gather [hbm4b:s4+s17], $0x80, s29, s17, $0xb8;
	[tilespmem:$0x1C800] =	vst v63  }
0xe7: {  	_ =	swait.ge [sflag:s23], $0x4000  }
0xe8: {  	[sflag:s23] =	ssyncset.done $0x0  }
0xe9: {  	[sflag:s23] =	ssyncadd.s32 $0xFFFFC000  }
0xea: {  	[spmem:s2] =	stream.indirect.scatter.add.f32 [tilespmem:s19], [sflag:$0x4], $0x80, s30, s17, $0xb8;
	[tilespmem:$0x1C800] =	vst v63  }
0xeb: {  	_ =	swait.ge [sflag:s25], $0x4000  }
0xec: {  	[sflag:s25] =	ssyncset.done $0x0  }
0xed: {  	[sflag:s25] =	ssyncadd.s32 $0xFFFFC000  }
0xee: {  	[tilespmem:s19], [sflag:$0x2] =	stream.indirect.gather [hbm4b:s4+s17], $0x80, s31, s17, $0xb8;
	[tilespmem:$0x1C800] =	vst v63  }
0xef: {  	_ =	swait.ge [sflag:s20], $0x4000  }
0xf0: {  	[sflag:s20] =	ssyncset.done $0x0  }
0xf1: {  	[sflag:s20] =	ssyncadd.s32 $0xFFFFC000  }
0xf2: {  	[spmem:s2] =	stream.indirect.scatter.add.f32 [tilespmem:s18], [sflag:$0x3], $0x80, s0, s17, $0xb8;
	[tilespmem:$0x1C800] =	vst v63  }
0xf3: {  	_ =	swait.ge [sflag:s21], $0x4000  }
0xf4: {  	[sflag:s21] =	ssyncset.done $0x0  }
0xf5: {  	[sflag:s21] =	ssyncadd.s32 $0xFFFFC000  }
0xf6: {  	[tilespmem:s18], [sflag:$0x1] =	stream.indirect.gather [hbm4b:s4+s17], $0x80, s1, s17, $0xb8;
	[tilespmem:$0x1C800] =	vst v63  }
0xf7: {  	_ =	swait.ge [sflag:s23], $0x4000  }
0xf8: {  	[sflag:s23] =	ssyncset.done $0x0  }
0xf9: {  	[sflag:s23] =	ssyncadd.s32 $0xFFFFC000  }
0xfa: {  	[spmem:s2] =	stream.indirect.scatter.add.f32 [tilespmem:s19], [sflag:$0x4], $0x80, s7, s17, $0xb8;
	[tilespmem:$0x1C800] =	vst v63  }
0xfb: {  	_ =	swait.ge [sflag:s25], $0x4000  }
0xfc: {  	[sflag:s25] =	ssyncset.done $0x0  }
0xfd: {  	[sflag:s25] =	ssyncadd.s32 $0xFFFFC000  }
0xfe: {  	[tilespmem:s19], [sflag:$0x2] =	stream.indirect.gather [hbm4b:s4+s17], $0x80, s8, s17, $0xb8;
	[tilespmem:$0x1C800] =	vst v63  }
0xff: {  	_ =	swait.ge [sflag:s20], $0x4000  }
0x100: {  	[sflag:s20] =	ssyncset.done $0x0  }
0x101: {  	[sflag:s20] =	ssyncadd.s32 $0xFFFFC000  }
0x102: {  	[spmem:s2] =	stream.indirect.scatter.add.f32 [tilespmem:s18], [sflag:$0x3], $0x80, s6, s17, $0xb8;
	[tilespmem:$0x1C800] =	vst v63  }
0x103: {  	_ =	swait.ge [sflag:s23], $0x4000  }
0x104: {  	[sflag:s23] =	ssyncset.done $0x0  }
0x105: {  	[sflag:s23] =	ssyncadd.s32 $0xFFFFC000  }
0x106: {  	[spmem:s2] =	stream.indirect.scatter.add.f32 [tilespmem:s19], [sflag:$0x4], $0x80, s10, s17, $0xb8;
	[tilespmem:$0x1C800] =	vst v63  }
.Ltmp3:
0x107: {  	_ =	swait.ge [sflag:s21], $0x4000;
	(pc) =	sbr.rel @!p1 .LBB2_3-.Ltmp3, $4  }
0x108: {  	[sflag:s21] =	ssyncset.done $0x0  }
0x109: {  	[sflag:s21] =	ssyncadd.s32 $0xFFFFC000  }
0x10a: {  	_ =	swait.ge [sflag:s25], $0x4000  }
0x10b: {  	s14 =	smov.u32 s11;
	[sflag:s25] =	ssyncset.done $0x0  }
0x10c: {  	s11 =	sadd.s32 s9, s13;
	[sflag:s25] =	ssyncadd.s32 $0xFFFFC000  }
0x10d: {  	[tilespmem:s3], [sflag:$0x5] =	stream.linear.gather [hbm4b:s11+s3], $0x400, $0x38;
	[tilespmem:$0x1C800] =	vst v63  }
0x10e: {  	_ =	swait.ge [sflag:s15], $0x400  }
0x10f: {  	[sflag:s15] =	ssyncset.done $0x0  }
0x110: {  	s14 =	sadd.s32 s9, s12;
	[sflag:s15] =	ssyncadd.s32 $0xFFFFFC00  }
0x111: {  	[tilespmem:s16], [sflag:$0x5] =	stream.linear.gather [hbm4b:s14+s3], $0x400, $0x38;
	[tilespmem:$0x1C800] =	vst v63  }
0x112: {  	_ =	swait.ge [sflag:s15], $0x400  }
0x113: {  	[sflag:s15] =	ssyncset.done $0x0  }
0x114: {  	[sflag:s15] =	ssyncadd.s32 $0xFFFFFC00  }
0x115: {  	[tilespmem:s18], [sflag:$0x1] =	stream.indirect.gather [hbm4b:s4+s17], $0x80, s3, s17, $0xb8;
	[tilespmem:$0x1C800] =	vst v63  }
0x116: {  	_ = 	snop  }
0x117: {  	[tilespmem:s19], [sflag:$0x2] =	stream.indirect.gather [hbm4b:s4+s17], $0x80, s17, s17, $0xb8;
	[tilespmem:$0x1C800] =	vst v63  }
0x118: {  	_ =	swait.ge [sflag:s20], $0x4000  }
0x119: {  	[sflag:s20] =	ssyncset.done $0x0  }
0x11a: {  	[sflag:s20] =	ssyncadd.s32 $0xFFFFC000  }
0x11b: {  	[spmem:s2] =	stream.indirect.scatter.add.f32 [tilespmem:s18], [sflag:$0x3], $0x80, s16, s17, $0xb8;
	[tilespmem:$0x1C800] =	vst v63  }
0x11c: {  	_ =	swait.ge [sflag:s21], $0x4000  }
0x11d: {  	[sflag:s21] =	ssyncset.done $0x0  }
0x11e: {  	[sflag:s21] =	ssyncadd.s32 $0xFFFFC000  }
0x11f: {  	[tilespmem:s18], [sflag:$0x1] =	stream.indirect.gather [hbm4b:s4+s17], $0x80, s22, s17, $0xb8;
	[tilespmem:$0x1C800] =	vst v63  }
0x120: {  	_ =	swait.ge [sflag:s23], $0x4000  }
0x121: {  	[sflag:s23] =	ssyncset.done $0x0  }
0x122: {  	[sflag:s23] =	ssyncadd.s32 $0xFFFFC000  }
0x123: {  	[spmem:s2] =	stream.indirect.scatter.add.f32 [tilespmem:s19], [sflag:$0x4], $0x80, s24, s17, $0xb8;
	[tilespmem:$0x1C800] =	vst v63  }
0x124: {  	_ =	swait.ge [sflag:s25], $0x4000  }
0x125: {  	[sflag:s25] =	ssyncset.done $0x0  }
0x126: {  	[sflag:s25] =	ssyncadd.s32 $0xFFFFC000  }
0x127: {  	[tilespmem:s19], [sflag:$0x2] =	stream.indirect.gather [hbm4b:s4+s17], $0x80, s26, s17, $0xb8;
	[tilespmem:$0x1C800] =	vst v63  }
0x128: {  	_ =	swait.ge [sflag:s20], $0x4000  }
0x129: {  	[sflag:s20] =	ssyncset.done $0x0  }
0x12a: {  	[sflag:s20] =	ssyncadd.s32 $0xFFFFC000  }
0x12b: {  	[spmem:s2] =	stream.indirect.scatter.add.f32 [tilespmem:s18], [sflag:$0x3], $0x80, s28, s17, $0xb8;
	[tilespmem:$0x1C800] =	vst v63  }
0x12c: {  	_ =	swait.ge [sflag:s21], $0x4000  }
0x12d: {  	[sflag:s21] =	ssyncset.done $0x0  }
0x12e: {  	[sflag:s21] =	ssyncadd.s32 $0xFFFFC000  }
0x12f: {  	[tilespmem:s18], [sflag:$0x1] =	stream.indirect.gather [hbm4b:s4+s17], $0x80, s29, s17, $0xb8;
	[tilespmem:$0x1C800] =	vst v63  }
0x130: {  	_ =	swait.ge [sflag:s23], $0x4000  }
0x131: {  	[sflag:s23] =	ssyncset.done $0x0  }
0x132: {  	[sflag:s23] =	ssyncadd.s32 $0xFFFFC000  }
0x133: {  	[spmem:s2] =	stream.indirect.scatter.add.f32 [tilespmem:s19], [sflag:$0x4], $0x80, s30, s17, $0xb8;
	[tilespmem:$0x1C800] =	vst v63  }
0x134: {  	_ =	swait.ge [sflag:s25], $0x4000  }
0x135: {  	[sflag:s25] =	ssyncset.done $0x0  }
0x136: {  	[sflag:s25] =	ssyncadd.s32 $0xFFFFC000  }
0x137: {  	[tilespmem:s19], [sflag:$0x2] =	stream.indirect.gather [hbm4b:s4+s17], $0x80, s31, s17, $0xb8;
	[tilespmem:$0x1C800] =	vst v63  }
0x138: {  	_ =	swait.ge [sflag:s20], $0x4000  }
0x139: {  	[sflag:s20] =	ssyncset.done $0x0  }
0x13a: {  	[sflag:s20] =	ssyncadd.s32 $0xFFFFC000  }
0x13b: {  	[spmem:s2] =	stream.indirect.scatter.add.f32 [tilespmem:s18], [sflag:$0x3], $0x80, s0, s17, $0xb8;
	[tilespmem:$0x1C800] =	vst v63  }
0x13c: {  	_ =	swait.ge [sflag:s21], $0x4000  }
0x13d: {  	[sflag:s21] =	ssyncset.done $0x0  }
0x13e: {  	[sflag:s21] =	ssyncadd.s32 $0xFFFFC000  }
0x13f: {  	[tilespmem:s18], [sflag:$0x1] =	stream.indirect.gather [hbm4b:s4+s17], $0x80, s1, s17, $0xb8;
	[tilespmem:$0x1C800] =	vst v63  }
0x140: {  	_ =	swait.ge [sflag:s23], $0x4000  }
0x141: {  	[sflag:s23] =	ssyncset.done $0x0  }
0x142: {  	[sflag:s23] =	ssyncadd.s32 $0xFFFFC000  }
0x143: {  	[spmem:s2] =	stream.indirect.scatter.add.f32 [tilespmem:s19], [sflag:$0x4], $0x80, s7, s17, $0xb8;
	[tilespmem:$0x1C800] =	vst v63  }
0x144: {  	_ =	swait.ge [sflag:s25], $0x4000  }
0x145: {  	[sflag:s25] =	ssyncset.done $0x0  }
0x146: {  	[sflag:s25] =	ssyncadd.s32 $0xFFFFC000  }
0x147: {  	[tilespmem:s19], [sflag:$0x2] =	stream.indirect.gather [hbm4b:s4+s17], $0x80, s8, s17, $0xb8;
	[tilespmem:$0x1C800] =	vst v63  }
0x148: {  	_ =	swait.ge [sflag:s20], $0x4000  }
0x149: {  	[sflag:s20] =	ssyncset.done $0x0  }
0x14a: {  	[sflag:s20] =	ssyncadd.s32 $0xFFFFC000  }
0x14b: {  	[spmem:s2] =	stream.indirect.scatter.add.f32 [tilespmem:s18], [sflag:$0x3], $0x80, s6, s17, $0xb8;
	[tilespmem:$0x1C800] =	vst v63  }
0x14c: {  	_ =	swait.ge [sflag:s23], $0x4000  }
0x14d: {  	[sflag:s23] =	ssyncset.done $0x0  }
0x14e: {  	[sflag:s23] =	ssyncadd.s32 $0xFFFFC000  }
0x14f: {  	[spmem:s2] =	stream.indirect.scatter.add.f32 [tilespmem:s19], [sflag:$0x4], $0x80, s10, s17, $0xb8;
	[tilespmem:$0x1C800] =	vst v63  }
0x150: {  	_ =	swait.ge [sflag:s21], $0x4000  }
.Ltmp4:
0x151: {  	[sflag:s21] =	ssyncset.done $0x0;
	(pc) =	sbr.rel .LBB2_8-.Ltmp4, $4  }
0x152: {  	[sflag:s21] =	ssyncadd.s32 $0xFFFFC000  }
0x153: {  	_ =	swait.ge [sflag:s25], $0x4000  }
0x154: {  	[sflag:s25] =	ssyncset.done $0x0  }
0x155: {  	s9 =	rddreg [dreg:$0x4];
	[sflag:s25] =	ssyncadd.s32 $0xFFFFC000  }
.LBB2_5:
0x156: {  	[tilespmem:s3], [sflag:$0x5] =	stream.linear.gather [hbm4b:s9+s3], $0x400, $0x38;
	[tilespmem:$0x1C800] =	vst v63  }
0x157: {  	_ =	swait.ge [sflag:s15], $0x400  }
0x158: {  	[sflag:s15] =	ssyncset.done $0x0  }
0x159: {  	s14 =	sadd.s32 $0x0, s12;
	[sflag:s15] =	ssyncadd.s32 $0xFFFFFC00  }
0x15a: {  	[tilespmem:s16], [sflag:$0x5] =	stream.linear.gather [hbm4b:s14+s3], $0x400, $0x38;
	[tilespmem:$0x1C800] =	vst v63  }
0x15b: {  	_ =	swait.ge [sflag:s15], $0x400  }
0x15c: {  	[sflag:s15] =	ssyncset.done $0x0  }
0x15d: {  	[sflag:s15] =	ssyncadd.s32 $0xFFFFFC00  }
0x15e: {  	[tilespmem:s18], [sflag:$0x1] =	stream.indirect.gather [hbm4b:s5+s17], $0x80, s3, s17, $0xb8;
	[tilespmem:$0x1C800] =	vst v63  }
0x15f: {  	_ = 	snop  }
0x160: {  	[tilespmem:s19], [sflag:$0x2] =	stream.indirect.gather [hbm4b:s5+s17], $0x80, s17, s17, $0xb8;
	[tilespmem:$0x1C800] =	vst v63  }
0x161: {  	_ =	swait.ge [sflag:s20], $0x4000  }
0x162: {  	[sflag:s20] =	ssyncset.done $0x0  }
0x163: {  	[sflag:s20] =	ssyncadd.s32 $0xFFFFC000  }
0x164: {  	[spmem:s2] =	stream.indirect.scatter.add.f32 [tilespmem:s18], [sflag:$0x3], $0x80, s16, s17, $0xb8;
	[tilespmem:$0x1C800] =	vst v63  }
0x165: {  	_ =	swait.ge [sflag:s21], $0x4000  }
0x166: {  	[sflag:s21] =	ssyncset.done $0x0  }
0x167: {  	[sflag:s21] =	ssyncadd.s32 $0xFFFFC000  }
0x168: {  	[tilespmem:s18], [sflag:$0x1] =	stream.indirect.gather [hbm4b:s5+s17], $0x80, s22, s17, $0xb8;
	[tilespmem:$0x1C800] =	vst v63  }
0x169: {  	_ =	swait.ge [sflag:s23], $0x4000  }
0x16a: {  	[sflag:s23] =	ssyncset.done $0x0  }
0x16b: {  	[sflag:s23] =	ssyncadd.s32 $0xFFFFC000  }
0x16c: {  	[spmem:s2] =	stream.indirect.scatter.add.f32 [tilespmem:s19], [sflag:$0x4], $0x80, s24, s17, $0xb8;
	[tilespmem:$0x1C800] =	vst v63  }
0x16d: {  	_ =	swait.ge [sflag:s25], $0x4000  }
0x16e: {  	[sflag:s25] =	ssyncset.done $0x0  }
0x16f: {  	[sflag:s25] =	ssyncadd.s32 $0xFFFFC000  }
0x170: {  	[tilespmem:s19], [sflag:$0x2] =	stream.indirect.gather [hbm4b:s5+s17], $0x80, s26, s17, $0xb8;
	[tilespmem:$0x1C800] =	vst v63  }
0x171: {  	_ =	swait.ge [sflag:s20], $0x4000  }
0x172: {  	[sflag:s20] =	ssyncset.done $0x0  }
0x173: {  	[sflag:s20] =	ssyncadd.s32 $0xFFFFC000  }
0x174: {  	[spmem:s2] =	stream.indirect.scatter.add.f32 [tilespmem:s18], [sflag:$0x3], $0x80, s28, s17, $0xb8;
	[tilespmem:$0x1C800] =	vst v63  }
0x175: {  	_ =	swait.ge [sflag:s21], $0x4000  }
0x176: {  	[sflag:s21] =	ssyncset.done $0x0  }
0x177: {  	[sflag:s21] =	ssyncadd.s32 $0xFFFFC000  }
0x178: {  	[tilespmem:s18], [sflag:$0x1] =	stream.indirect.gather [hbm4b:s5+s17], $0x80, s29, s17, $0xb8;
	[tilespmem:$0x1C800] =	vst v63  }
0x179: {  	_ =	swait.ge [sflag:s23], $0x4000  }
0x17a: {  	[sflag:s23] =	ssyncset.done $0x0  }
0x17b: {  	[sflag:s23] =	ssyncadd.s32 $0xFFFFC000  }
0x17c: {  	[spmem:s2] =	stream.indirect.scatter.add.f32 [tilespmem:s19], [sflag:$0x4], $0x80, s30, s17, $0xb8;
	[tilespmem:$0x1C800] =	vst v63  }
0x17d: {  	_ =	swait.ge [sflag:s25], $0x4000  }
0x17e: {  	[sflag:s25] =	ssyncset.done $0x0  }
0x17f: {  	[sflag:s25] =	ssyncadd.s32 $0xFFFFC000  }
0x180: {  	[tilespmem:s19], [sflag:$0x2] =	stream.indirect.gather [hbm4b:s5+s17], $0x80, s31, s17, $0xb8;
	[tilespmem:$0x1C800] =	vst v63  }
0x181: {  	_ =	swait.ge [sflag:s20], $0x4000  }
0x182: {  	[sflag:s20] =	ssyncset.done $0x0  }
0x183: {  	[sflag:s20] =	ssyncadd.s32 $0xFFFFC000  }
0x184: {  	[spmem:s2] =	stream.indirect.scatter.add.f32 [tilespmem:s18], [sflag:$0x3], $0x80, s0, s17, $0xb8;
	[tilespmem:$0x1C800] =	vst v63  }
0x185: {  	_ =	swait.ge [sflag:s21], $0x4000  }
0x186: {  	[sflag:s21] =	ssyncset.done $0x0  }
0x187: {  	[sflag:s21] =	ssyncadd.s32 $0xFFFFC000  }
0x188: {  	[tilespmem:s18], [sflag:$0x1] =	stream.indirect.gather [hbm4b:s5+s17], $0x80, s1, s17, $0xb8;
	[tilespmem:$0x1C800] =	vst v63  }
0x189: {  	_ =	swait.ge [sflag:s23], $0x4000  }
0x18a: {  	[sflag:s23] =	ssyncset.done $0x0  }
0x18b: {  	[sflag:s23] =	ssyncadd.s32 $0xFFFFC000  }
0x18c: {  	[spmem:s2] =	stream.indirect.scatter.add.f32 [tilespmem:s19], [sflag:$0x4], $0x80, s7, s17, $0xb8;
	[tilespmem:$0x1C800] =	vst v63  }
0x18d: {  	_ =	swait.ge [sflag:s25], $0x4000  }
0x18e: {  	[sflag:s25] =	ssyncset.done $0x0  }
0x18f: {  	[sflag:s25] =	ssyncadd.s32 $0xFFFFC000  }
0x190: {  	[tilespmem:s19], [sflag:$0x2] =	stream.indirect.gather [hbm4b:s5+s17], $0x80, s8, s17, $0xb8;
	[tilespmem:$0x1C800] =	vst v63  }
0x191: {  	_ =	swait.ge [sflag:s20], $0x4000  }
0x192: {  	[sflag:s20] =	ssyncset.done $0x0  }
0x193: {  	[sflag:s20] =	ssyncadd.s32 $0xFFFFC000  }
0x194: {  	[spmem:s2] =	stream.indirect.scatter.add.f32 [tilespmem:s18], [sflag:$0x3], $0x80, s6, s17, $0xb8;
	[tilespmem:$0x1C800] =	vst v63  }
0x195: {  	_ =	swait.ge [sflag:s23], $0x4000  }
0x196: {  	[sflag:s23] =	ssyncset.done $0x0  }
0x197: {  	[sflag:s23] =	ssyncadd.s32 $0xFFFFC000  }
0x198: {  	[spmem:s2] =	stream.indirect.scatter.add.f32 [tilespmem:s19], [sflag:$0x4], $0x80, s10, s17, $0xb8;
	[tilespmem:$0x1C800] =	vst v63  }
0x199: {  	_ =	swait.ge [sflag:s21], $0x4000  }
0x19a: {  	[sflag:s21] =	ssyncset.done $0x0  }
0x19b: {  	[sflag:s21] =	ssyncadd.s32 $0xFFFFC000  }
0x19c: {  	_ =	swait.ge [sflag:s25], $0x4000  }
0x19d: {  	s9 =	simm.s32 $0x80;
	s11 =	simm.s32 $0x100;
	[sflag:s25] =	ssyncset.done $0x0  }
.LBB2_6:
0x19e: {  	s22 =	sadd.s32 s9, s13  }
0x19f: {  	[sflag:s25] =	ssyncadd.s32 $0xFFFFC000;
	s24 =	smov.u32 s11;
	s14 =	sadd.s32 $0x80, s11  }
0x1a0: {  	[tilespmem:s3], [sflag:$0x5] =	stream.linear.gather [hbm4b:s22+s3], $0x400, $0x38;
	[tilespmem:$0x1C800] =	vst v63  }
0x1a1: {  	s22 =	simm.s32 $0x100  }
0x1a2: {  	p1 =	sne.s32 s11, $0x980;
	_ =	swait.ge [sflag:s15], $0x400  }
0x1a3: {  	s11 =	sadd.s32 s9, s12;
	[sflag:s15] =	ssyncset.done $0x0  }
0x1a4: {  	s9 =	smov.u32 s24;
	s24 =	simm.s32 $0x480;
	[sflag:s15] =	ssyncadd.s32 $0xFFFFFC00  }
0x1a5: {  	[tilespmem:s16], [sflag:$0x5] =	stream.linear.gather [hbm4b:s11+s3], $0x400, $0x38;
	[tilespmem:$0x1C800] =	vst v63  }
0x1a6: {  	_ =	swait.ge [sflag:s15], $0x400  }
0x1a7: {  	[sflag:s15] =	ssyncset.done $0x0  }
0x1a8: {  	[sflag:s15] =	ssyncadd.s32 $0xFFFFFC00  }
0x1a9: {  	[tilespmem:s18], [sflag:$0x1] =	stream.indirect.gather [hbm4b:s5+s17], $0x80, s3, s17, $0xb8;
	[tilespmem:$0x1C800] =	vst v63  }
0x1aa: {  	_ = 	snop  }
0x1ab: {  	[tilespmem:s19], [sflag:$0x2] =	stream.indirect.gather [hbm4b:s5+s17], $0x80, s17, s17, $0xb8;
	[tilespmem:$0x1C800] =	vst v63  }
0x1ac: {  	_ =	swait.ge [sflag:s20], $0x4000  }
0x1ad: {  	[sflag:s20] =	ssyncset.done $0x0  }
0x1ae: {  	[sflag:s20] =	ssyncadd.s32 $0xFFFFC000  }
0x1af: {  	[spmem:s2] =	stream.indirect.scatter.add.f32 [tilespmem:s18], [sflag:$0x3], $0x80, s16, s17, $0xb8;
	[tilespmem:$0x1C800] =	vst v63  }
0x1b0: {  	_ =	swait.ge [sflag:s21], $0x4000  }
0x1b1: {  	[sflag:s21] =	ssyncset.done $0x0  }
0x1b2: {  	[sflag:s21] =	ssyncadd.s32 $0xFFFFC000  }
0x1b3: {  	[tilespmem:s18], [sflag:$0x1] =	stream.indirect.gather [hbm4b:s5+s17], $0x80, s22, s17, $0xb8;
	[tilespmem:$0x1C800] =	vst v63  }
0x1b4: {  	_ =	swait.ge [sflag:s23], $0x4000  }
0x1b5: {  	[sflag:s23] =	ssyncset.done $0x0  }
0x1b6: {  	[sflag:s23] =	ssyncadd.s32 $0xFFFFC000  }
0x1b7: {  	[spmem:s2] =	stream.indirect.scatter.add.f32 [tilespmem:s19], [sflag:$0x4], $0x80, s24, s17, $0xb8;
	[tilespmem:$0x1C800] =	vst v63  }
0x1b8: {  	_ =	swait.ge [sflag:s25], $0x4000  }
0x1b9: {  	[sflag:s25] =	ssyncset.done $0x0  }
0x1ba: {  	[sflag:s25] =	ssyncadd.s32 $0xFFFFC000  }
0x1bb: {  	[tilespmem:s19], [sflag:$0x2] =	stream.indirect.gather [hbm4b:s5+s17], $0x80, s26, s17, $0xb8;
	[tilespmem:$0x1C800] =	vst v63  }
0x1bc: {  	_ =	swait.ge [sflag:s20], $0x4000  }
0x1bd: {  	[sflag:s20] =	ssyncset.done $0x0  }
0x1be: {  	[sflag:s20] =	ssyncadd.s32 $0xFFFFC000  }
0x1bf: {  	[spmem:s2] =	stream.indirect.scatter.add.f32 [tilespmem:s18], [sflag:$0x3], $0x80, s28, s17, $0xb8;
	[tilespmem:$0x1C800] =	vst v63  }
0x1c0: {  	_ =	swait.ge [sflag:s21], $0x4000  }
0x1c1: {  	[sflag:s21] =	ssyncset.done $0x0  }
0x1c2: {  	[sflag:s21] =	ssyncadd.s32 $0xFFFFC000  }
0x1c3: {  	[tilespmem:s18], [sflag:$0x1] =	stream.indirect.gather [hbm4b:s5+s17], $0x80, s29, s17, $0xb8;
	[tilespmem:$0x1C800] =	vst v63  }
0x1c4: {  	_ =	swait.ge [sflag:s23], $0x4000  }
0x1c5: {  	[sflag:s23] =	ssyncset.done $0x0  }
0x1c6: {  	[sflag:s23] =	ssyncadd.s32 $0xFFFFC000  }
0x1c7: {  	[spmem:s2] =	stream.indirect.scatter.add.f32 [tilespmem:s19], [sflag:$0x4], $0x80, s30, s17, $0xb8;
	[tilespmem:$0x1C800] =	vst v63  }
0x1c8: {  	_ =	swait.ge [sflag:s25], $0x4000  }
0x1c9: {  	[sflag:s25] =	ssyncset.done $0x0  }
0x1ca: {  	[sflag:s25] =	ssyncadd.s32 $0xFFFFC000  }
0x1cb: {  	[tilespmem:s19], [sflag:$0x2] =	stream.indirect.gather [hbm4b:s5+s17], $0x80, s31, s17, $0xb8;
	[tilespmem:$0x1C800] =	vst v63  }
0x1cc: {  	_ =	swait.ge [sflag:s20], $0x4000  }
0x1cd: {  	[sflag:s20] =	ssyncset.done $0x0  }
0x1ce: {  	[sflag:s20] =	ssyncadd.s32 $0xFFFFC000  }
0x1cf: {  	[spmem:s2] =	stream.indirect.scatter.add.f32 [tilespmem:s18], [sflag:$0x3], $0x80, s0, s17, $0xb8;
	[tilespmem:$0x1C800] =	vst v63  }
0x1d0: {  	_ =	swait.ge [sflag:s21], $0x4000  }
0x1d1: {  	[sflag:s21] =	ssyncset.done $0x0  }
0x1d2: {  	[sflag:s21] =	ssyncadd.s32 $0xFFFFC000  }
0x1d3: {  	[tilespmem:s18], [sflag:$0x1] =	stream.indirect.gather [hbm4b:s5+s17], $0x80, s1, s17, $0xb8;
	[tilespmem:$0x1C800] =	vst v63  }
0x1d4: {  	_ =	swait.ge [sflag:s23], $0x4000  }
0x1d5: {  	[sflag:s23] =	ssyncset.done $0x0  }
0x1d6: {  	[sflag:s23] =	ssyncadd.s32 $0xFFFFC000  }
0x1d7: {  	[spmem:s2] =	stream.indirect.scatter.add.f32 [tilespmem:s19], [sflag:$0x4], $0x80, s7, s17, $0xb8;
	[tilespmem:$0x1C800] =	vst v63  }
0x1d8: {  	_ =	swait.ge [sflag:s25], $0x4000  }
0x1d9: {  	[sflag:s25] =	ssyncset.done $0x0  }
0x1da: {  	[sflag:s25] =	ssyncadd.s32 $0xFFFFC000  }
0x1db: {  	[tilespmem:s19], [sflag:$0x2] =	stream.indirect.gather [hbm4b:s5+s17], $0x80, s8, s17, $0xb8;
	[tilespmem:$0x1C800] =	vst v63  }
0x1dc: {  	_ =	swait.ge [sflag:s20], $0x4000  }
0x1dd: {  	[sflag:s20] =	ssyncset.done $0x0  }
0x1de: {  	[sflag:s20] =	ssyncadd.s32 $0xFFFFC000  }
0x1df: {  	[spmem:s2] =	stream.indirect.scatter.add.f32 [tilespmem:s18], [sflag:$0x3], $0x80, s6, s17, $0xb8;
	[tilespmem:$0x1C800] =	vst v63  }
0x1e0: {  	_ =	swait.ge [sflag:s23], $0x4000  }
0x1e1: {  	[sflag:s23] =	ssyncset.done $0x0  }
0x1e2: {  	[sflag:s23] =	ssyncadd.s32 $0xFFFFC000  }
0x1e3: {  	[spmem:s2] =	stream.indirect.scatter.add.f32 [tilespmem:s19], [sflag:$0x4], $0x80, s10, s17, $0xb8;
	[tilespmem:$0x1C800] =	vst v63  }
.Ltmp5:
0x1e4: {  	_ =	swait.ge [sflag:s21], $0x4000;
	(pc) =	sbr.rel @p1 .LBB2_6-.Ltmp5, $4  }
0x1e5: {  	[sflag:s21] =	ssyncset.done $0x0  }
0x1e6: {  	[sflag:s21] =	ssyncadd.s32 $0xFFFFC000  }
0x1e7: {  	_ =	swait.ge [sflag:s25], $0x4000  }
0x1e8: {  	s11 =	smov.u32 s14;
	[sflag:s25] =	ssyncset.done $0x0  }
.Ltmp6:
0x1e9: {  	_ = 	snop;
	(pc) =	sbr.rel .LBB2_7-.Ltmp6, $1  }
0x1ea: {  	_ =	sdelay $0x3  }
.LBB2_9:
0x1eb: {  	_ =	sfence.sel $0x180000  }
0x1ec: {  	[bflag:$0x0] =	sbarrier.arrive $0xFFFF  }
0x1ed: {  	_ =	strace $0x9000004D  }
0x1ee: {  	s0 =	stileid.u32;
	[bflag:$0x2] =	sbarrier.arrive $0xFFFF  }
0x1ef: {  	p0 =	sne.s32 s0, $0x0;
	s0 =	rddreg [dreg:$0x2]  }
0x1f0: {  	s0 =	sadd.s32 @!p0 $0x100000, s0  }
0x1f1: {  	[sflag:s0] =	ssyncadd.tile.s32 @!p0 $0x1;
	_ =	shalt  }
.Lfunc_end2:
_tile_overlayer_lowered:
.L_overlay_start_2:
0x1f2: {  	(tag) =	ssettag $0x2  }
0x1f3: {  	s0 =	rddreg [dreg:$0x0];
	s2 =	stileid.u32  }
0x1f4: {  	s1 =	rddreg [dreg:$0x1];
	p0 =	sne.s32 s2, $0x0  }
0x1f5: {  	s3 =	rddreg [dreg:$0x2];
	[bflag:$0x3] =	sbarrier.arrive $0xFFFF;
	s2 =	simm.s32 @!p0 $0x1C05  }
0x1f6: {  	[timem:s3], [sflag:s2] =	dma.local @!p0 [hbm:s0], s1  }
0x1f7: {  	s0 =	simm.s32 @!p0 $0x5  }
0x1f8: {  	_ =	swait.ge @!p0 [sflag:s0], s1  }
0x1f9: {  	s1 =	ssub.s32 @!p0 $0x0, s1;
	[sflag:s0] =	ssyncset.done @!p0 $0x0  }
0x1fa: {  	[sflag:s0] =	ssyncadd.s32 @!p0 s1  }
0x1fb: {  	[bflag:$0x3] =	sbarrier.arrive $0xFFFF  }
0x1fc: {  	_ =	shalt  }

// kernel: kernel.8.cloned.1.call-start
scs
__scs_entry_jumppad:
0x0: {  	(pc) =	sbr.rel $0x88, $3  }
0x1: {  	(tag) =	ssettag $0x0;
	lr =	simm.s32 $0x1  }
0x2: {  	[smem:$0x3F8D] =	sst lr;
	_ =	strace $0xD0000000  }
0x3: {  	_ = 	snop  }
0x4: {  	_ = 	snop  }
0x5: {  	_ = 	snop  }
0x6: {  	_ = 	snop  }
0x7: {  	_ = 	snop  }
__scs_overlays_trampoline_lowered:
0x8: {  	[smem:$0x3F9C] =	sst s0  }
0x9: {  	[smem:$0x3F9D] =	sst s1  }
0xa: {  	[smem:$0x3F9E] =	sst s2  }
0xb: {  	[smem:$0x3F9F] =	sst s3  }
0xc: {  	[smem:$0x3FA0] =	sst s4  }
0xd: {  	[smem:$0x3FA1] =	sst s5  }
0xe: {  	[smem:$0x3FA2] =	sst s6  }
0xf: {  	[smem:$0x3FA3] =	sst s7  }
0x10: {  	[smem:$0x3FA4] =	sst s8  }
0x11: {  	[smem:$0x3FA5] =	sst s9;
	s0 =	simm.s32 @!p0 $0x0  }
0x12: {  	s1 =	sld [smem:$0x3F8B];
	s0 =	simm.s32 @p0 $0x1  }
0x13: {  	[smem:$0x3FA6] =	sst s0;
	s0 =	simm.s32 @!p1 $0x0  }
0x14: {  	s2 =	sld [smem:$0x3F8A];
	s0 =	simm.s32 @p1 $0x1  }
0x15: {  	[smem:$0x3FA7] =	sst s0;
	s0 =	simm.s32 @!p2 $0x0  }
0x16: {  	s3 =	sld [smem:$0x3FDB];
	s0 =	simm.s32 @p2 $0x1  }
0x17: {  	s4 =	simm.s32 $0x1BF5;
	[smem:$0x3FA9] =	sst s0  }
0x18: {  	s0 =	sld [smem:$0x3F8C];
	_ =	swait.ge [sflag:s4], $0x0  }
0x19: {  	s7 =	sld [smem:$0x3F8D]  }
0x1a: {  	s8 =	sadd.s32 $0xFFFFE003, lr  }
0x1b: {  	s9 =	sadd.s32 $0xFFFFFEF7, lr;
	s5 =	simm.s32 $0xFFFFFFFF;
	p2 =	slt.u32 s8, $0xFFFFF086  }
0x1c: {  	p1 =	slt.u32 s9, $0xF7A;
	s5 =	simm.s32 @!p2 $0x0  }
0x1d: {  	s5 =	simm.s32 @p1 $0x1;
	p0 =	seq.s32 s7, s2  }
0x1e: {  	s7 =	smul.u32 @!p0 $0xF7A, s2;
	p2 =	seq.s32 @!p0 s5, $0x0  }
0x1f: {  	s9 =	smul.u32 $0xF7A, s1;
	s8 =	simm.s32 @!p0 $0x1BF5;
	p2 =	por !p2, p0  }
0x20: {  	[sflag:s8] =	ssyncset.s32 @!p0 $0xFFFFF086;
	s6 =	sadd.s32 @!p0 s3, s7;
	s7 =	simm.s32 @!p0 $0x108  }
0x21: {  	s3 =	sadd.s32 s3, s9;
	s6 =	sadd.s32 @!p0 $0x88, s6;
	s7 =	simm.s32 @p2 $0x1082  }
0x22: {  	[simem:s7], [sflag:s8] =	dma.local @!p0 [hbm:s6], $0xF7A  }
0x23: {  	s9 =	sor.u32 $0xD0000000, s2;
	s6 =	simm.s32 $0x108;
	_ =	swait.ge @!p0 [sflag:s8], $0x0  }
0x24: {  	s3 =	sadd.s32 $0x88, s3;
	s6 =	simm.s32 @!p1 $0x1082;
	[sflag:s4] =	ssyncset.s32 $0xFFFFF086  }
0x25: {  	[simem:s6], [sflag:s4] =	dma.local [hbm:s3], $0xF7A  }
0x26: {  	[smem:$0x3F8D] =	sst s1;
	(tag) =	ssettag s2;
	_ =	strace s9  }
0x27: {  	s1 =	sld [smem:$0x3F9D]  }
0x28: {  	s2 =	sld [smem:$0x3F9E]  }
0x29: {  	s4 =	sld [smem:$0x3FA0]  }
0x2a: {  	p0 =	seq.s32 s5, $0x0;
	s5 =	sld [smem:$0x3FA1]  }
0x2b: {  	s6 =	sld [smem:$0x3FA2]  }
0x2c: {  	s7 =	sld [smem:$0x3FA3]  }
0x2d: {  	s3 =	simm.s32 $0x108;
	s8 =	sld [smem:$0x3FA4]  }
0x2e: {  	s3 =	simm.s32 @!p0 $0x1082;
	s9 =	sld [smem:$0x3FA5]  }
0x2f: {  	lr =	sadd.s32 s0, s3;
	s0 =	sld [smem:$0x3F9C]  }
0x30: {  	s3 =	sld [smem:$0x3F9F]  }
0x31: {  	[smem:$0x3FA8] =	sst s10  }
0x32: {  	s10 =	sld [smem:$0x3FA6];
	_ =	sdelay $0x3  }
0x33: {  	p0 =	seq.s32 s10, $0x1;
	s10 =	sld [smem:$0x3FA8];
	_ =	sdelay $0x3  }
0x34: {  	[smem:$0x3FA8] =	sst s10  }
0x35: {  	s10 =	sld [smem:$0x3FA7];
	_ =	sdelay $0x3  }
0x36: {  	p1 =	seq.s32 s10, $0x1;
	s10 =	sld [smem:$0x3FA8];
	_ =	sdelay $0x3  }
0x37: {  	[smem:$0x3FA8] =	sst s10  }
0x38: {  	s10 =	sld [smem:$0x3FA9]  }
0x39: {  	_ = 	snop;
	(pc) =	sbr.ind lr, $3  }
0x3a: {  	_ = 	snop  }
0x3b: {  	_ = 	snop  }
0x3c: {  	p2 =	seq.s32 s10, $0x1;
	s10 =	sld [smem:$0x3FA8]  }
0x3d: {  	_ =	shalt  }
0x3e: {  	_ =	shalt  }
0x3f: {  	_ =	shalt  }
0x40: {  	_ =	shalt  }
0x41: {  	_ =	shalt  }
0x42: {  	_ =	shalt  }
0x43: {  	_ =	shalt  }
0x44: {  	_ =	shalt  }
0x45: {  	_ =	shalt  }
0x46: {  	_ =	shalt  }
0x47: {  	_ =	shalt  }
0x48: {  	_ =	shalt  }
0x49: {  	_ =	shalt  }
0x4a: {  	_ =	shalt  }
0x4b: {  	_ =	shalt  }
0x4c: {  	_ =	shalt  }
0x4d: {  	_ =	shalt  }
0x4e: {  	_ =	shalt  }
0x4f: {  	_ =	shalt  }
0x50: {  	_ =	shalt  }
0x51: {  	_ =	shalt  }
0x52: {  	_ =	shalt  }
0x53: {  	_ =	shalt  }
0x54: {  	_ =	shalt  }
0x55: {  	_ =	shalt  }
0x56: {  	_ =	shalt  }
0x57: {  	_ =	shalt  }
0x58: {  	_ =	shalt  }
0x59: {  	_ =	shalt  }
0x5a: {  	_ =	shalt  }
0x5b: {  	_ =	shalt  }
0x5c: {  	_ =	shalt  }
0x5d: {  	_ =	shalt  }
0x5e: {  	_ =	shalt  }
0x5f: {  	_ =	shalt  }
0x60: {  	_ =	shalt  }
0x61: {  	_ =	shalt  }
0x62: {  	_ =	shalt  }
0x63: {  	_ =	shalt  }
0x64: {  	_ =	shalt  }
0x65: {  	_ =	shalt  }
0x66: {  	_ =	shalt  }
0x67: {  	_ =	shalt  }
0x68: {  	_ =	shalt  }
0x69: {  	_ =	shalt  }
0x6a: {  	_ =	shalt  }
0x6b: {  	_ =	shalt  }
0x6c: {  	_ =	shalt  }
0x6d: {  	_ =	shalt  }
0x6e: {  	_ =	shalt  }
0x6f: {  	_ =	shalt  }
0x70: {  	_ =	shalt  }
0x71: {  	_ =	shalt  }
0x72: {  	_ =	shalt  }
0x73: {  	_ =	shalt  }
0x74: {  	_ =	shalt  }
0x75: {  	_ =	shalt  }
0x76: {  	_ =	shalt  }
0x77: {  	_ =	shalt  }
0x78: {  	_ =	shalt  }
0x79: {  	_ =	shalt  }
0x7a: {  	_ =	shalt  }
0x7b: {  	_ =	shalt  }
0x7c: {  	_ =	shalt  }
0x7d: {  	_ =	shalt  }
0x7e: {  	_ =	shalt  }
0x7f: {  	_ =	shalt  }
0x80: {  	_ =	shalt  }
0x81: {  	_ =	shalt  }
0x82: {  	_ =	shalt  }
0x83: {  	_ =	shalt  }
0x84: {  	_ =	shalt  }
0x85: {  	_ =	shalt  }
0x86: {  	_ =	shalt  }
0x87: {  	_ =	shalt  }
.Lfunc_end0:
.L_simem_size_0:
called_computation_lowered:
.L_overlay_start_0:
0x88: {  	s2 =	sld [smem:$0x3FD9]  }
0x89: {  	s3 =	sld [smem:$0x3FFE];
	_ =	sdelay $0x1  }
0x8a: {  	s1 =	srdreg.scid  }
0x8b: {  	s0 =	sand.u32 $0x1, s1  }
0x8c: {  	s17 =	sshll.u32 s0, $0xA;
	s2 =	sadd.s32 s3, s2  }
0x8d: {  	s2 =	sadd.s32 s2, s17  }
0x8e: {  	[smem:$0x3FB4] =	sst s2  }
0x8f: {  	_ = 	snop  }
0x90: {  	s2 =	sld [smem:$0x3FD0];
	(tm) =	ssettm $0x1  }
0x91: {  	s18 =	sld [smem:$0x3FFB];
	_ =	sdelay $0x3  }
0x92: {  	_ =	strace s18  }
0x93: {  	s3 =	sld [smem:$0x3FFC];
	_ =	sdelay $0x3  }
0x94: {  	_ =	strace s3  }
0x95: {  	s3 =	sld [smem:$0x3FFD];
	_ =	sdelay $0x3  }
0x96: {  	_ =	strace s3  }
0x97: {  	_ =	strace $0x8FFFFFFF  }
0x98: {  	s19 =	sld [smem:$0x3FDB];
	_ =	sdelay $0x1  }
0x99: {  	s4 =	simm.s32 $_scs_section_size  }
0x9a: {  	s5 =	simm.s32 $_size__tile_overlayer_lowered;
	s6 =	simm.s32 $_tile_overlayer_lowered  }
0x9b: {  	s22 =	simm.s32 $0x1BFF;
	s21 =	sshll.u32 s6, $0x1;
	s3 =	sadd.s32 s4, s19  }
0x9c: {  	s7 =	simm.s32 $0x0;
	s20 =	sshll.u32 s5, $0x1;
	s5 =	sadd.s32 s21, s3  }
0x9d: {  	[timem:s7], [sflag:s22] =	dma.local [hbm:s5], s20  }
0x9e: {  	_ =	swait.ge [sflag:s22], s20  }
0x9f: {  	s4 =	ssub.s32 $0x0, s20;
	[sflag:s22] =	ssyncset.done $0x0  }
0xa0: {  	[sflag:s22] =	ssyncadd.s32 s4;
	_ =	sdelay $0x1  }
0xa1: {  	s23 =	simm.s32 $0x1B8B  }
0xa2: {  	_ =	swait.ge [sflag:s23], $0x1  }
0xa3: {  	[sflag:s23] =	ssyncset.done $0x0  }
0xa4: {  	s25 =	simm.s32 $0x1B8E;
	s24 =	sld [smem:$0x3FFE];
	[sflag:s23] =	ssyncadd.s32 $0xFFFFFFFF  }
0xa5: {  	s26 =	simm.s32 $execute0_lowered;
	[smem:$0x3FD2] =	sst s25  }
0xa6: {  	s5 =	sshll.u32 s26, $0x1;
	_ =	strace $0x80000046;
	[dreg:$0x1] =	wrdreg $0xFFFFFFFF  }
0xa7: {  	s28 =	simm.s32 $_size_execute0_lowered;
	s3 =	sadd.s32 s3, s5;
	[dreg:$0x0] =	wrdreg $0x0  }
0xa8: {  	s5 =	sshll.u32 s28, $0x1;
	[dreg:$0x2] =	wrdreg s3  }
0xa9: {  	[dreg:$0x3] =	wrdreg s5  }
0xaa: {  	[dreg:$0x4] =	wrdreg $0xC0  }
0xab: {  	_ =	task [dreg:s7], $0x5FFFF  }
0xac: {  	[dreg:$0x1] =	wrdreg $0xFFFFFFFF  }
0xad: {  	[dreg:$0x0] =	wrdreg $0x60  }
0xae: {  	[dreg:$0x2] =	wrdreg s24  }
0xaf: {  	[dreg:$0x3] =	wrdreg s2  }
0xb0: {  	[dreg:$0x4] =	wrdreg $0x44000  }
0xb1: {  	[dreg:$0x5] =	wrdreg $0x9  }
0xb2: {  	_ =	task.clear_ibuf [dreg:s7], $0x6FFFF;
	_ =	strace $0x90000046  }
0xb3: {  	s29 =	simm.s32 $0x9;
	_ =	strace $0x80000048  }
0xb4: {  	_ =	swait.ge [sflag:s29], $0x1  }
0xb5: {  	[sflag:s29] =	ssyncadd.s32 $0xFFFFFFFF  }
0xb6: {  	_ =	strace $0x90000048  }
0xb7: {  	_ =	sfence  }
0xb8: {  	s30 =	sld [smem:$0x0];
	_ =	sdelay $0x2  }
0xb9: {  	s31 =	sshll.u32 s1, $0xD;
	s1 =	sshrl.u32 s1, $0x2  }
0xba: {  	s3 =	sand.u32 $0x4000, s31;
	s1 =	sadd.s32 s1, s30  }
0xbb: {  	s0 =	sor.u32 s3, s0;
	s1 =	sshll.u32 s1, $0x11  }
0xbc: {  	s0 =	sor.u32 s1, s0  }
0xbd: {  	s0 =	sadd.s32 $0x8F2B, s0  }
0xbe: {  	[sflag:s0] =	ssyncadd.remote.s32 $0x1  }
0xbf: {  	_ =	sfence.sel $0xFFFF  }
0xc0: {  	[dreg:$0x0] =	wrdreg $0xFFFFFFFF;
	(pc) =	sbr.abs _section_cstart, $3  }
0xc1: {  	[dreg:$0x1] =	wrdreg $0xFFFFFFFF  }
0xc2: {  	_ =	task.clear_ibuf [dreg:s7], $0x2FFFF;
	_ =	strace $0x9FFFFFFF  }
0xc3: {  	(tm) =	ssettm $0x7FFFFFFF  }
tec
execute0_lowered:
.L_overlay_start_1:
0x0: {  	(tag) =	ssettag $0x1  }
0x1: {  	s6 =	rddreg [dreg:$0x0]  }
0x2: {  	s2 =	rddreg [dreg:$0x1]  }
0x3: {  	s3 =	rddreg [dreg:$0x2]  }
0x4: {  	s0 =	srdreg.scid;
	s1 =	rddreg [dreg:$0x3]  }
0x5: {  	s4 =	simm.s32 $0x0;
	s13 =	simm.s32 $0x80;
	s14 =	simm.s32 $0x100  }
0x6: {  	s15 =	simm.s32 $0x180;
	s16 =	simm.s32 $0x200;
	s7 =	sand.u32 $0x1, s0  }
0x7: {  	s17 =	simm.s32 $0x280;
	s0 =	stileid.u32;
	s5 =	smul.u32 $0x28000, s7  }
0x8: {  	s18 =	simm.s32 $0x300;
	s19 =	simm.s32 $0x380;
	s8 =	smul.u32 $0x2800, s0  }
0x9: {  	s20 =	simm.s32 $0x1;
	[smem:$0x7FF] =	sst s4;
	s9 =	smul.u32 $0x140000, s7  }
0xa: {  	s21 =	simm.s32 $0x0;
	s10 =	smul.u32 $0x14000, s0;
	_ =	strace $0x80000047  }
0xb: {  	s30 =	smul.u32 $0x50000, s0;
	s31 =	ssub.s32 $0x2, s7;
	s11 =	sshll.u32 s0, $0x6  }
0xc: {  	s7 =	sshrl.u32 s31, $0x1;
	s5 =	sadd.s32 s8, s5;
	s28 =	sadd.s32 s10, s9  }
0xd: {  	s10 =	sshrl.u32 s30, $0x2;
	s12 =	ssub.s32 s31, s7;
	s5 =	sshrl.u32 s5, $0x3  }
0xe: {  	s8 =	sshrl.u32 s28, $0x3;
	s10 =	sadd.s32 s10, s3;
	s29 =	sadd.s32 s5, s6  }
0xf: {  	s5 =	sadd.s32 $0xF600, s6;
	s8 =	sadd.s32 s8, s6;
	s6 =	sor.u32 $0x1C02, s11  }
0x10: {  	s10 =	sshrl.u32 s10, $0x3;
	s11 =	simm.s32 $0x2;
	s7 =	sadd.s32 $0x11E00, s8  }
0x11: {  	s8 =	smax.u32 s12, $0x1;
	s9 =	sadd.s32 $0x5600, s29;
	s12 =	simm.s32 $0x400  }
.LBB2_1:
0x12: {  	[spmem:s10], [sflag:s6] =	dma.local [hbm:s5], $0x2800  }
0x13: {  	_ =	swait.ge [sflag:s11], $0x2800  }
0x14: {  	[sflag:s11] =	ssyncset.done $0x0  }
0x15: {  	[sflag:s11] =	ssyncadd.s32 $0xFFFFD800  }
0x16: {  	[tilespmem:s12], [sflag:$0x2] =	stream.linear.gather [hbm4b:s2+s4], $0x4000, $0x38;
	[tilespmem:$0x18400] =	vst v63  }
0x17: {  	_ =	swait.ge [sflag:s11], $0x4000  }
0x18: {  	[sflag:s11] =	ssyncset.done $0x0  }
0x19: {  	[sflag:s11] =	ssyncadd.s32 $0xFFFFC000  }
0x1a: {  	s22 =	sadd.s32 $0x0, s9;
	[bflag:$0x0] =	sbarrier.arrive $0xFFFF  }
0x1b: {  	[tilespmem:s4], [sflag:$0x2] =	stream.linear.gather [hbm4b:s22+s4], $0x400, $0x38;
	[tilespmem:$0x18400] =	vst v63  }
0x1c: {  	_ =	swait.ge [sflag:s11], $0x400  }
0x1d: {  	[sflag:s11] =	ssyncset.done $0x0  }
0x1e: {  	[sflag:s11] =	ssyncadd.s32 $0xFFFFFC00  }
0x1f: {  	[spmem:s3] =	stream.indirect.scatter.add.f32 [tilespmem:s12], [sflag:$0x1], $0x80, s4, s13, $0xb8;
	[tilespmem:$0x18400] =	vst v63  }
0x20: {  	_ = 	snop  }
0x21: {  	[spmem:s3] =	stream.indirect.scatter.add.f32 [tilespmem:s12], [sflag:$0x1], $0x80, s13, s13, $0xb8;
	[tilespmem:$0x18400] =	vst v63  }
0x22: {  	_ = 	snop  }
0x23: {  	[spmem:s3] =	stream.indirect.scatter.add.f32 [tilespmem:s12], [sflag:$0x1], $0x80, s14, s13, $0xb8;
	[tilespmem:$0x18400] =	vst v63  }
0x24: {  	_ = 	snop  }
0x25: {  	[spmem:s3] =	stream.indirect.scatter.add.f32 [tilespmem:s12], [sflag:$0x1], $0x80, s15, s13, $0xb8;
	[tilespmem:$0x18400] =	vst v63  }
0x26: {  	_ = 	snop  }
0x27: {  	[spmem:s3] =	stream.indirect.scatter.add.f32 [tilespmem:s12], [sflag:$0x1], $0x80, s16, s13, $0xb8;
	[tilespmem:$0x18400] =	vst v63  }
0x28: {  	_ = 	snop  }
0x29: {  	[spmem:s3] =	stream.indirect.scatter.add.f32 [tilespmem:s12], [sflag:$0x1], $0x80, s17, s13, $0xb8;
	[tilespmem:$0x18400] =	vst v63  }
0x2a: {  	_ = 	snop  }
0x2b: {  	[spmem:s3] =	stream.indirect.scatter.add.f32 [tilespmem:s12], [sflag:$0x1], $0x80, s18, s13, $0xb8;
	[tilespmem:$0x18400] =	vst v63  }
0x2c: {  	_ = 	snop  }
0x2d: {  	[spmem:s3] =	stream.indirect.scatter.add.f32 [tilespmem:s12], [sflag:$0x1], $0x80, s19, s13, $0xb8;
	[tilespmem:$0x18400] =	vst v63  }
0x2e: {  	_ =	swait.ge [sflag:s20], $0x4000  }
0x2f: {  	[sflag:s20] =	ssyncset.done $0x0  }
0x30: {  	[sflag:s20] =	ssyncadd.s32 $0xFFFFC000  }
0x31: {  	_ =	swait.ge [sflag:s20], $0x4000  }
0x32: {  	[sflag:s20] =	ssyncset.done $0x0  }
0x33: {  	[sflag:s20] =	ssyncadd.s32 $0xFFFFC000  }
0x34: {  	_ =	swait.ge [sflag:s20], $0x4000  }
0x35: {  	[sflag:s20] =	ssyncset.done $0x0  }
0x36: {  	[sflag:s20] =	ssyncadd.s32 $0xFFFFC000  }
0x37: {  	_ =	swait.ge [sflag:s20], $0x4000  }
0x38: {  	[sflag:s20] =	ssyncset.done $0x0  }
0x39: {  	[sflag:s20] =	ssyncadd.s32 $0xFFFFC000  }
0x3a: {  	_ =	swait.ge [sflag:s20], $0x4000  }
0x3b: {  	[sflag:s20] =	ssyncset.done $0x0  }
0x3c: {  	[sflag:s20] =	ssyncadd.s32 $0xFFFFC000  }
0x3d: {  	_ =	swait.ge [sflag:s20], $0x4000  }
0x3e: {  	[sflag:s20] =	ssyncset.done $0x0  }
0x3f: {  	[sflag:s20] =	ssyncadd.s32 $0xFFFFC000  }
0x40: {  	_ =	swait.ge [sflag:s20], $0x4000  }
0x41: {  	[sflag:s20] =	ssyncset.done $0x0  }
0x42: {  	[sflag:s20] =	ssyncadd.s32 $0xFFFFC000  }
0x43: {  	_ =	swait.ge [sflag:s20], $0x4000  }
0x44: {  	s24 =	simm.s32 $0x100;
	s22 =	simm.s32 $0x80;
	[sflag:s20] =	ssyncset.done $0x0  }
.LBB2_2:
0x45: {  	s25 =	sadd.s32 s22, s9  }
0x46: {  	[sflag:s20] =	ssyncadd.s32 $0xFFFFC000;
	s22 =	smov.u32 s24;
	s23 =	sadd.s32 $0x80, s24  }
0x47: {  	[tilespmem:s4], [sflag:$0x2] =	stream.linear.gather [hbm4b:s25+s4], $0x400, $0x38;
	[tilespmem:$0x18400] =	vst v63  }
0x48: {  	p0 =	sne.s32 s24, $0x480;
	_ =	swait.ge [sflag:s11], $0x400  }
0x49: {  	[sflag:s11] =	ssyncset.done $0x0  }
0x4a: {  	[sflag:s11] =	ssyncadd.s32 $0xFFFFFC00  }
0x4b: {  	[spmem:s3] =	stream.indirect.scatter.add.f32 [tilespmem:s12], [sflag:$0x1], $0x80, s4, s13, $0xb8;
	[tilespmem:$0x18400] =	vst v63  }
0x4c: {  	_ = 	snop  }
0x4d: {  	[spmem:s3] =	stream.indirect.scatter.add.f32 [tilespmem:s12], [sflag:$0x1], $0x80, s13, s13, $0xb8;
	[tilespmem:$0x18400] =	vst v63  }
0x4e: {  	_ = 	snop  }
0x4f: {  	[spmem:s3] =	stream.indirect.scatter.add.f32 [tilespmem:s12], [sflag:$0x1], $0x80, s14, s13, $0xb8;
	[tilespmem:$0x18400] =	vst v63  }
0x50: {  	_ = 	snop  }
0x51: {  	[spmem:s3] =	stream.indirect.scatter.add.f32 [tilespmem:s12], [sflag:$0x1], $0x80, s15, s13, $0xb8;
	[tilespmem:$0x18400] =	vst v63  }
0x52: {  	_ = 	snop  }
0x53: {  	[spmem:s3] =	stream.indirect.scatter.add.f32 [tilespmem:s12], [sflag:$0x1], $0x80, s16, s13, $0xb8;
	[tilespmem:$0x18400] =	vst v63  }
0x54: {  	_ = 	snop  }
0x55: {  	[spmem:s3] =	stream.indirect.scatter.add.f32 [tilespmem:s12], [sflag:$0x1], $0x80, s17, s13, $0xb8;
	[tilespmem:$0x18400] =	vst v63  }
0x56: {  	_ = 	snop  }
0x57: {  	[spmem:s3] =	stream.indirect.scatter.add.f32 [tilespmem:s12], [sflag:$0x1], $0x80, s18, s13, $0xb8;
	[tilespmem:$0x18400] =	vst v63  }
0x58: {  	_ = 	snop  }
0x59: {  	[spmem:s3] =	stream.indirect.scatter.add.f32 [tilespmem:s12], [sflag:$0x1], $0x80, s19, s13, $0xb8;
	[tilespmem:$0x18400] =	vst v63  }
0x5a: {  	_ =	swait.ge [sflag:s20], $0x4000  }
0x5b: {  	[sflag:s20] =	ssyncset.done $0x0  }
0x5c: {  	[sflag:s20] =	ssyncadd.s32 $0xFFFFC000  }
0x5d: {  	_ =	swait.ge [sflag:s20], $0x4000  }
0x5e: {  	[sflag:s20] =	ssyncset.done $0x0  }
0x5f: {  	[sflag:s20] =	ssyncadd.s32 $0xFFFFC000  }
0x60: {  	_ =	swait.ge [sflag:s20], $0x4000  }
0x61: {  	[sflag:s20] =	ssyncset.done $0x0  }
0x62: {  	[sflag:s20] =	ssyncadd.s32 $0xFFFFC000  }
0x63: {  	_ =	swait.ge [sflag:s20], $0x4000  }
0x64: {  	[sflag:s20] =	ssyncset.done $0x0  }
0x65: {  	[sflag:s20] =	ssyncadd.s32 $0xFFFFC000  }
0x66: {  	_ =	swait.ge [sflag:s20], $0x4000  }
0x67: {  	[sflag:s20] =	ssyncset.done $0x0  }
0x68: {  	[sflag:s20] =	ssyncadd.s32 $0xFFFFC000  }
0x69: {  	_ =	swait.ge [sflag:s20], $0x4000  }
0x6a: {  	[sflag:s20] =	ssyncset.done $0x0  }
0x6b: {  	[sflag:s20] =	ssyncadd.s32 $0xFFFFC000  }
.Ltmp0:
0x6c: {  	_ =	swait.ge [sflag:s20], $0x4000;
	(pc) =	sbr.rel @p0 .LBB2_2-.Ltmp0, $4  }
0x6d: {  	[sflag:s20] =	ssyncset.done $0x0  }
0x6e: {  	[sflag:s20] =	ssyncadd.s32 $0xFFFFC000  }
0x6f: {  	_ =	swait.ge [sflag:s20], $0x4000  }
0x70: {  	s24 =	smov.u32 s23;
	[sflag:s20] =	ssyncset.done $0x0  }
0x71: {  	s22 =	sadd.s32 s22, s9;
	[sflag:s20] =	ssyncadd.s32 $0xFFFFC000  }
0x72: {  	[tilespmem:s4], [sflag:$0x2] =	stream.linear.gather [hbm4b:s22+s4], $0x400, $0x38;
	[tilespmem:$0x18400] =	vst v63  }
0x73: {  	_ =	swait.ge [sflag:s11], $0x400  }
0x74: {  	[sflag:s11] =	ssyncset.done $0x0  }
0x75: {  	[sflag:s11] =	ssyncadd.s32 $0xFFFFFC00  }
0x76: {  	[spmem:s3] =	stream.indirect.scatter.add.f32 [tilespmem:s12], [sflag:$0x1], $0x80, s4, s13, $0xb8;
	[tilespmem:$0x18400] =	vst v63  }
0x77: {  	_ = 	snop  }
0x78: {  	[spmem:s3] =	stream.indirect.scatter.add.f32 [tilespmem:s12], [sflag:$0x1], $0x80, s13, s13, $0xb8;
	[tilespmem:$0x18400] =	vst v63  }
0x79: {  	_ = 	snop  }
0x7a: {  	[spmem:s3] =	stream.indirect.scatter.add.f32 [tilespmem:s12], [sflag:$0x1], $0x80, s14, s13, $0xb8;
	[tilespmem:$0x18400] =	vst v63  }
0x7b: {  	_ = 	snop  }
0x7c: {  	[spmem:s3] =	stream.indirect.scatter.add.f32 [tilespmem:s12], [sflag:$0x1], $0x80, s15, s13, $0xb8;
	[tilespmem:$0x18400] =	vst v63  }
0x7d: {  	_ = 	snop  }
0x7e: {  	[spmem:s3] =	stream.indirect.scatter.add.f32 [tilespmem:s12], [sflag:$0x1], $0x80, s16, s13, $0xb8;
	[tilespmem:$0x18400] =	vst v63  }
0x7f: {  	_ = 	snop  }
0x80: {  	[spmem:s3] =	stream.indirect.scatter.add.f32 [tilespmem:s12], [sflag:$0x1], $0x80, s17, s13, $0xb8;
	[tilespmem:$0x18400] =	vst v63  }
0x81: {  	_ = 	snop  }
0x82: {  	[spmem:s3] =	stream.indirect.scatter.add.f32 [tilespmem:s12], [sflag:$0x1], $0x80, s18, s13, $0xb8;
	[tilespmem:$0x18400] =	vst v63  }
0x83: {  	_ = 	snop  }
0x84: {  	[spmem:s3] =	stream.indirect.scatter.add.f32 [tilespmem:s12], [sflag:$0x1], $0x80, s19, s13, $0xb8;
	[tilespmem:$0x18400] =	vst v63  }
0x85: {  	_ =	swait.ge [sflag:s20], $0x4000  }
0x86: {  	[sflag:s20] =	ssyncset.done $0x0  }
0x87: {  	[sflag:s20] =	ssyncadd.s32 $0xFFFFC000  }
0x88: {  	_ =	swait.ge [sflag:s20], $0x4000  }
0x89: {  	[sflag:s20] =	ssyncset.done $0x0  }
0x8a: {  	[sflag:s20] =	ssyncadd.s32 $0xFFFFC000  }
0x8b: {  	_ =	swait.ge [sflag:s20], $0x4000  }
0x8c: {  	[sflag:s20] =	ssyncset.done $0x0  }
0x8d: {  	[sflag:s20] =	ssyncadd.s32 $0xFFFFC000  }
0x8e: {  	_ =	swait.ge [sflag:s20], $0x4000  }
0x8f: {  	[sflag:s20] =	ssyncset.done $0x0  }
0x90: {  	[sflag:s20] =	ssyncadd.s32 $0xFFFFC000  }
0x91: {  	_ =	swait.ge [sflag:s20], $0x4000  }
0x92: {  	[sflag:s20] =	ssyncset.done $0x0  }
0x93: {  	[sflag:s20] =	ssyncadd.s32 $0xFFFFC000  }
0x94: {  	_ =	swait.ge [sflag:s20], $0x4000  }
0x95: {  	[sflag:s20] =	ssyncset.done $0x0  }
0x96: {  	[sflag:s20] =	ssyncadd.s32 $0xFFFFC000  }
0x97: {  	_ =	swait.ge [sflag:s20], $0x4000  }
0x98: {  	[sflag:s20] =	ssyncset.done $0x0  }
0x99: {  	[sflag:s20] =	ssyncadd.s32 $0xFFFFC000  }
0x9a: {  	_ =	swait.ge [sflag:s20], $0x4000  }
0x9b: {  	s21 =	sadd.s32 $0x1, s21;
	[sflag:s20] =	ssyncset.done $0x0  }
0x9c: {  	p0 =	sne.s32 s21, s8;
	[sflag:s20] =	ssyncadd.s32 $0xFFFFC000  }
.Ltmp1:
0x9d: {  	[bflag:$0x0] =	sbarrier.arrive $0xFFFF;
	(pc) =	sbr.rel @p0 .LBB2_1-.Ltmp1, $4  }
0x9e: {  	[hbm:s7], [sflag:s6] =	dma.local [spmem:s10], $0x2800  }
0x9f: {  	_ =	swait.ge [sflag:s11], $0x2800  }
0xa0: {  	[sflag:s11] =	ssyncset.done $0x0  }
0xa1: {  	[sflag:s11] =	ssyncadd.s32 $0xFFFFD800  }
0xa2: {  	_ =	sfence.sel $0x180000  }
0xa3: {  	[bflag:$0x0] =	sbarrier.arrive $0xFFFF  }
0xa4: {  	p0 =	sne.s32 s0, $0x0;
	_ =	strace $0x90000047  }
0xa5: {  	s0 =	sadd.s32 @!p0 $0x100000, s1;
	[bflag:$0x2] =	sbarrier.arrive $0xFFFF  }
0xa6: {  	[sflag:s0] =	ssyncadd.tile.s32 @!p0 $0x1;
	_ =	shalt  }
.Lfunc_end2:
_tile_overlayer_lowered:
.L_overlay_start_2:
0xa7: {  	(tag) =	ssettag $0x2  }
0xa8: {  	s0 =	rddreg [dreg:$0x0];
	s2 =	stileid.u32  }
0xa9: {  	s1 =	rddreg [dreg:$0x1];
	p0 =	sne.s32 s2, $0x0  }
0xaa: {  	s3 =	rddreg [dreg:$0x2];
	[bflag:$0x3] =	sbarrier.arrive $0xFFFF;
	s2 =	simm.s32 @!p0 $0x1C02  }
0xab: {  	[timem:s3], [sflag:s2] =	dma.local @!p0 [hbm:s0], s1  }
0xac: {  	s0 =	simm.s32 @!p0 $0x2  }
0xad: {  	_ =	swait.ge @!p0 [sflag:s0], s1  }
0xae: {  	s1 =	ssub.s32 @!p0 $0x0, s1;
	[sflag:s0] =	ssyncset.done @!p0 $0x0  }
0xaf: {  	[sflag:s0] =	ssyncadd.s32 @!p0 s1  }
0xb0: {  	[bflag:$0x3] =	sbarrier.arrive $0xFFFF  }
0xb1: {  	_ =	shalt  }

</sc_bundles>
